<compile_context>
chip_gen: v7x
topology: tpu7x:2x2x1
jax: 0.10.2.dev20260603
libtpu: 0.0.44.dev20260713+nightly
codegen_flags: <defaults>
</compile_context>

<pallas_src>
import functools

import jax
import jax.numpy as jnp
from jax import lax
from jax.experimental import pallas as pl
from jax.experimental.pallas import tpu as pltpu
from jax.experimental.pallas import tpu_sc as plsc

B = 4096
V = 100000
D = 128
W2 = 10
NNEG = 20
NPAIR = W2 + NNEG
SLOT = 32
NC, NS, L = 2, 16, 16
NW = NC * NS
BPW = B // NW
CB = 8
NCHUNK = BPW // CB
CP = CB * NPAIR
PROW = CP // 2
DK = D // L


def _sc_dots_kernel(xi_hbm, yn_hbm, ein_hbm, eout_hbm, out_hbm,
                    xidx_all, ynidx_all,
                    xrows0, ynrows0, dbuf0, xrows1, ynrows1, dbuf1,
                    part, sem_r0, sem_x0, sem_o0, sem_r1, sem_x1, sem_o1):
    wid = lax.axis_index("s") * NC + lax.axis_index("c")
    lane = lax.iota(jnp.int32, L)
    zeros = jnp.zeros((L,), jnp.float32)
    part[pl.ds(NPAIR * L, L)] = zeros
    part[pl.ds((NPAIR + 1) * L, L)] = zeros

    pltpu.sync_copy(xi_hbm.at[pl.ds(pl.multiple_of(wid * BPW, BPW), BPW)],
                    xidx_all)
    pltpu.sync_copy(
        yn_hbm.at[pl.ds(pl.multiple_of(wid * BPW * NPAIR, BPW * NPAIR),
                        BPW * NPAIR)], ynidx_all)

    bufs = ((xrows0, ynrows0, dbuf0, sem_r0, sem_x0, sem_o0),
            (xrows1, ynrows1, dbuf1, sem_r1, sem_x1, sem_o1))

    def fire(g, buf):
        xrows, ynrows, dbuf, sem_r, sem_x, sem_o = buf
        o = pl.multiple_of(g * CP, CP)
        pltpu.async_copy(eout_hbm.at[ynidx_all.at[pl.ds(o, PROW)]],
                         ynrows.at[pl.ds(0, PROW)], sem_r)
        o2 = pl.multiple_of(g * CP + PROW, PROW)
        pltpu.async_copy(eout_hbm.at[ynidx_all.at[pl.ds(o2, PROW)]],
                         ynrows.at[pl.ds(PROW, PROW)], sem_r)
        ox = pl.multiple_of(g * CB, CB)
        pltpu.async_copy(ein_hbm.at[xidx_all.at[pl.ds(ox, CB)]],
                         xrows, sem_x)

    def drain(buf):
        xrows, ynrows, dbuf, sem_r, sem_x, sem_o = buf
        pltpu.make_async_copy(eout_hbm.at[pl.ds(0, CP)],
                              ynrows, sem_r).wait()
        pltpu.make_async_copy(ein_hbm.at[pl.ds(0, CB)], xrows, sem_x).wait()

    def drain_out(buf):
        xrows, ynrows, dbuf, sem_r, sem_x, sem_o = buf
        pltpu.make_async_copy(dbuf, out_hbm.at[pl.ds(0, CB * SLOT)],
                              sem_o).wait()

    def compute(g, buf):
        xrows, ynrows, dbuf, sem_r, sem_x, sem_o = buf
        base = wid * BPW + g * CB

        def b_body(bi, bcarry):
            xk = [xrows[bi, pl.ds(L * k, L)] for k in range(DK)]

            def load8(j):
                p = bi * NPAIR + j
                return [ynrows[p, pl.ds(L * k, L)] for k in range(DK)]

            rows = load8(0)
            for j in range(NPAIR):
                cur = rows
                if j + 1 < NPAIR:
                    rows = load8(j + 1)
                t = [cur[k] * xk[k] for k in range(DK)]
                part[pl.ds(j * L, L)] = (
                    ((t[0] + t[1]) + (t[2] + t[3]))
                    + ((t[4] + t[5]) + (t[6] + t[7])))
            lanL = lane * L
            g0 = [plsc.load_gather(part, [lanL + l]) for l in range(L)]
            g1 = [plsc.load_gather(part, [lanL + (L * L + l)])
                  for l in range(L)]
            while len(g0) > 1:
                g0 = [g0[i] + g0[i + 1] for i in range(0, len(g0), 2)]
                g1 = [g1[i] + g1[i + 1] for i in range(0, len(g1), 2)]
            out0 = g0[0]
            out1 = g1[0]
            yv = plsc.load_gather(ynidx_all, [g * CP + bi * NPAIR + lane])
            msk = (yv == 0) & (lane < W2)
            out0 = jnp.where(msk, jnp.float32(jnp.inf), out0)
            off = pl.multiple_of(bi * SLOT, SLOT)
            dbuf[pl.ds(off, L)] = out0
            off2 = pl.multiple_of(bi * SLOT + L, L)
            dbuf[pl.ds(off2, L)] = out1
            return bcarry

        lax.fori_loop(0, CB, b_body, 0)
        pltpu.async_copy(
            dbuf, out_hbm.at[pl.ds(pl.multiple_of(base * SLOT, CB * SLOT),
                                   CB * SLOT)], sem_o)

    fire(0, bufs[0])

    def h_body(h, carry):
        g = h * 2
        fire(g + 1, bufs[1])
        drain(bufs[0])

        @pl.when(g >= 2)
        def _():
            drain_out(bufs[0])

        compute(g, bufs[0])

        @pl.when(g + 2 < NCHUNK)
        def _():
            fire(g + 2, bufs[0])

        drain(bufs[1])

        @pl.when(g >= 2)
        def _():
            drain_out(bufs[1])

        compute(g + 1, bufs[1])
        return carry

    lax.fori_loop(0, NCHUNK // 2, h_body, 0)
    drain_out(bufs[0])
    drain_out(bufs[1])


_sc_dots = functools.partial(
    pl.kernel,
    out_type=jax.ShapeDtypeStruct((B * SLOT,), jnp.float32),
    mesh=plsc.VectorSubcoreMesh(core_axis_name="c", subcore_axis_name="s",
                                num_cores=NC, num_subcores=NS),
    scratch_types=(
        [pltpu.VMEM((BPW,), jnp.int32),
         pltpu.VMEM((BPW * NPAIR,), jnp.int32)]
        + [pltpu.VMEM((CB, D), jnp.float32),
           pltpu.VMEM((CP, D), jnp.float32),
           pltpu.VMEM((CB * SLOT,), jnp.float32),
           ] * 2
        + [pltpu.VMEM((SLOT * L,), jnp.float32),
           pltpu.SemaphoreType.DMA, pltpu.SemaphoreType.DMA,
           pltpu.SemaphoreType.DMA, pltpu.SemaphoreType.DMA,
           pltpu.SemaphoreType.DMA, pltpu.SemaphoreType.DMA]),
    compiler_params=pltpu.CompilerParams(needs_layout_passes=False),
)(_sc_dots_kernel)


ROWS = B * SLOT // 128


def _tc_loss_kernel(d_ref, o_ref):
    x = d_ref[...]
    slot = lax.broadcasted_iota(jnp.int32, (ROWS, 128), 1) % SLOT
    s = jnp.where(slot < W2, x, -x)
    v = jnp.log(jax.nn.sigmoid(s))
    v = jnp.where(slot < NPAIR, v, 0.0)
    o_ref[0, 0] = -jnp.sum(v) / B


_tc_loss = pl.pallas_call(
    _tc_loss_kernel,
    out_shape=jax.ShapeDtypeStruct((1, 1), jnp.float32),
    out_specs=pl.BlockSpec(memory_space=pltpu.SMEM),
)


def kernel(batch_X, batch_Y, batch_N, emb_in, emb_out):
    bx = batch_X.astype(jnp.int32)
    yn = jnp.concatenate([batch_Y, batch_N], axis=1).astype(jnp.int32)
    yn = yn.reshape(B * NPAIR)
    dots = _sc_dots(bx, yn, emb_in, emb_out)
    return _tc_loss(dots.reshape(ROWS, 128))[0, 0]

# --- scband reference (transcript-rebuilt; emitter-appended) ---
"""Pipeline reference for scband-sgns-23845658428046 (READ-ONLY COPY).

The authoritative reference and input builder live on the scoring server;
editing this copy changes nothing except your own understanding.
"""

import jax, jax.numpy as jnp
import numpy as np

PAD = 0
B = 4096
V = 100000
D = 128
W2 = 10
NNEG = 20


def setup_inputs(seed: int = 0) -> dict:
    key = jax.random.key(seed)
    k1, k2, k3, k4, k5 = jax.random.split(key, 5)
    batch_X = jax.random.randint(k1, (B,), 0, V)
    batch_Y = jax.random.randint(k2, (B, W2), 0, V)
    batch_N = jax.random.randint(k3, (B, NNEG), 0, V)
    # scaled init (~N(0, 0.02)) keeps sigmoid outputs away from 0 so log() is finite
    emb_in = jax.random.normal(k4, (V, D), dtype=jnp.float32) * 0.02
    emb_out = jax.random.normal(k5, (V, D), dtype=jnp.float32) * 0.02
    return {"batch_X": batch_X, "batch_Y": batch_Y, "batch_N": batch_N,
            "emb_in": emb_in, "emb_out": emb_out}


def reference(batch_X, batch_Y, batch_N, emb_in, emb_out):
    # embedding gathers
    embed_X = jnp.take(emb_in, batch_X, axis=0)[:, :, None]      # (B, D, 1)
    embed_Y = jnp.take(emb_out, batch_Y, axis=0)                 # (B, W2, D)
    embed_N = -jnp.take(emb_out, batch_N, axis=0)                # (B, NNEG, D)
    # positive context loss
    loss_Y = jnp.log(jax.nn.sigmoid(jnp.matmul(embed_Y, embed_X)[:, :, 0]))  # (B, W2)
    loss_Y = loss_Y * (batch_Y != PAD).astype(jnp.float32)
    loss_Y = loss_Y.sum(axis=1)                                  # (B,)
    # negative sample loss
    loss_N = jnp.log(jax.nn.sigmoid(jnp.matmul(embed_N, embed_X)[:, :, 0])).sum(axis=1)  # (B,)
    return -(loss_Y + loss_N).mean()

if __name__ == "__main__":
    import jax
    _d = setup_inputs()
    print(jax.jit(kernel)(*tuple(_d.values())))

</pallas_src>

<mosaic_0001>
#map = affine_map<(d0, d1) -> (0)>
#map1 = affine_map<(d0, d1) -> (0, 0)>
module attributes {stable_mosaic.version = 14 : i64} {
  func.func @_sc_dots_kernel(%arg0: i32, %arg1: i32, %arg2: memref<4096xi32, #tpu.memory_space<hbm>>, %arg3: memref<122880xi32, #tpu.memory_space<hbm>>, %arg4: memref<100000x128xf32, #tpu.memory_space<hbm>>, %arg5: memref<100000x128xf32, #tpu.memory_space<hbm>>, %arg6: memref<131072xf32, #tpu.memory_space<hbm>>, %arg7: memref<128xi32, #tpu.memory_space<vmem>>, %arg8: memref<3840xi32, #tpu.memory_space<vmem>>, %arg9: memref<8x128xf32, #tpu.memory_space<vmem>>, %arg10: memref<240x128xf32, #tpu.memory_space<vmem>>, %arg11: memref<256xf32, #tpu.memory_space<vmem>>, %arg12: memref<8x128xf32, #tpu.memory_space<vmem>>, %arg13: memref<240x128xf32, #tpu.memory_space<vmem>>, %arg14: memref<256xf32, #tpu.memory_space<vmem>>, %arg15: memref<512xf32, #tpu.memory_space<vmem>>, %arg16: memref<!tpu.dma_semaphore, #tpu.memory_space<semaphore_mem>>, %arg17: memref<!tpu.dma_semaphore, #tpu.memory_space<semaphore_mem>>, %arg18: memref<!tpu.dma_semaphore, #tpu.memory_space<semaphore_mem>>, %arg19: memref<!tpu.dma_semaphore, #tpu.memory_space<semaphore_mem>>, %arg20: memref<!tpu.dma_semaphore, #tpu.memory_space<semaphore_mem>>, %arg21: memref<!tpu.dma_semaphore, #tpu.memory_space<semaphore_mem>>) attributes {dimension_semantics = [#tpu.dimension_semantics<core_parallel>, #tpu.dimension_semantics<subcore_parallel>], iteration_bounds = array<i64: 2, 16>, scalar_prefetch = 0 : i64, scratch_operands = 15 : i64, tpu.core_type = #tpu.core_type<sc_vector_subcore>, window_params = [{transform_indices = #map}, {transform_indices = #map}, {transform_indices = #map1}, {transform_indices = #map1}, {transform_indices = #map}]} {
    %mul3A = arith.constant 2 : i32
    %mul3A_0 = arith.muli %arg1, %mul3A : i32
    %add3A = arith.addi %mul3A_0, %arg0 : i32
    %iota3A = tpu.iota {dimensions = array<i32: 0>} : vector<16xi32>
    %broadcast_in_dim3A = arith.constant 0.000000e+00 : f32
    %broadcast_in_dim3A_1 = vector.broadcast %broadcast_in_dim3A : f32 to vector<16xf32>
    %swap3A = arith.constant 480 : index
    %swap3A_2 = tpu.vector_load %arg15[%swap3A] {strides = array<i32>} : memref<512xf32, #tpu.memory_space<vmem>>, vector<16xf32>,
    tpu.vector_store %arg15[%swap3A], %broadcast_in_dim3A_1 {strides = array<i32>} : memref<512xf32, #tpu.memory_space<vmem>>, vector<16xf32>,
    %swap3A_3 = arith.constant 496 : index
    %swap3A_4 = tpu.vector_load %arg15[%swap3A_3] {strides = array<i32>} : memref<512xf32, #tpu.memory_space<vmem>>, vector<16xf32>,
    tpu.vector_store %arg15[%swap3A_3], %broadcast_in_dim3A_1 {strides = array<i32>} : memref<512xf32, #tpu.memory_space<vmem>>, vector<16xf32>,
    %mul3A_5 = arith.constant 128 : i32
    %mul3A_6 = arith.muli %add3A, %mul3A_5 : i32
    %multiple_of3A = tpu.assume_multiple %mul3A_6, 128 : i32
    "tpu.region"() ({
      %run_scoped3A = tpu.sem_alloc : memref<!tpu.dma_semaphore, #tpu.memory_space<semaphore_mem>>
      %dma_start3A_47 = tpu.memref_slice %arg2[%multiple_of3A] : memref<4096xi32, #tpu.memory_space<hbm>> -> memref<128xi32, #tpu.memory_space<hbm>>
      %dma_start3A_48 = tpu.memref_slice %arg2[%multiple_of3A] : memref<4096xi32, #tpu.memory_space<hbm>> -> memref<128xi32, #tpu.memory_space<hbm>>
      tpu.enqueue_dma source(%dma_start3A_48 : memref<128xi32, #tpu.memory_space<hbm>>) target(%arg7 : memref<128xi32, #tpu.memory_space<vmem>>) target_semaphore(%run_scoped3A : memref<!tpu.dma_semaphore, #tpu.memory_space<semaphore_mem>>)
      %dma_wait3A_49 = tpu.memref_slice %arg2[%multiple_of3A] : memref<4096xi32, #tpu.memory_space<hbm>> -> memref<128xi32, #tpu.memory_space<hbm>>
      %dma_wait3A_50 = tpu.memref_slice %arg2[%multiple_of3A] : memref<4096xi32, #tpu.memory_space<hbm>> -> memref<128xi32, #tpu.memory_space<hbm>>
      tpu.wait_dma2 semaphore(%run_scoped3A : memref<!tpu.dma_semaphore, #tpu.memory_space<semaphore_mem>>) src(%dma_wait3A_50 : memref<128xi32, #tpu.memory_space<hbm>>) dst(%arg7 : memref<128xi32, #tpu.memory_space<vmem>>)
      tpu.yield
    }) : () -> ()
    %mul3A_7 = arith.constant 128 : i32
    %mul3A_8 = arith.muli %add3A, %mul3A_7 : i32
    %mul3A_9 = arith.constant 30 : i32
    %mul3A_10 = arith.muli %mul3A_8, %mul3A_9 : i32
    %multiple_of3A_11 = tpu.assume_multiple %mul3A_10, 3840 : i32
    "tpu.region"() ({
      %run_scoped3A = tpu.sem_alloc : memref<!tpu.dma_semaphore, #tpu.memory_space<semaphore_mem>>
      %dma_start3A_47 = tpu.memref_slice %arg3[%multiple_of3A_11] : memref<122880xi32, #tpu.memory_space<hbm>> -> memref<3840xi32, #tpu.memory_space<hbm>>
      %dma_start3A_48 = tpu.memref_slice %arg3[%multiple_of3A_11] : memref<122880xi32, #tpu.memory_space<hbm>> -> memref<3840xi32, #tpu.memory_space<hbm>>
      tpu.enqueue_dma source(%dma_start3A_48 : memref<3840xi32, #tpu.memory_space<hbm>>) target(%arg8 : memref<3840xi32, #tpu.memory_space<vmem>>) target_semaphore(%run_scoped3A : memref<!tpu.dma_semaphore, #tpu.memory_space<semaphore_mem>>)
      %dma_wait3A_49 = tpu.memref_slice %arg3[%multiple_of3A_11] : memref<122880xi32, #tpu.memory_space<hbm>> -> memref<3840xi32, #tpu.memory_space<hbm>>
      %dma_wait3A_50 = tpu.memref_slice %arg3[%multiple_of3A_11] : memref<122880xi32, #tpu.memory_space<hbm>> -> memref<3840xi32, #tpu.memory_space<hbm>>
      tpu.wait_dma2 semaphore(%run_scoped3A : memref<!tpu.dma_semaphore, #tpu.memory_space<semaphore_mem>>) src(%dma_wait3A_50 : memref<3840xi32, #tpu.memory_space<hbm>>) dst(%arg8 : memref<3840xi32, #tpu.memory_space<vmem>>)
      tpu.yield
    }) : () -> ()
    %multiple_of3A_12 = arith.constant 0 : i32
    %multiple_of3A_13 = tpu.assume_multiple %multiple_of3A_12, 240 : i32
    %dma_start3A = arith.constant 0 : i32
    %dma_start3A_14 = arith.constant 0 : i32
    %dma_start3A_15 = tpu.memref_slice %arg10[%dma_start3A, %dma_start3A_14] : memref<240x128xf32, #tpu.memory_space<vmem>> -> memref<120x128xf32, #tpu.memory_space<vmem>>
    %dma_start3A_16 = tpu.memref_slice %arg8[%multiple_of3A_13] : memref<3840xi32, #tpu.memory_space<vmem>> -> memref<120xi32, #tpu.memory_space<vmem>>
    %dma_start3A_17 = arith.constant 0 : i32
    %dma_start3A_18 = arith.constant 0 : i32
    %dma_start3A_19 = tpu.memref_slice %arg5[%dma_start3A_17, %dma_start3A_18] : memref<100000x128xf32, #tpu.memory_space<hbm>> -> memref<100000x128xf32, #tpu.memory_space<hbm>>
    tpu.enqueue_indirect_dma source(%dma_start3A_19 : memref<100000x128xf32, #tpu.memory_space<hbm>>) target(%dma_start3A_15 : memref<120x128xf32, #tpu.memory_space<vmem>>) offsets(%dma_start3A_16 : memref<120xi32, #tpu.memory_space<vmem>>) semaphore(%arg16 : memref<!tpu.dma_semaphore, #tpu.memory_space<semaphore_mem>>)
    %multiple_of3A_20 = arith.constant 120 : i32
    %multiple_of3A_21 = tpu.assume_multiple %multiple_of3A_20, 120 : i32
    %dma_start3A_22 = arith.constant 120 : i32
    %dma_start3A_23 = arith.constant 0 : i32
    %dma_start3A_24 = tpu.memref_slice %arg10[%dma_start3A_22, %dma_start3A_23] : memref<240x128xf32, #tpu.memory_space<vmem>> -> memref<120x128xf32, #tpu.memory_space<vmem>>
    %dma_start3A_25 = tpu.memref_slice %arg8[%multiple_of3A_21] : memref<3840xi32, #tpu.memory_space<vmem>> -> memref<120xi32, #tpu.memory_space<vmem>>
    %dma_start3A_26 = arith.constant 0 : i32
    %dma_start3A_27 = arith.constant 0 : i32
    %dma_start3A_28 = tpu.memref_slice %arg5[%dma_start3A_26, %dma_start3A_27] : memref<100000x128xf32, #tpu.memory_space<hbm>> -> memref<100000x128xf32, #tpu.memory_space<hbm>>
    tpu.enqueue_indirect_dma source(%dma_start3A_28 : memref<100000x128xf32, #tpu.memory_space<hbm>>) target(%dma_start3A_24 : memref<120x128xf32, #tpu.memory_space<vmem>>) offsets(%dma_start3A_25 : memref<120xi32, #tpu.memory_space<vmem>>) semaphore(%arg16 : memref<!tpu.dma_semaphore, #tpu.memory_space<semaphore_mem>>)
    %multiple_of3A_29 = arith.constant 0 : i32
    %multiple_of3A_30 = tpu.assume_multiple %multiple_of3A_29, 8 : i32
    %dma_start3A_31 = tpu.memref_slice %arg7[%multiple_of3A_30] : memref<128xi32, #tpu.memory_space<vmem>> -> memref<8xi32, #tpu.memory_space<vmem>>
    %dma_start3A_32 = arith.constant 0 : i32
    %dma_start3A_33 = arith.constant 0 : i32
    %dma_start3A_34 = tpu.memref_slice %arg4[%dma_start3A_32, %dma_start3A_33] : memref<100000x128xf32, #tpu.memory_space<hbm>> -> memref<100000x128xf32, #tpu.memory_space<hbm>>
    tpu.enqueue_indirect_dma source(%dma_start3A_34 : memref<100000x128xf32, #tpu.memory_space<hbm>>) target(%arg9 : memref<8x128xf32, #tpu.memory_space<vmem>>) offsets(%dma_start3A_31 : memref<8xi32, #tpu.memory_space<vmem>>) semaphore(%arg17 : memref<!tpu.dma_semaphore, #tpu.memory_space<semaphore_mem>>)
    %scan3A = arith.constant 0 : i32
    %scan3A_35 = arith.constant 0 : i32
    %scan3A_36 = arith.constant 8 : i32
    %scan3A_37 = arith.addi %scan3A_35, %scan3A_36 : i32
    %scan3A_38 = arith.constant 1 : i32
    scf.for %scan3A_47 = %scan3A_35 to %scan3A_37 step %scan3A_38  : i32 {
      %mul3A_48 = arith.constant 2 : i32
      %mul3A_49 = arith.muli %scan3A_47, %mul3A_48 : i32
      %add3A_50 = arith.constant 1 : i32
      %add3A_51 = arith.addi %mul3A_49, %add3A_50 : i32
      %mul3A_52 = arith.constant 240 : i32
      %mul3A_53 = arith.muli %add3A_51, %mul3A_52 : i32
      %multiple_of3A_54 = tpu.assume_multiple %mul3A_53, 240 : i32
      %dma_start3A_55 = arith.constant 0 : i32
      %dma_start3A_56 = arith.constant 0 : i32
      %dma_start3A_57 = tpu.memref_slice %arg13[%dma_start3A_55, %dma_start3A_56] : memref<240x128xf32, #tpu.memory_space<vmem>> -> memref<120x128xf32, #tpu.memory_space<vmem>>
      %dma_start3A_58 = tpu.memref_slice %arg8[%multiple_of3A_54] : memref<3840xi32, #tpu.memory_space<vmem>> -> memref<120xi32, #tpu.memory_space<vmem>>
      %dma_start3A_59 = arith.constant 0 : i32
      %dma_start3A_60 = arith.constant 0 : i32
      %dma_start3A_61 = tpu.memref_slice %arg5[%dma_start3A_59, %dma_start3A_60] : memref<100000x128xf32, #tpu.memory_space<hbm>> -> memref<100000x128xf32, #tpu.memory_space<hbm>>
      tpu.enqueue_indirect_dma source(%dma_start3A_61 : memref<100000x128xf32, #tpu.memory_space<hbm>>) target(%dma_start3A_57 : memref<120x128xf32, #tpu.memory_space<vmem>>) offsets(%dma_start3A_58 : memref<120xi32, #tpu.memory_space<vmem>>) semaphore(%arg19 : memref<!tpu.dma_semaphore, #tpu.memory_space<semaphore_mem>>)
      %mul3A_62 = arith.constant 240 : i32
      %mul3A_63 = arith.muli %add3A_51, %mul3A_62 : i32
      %add3A_64 = arith.constant 120 : i32
      %add3A_65 = arith.addi %mul3A_63, %add3A_64 : i32
      %multiple_of3A_66 = tpu.assume_multiple %add3A_65, 120 : i32
      %dma_start3A_67 = arith.constant 120 : i32
      %dma_start3A_68 = arith.constant 0 : i32
      %dma_start3A_69 = tpu.memref_slice %arg13[%dma_start3A_67, %dma_start3A_68] : memref<240x128xf32, #tpu.memory_space<vmem>> -> memref<120x128xf32, #tpu.memory_space<vmem>>
      %dma_start3A_70 = tpu.memref_slice %arg8[%multiple_of3A_66] : memref<3840xi32, #tpu.memory_space<vmem>> -> memref<120xi32, #tpu.memory_space<vmem>>
      %dma_start3A_71 = arith.constant 0 : i32
      %dma_start3A_72 = arith.constant 0 : i32
      %dma_start3A_73 = tpu.memref_slice %arg5[%dma_start3A_71, %dma_start3A_72] : memref<100000x128xf32, #tpu.memory_space<hbm>> -> memref<100000x128xf32, #tpu.memory_space<hbm>>
      tpu.enqueue_indirect_dma source(%dma_start3A_73 : memref<100000x128xf32, #tpu.memory_space<hbm>>) target(%dma_start3A_69 : memref<120x128xf32, #tpu.memory_space<vmem>>) offsets(%dma_start3A_70 : memref<120xi32, #tpu.memory_space<vmem>>) semaphore(%arg19 : memref<!tpu.dma_semaphore, #tpu.memory_space<semaphore_mem>>)
      %mul3A_74 = arith.constant 8 : i32
      %mul3A_75 = arith.muli %add3A_51, %mul3A_74 : i32
      %multiple_of3A_76 = tpu.assume_multiple %mul3A_75, 8 : i32
      %dma_start3A_77 = tpu.memref_slice %arg7[%multiple_of3A_76] : memref<128xi32, #tpu.memory_space<vmem>> -> memref<8xi32, #tpu.memory_space<vmem>>
      %dma_start3A_78 = arith.constant 0 : i32
      %dma_start3A_79 = arith.constant 0 : i32
      %dma_start3A_80 = tpu.memref_slice %arg4[%dma_start3A_78, %dma_start3A_79] : memref<100000x128xf32, #tpu.memory_space<hbm>> -> memref<100000x128xf32, #tpu.memory_space<hbm>>
      tpu.enqueue_indirect_dma source(%dma_start3A_80 : memref<100000x128xf32, #tpu.memory_space<hbm>>) target(%arg12 : memref<8x128xf32, #tpu.memory_space<vmem>>) offsets(%dma_start3A_77 : memref<8xi32, #tpu.memory_space<vmem>>) semaphore(%arg20 : memref<!tpu.dma_semaphore, #tpu.memory_space<semaphore_mem>>)
      %dma_wait3A_81 = arith.constant 0 : i32
      %dma_wait3A_82 = arith.constant 0 : i32
      %dma_wait3A_83 = tpu.memref_slice %arg5[%dma_wait3A_81, %dma_wait3A_82] : memref<100000x128xf32, #tpu.memory_space<hbm>> -> memref<240x128xf32, #tpu.memory_space<hbm>>
      %dma_wait3A_84 = arith.constant 0 : i32
      %dma_wait3A_85 = arith.constant 0 : i32
      %dma_wait3A_86 = tpu.memref_slice %arg5[%dma_wait3A_84, %dma_wait3A_85] : memref<100000x128xf32, #tpu.memory_space<hbm>> -> memref<240x128xf32, #tpu.memory_space<hbm>>
      tpu.wait_dma2 semaphore(%arg16 : memref<!tpu.dma_semaphore, #tpu.memory_space<semaphore_mem>>) src(%dma_wait3A_86 : memref<240x128xf32, #tpu.memory_space<hbm>>) dst(%arg10 : memref<240x128xf32, #tpu.memory_space<vmem>>)
      %dma_wait3A_87 = arith.constant 0 : i32
      %dma_wait3A_88 = arith.constant 0 : i32
      %dma_wait3A_89 = tpu.memref_slice %arg4[%dma_wait3A_87, %dma_wait3A_88] : memref<100000x128xf32, #tpu.memory_space<hbm>> -> memref<8x128xf32, #tpu.memory_space<hbm>>
      %dma_wait3A_90 = arith.constant 0 : i32
      %dma_wait3A_91 = arith.constant 0 : i32
      %dma_wait3A_92 = tpu.memref_slice %arg4[%dma_wait3A_90, %dma_wait3A_91] : memref<100000x128xf32, #tpu.memory_space<hbm>> -> memref<8x128xf32, #tpu.memory_space<hbm>>
      tpu.wait_dma2 semaphore(%arg17 : memref<!tpu.dma_semaphore, #tpu.memory_space<semaphore_mem>>) src(%dma_wait3A_92 : memref<8x128xf32, #tpu.memory_space<hbm>>) dst(%arg9 : memref<8x128xf32, #tpu.memory_space<vmem>>)
      %ge3A = arith.constant 2 : i32
      %ge3A_93 = arith.cmpi sge, %mul3A_49, %ge3A : i32
      %convert_element_type3A = arith.extui %ge3A_93 : i1 to i32
      %cond3A = arith.constant 0 : i32
      %cond3A_94 = arith.cmpi ne, %convert_element_type3A, %cond3A : i32
      scf.if %cond3A_94 {
        %dma_wait3A_152 = arith.constant 0 : i32
        %dma_wait3A_153 = tpu.memref_slice %arg6[%dma_wait3A_152] : memref<131072xf32, #tpu.memory_space<hbm>> -> memref<256xf32, #tpu.memory_space<hbm>>
        %dma_wait3A_154 = arith.constant 0 : i32
        %dma_wait3A_155 = tpu.memref_slice %arg6[%dma_wait3A_154] : memref<131072xf32, #tpu.memory_space<hbm>> -> memref<256xf32, #tpu.memory_space<hbm>>
        tpu.wait_dma2 semaphore(%arg18 : memref<!tpu.dma_semaphore, #tpu.memory_space<semaphore_mem>>) src(%arg11 : memref<256xf32, #tpu.memory_space<vmem>>) dst(%dma_wait3A_155 : memref<256xf32, #tpu.memory_space<hbm>>)
      } else {
      }
      %mul3A_95 = arith.constant 128 : i32
      %mul3A_96 = arith.muli %add3A, %mul3A_95 : i32
      %mul3A_97 = arith.constant 8 : i32
      %mul3A_98 = arith.muli %mul3A_49, %mul3A_97 : i32
      %add3A_99 = arith.addi %mul3A_96, %mul3A_98 : i32
      %scan3A_100 = arith.constant 0 : i32
      %scan3A_101 = arith.constant 0 : i32
      %scan3A_102 = arith.constant 8 : i32
      %scan3A_103 = arith.addi %scan3A_101, %scan3A_102 : i32
      %scan3A_104 = arith.constant 1 : i32
      scf.for %scan3A_152 = %scan3A_101 to %scan3A_103 step %scan3A_104  : i32 {
        %get3A = arith.index_cast %scan3A_152 : i32 to index
        %get3A_153 = arith.constant 0 : index
        %get3A_154 = tpu.vector_load %arg9[%get3A, %get3A_153] {strides = array<i32>} : memref<8x128xf32, #tpu.memory_space<vmem>>, vector<16xf32>,
        %get3A_155 = arith.index_cast %scan3A_152 : i32 to index
        %get3A_156 = arith.constant 16 : index
        %get3A_157 = tpu.vector_load %arg9[%get3A_155, %get3A_156] {strides = array<i32>} : memref<8x128xf32, #tpu.memory_space<vmem>>, vector<16xf32>,
        %get3A_158 = arith.index_cast %scan3A_152 : i32 to index
        %get3A_159 = arith.constant 32 : index
        %get3A_160 = tpu.vector_load %arg9[%get3A_158, %get3A_159] {strides = array<i32>} : memref<8x128xf32, #tpu.memory_space<vmem>>, vector<16xf32>,
        %get3A_161 = arith.index_cast %scan3A_152 : i32 to index
        %get3A_162 = arith.constant 48 : index
        %get3A_163 = tpu.vector_load %arg9[%get3A_161, %get3A_162] {strides = array<i32>} : memref<8x128xf32, #tpu.memory_space<vmem>>, vector<16xf32>,
        %get3A_164 = arith.index_cast %scan3A_152 : i32 to index
        %get3A_165 = arith.constant 64 : index
        %get3A_166 = tpu.vector_load %arg9[%get3A_164, %get3A_165] {strides = array<i32>} : memref<8x128xf32, #tpu.memory_space<vmem>>, vector<16xf32>,
        %get3A_167 = arith.index_cast %scan3A_152 : i32 to index
        %get3A_168 = arith.constant 80 : index
        %get3A_169 = tpu.vector_load %arg9[%get3A_167, %get3A_168] {strides = array<i32>} : memref<8x128xf32, #tpu.memory_space<vmem>>, vector<16xf32>,
        %get3A_170 = arith.index_cast %scan3A_152 : i32 to index
        %get3A_171 = arith.constant 96 : index
        %get3A_172 = tpu.vector_load %arg9[%get3A_170, %get3A_171] {strides = array<i32>} : memref<8x128xf32, #tpu.memory_space<vmem>>, vector<16xf32>,
        %get3A_173 = arith.index_cast %scan3A_152 : i32 to index
        %get3A_174 = arith.constant 112 : index
        %get3A_175 = tpu.vector_load %arg9[%get3A_173, %get3A_174] {strides = array<i32>} : memref<8x128xf32, #tpu.memory_space<vmem>>, vector<16xf32>,
        %mul3A_176 = arith.constant 30 : i32
        %mul3A_177 = arith.muli %scan3A_152, %mul3A_176 : i32
        %add3A_178 = arith.constant 0 : i32
        %add3A_179 = arith.addi %mul3A_177, %add3A_178 : i32
        %get3A_180 = arith.index_cast %add3A_179 : i32 to index
        %get3A_181 = arith.constant 0 : index
        %get3A_182 = tpu.vector_load %arg10[%get3A_180, %get3A_181] {strides = array<i32>} : memref<240x128xf32, #tpu.memory_space<vmem>>, vector<16xf32>,
        %get3A_183 = arith.index_cast %add3A_179 : i32 to index
        %get3A_184 = arith.constant 16 : index
        %get3A_185 = tpu.vector_load %arg10[%get3A_183, %get3A_184] {strides = array<i32>} : memref<240x128xf32, #tpu.memory_space<vmem>>, vector<16xf32>,
        %get3A_186 = arith.index_cast %add3A_179 : i32 to index
        %get3A_187 = arith.constant 32 : index
        %get3A_188 = tpu.vector_load %arg10[%get3A_186, %get3A_187] {strides = array<i32>} : memref<240x128xf32, #tpu.memory_space<vmem>>, vector<16xf32>,
        %get3A_189 = arith.index_cast %add3A_179 : i32 to index
        %get3A_190 = arith.constant 48 : index
        %get3A_191 = tpu.vector_load %arg10[%get3A_189, %get3A_190] {strides = array<i32>} : memref<240x128xf32, #tpu.memory_space<vmem>>, vector<16xf32>,
        %get3A_192 = arith.index_cast %add3A_179 : i32 to index
        %get3A_193 = arith.constant 64 : index
        %get3A_194 = tpu.vector_load %arg10[%get3A_192, %get3A_193] {strides = array<i32>} : memref<240x128xf32, #tpu.memory_space<vmem>>, vector<16xf32>,
        %get3A_195 = arith.index_cast %add3A_179 : i32 to index
        %get3A_196 = arith.constant 80 : index
        %get3A_197 = tpu.vector_load %arg10[%get3A_195, %get3A_196] {strides = array<i32>} : memref<240x128xf32, #tpu.memory_space<vmem>>, vector<16xf32>,
        %get3A_198 = arith.index_cast %add3A_179 : i32 to index
        %get3A_199 = arith.constant 96 : index
        %get3A_200 = tpu.vector_load %arg10[%get3A_198, %get3A_199] {strides = array<i32>} : memref<240x128xf32, #tpu.memory_space<vmem>>, vector<16xf32>,
        %get3A_201 = arith.index_cast %add3A_179 : i32 to index
        %get3A_202 = arith.constant 112 : index
        %get3A_203 = tpu.vector_load %arg10[%get3A_201, %get3A_202] {strides = array<i32>} : memref<240x128xf32, #tpu.memory_space<vmem>>, vector<16xf32>,
        %mul3A_204 = arith.constant 30 : i32
        %mul3A_205 = arith.muli %scan3A_152, %mul3A_204 : i32
        %add3A_206 = arith.constant 1 : i32
        %add3A_207 = arith.addi %mul3A_205, %add3A_206 : i32
        %get3A_208 = arith.index_cast %add3A_207 : i32 to index
        %get3A_209 = arith.constant 0 : index
        %get3A_210 = tpu.vector_load %arg10[%get3A_208, %get3A_209] {strides = array<i32>} : memref<240x128xf32, #tpu.memory_space<vmem>>, vector<16xf32>,
        %get3A_211 = arith.index_cast %add3A_207 : i32 to index
        %get3A_212 = arith.constant 16 : index
        %get3A_213 = tpu.vector_load %arg10[%get3A_211, %get3A_212] {strides = array<i32>} : memref<240x128xf32, #tpu.memory_space<vmem>>, vector<16xf32>,
        %get3A_214 = arith.index_cast %add3A_207 : i32 to index
        %get3A_215 = arith.constant 32 : index
        %get3A_216 = tpu.vector_load %arg10[%get3A_214, %get3A_215] {strides = array<i32>} : memref<240x128xf32, #tpu.memory_space<vmem>>, vector<16xf32>,
        %get3A_217 = arith.index_cast %add3A_207 : i32 to index
        %get3A_218 = arith.constant 48 : index
        %get3A_219 = tpu.vector_load %arg10[%get3A_217, %get3A_218] {strides = array<i32>} : memref<240x128xf32, #tpu.memory_space<vmem>>, vector<16xf32>,
        %get3A_220 = arith.index_cast %add3A_207 : i32 to index
        %get3A_221 = arith.constant 64 : index
        %get3A_222 = tpu.vector_load %arg10[%get3A_220, %get3A_221] {strides = array<i32>} : memref<240x128xf32, #tpu.memory_space<vmem>>, vector<16xf32>,
        %get3A_223 = arith.index_cast %add3A_207 : i32 to index
        %get3A_224 = arith.constant 80 : index
        %get3A_225 = tpu.vector_load %arg10[%get3A_223, %get3A_224] {strides = array<i32>} : memref<240x128xf32, #tpu.memory_space<vmem>>, vector<16xf32>,
        %get3A_226 = arith.index_cast %add3A_207 : i32 to index
        %get3A_227 = arith.constant 96 : index
        %get3A_228 = tpu.vector_load %arg10[%get3A_226, %get3A_227] {strides = array<i32>} : memref<240x128xf32, #tpu.memory_space<vmem>>, vector<16xf32>,
        %get3A_229 = arith.index_cast %add3A_207 : i32 to index
        %get3A_230 = arith.constant 112 : index
        %get3A_231 = tpu.vector_load %arg10[%get3A_229, %get3A_230] {strides = array<i32>} : memref<240x128xf32, #tpu.memory_space<vmem>>, vector<16xf32>,
        %mul3A_232 = arith.mulf %get3A_182, %get3A_154 : vector<16xf32>
        %mul3A_233 = arith.mulf %get3A_185, %get3A_157 : vector<16xf32>
        %mul3A_234 = arith.mulf %get3A_188, %get3A_160 : vector<16xf32>
        %mul3A_235 = arith.mulf %get3A_191, %get3A_163 : vector<16xf32>
        %mul3A_236 = arith.mulf %get3A_194, %get3A_166 : vector<16xf32>
        %mul3A_237 = arith.mulf %get3A_197, %get3A_169 : vector<16xf32>
        %mul3A_238 = arith.mulf %get3A_200, %get3A_172 : vector<16xf32>
        %mul3A_239 = arith.mulf %get3A_203, %get3A_175 : vector<16xf32>
        %add3A_240 = arith.addf %mul3A_232, %mul3A_233 : vector<16xf32>
        %add3A_241 = arith.addf %mul3A_234, %mul3A_235 : vector<16xf32>
        %add3A_242 = arith.addf %add3A_240, %add3A_241 : vector<16xf32>
        %add3A_243 = arith.addf %mul3A_236, %mul3A_237 : vector<16xf32>
        %add3A_244 = arith.addf %mul3A_238, %mul3A_239 : vector<16xf32>
        %add3A_245 = arith.addf %add3A_243, %add3A_244 : vector<16xf32>
        %add3A_246 = arith.addf %add3A_242, %add3A_245 : vector<16xf32>
        %swap3A_247 = arith.constant 0 : index
        %swap3A_248 = tpu.vector_load %arg15[%swap3A_247] {strides = array<i32>} : memref<512xf32, #tpu.memory_space<vmem>>, vector<16xf32>,
        tpu.vector_store %arg15[%swap3A_247], %add3A_246 {strides = array<i32>} : memref<512xf32, #tpu.memory_space<vmem>>, vector<16xf32>,
        %mul3A_249 = arith.constant 30 : i32
        %mul3A_250 = arith.muli %scan3A_152, %mul3A_249 : i32
        %add3A_251 = arith.constant 2 : i32
        %add3A_252 = arith.addi %mul3A_250, %add3A_251 : i32
        %get3A_253 = arith.index_cast %add3A_252 : i32 to index
        %get3A_254 = arith.constant 0 : index
        %get3A_255 = tpu.vector_load %arg10[%get3A_253, %get3A_254] {strides = array<i32>} : memref<240x128xf32, #tpu.memory_space<vmem>>, vector<16xf32>,
        %get3A_256 = arith.index_cast %add3A_252 : i32 to index
        %get3A_257 = arith.constant 16 : index
        %get3A_258 = tpu.vector_load %arg10[%get3A_256, %get3A_257] {strides = array<i32>} : memref<240x128xf32, #tpu.memory_space<vmem>>, vector<16xf32>,
        %get3A_259 = arith.index_cast %add3A_252 : i32 to index
        %get3A_260 = arith.constant 32 : index
        %get3A_261 = tpu.vector_load %arg10[%get3A_259, %get3A_260] {strides = array<i32>} : memref<240x128xf32, #tpu.memory_space<vmem>>, vector<16xf32>,
        %get3A_262 = arith.index_cast %add3A_252 : i32 to index
        %get3A_263 = arith.constant 48 : index
        %get3A_264 = tpu.vector_load %arg10[%get3A_262, %get3A_263] {strides = array<i32>} : memref<240x128xf32, #tpu.memory_space<vmem>>, vector<16xf32>,
        %get3A_265 = arith.index_cast %add3A_252 : i32 to index
        %get3A_266 = arith.constant 64 : index
        %get3A_267 = tpu.vector_load %arg10[%get3A_265, %get3A_266] {strides = array<i32>} : memref<240x128xf32, #tpu.memory_space<vmem>>, vector<16xf32>,
        %get3A_268 = arith.index_cast %add3A_252 : i32 to index
        %get3A_269 = arith.constant 80 : index
        %get3A_270 = tpu.vector_load %arg10[%get3A_268, %get3A_269] {strides = array<i32>} : memref<240x128xf32, #tpu.memory_space<vmem>>, vector<16xf32>,
        %get3A_271 = arith.index_cast %add3A_252 : i32 to index
        %get3A_272 = arith.constant 96 : index
        %get3A_273 = tpu.vector_load %arg10[%get3A_271, %get3A_272] {strides = array<i32>} : memref<240x128xf32, #tpu.memory_space<vmem>>, vector<16xf32>,
        %get3A_274 = arith.index_cast %add3A_252 : i32 to index
        %get3A_275 = arith.constant 112 : index
        %get3A_276 = tpu.vector_load %arg10[%get3A_274, %get3A_275] {strides = array<i32>} : memref<240x128xf32, #tpu.memory_space<vmem>>, vector<16xf32>,
        %mul3A_277 = arith.mulf %get3A_210, %get3A_154 : vector<16xf32>
        %mul3A_278 = arith.mulf %get3A_213, %get3A_157 : vector<16xf32>
        %mul3A_279 = arith.mulf %get3A_216, %get3A_160 : vector<16xf32>
        %mul3A_280 = arith.mulf %get3A_219, %get3A_163 : vector<16xf32>
        %mul3A_281 = arith.mulf %get3A_222, %get3A_166 : vector<16xf32>
        %mul3A_282 = arith.mulf %get3A_225, %get3A_169 : vector<16xf32>
        %mul3A_283 = arith.mulf %get3A_228, %get3A_172 : vector<16xf32>
        %mul3A_284 = arith.mulf %get3A_231, %get3A_175 : vector<16xf32>
        %add3A_285 = arith.addf %mul3A_277, %mul3A_278 : vector<16xf32>
        %add3A_286 = arith.addf %mul3A_279, %mul3A_280 : vector<16xf32>
        %add3A_287 = arith.addf %add3A_285, %add3A_286 : vector<16xf32>
        %add3A_288 = arith.addf %mul3A_281, %mul3A_282 : vector<16xf32>
        %add3A_289 = arith.addf %mul3A_283, %mul3A_284 : vector<16xf32>
        %add3A_290 = arith.addf %add3A_288, %add3A_289 : vector<16xf32>
        %add3A_291 = arith.addf %add3A_287, %add3A_290 : vector<16xf32>
        %swap3A_292 = arith.constant 16 : index
        %swap3A_293 = tpu.vector_load %arg15[%swap3A_292] {strides = array<i32>} : memref<512xf32, #tpu.memory_space<vmem>>, vector<16xf32>,
        tpu.vector_store %arg15[%swap3A_292], %add3A_291 {strides = array<i32>} : memref<512xf32, #tpu.memory_space<vmem>>, vector<16xf32>,
        %mul3A_294 = arith.constant 30 : i32
        %mul3A_295 = arith.muli %scan3A_152, %mul3A_294 : i32
        %add3A_296 = arith.constant 3 : i32
        %add3A_297 = arith.addi %mul3A_295, %add3A_296 : i32
        %get3A_298 = arith.index_cast %add3A_297 : i32 to index
        %get3A_299 = arith.constant 0 : index
        %get3A_300 = tpu.vector_load %arg10[%get3A_298, %get3A_299] {strides = array<i32>} : memref<240x128xf32, #tpu.memory_space<vmem>>, vector<16xf32>,
        %get3A_301 = arith.index_cast %add3A_297 : i32 to index
        %get3A_302 = arith.constant 16 : index
        %get3A_303 = tpu.vector_load %arg10[%get3A_301, %get3A_302] {strides = array<i32>} : memref<240x128xf32, #tpu.memory_space<vmem>>, vector<16xf32>,
        %get3A_304 = arith.index_cast %add3A_297 : i32 to index
        %get3A_305 = arith.constant 32 : index
        %get3A_306 = tpu.vector_load %arg10[%get3A_304, %get3A_305] {strides = array<i32>} : memref<240x128xf32, #tpu.memory_space<vmem>>, vector<16xf32>,
        %get3A_307 = arith.index_cast %add3A_297 : i32 to index
        %get3A_308 = arith.constant 48 : index
        %get3A_309 = tpu.vector_load %arg10[%get3A_307, %get3A_308] {strides = array<i32>} : memref<240x128xf32, #tpu.memory_space<vmem>>, vector<16xf32>,
        %get3A_310 = arith.index_cast %add3A_297 : i32 to index
        %get3A_311 = arith.constant 64 : index
        %get3A_312 = tpu.vector_load %arg10[%get3A_310, %get3A_311] {strides = array<i32>} : memref<240x128xf32, #tpu.memory_space<vmem>>, vector<16xf32>,
        %get3A_313 = arith.index_cast %add3A_297 : i32 to index
        %get3A_314 = arith.constant 80 : index
        %get3A_315 = tpu.vector_load %arg10[%get3A_313, %get3A_314] {strides = array<i32>} : memref<240x128xf32, #tpu.memory_space<vmem>>, vector<16xf32>,
        %get3A_316 = arith.index_cast %add3A_297 : i32 to index
        %get3A_317 = arith.constant 96 : index
        %get3A_318 = tpu.vector_load %arg10[%get3A_316, %get3A_317] {strides = array<i32>} : memref<240x128xf32, #tpu.memory_space<vmem>>, vector<16xf32>,
        %get3A_319 = arith.index_cast %add3A_297 : i32 to index
        %get3A_320 = arith.constant 112 : index
        %get3A_321 = tpu.vector_load %arg10[%get3A_319, %get3A_320] {strides = array<i32>} : memref<240x128xf32, #tpu.memory_space<vmem>>, vector<16xf32>,
        %mul3A_322 = arith.mulf %get3A_255, %get3A_154 : vector<16xf32>
        %mul3A_323 = arith.mulf %get3A_258, %get3A_157 : vector<16xf32>
        %mul3A_324 = arith.mulf %get3A_261, %get3A_160 : vector<16xf32>
        %mul3A_325 = arith.mulf %get3A_264, %get3A_163 : vector<16xf32>
        %mul3A_326 = arith.mulf %get3A_267, %get3A_166 : vector<16xf32>
        %mul3A_327 = arith.mulf %get3A_270, %get3A_169 : vector<16xf32>
        %mul3A_328 = arith.mulf %get3A_273, %get3A_172 : vector<16xf32>
        %mul3A_329 = arith.mulf %get3A_276, %get3A_175 : vector<16xf32>
        %add3A_330 = arith.addf %mul3A_322, %mul3A_323 : vector<16xf32>
        %add3A_331 = arith.addf %mul3A_324, %mul3A_325 : vector<16xf32>
        %add3A_332 = arith.addf %add3A_330, %add3A_331 : vector<16xf32>
        %add3A_333 = arith.addf %mul3A_326, %mul3A_327 : vector<16xf32>
        %add3A_334 = arith.addf %mul3A_328, %mul3A_329 : vector<16xf32>
        %add3A_335 = arith.addf %add3A_333, %add3A_334 : vector<16xf32>
        %add3A_336 = arith.addf %add3A_332, %add3A_335 : vector<16xf32>
        %swap3A_337 = arith.constant 32 : index
        %swap3A_338 = tpu.vector_load %arg15[%swap3A_337] {strides = array<i32>} : memref<512xf32, #tpu.memory_space<vmem>>, vector<16xf32>,
        tpu.vector_store %arg15[%swap3A_337], %add3A_336 {strides = array<i32>} : memref<512xf32, #tpu.memory_space<vmem>>, vector<16xf32>,
        %mul3A_339 = arith.constant 30 : i32
        %mul3A_340 = arith.muli %scan3A_152, %mul3A_339 : i32
        %add3A_341 = arith.constant 4 : i32
        %add3A_342 = arith.addi %mul3A_340, %add3A_341 : i32
        %get3A_343 = arith.index_cast %add3A_342 : i32 to index
        %get3A_344 = arith.constant 0 : index
        %get3A_345 = tpu.vector_load %arg10[%get3A_343, %get3A_344] {strides = array<i32>} : memref<240x128xf32, #tpu.memory_space<vmem>>, vector<16xf32>,
        %get3A_346 = arith.index_cast %add3A_342 : i32 to index
        %get3A_347 = arith.constant 16 : index
        %get3A_348 = tpu.vector_load %arg10[%get3A_346, %get3A_347] {strides = array<i32>} : memref<240x128xf32, #tpu.memory_space<vmem>>, vector<16xf32>,
        %get3A_349 = arith.index_cast %add3A_342 : i32 to index
        %get3A_350 = arith.constant 32 : index
        %get3A_351 = tpu.vector_load %arg10[%get3A_349, %get3A_350] {strides = array<i32>} : memref<240x128xf32, #tpu.memory_space<vmem>>, vector<16xf32>,
        %get3A_352 = arith.index_cast %add3A_342 : i32 to index
        %get3A_353 = arith.constant 48 : index
        %get3A_354 = tpu.vector_load %arg10[%get3A_352, %get3A_353] {strides = array<i32>} : memref<240x128xf32, #tpu.memory_space<vmem>>, vector<16xf32>,
        %get3A_355 = arith.index_cast %add3A_342 : i32 to index
        %get3A_356 = arith.constant 64 : index
        %get3A_357 = tpu.vector_load %arg10[%get3A_355, %get3A_356] {strides = array<i32>} : memref<240x128xf32, #tpu.memory_space<vmem>>, vector<16xf32>,
        %get3A_358 = arith.index_cast %add3A_342 : i32 to index
        %get3A_359 = arith.constant 80 : index
        %get3A_360 = tpu.vector_load %arg10[%get3A_358, %get3A_359] {strides = array<i32>} : memref<240x128xf32, #tpu.memory_space<vmem>>, vector<16xf32>,
        %get3A_361 = arith.index_cast %add3A_342 : i32 to index
        %get3A_362 = arith.constant 96 : index
        %get3A_363 = tpu.vector_load %arg10[%get3A_361, %get3A_362] {strides = array<i32>} : memref<240x128xf32, #tpu.memory_space<vmem>>, vector<16xf32>,
        %get3A_364 = arith.index_cast %add3A_342 : i32 to index
        %get3A_365 = arith.constant 112 : index
        %get3A_366 = tpu.vector_load %arg10[%get3A_364, %get3A_365] {strides = array<i32>} : memref<240x128xf32, #tpu.memory_space<vmem>>, vector<16xf32>,
        %mul3A_367 = arith.mulf %get3A_300, %get3A_154 : vector<16xf32>
        %mul3A_368 = arith.mulf %get3A_303, %get3A_157 : vector<16xf32>
        %mul3A_369 = arith.mulf %get3A_306, %get3A_160 : vector<16xf32>
        %mul3A_370 = arith.mulf %get3A_309, %get3A_163 : vector<16xf32>
        %mul3A_371 = arith.mulf %get3A_312, %get3A_166 : vector<16xf32>
        %mul3A_372 = arith.mulf %get3A_315, %get3A_169 : vector<16xf32>
        %mul3A_373 = arith.mulf %get3A_318, %get3A_172 : vector<16xf32>
        %mul3A_374 = arith.mulf %get3A_321, %get3A_175 : vector<16xf32>
        %add3A_375 = arith.addf %mul3A_367, %mul3A_368 : vector<16xf32>
        %add3A_376 = arith.addf %mul3A_369, %mul3A_370 : vector<16xf32>
        %add3A_377 = arith.addf %add3A_375, %add3A_376 : vector<16xf32>
        %add3A_378 = arith.addf %mul3A_371, %mul3A_372 : vector<16xf32>
        %add3A_379 = arith.addf %mul3A_373, %mul3A_374 : vector<16xf32>
        %add3A_380 = arith.addf %add3A_378, %add3A_379 : vector<16xf32>
        %add3A_381 = arith.addf %add3A_377, %add3A_380 : vector<16xf32>
        %swap3A_382 = arith.constant 48 : index
        %swap3A_383 = tpu.vector_load %arg15[%swap3A_382] {strides = array<i32>} : memref<512xf32, #tpu.memory_space<vmem>>, vector<16xf32>,
        tpu.vector_store %arg15[%swap3A_382], %add3A_381 {strides = array<i32>} : memref<512xf32, #tpu.memory_space<vmem>>, vector<16xf32>,
        %mul3A_384 = arith.constant 30 : i32
        %mul3A_385 = arith.muli %scan3A_152, %mul3A_384 : i32
        %add3A_386 = arith.constant 5 : i32
        %add3A_387 = arith.addi %mul3A_385, %add3A_386 : i32
        %get3A_388 = arith.index_cast %add3A_387 : i32 to index
        %get3A_389 = arith.constant 0 : index
        %get3A_390 = tpu.vector_load %arg10[%get3A_388, %get3A_389] {strides = array<i32>} : memref<240x128xf32, #tpu.memory_space<vmem>>, vector<16xf32>,
        %get3A_391 = arith.index_cast %add3A_387 : i32 to index
        %get3A_392 = arith.constant 16 : index
        %get3A_393 = tpu.vector_load %arg10[%get3A_391, %get3A_392] {strides = array<i32>} : memref<240x128xf32, #tpu.memory_space<vmem>>, vector<16xf32>,
        %get3A_394 = arith.index_cast %add3A_387 : i32 to index
        %get3A_395 = arith.constant 32 : index
        %get3A_396 = tpu.vector_load %arg10[%get3A_394, %get3A_395] {strides = array<i32>} : memref<240x128xf32, #tpu.memory_space<vmem>>, vector<16xf32>,
        %get3A_397 = arith.index_cast %add3A_387 : i32 to index
        %get3A_398 = arith.constant 48 : index
        %get3A_399 = tpu.vector_load %arg10[%get3A_397, %get3A_398] {strides = array<i32>} : memref<240x128xf32, #tpu.memory_space<vmem>>, vector<16xf32>,
        %get3A_400 = arith.index_cast %add3A_387 : i32 to index
        %get3A_401 = arith.constant 64 : index
        %get3A_402 = tpu.vector_load %arg10[%get3A_400, %get3A_401] {strides = array<i32>} : memref<240x128xf32, #tpu.memory_space<vmem>>, vector<16xf32>,
        %get3A_403 = arith.index_cast %add3A_387 : i32 to index
        %get3A_404 = arith.constant 80 : index
        %get3A_405 = tpu.vector_load %arg10[%get3A_403, %get3A_404] {strides = array<i32>} : memref<240x128xf32, #tpu.memory_space<vmem>>, vector<16xf32>,
        %get3A_406 = arith.index_cast %add3A_387 : i32 to index
        %get3A_407 = arith.constant 96 : index
        %get3A_408 = tpu.vector_load %arg10[%get3A_406, %get3A_407] {strides = array<i32>} : memref<240x128xf32, #tpu.memory_space<vmem>>, vector<16xf32>,
        %get3A_409 = arith.index_cast %add3A_387 : i32 to index
        %get3A_410 = arith.constant 112 : index
        %get3A_411 = tpu.vector_load %arg10[%get3A_409, %get3A_410] {strides = array<i32>} : memref<240x128xf32, #tpu.memory_space<vmem>>, vector<16xf32>,
        %mul3A_412 = arith.mulf %get3A_345, %get3A_154 : vector<16xf32>
        %mul3A_413 = arith.mulf %get3A_348, %get3A_157 : vector<16xf32>
        %mul3A_414 = arith.mulf %get3A_351, %get3A_160 : vector<16xf32>
        %mul3A_415 = arith.mulf %get3A_354, %get3A_163 : vector<16xf32>
        %mul3A_416 = arith.mulf %get3A_357, %get3A_166 : vector<16xf32>
        %mul3A_417 = arith.mulf %get3A_360, %get3A_169 : vector<16xf32>
        %mul3A_418 = arith.mulf %get3A_363, %get3A_172 : vector<16xf32>
        %mul3A_419 = arith.mulf %get3A_366, %get3A_175 : vector<16xf32>
        %add3A_420 = arith.addf %mul3A_412, %mul3A_413 : vector<16xf32>
        %add3A_421 = arith.addf %mul3A_414, %mul3A_415 : vector<16xf32>
        %add3A_422 = arith.addf %add3A_420, %add3A_421 : vector<16xf32>
        %add3A_423 = arith.addf %mul3A_416, %mul3A_417 : vector<16xf32>
        %add3A_424 = arith.addf %mul3A_418, %mul3A_419 : vector<16xf32>
        %add3A_425 = arith.addf %add3A_423, %add3A_424 : vector<16xf32>
        %add3A_426 = arith.addf %add3A_422, %add3A_425 : vector<16xf32>
        %swap3A_427 = arith.constant 64 : index
        %swap3A_428 = tpu.vector_load %arg15[%swap3A_427] {strides = array<i32>} : memref<512xf32, #tpu.memory_space<vmem>>, vector<16xf32>,
        tpu.vector_store %arg15[%swap3A_427], %add3A_426 {strides = array<i32>} : memref<512xf32, #tpu.memory_space<vmem>>, vector<16xf32>,
        %mul3A_429 = arith.constant 30 : i32
        %mul3A_430 = arith.muli %scan3A_152, %mul3A_429 : i32
        %add3A_431 = arith.constant 6 : i32
        %add3A_432 = arith.addi %mul3A_430, %add3A_431 : i32
        %get3A_433 = arith.index_cast %add3A_432 : i32 to index
        %get3A_434 = arith.constant 0 : index
        %get3A_435 = tpu.vector_load %arg10[%get3A_433, %get3A_434] {strides = array<i32>} : memref<240x128xf32, #tpu.memory_space<vmem>>, vector<16xf32>,
        %get3A_436 = arith.index_cast %add3A_432 : i32 to index
        %get3A_437 = arith.constant 16 : index
        %get3A_438 = tpu.vector_load %arg10[%get3A_436, %get3A_437] {strides = array<i32>} : memref<240x128xf32, #tpu.memory_space<vmem>>, vector<16xf32>,
        %get3A_439 = arith.index_cast %add3A_432 : i32 to index
        %get3A_440 = arith.constant 32 : index
        %get3A_441 = tpu.vector_load %arg10[%get3A_439, %get3A_440] {strides = array<i32>} : memref<240x128xf32, #tpu.memory_space<vmem>>, vector<16xf32>,
        %get3A_442 = arith.index_cast %add3A_432 : i32 to index
        %get3A_443 = arith.constant 48 : index
        %get3A_444 = tpu.vector_load %arg10[%get3A_442, %get3A_443] {strides = array<i32>} : memref<240x128xf32, #tpu.memory_space<vmem>>, vector<16xf32>,
        %get3A_445 = arith.index_cast %add3A_432 : i32 to index
        %get3A_446 = arith.constant 64 : index
        %get3A_447 = tpu.vector_load %arg10[%get3A_445, %get3A_446] {strides = array<i32>} : memref<240x128xf32, #tpu.memory_space<vmem>>, vector<16xf32>,
        %get3A_448 = arith.index_cast %add3A_432 : i32 to index
        %get3A_449 = arith.constant 80 : index
        %get3A_450 = tpu.vector_load %arg10[%get3A_448, %get3A_449] {strides = array<i32>} : memref<240x128xf32, #tpu.memory_space<vmem>>, vector<16xf32>,
        %get3A_451 = arith.index_cast %add3A_432 : i32 to index
        %get3A_452 = arith.constant 96 : index
        %get3A_453 = tpu.vector_load %arg10[%get3A_451, %get3A_452] {strides = array<i32>} : memref<240x128xf32, #tpu.memory_space<vmem>>, vector<16xf32>,
        %get3A_454 = arith.index_cast %add3A_432 : i32 to index
        %get3A_455 = arith.constant 112 : index
        %get3A_456 = tpu.vector_load %arg10[%get3A_454, %get3A_455] {strides = array<i32>} : memref<240x128xf32, #tpu.memory_space<vmem>>, vector<16xf32>,
        %mul3A_457 = arith.mulf %get3A_390, %get3A_154 : vector<16xf32>
        %mul3A_458 = arith.mulf %get3A_393, %get3A_157 : vector<16xf32>
        %mul3A_459 = arith.mulf %get3A_396, %get3A_160 : vector<16xf32>
        %mul3A_460 = arith.mulf %get3A_399, %get3A_163 : vector<16xf32>
        %mul3A_461 = arith.mulf %get3A_402, %get3A_166 : vector<16xf32>
        %mul3A_462 = arith.mulf %get3A_405, %get3A_169 : vector<16xf32>
        %mul3A_463 = arith.mulf %get3A_408, %get3A_172 : vector<16xf32>
        %mul3A_464 = arith.mulf %get3A_411, %get3A_175 : vector<16xf32>
        %add3A_465 = arith.addf %mul3A_457, %mul3A_458 : vector<16xf32>
        %add3A_466 = arith.addf %mul3A_459, %mul3A_460 : vector<16xf32>
        %add3A_467 = arith.addf %add3A_465, %add3A_466 : vector<16xf32>
        %add3A_468 = arith.addf %mul3A_461, %mul3A_462 : vector<16xf32>
        %add3A_469 = arith.addf %mul3A_463, %mul3A_464 : vector<16xf32>
        %add3A_470 = arith.addf %add3A_468, %add3A_469 : vector<16xf32>
        %add3A_471 = arith.addf %add3A_467, %add3A_470 : vector<16xf32>
        %swap3A_472 = arith.constant 80 : index
        %swap3A_473 = tpu.vector_load %arg15[%swap3A_472] {strides = array<i32>} : memref<512xf32, #tpu.memory_space<vmem>>, vector<16xf32>,
        tpu.vector_store %arg15[%swap3A_472], %add3A_471 {strides = array<i32>} : memref<512xf32, #tpu.memory_space<vmem>>, vector<16xf32>,
        %mul3A_474 = arith.constant 30 : i32
        %mul3A_475 = arith.muli %scan3A_152, %mul3A_474 : i32
        %add3A_476 = arith.constant 7 : i32
        %add3A_477 = arith.addi %mul3A_475, %add3A_476 : i32
        %get3A_478 = arith.index_cast %add3A_477 : i32 to index
        %get3A_479 = arith.constant 0 : index
        %get3A_480 = tpu.vector_load %arg10[%get3A_478, %get3A_479] {strides = array<i32>} : memref<240x128xf32, #tpu.memory_space<vmem>>, vector<16xf32>,
        %get3A_481 = arith.index_cast %add3A_477 : i32 to index
        %get3A_482 = arith.constant 16 : index
        %get3A_483 = tpu.vector_load %arg10[%get3A_481, %get3A_482] {strides = array<i32>} : memref<240x128xf32, #tpu.memory_space<vmem>>, vector<16xf32>,
        %get3A_484 = arith.index_cast %add3A_477 : i32 to index
        %get3A_485 = arith.constant 32 : index
        %get3A_486 = tpu.vector_load %arg10[%get3A_484, %get3A_485] {strides = array<i32>} : memref<240x128xf32, #tpu.memory_space<vmem>>, vector<16xf32>,
        %get3A_487 = arith.index_cast %add3A_477 : i32 to index
        %get3A_488 = arith.constant 48 : index
        %get3A_489 = tpu.vector_load %arg10[%get3A_487, %get3A_488] {strides = array<i32>} : memref<240x128xf32, #tpu.memory_space<vmem>>, vector<16xf32>,
        %get3A_490 = arith.index_cast %add3A_477 : i32 to index
        %get3A_491 = arith.constant 64 : index
        %get3A_492 = tpu.vector_load %arg10[%get3A_490, %get3A_491] {strides = array<i32>} : memref<240x128xf32, #tpu.memory_space<vmem>>, vector<16xf32>,
        %get3A_493 = arith.index_cast %add3A_477 : i32 to index
        %get3A_494 = arith.constant 80 : index
        %get3A_495 = tpu.vector_load %arg10[%get3A_493, %get3A_494] {strides = array<i32>} : memref<240x128xf32, #tpu.memory_space<vmem>>, vector<16xf32>,
        %get3A_496 = arith.index_cast %add3A_477 : i32 to index
        %get3A_497 = arith.constant 96 : index
        %get3A_498 = tpu.vector_load %arg10[%get3A_496, %get3A_497] {strides = array<i32>} : memref<240x128xf32, #tpu.memory_space<vmem>>, vector<16xf32>,
        %get3A_499 = arith.index_cast %add3A_477 : i32 to index
        %get3A_500 = arith.constant 112 : index
        %get3A_501 = tpu.vector_load %arg10[%get3A_499, %get3A_500] {strides = array<i32>} : memref<240x128xf32, #tpu.memory_space<vmem>>, vector<16xf32>,
        %mul3A_502 = arith.mulf %get3A_435, %get3A_154 : vector<16xf32>
        %mul3A_503 = arith.mulf %get3A_438, %get3A_157 : vector<16xf32>
        %mul3A_504 = arith.mulf %get3A_441, %get3A_160 : vector<16xf32>
        %mul3A_505 = arith.mulf %get3A_444, %get3A_163 : vector<16xf32>
        %mul3A_506 = arith.mulf %get3A_447, %get3A_166 : vector<16xf32>
        %mul3A_507 = arith.mulf %get3A_450, %get3A_169 : vector<16xf32>
        %mul3A_508 = arith.mulf %get3A_453, %get3A_172 : vector<16xf32>
        %mul3A_509 = arith.mulf %get3A_456, %get3A_175 : vector<16xf32>
        %add3A_510 = arith.addf %mul3A_502, %mul3A_503 : vector<16xf32>
        %add3A_511 = arith.addf %mul3A_504, %mul3A_505 : vector<16xf32>
        %add3A_512 = arith.addf %add3A_510, %add3A_511 : vector<16xf32>
        %add3A_513 = arith.addf %mul3A_506, %mul3A_507 : vector<16xf32>
        %add3A_514 = arith.addf %mul3A_508, %mul3A_509 : vector<16xf32>
        %add3A_515 = arith.addf %add3A_513, %add3A_514 : vector<16xf32>
        %add3A_516 = arith.addf %add3A_512, %add3A_515 : vector<16xf32>
        %swap3A_517 = arith.constant 96 : index
        %swap3A_518 = tpu.vector_load %arg15[%swap3A_517] {strides = array<i32>} : memref<512xf32, #tpu.memory_space<vmem>>, vector<16xf32>,
        tpu.vector_store %arg15[%swap3A_517], %add3A_516 {strides = array<i32>} : memref<512xf32, #tpu.memory_space<vmem>>, vector<16xf32>,
        %mul3A_519 = arith.constant 30 : i32
        %mul3A_520 = arith.muli %scan3A_152, %mul3A_519 : i32
        %add3A_521 = arith.constant 8 : i32
        %add3A_522 = arith.addi %mul3A_520, %add3A_521 : i32
        %get3A_523 = arith.index_cast %add3A_522 : i32 to index
        %get3A_524 = arith.constant 0 : index
        %get3A_525 = tpu.vector_load %arg10[%get3A_523, %get3A_524] {strides = array<i32>} : memref<240x128xf32, #tpu.memory_space<vmem>>, vector<16xf32>,
        %get3A_526 = arith.index_cast %add3A_522 : i32 to index
        %get3A_527 = arith.constant 16 : index
        %get3A_528 = tpu.vector_load %arg10[%get3A_526, %get3A_527] {strides = array<i32>} : memref<240x128xf32, #tpu.memory_space<vmem>>, vector<16xf32>,
        %get3A_529 = arith.index_cast %add3A_522 : i32 to index
        %get3A_530 = arith.constant 32 : index
        %get3A_531 = tpu.vector_load %arg10[%get3A_529, %get3A_530] {strides = array<i32>} : memref<240x128xf32, #tpu.memory_space<vmem>>, vector<16xf32>,
        %get3A_532 = arith.index_cast %add3A_522 : i32 to index
        %get3A_533 = arith.constant 48 : index
        %get3A_534 = tpu.vector_load %arg10[%get3A_532, %get3A_533] {strides = array<i32>} : memref<240x128xf32, #tpu.memory_space<vmem>>, vector<16xf32>,
        %get3A_535 = arith.index_cast %add3A_522 : i32 to index
        %get3A_536 = arith.constant 64 : index
        %get3A_537 = tpu.vector_load %arg10[%get3A_535, %get3A_536] {strides = array<i32>} : memref<240x128xf32, #tpu.memory_space<vmem>>, vector<16xf32>,
        %get3A_538 = arith.index_cast %add3A_522 : i32 to index
        %get3A_539 = arith.constant 80 : index
        %get3A_540 = tpu.vector_load %arg10[%get3A_538, %get3A_539] {strides = array<i32>} : memref<240x128xf32, #tpu.memory_space<vmem>>, vector<16xf32>,
        %get3A_541 = arith.index_cast %add3A_522 : i32 to index
        %get3A_542 = arith.constant 96 : index
        %get3A_543 = tpu.vector_load %arg10[%get3A_541, %get3A_542] {strides = array<i32>} : memref<240x128xf32, #tpu.memory_space<vmem>>, vector<16xf32>,
        %get3A_544 = arith.index_cast %add3A_522 : i32 to index
        %get3A_545 = arith.constant 112 : index
        %get3A_546 = tpu.vector_load %arg10[%get3A_544, %get3A_545] {strides = array<i32>} : memref<240x128xf32, #tpu.memory_space<vmem>>, vector<16xf32>,
        %mul3A_547 = arith.mulf %get3A_480, %get3A_154 : vector<16xf32>
        %mul3A_548 = arith.mulf %get3A_483, %get3A_157 : vector<16xf32>
        %mul3A_549 = arith.mulf %get3A_486, %get3A_160 : vector<16xf32>
        %mul3A_550 = arith.mulf %get3A_489, %get3A_163 : vector<16xf32>
        %mul3A_551 = arith.mulf %get3A_492, %get3A_166 : vector<16xf32>
        %mul3A_552 = arith.mulf %get3A_495, %get3A_169 : vector<16xf32>
        %mul3A_553 = arith.mulf %get3A_498, %get3A_172 : vector<16xf32>
        %mul3A_554 = arith.mulf %get3A_501, %get3A_175 : vector<16xf32>
        %add3A_555 = arith.addf %mul3A_547, %mul3A_548 : vector<16xf32>
        %add3A_556 = arith.addf %mul3A_549, %mul3A_550 : vector<16xf32>
        %add3A_557 = arith.addf %add3A_555, %add3A_556 : vector<16xf32>
        %add3A_558 = arith.addf %mul3A_551, %mul3A_552 : vector<16xf32>
        %add3A_559 = arith.addf %mul3A_553, %mul3A_554 : vector<16xf32>
        %add3A_560 = arith.addf %add3A_558, %add3A_559 : vector<16xf32>
        %add3A_561 = arith.addf %add3A_557, %add3A_560 : vector<16xf32>
        %swap3A_562 = arith.constant 112 : index
        %swap3A_563 = tpu.vector_load %arg15[%swap3A_562] {strides = array<i32>} : memref<512xf32, #tpu.memory_space<vmem>>, vector<16xf32>,
        tpu.vector_store %arg15[%swap3A_562], %add3A_561 {strides = array<i32>} : memref<512xf32, #tpu.memory_space<vmem>>, vector<16xf32>,
        %mul3A_564 = arith.constant 30 : i32
        %mul3A_565 = arith.muli %scan3A_152, %mul3A_564 : i32
        %add3A_566 = arith.constant 9 : i32
        %add3A_567 = arith.addi %mul3A_565, %add3A_566 : i32
        %get3A_568 = arith.index_cast %add3A_567 : i32 to index
        %get3A_569 = arith.constant 0 : index
        %get3A_570 = tpu.vector_load %arg10[%get3A_568, %get3A_569] {strides = array<i32>} : memref<240x128xf32, #tpu.memory_space<vmem>>, vector<16xf32>,
        %get3A_571 = arith.index_cast %add3A_567 : i32 to index
        %get3A_572 = arith.constant 16 : index
        %get3A_573 = tpu.vector_load %arg10[%get3A_571, %get3A_572] {strides = array<i32>} : memref<240x128xf32, #tpu.memory_space<vmem>>, vector<16xf32>,
        %get3A_574 = arith.index_cast %add3A_567 : i32 to index
        %get3A_575 = arith.constant 32 : index
        %get3A_576 = tpu.vector_load %arg10[%get3A_574, %get3A_575] {strides = array<i32>} : memref<240x128xf32, #tpu.memory_space<vmem>>, vector<16xf32>,
        %get3A_577 = arith.index_cast %add3A_567 : i32 to index
        %get3A_578 = arith.constant 48 : index
        %get3A_579 = tpu.vector_load %arg10[%get3A_577, %get3A_578] {strides = array<i32>} : memref<240x128xf32, #tpu.memory_space<vmem>>, vector<16xf32>,
        %get3A_580 = arith.index_cast %add3A_567 : i32 to index
        %get3A_581 = arith.constant 64 : index
        %get3A_582 = tpu.vector_load %arg10[%get3A_580, %get3A_581] {strides = array<i32>} : memref<240x128xf32, #tpu.memory_space<vmem>>, vector<16xf32>,
        %get3A_583 = arith.index_cast %add3A_567 : i32 to index
        %get3A_584 = arith.constant 80 : index
        %get3A_585 = tpu.vector_load %arg10[%get3A_583, %get3A_584] {strides = array<i32>} : memref<240x128xf32, #tpu.memory_space<vmem>>, vector<16xf32>,
        %get3A_586 = arith.index_cast %add3A_567 : i32 to index
        %get3A_587 = arith.constant 96 : index
        %get3A_588 = tpu.vector_load %arg10[%get3A_586, %get3A_587] {strides = array<i32>} : memref<240x128xf32, #tpu.memory_space<vmem>>, vector<16xf32>,
        %get3A_589 = arith.index_cast %add3A_567 : i32 to index
        %get3A_590 = arith.constant 112 : index
        %get3A_591 = tpu.vector_load %arg10[%get3A_589, %get3A_590] {strides = array<i32>} : memref<240x128xf32, #tpu.memory_space<vmem>>, vector<16xf32>,
        %mul3A_592 = arith.mulf %get3A_525, %get3A_154 : vector<16xf32>
        %mul3A_593 = arith.mulf %get3A_528, %get3A_157 : vector<16xf32>
        %mul3A_594 = arith.mulf %get3A_531, %get3A_160 : vector<16xf32>
        %mul3A_595 = arith.mulf %get3A_534, %get3A_163 : vector<16xf32>
        %mul3A_596 = arith.mulf %get3A_537, %get3A_166 : vector<16xf32>
        %mul3A_597 = arith.mulf %get3A_540, %get3A_169 : vector<16xf32>
        %mul3A_598 = arith.mulf %get3A_543, %get3A_172 : vector<16xf32>
        %mul3A_599 = arith.mulf %get3A_546, %get3A_175 : vector<16xf32>
        %add3A_600 = arith.addf %mul3A_592, %mul3A_593 : vector<16xf32>
        %add3A_601 = arith.addf %mul3A_594, %mul3A_595 : vector<16xf32>
        %add3A_602 = arith.addf %add3A_600, %add3A_601 : vector<16xf32>
        %add3A_603 = arith.addf %mul3A_596, %mul3A_597 : vector<16xf32>
        %add3A_604 = arith.addf %mul3A_598, %mul3A_599 : vector<16xf32>
        %add3A_605 = arith.addf %add3A_603, %add3A_604 : vector<16xf32>
        %add3A_606 = arith.addf %add3A_602, %add3A_605 : vector<16xf32>
        %swap3A_607 = arith.constant 128 : index
        %swap3A_608 = tpu.vector_load %arg15[%swap3A_607] {strides = array<i32>} : memref<512xf32, #tpu.memory_space<vmem>>, vector<16xf32>,
        tpu.vector_store %arg15[%swap3A_607], %add3A_606 {strides = array<i32>} : memref<512xf32, #tpu.memory_space<vmem>>, vector<16xf32>,
        %mul3A_609 = arith.constant 30 : i32
        %mul3A_610 = arith.muli %scan3A_152, %mul3A_609 : i32
        %add3A_611 = arith.constant 10 : i32
        %add3A_612 = arith.addi %mul3A_610, %add3A_611 : i32
        %get3A_613 = arith.index_cast %add3A_612 : i32 to index
        %get3A_614 = arith.constant 0 : index
        %get3A_615 = tpu.vector_load %arg10[%get3A_613, %get3A_614] {strides = array<i32>} : memref<240x128xf32, #tpu.memory_space<vmem>>, vector<16xf32>,
        %get3A_616 = arith.index_cast %add3A_612 : i32 to index
        %get3A_617 = arith.constant 16 : index
        %get3A_618 = tpu.vector_load %arg10[%get3A_616, %get3A_617] {strides = array<i32>} : memref<240x128xf32, #tpu.memory_space<vmem>>, vector<16xf32>,
        %get3A_619 = arith.index_cast %add3A_612 : i32 to index
        %get3A_620 = arith.constant 32 : index
        %get3A_621 = tpu.vector_load %arg10[%get3A_619, %get3A_620] {strides = array<i32>} : memref<240x128xf32, #tpu.memory_space<vmem>>, vector<16xf32>,
        %get3A_622 = arith.index_cast %add3A_612 : i32 to index
        %get3A_623 = arith.constant 48 : index
        %get3A_624 = tpu.vector_load %arg10[%get3A_622, %get3A_623] {strides = array<i32>} : memref<240x128xf32, #tpu.memory_space<vmem>>, vector<16xf32>,
        %get3A_625 = arith.index_cast %add3A_612 : i32 to index
        %get3A_626 = arith.constant 64 : index
        %get3A_627 = tpu.vector_load %arg10[%get3A_625, %get3A_626] {strides = array<i32>} : memref<240x128xf32, #tpu.memory_space<vmem>>, vector<16xf32>,
        %get3A_628 = arith.index_cast %add3A_612 : i32 to index
        %get3A_629 = arith.constant 80 : index
        %get3A_630 = tpu.vector_load %arg10[%get3A_628, %get3A_629] {strides = array<i32>} : memref<240x128xf32, #tpu.memory_space<vmem>>, vector<16xf32>,
        %get3A_631 = arith.index_cast %add3A_612 : i32 to index
        %get3A_632 = arith.constant 96 : index
        %get3A_633 = tpu.vector_load %arg10[%get3A_631, %get3A_632] {strides = array<i32>} : memref<240x128xf32, #tpu.memory_space<vmem>>, vector<16xf32>,
        %get3A_634 = arith.index_cast %add3A_612 : i32 to index
        %get3A_635 = arith.constant 112 : index
        %get3A_636 = tpu.vector_load %arg10[%get3A_634, %get3A_635] {strides = array<i32>} : memref<240x128xf32, #tpu.memory_space<vmem>>, vector<16xf32>,
        %mul3A_637 = arith.mulf %get3A_570, %get3A_154 : vector<16xf32>
        %mul3A_638 = arith.mulf %get3A_573, %get3A_157 : vector<16xf32>
        %mul3A_639 = arith.mulf %get3A_576, %get3A_160 : vector<16xf32>
        %mul3A_640 = arith.mulf %get3A_579, %get3A_163 : vector<16xf32>
        %mul3A_641 = arith.mulf %get3A_582, %get3A_166 : vector<16xf32>
        %mul3A_642 = arith.mulf %get3A_585, %get3A_169 : vector<16xf32>
        %mul3A_643 = arith.mulf %get3A_588, %get3A_172 : vector<16xf32>
        %mul3A_644 = arith.mulf %get3A_591, %get3A_175 : vector<16xf32>
        %add3A_645 = arith.addf %mul3A_637, %mul3A_638 : vector<16xf32>
        %add3A_646 = arith.addf %mul3A_639, %mul3A_640 : vector<16xf32>
        %add3A_647 = arith.addf %add3A_645, %add3A_646 : vector<16xf32>
        %add3A_648 = arith.addf %mul3A_641, %mul3A_642 : vector<16xf32>
        %add3A_649 = arith.addf %mul3A_643, %mul3A_644 : vector<16xf32>
        %add3A_650 = arith.addf %add3A_648, %add3A_649 : vector<16xf32>
        %add3A_651 = arith.addf %add3A_647, %add3A_650 : vector<16xf32>
        %swap3A_652 = arith.constant 144 : index
        %swap3A_653 = tpu.vector_load %arg15[%swap3A_652] {strides = array<i32>} : memref<512xf32, #tpu.memory_space<vmem>>, vector<16xf32>,
        tpu.vector_store %arg15[%swap3A_652], %add3A_651 {strides = array<i32>} : memref<512xf32, #tpu.memory_space<vmem>>, vector<16xf32>,
        %mul3A_654 = arith.constant 30 : i32
        %mul3A_655 = arith.muli %scan3A_152, %mul3A_654 : i32
        %add3A_656 = arith.constant 11 : i32
        %add3A_657 = arith.addi %mul3A_655, %add3A_656 : i32
        %get3A_658 = arith.index_cast %add3A_657 : i32 to index
        %get3A_659 = arith.constant 0 : index
        %get3A_660 = tpu.vector_load %arg10[%get3A_658, %get3A_659] {strides = array<i32>} : memref<240x128xf32, #tpu.memory_space<vmem>>, vector<16xf32>,
        %get3A_661 = arith.index_cast %add3A_657 : i32 to index
        %get3A_662 = arith.constant 16 : index
        %get3A_663 = tpu.vector_load %arg10[%get3A_661, %get3A_662] {strides = array<i32>} : memref<240x128xf32, #tpu.memory_space<vmem>>, vector<16xf32>,
        %get3A_664 = arith.index_cast %add3A_657 : i32 to index
        %get3A_665 = arith.constant 32 : index
        %get3A_666 = tpu.vector_load %arg10[%get3A_664, %get3A_665] {strides = array<i32>} : memref<240x128xf32, #tpu.memory_space<vmem>>, vector<16xf32>,
        %get3A_667 = arith.index_cast %add3A_657 : i32 to index
        %get3A_668 = arith.constant 48 : index
        %get3A_669 = tpu.vector_load %arg10[%get3A_667, %get3A_668] {strides = array<i32>} : memref<240x128xf32, #tpu.memory_space<vmem>>, vector<16xf32>,
        %get3A_670 = arith.index_cast %add3A_657 : i32 to index
        %get3A_671 = arith.constant 64 : index
        %get3A_672 = tpu.vector_load %arg10[%get3A_670, %get3A_671] {strides = array<i32>} : memref<240x128xf32, #tpu.memory_space<vmem>>, vector<16xf32>,
        %get3A_673 = arith.index_cast %add3A_657 : i32 to index
        %get3A_674 = arith.constant 80 : index
        %get3A_675 = tpu.vector_load %arg10[%get3A_673, %get3A_674] {strides = array<i32>} : memref<240x128xf32, #tpu.memory_space<vmem>>, vector<16xf32>,
        %get3A_676 = arith.index_cast %add3A_657 : i32 to index
        %get3A_677 = arith.constant 96 : index
        %get3A_678 = tpu.vector_load %arg10[%get3A_676, %get3A_677] {strides = array<i32>} : memref<240x128xf32, #tpu.memory_space<vmem>>, vector<16xf32>,
        %get3A_679 = arith.index_cast %add3A_657 : i32 to index
        %get3A_680 = arith.constant 112 : index
        %get3A_681 = tpu.vector_load %arg10[%get3A_679, %get3A_680] {strides = array<i32>} : memref<240x128xf32, #tpu.memory_space<vmem>>, vector<16xf32>,
        %mul3A_682 = arith.mulf %get3A_615, %get3A_154 : vector<16xf32>
        %mul3A_683 = arith.mulf %get3A_618, %get3A_157 : vector<16xf32>
        %mul3A_684 = arith.mulf %get3A_621, %get3A_160 : vector<16xf32>
        %mul3A_685 = arith.mulf %get3A_624, %get3A_163 : vector<16xf32>
        %mul3A_686 = arith.mulf %get3A_627, %get3A_166 : vector<16xf32>
        %mul3A_687 = arith.mulf %get3A_630, %get3A_169 : vector<16xf32>
        %mul3A_688 = arith.mulf %get3A_633, %get3A_172 : vector<16xf32>
        %mul3A_689 = arith.mulf %get3A_636, %get3A_175 : vector<16xf32>
        %add3A_690 = arith.addf %mul3A_682, %mul3A_683 : vector<16xf32>
        %add3A_691 = arith.addf %mul3A_684, %mul3A_685 : vector<16xf32>
        %add3A_692 = arith.addf %add3A_690, %add3A_691 : vector<16xf32>
        %add3A_693 = arith.addf %mul3A_686, %mul3A_687 : vector<16xf32>
        %add3A_694 = arith.addf %mul3A_688, %mul3A_689 : vector<16xf32>
        %add3A_695 = arith.addf %add3A_693, %add3A_694 : vector<16xf32>
        %add3A_696 = arith.addf %add3A_692, %add3A_695 : vector<16xf32>
        %swap3A_697 = arith.constant 160 : index
        %swap3A_698 = tpu.vector_load %arg15[%swap3A_697] {strides = array<i32>} : memref<512xf32, #tpu.memory_space<vmem>>, vector<16xf32>,
        tpu.vector_store %arg15[%swap3A_697], %add3A_696 {strides = array<i32>} : memref<512xf32, #tpu.memory_space<vmem>>, vector<16xf32>,
        %mul3A_699 = arith.constant 30 : i32
        %mul3A_700 = arith.muli %scan3A_152, %mul3A_699 : i32
        %add3A_701 = arith.constant 12 : i32
        %add3A_702 = arith.addi %mul3A_700, %add3A_701 : i32
        %get3A_703 = arith.index_cast %add3A_702 : i32 to index
        %get3A_704 = arith.constant 0 : index
        %get3A_705 = tpu.vector_load %arg10[%get3A_703, %get3A_704] {strides = array<i32>} : memref<240x128xf32, #tpu.memory_space<vmem>>, vector<16xf32>,
        %get3A_706 = arith.index_cast %add3A_702 : i32 to index
        %get3A_707 = arith.constant 16 : index
        %get3A_708 = tpu.vector_load %arg10[%get3A_706, %get3A_707] {strides = array<i32>} : memref<240x128xf32, #tpu.memory_space<vmem>>, vector<16xf32>,
        %get3A_709 = arith.index_cast %add3A_702 : i32 to index
        %get3A_710 = arith.constant 32 : index
        %get3A_711 = tpu.vector_load %arg10[%get3A_709, %get3A_710] {strides = array<i32>} : memref<240x128xf32, #tpu.memory_space<vmem>>, vector<16xf32>,
        %get3A_712 = arith.index_cast %add3A_702 : i32 to index
        %get3A_713 = arith.constant 48 : index
        %get3A_714 = tpu.vector_load %arg10[%get3A_712, %get3A_713] {strides = array<i32>} : memref<240x128xf32, #tpu.memory_space<vmem>>, vector<16xf32>,
        %get3A_715 = arith.index_cast %add3A_702 : i32 to index
        %get3A_716 = arith.constant 64 : index
        %get3A_717 = tpu.vector_load %arg10[%get3A_715, %get3A_716] {strides = array<i32>} : memref<240x128xf32, #tpu.memory_space<vmem>>, vector<16xf32>,
        %get3A_718 = arith.index_cast %add3A_702 : i32 to index
        %get3A_719 = arith.constant 80 : index
        %get3A_720 = tpu.vector_load %arg10[%get3A_718, %get3A_719] {strides = array<i32>} : memref<240x128xf32, #tpu.memory_space<vmem>>, vector<16xf32>,
        %get3A_721 = arith.index_cast %add3A_702 : i32 to index
        %get3A_722 = arith.constant 96 : index
        %get3A_723 = tpu.vector_load %arg10[%get3A_721, %get3A_722] {strides = array<i32>} : memref<240x128xf32, #tpu.memory_space<vmem>>, vector<16xf32>,
        %get3A_724 = arith.index_cast %add3A_702 : i32 to index
        %get3A_725 = arith.constant 112 : index
        %get3A_726 = tpu.vector_load %arg10[%get3A_724, %get3A_725] {strides = array<i32>} : memref<240x128xf32, #tpu.memory_space<vmem>>, vector<16xf32>,
        %mul3A_727 = arith.mulf %get3A_660, %get3A_154 : vector<16xf32>
        %mul3A_728 = arith.mulf %get3A_663, %get3A_157 : vector<16xf32>
        %mul3A_729 = arith.mulf %get3A_666, %get3A_160 : vector<16xf32>
        %mul3A_730 = arith.mulf %get3A_669, %get3A_163 : vector<16xf32>
        %mul3A_731 = arith.mulf %get3A_672, %get3A_166 : vector<16xf32>
        %mul3A_732 = arith.mulf %get3A_675, %get3A_169 : vector<16xf32>
        %mul3A_733 = arith.mulf %get3A_678, %get3A_172 : vector<16xf32>
        %mul3A_734 = arith.mulf %get3A_681, %get3A_175 : vector<16xf32>
        %add3A_735 = arith.addf %mul3A_727, %mul3A_728 : vector<16xf32>
        %add3A_736 = arith.addf %mul3A_729, %mul3A_730 : vector<16xf32>
        %add3A_737 = arith.addf %add3A_735, %add3A_736 : vector<16xf32>
        %add3A_738 = arith.addf %mul3A_731, %mul3A_732 : vector<16xf32>
        %add3A_739 = arith.addf %mul3A_733, %mul3A_734 : vector<16xf32>
        %add3A_740 = arith.addf %add3A_738, %add3A_739 : vector<16xf32>
        %add3A_741 = arith.addf %add3A_737, %add3A_740 : vector<16xf32>
        %swap3A_742 = arith.constant 176 : index
        %swap3A_743 = tpu.vector_load %arg15[%swap3A_742] {strides = array<i32>} : memref<512xf32, #tpu.memory_space<vmem>>, vector<16xf32>,
        tpu.vector_store %arg15[%swap3A_742], %add3A_741 {strides = array<i32>} : memref<512xf32, #tpu.memory_space<vmem>>, vector<16xf32>,
        %mul3A_744 = arith.constant 30 : i32
        %mul3A_745 = arith.muli %scan3A_152, %mul3A_744 : i32
        %add3A_746 = arith.constant 13 : i32
        %add3A_747 = arith.addi %mul3A_745, %add3A_746 : i32
        %get3A_748 = arith.index_cast %add3A_747 : i32 to index
        %get3A_749 = arith.constant 0 : index
        %get3A_750 = tpu.vector_load %arg10[%get3A_748, %get3A_749] {strides = array<i32>} : memref<240x128xf32, #tpu.memory_space<vmem>>, vector<16xf32>,
        %get3A_751 = arith.index_cast %add3A_747 : i32 to index
        %get3A_752 = arith.constant 16 : index
        %get3A_753 = tpu.vector_load %arg10[%get3A_751, %get3A_752] {strides = array<i32>} : memref<240x128xf32, #tpu.memory_space<vmem>>, vector<16xf32>,
        %get3A_754 = arith.index_cast %add3A_747 : i32 to index
        %get3A_755 = arith.constant 32 : index
        %get3A_756 = tpu.vector_load %arg10[%get3A_754, %get3A_755] {strides = array<i32>} : memref<240x128xf32, #tpu.memory_space<vmem>>, vector<16xf32>,
        %get3A_757 = arith.index_cast %add3A_747 : i32 to index
        %get3A_758 = arith.constant 48 : index
        %get3A_759 = tpu.vector_load %arg10[%get3A_757, %get3A_758] {strides = array<i32>} : memref<240x128xf32, #tpu.memory_space<vmem>>, vector<16xf32>,
        %get3A_760 = arith.index_cast %add3A_747 : i32 to index
        %get3A_761 = arith.constant 64 : index
        %get3A_762 = tpu.vector_load %arg10[%get3A_760, %get3A_761] {strides = array<i32>} : memref<240x128xf32, #tpu.memory_space<vmem>>, vector<16xf32>,
        %get3A_763 = arith.index_cast %add3A_747 : i32 to index
        %get3A_764 = arith.constant 80 : index
        %get3A_765 = tpu.vector_load %arg10[%get3A_763, %get3A_764] {strides = array<i32>} : memref<240x128xf32, #tpu.memory_space<vmem>>, vector<16xf32>,
        %get3A_766 = arith.index_cast %add3A_747 : i32 to index
        %get3A_767 = arith.constant 96 : index
        %get3A_768 = tpu.vector_load %arg10[%get3A_766, %get3A_767] {strides = array<i32>} : memref<240x128xf32, #tpu.memory_space<vmem>>, vector<16xf32>,
        %get3A_769 = arith.index_cast %add3A_747 : i32 to index
        %get3A_770 = arith.constant 112 : index
        %get3A_771 = tpu.vector_load %arg10[%get3A_769, %get3A_770] {strides = array<i32>} : memref<240x128xf32, #tpu.memory_space<vmem>>, vector<16xf32>,
        %mul3A_772 = arith.mulf %get3A_705, %get3A_154 : vector<16xf32>
        %mul3A_773 = arith.mulf %get3A_708, %get3A_157 : vector<16xf32>
        %mul3A_774 = arith.mulf %get3A_711, %get3A_160 : vector<16xf32>
        %mul3A_775 = arith.mulf %get3A_714, %get3A_163 : vector<16xf32>
        %mul3A_776 = arith.mulf %get3A_717, %get3A_166 : vector<16xf32>
        %mul3A_777 = arith.mulf %get3A_720, %get3A_169 : vector<16xf32>
        %mul3A_778 = arith.mulf %get3A_723, %get3A_172 : vector<16xf32>
        %mul3A_779 = arith.mulf %get3A_726, %get3A_175 : vector<16xf32>
        %add3A_780 = arith.addf %mul3A_772, %mul3A_773 : vector<16xf32>
        %add3A_781 = arith.addf %mul3A_774, %mul3A_775 : vector<16xf32>
        %add3A_782 = arith.addf %add3A_780, %add3A_781 : vector<16xf32>
        %add3A_783 = arith.addf %mul3A_776, %mul3A_777 : vector<16xf32>
        %add3A_784 = arith.addf %mul3A_778, %mul3A_779 : vector<16xf32>
        %add3A_785 = arith.addf %add3A_783, %add3A_784 : vector<16xf32>
        %add3A_786 = arith.addf %add3A_782, %add3A_785 : vector<16xf32>
        %swap3A_787 = arith.constant 192 : index
        %swap3A_788 = tpu.vector_load %arg15[%swap3A_787] {strides = array<i32>} : memref<512xf32, #tpu.memory_space<vmem>>, vector<16xf32>,
        tpu.vector_store %arg15[%swap3A_787], %add3A_786 {strides = array<i32>} : memref<512xf32, #tpu.memory_space<vmem>>, vector<16xf32>,
        %mul3A_789 = arith.constant 30 : i32
        %mul3A_790 = arith.muli %scan3A_152, %mul3A_789 : i32
        %add3A_791 = arith.constant 14 : i32
        %add3A_792 = arith.addi %mul3A_790, %add3A_791 : i32
        %get3A_793 = arith.index_cast %add3A_792 : i32 to index
        %get3A_794 = arith.constant 0 : index
        %get3A_795 = tpu.vector_load %arg10[%get3A_793, %get3A_794] {strides = array<i32>} : memref<240x128xf32, #tpu.memory_space<vmem>>, vector<16xf32>,
        %get3A_796 = arith.index_cast %add3A_792 : i32 to index
        %get3A_797 = arith.constant 16 : index
        %get3A_798 = tpu.vector_load %arg10[%get3A_796, %get3A_797] {strides = array<i32>} : memref<240x128xf32, #tpu.memory_space<vmem>>, vector<16xf32>,
        %get3A_799 = arith.index_cast %add3A_792 : i32 to index
        %get3A_800 = arith.constant 32 : index
        %get3A_801 = tpu.vector_load %arg10[%get3A_799, %get3A_800] {strides = array<i32>} : memref<240x128xf32, #tpu.memory_space<vmem>>, vector<16xf32>,
        %get3A_802 = arith.index_cast %add3A_792 : i32 to index
        %get3A_803 = arith.constant 48 : index
        %get3A_804 = tpu.vector_load %arg10[%get3A_802, %get3A_803] {strides = array<i32>} : memref<240x128xf32, #tpu.memory_space<vmem>>, vector<16xf32>,
        %get3A_805 = arith.index_cast %add3A_792 : i32 to index
        %get3A_806 = arith.constant 64 : index
        %get3A_807 = tpu.vector_load %arg10[%get3A_805, %get3A_806] {strides = array<i32>} : memref<240x128xf32, #tpu.memory_space<vmem>>, vector<16xf32>,
        %get3A_808 = arith.index_cast %add3A_792 : i32 to index
        %get3A_809 = arith.constant 80 : index
        %get3A_810 = tpu.vector_load %arg10[%get3A_808, %get3A_809] {strides = array<i32>} : memref<240x128xf32, #tpu.memory_space<vmem>>, vector<16xf32>,
        %get3A_811 = arith.index_cast %add3A_792 : i32 to index
        %get3A_812 = arith.constant 96 : index
        %get3A_813 = tpu.vector_load %arg10[%get3A_811, %get3A_812] {strides = array<i32>} : memref<240x128xf32, #tpu.memory_space<vmem>>, vector<16xf32>,
        %get3A_814 = arith.index_cast %add3A_792 : i32 to index
        %get3A_815 = arith.constant 112 : index
        %get3A_816 = tpu.vector_load %arg10[%get3A_814, %get3A_815] {strides = array<i32>} : memref<240x128xf32, #tpu.memory_space<vmem>>, vector<16xf32>,
        %mul3A_817 = arith.mulf %get3A_750, %get3A_154 : vector<16xf32>
        %mul3A_818 = arith.mulf %get3A_753, %get3A_157 : vector<16xf32>
        %mul3A_819 = arith.mulf %get3A_756, %get3A_160 : vector<16xf32>
        %mul3A_820 = arith.mulf %get3A_759, %get3A_163 : vector<16xf32>
        %mul3A_821 = arith.mulf %get3A_762, %get3A_166 : vector<16xf32>
        %mul3A_822 = arith.mulf %get3A_765, %get3A_169 : vector<16xf32>
        %mul3A_823 = arith.mulf %get3A_768, %get3A_172 : vector<16xf32>
        %mul3A_824 = arith.mulf %get3A_771, %get3A_175 : vector<16xf32>
        %add3A_825 = arith.addf %mul3A_817, %mul3A_818 : vector<16xf32>
        %add3A_826 = arith.addf %mul3A_819, %mul3A_820 : vector<16xf32>
        %add3A_827 = arith.addf %add3A_825, %add3A_826 : vector<16xf32>
        %add3A_828 = arith.addf %mul3A_821, %mul3A_822 : vector<16xf32>
        %add3A_829 = arith.addf %mul3A_823, %mul3A_824 : vector<16xf32>
        %add3A_830 = arith.addf %add3A_828, %add3A_829 : vector<16xf32>
        %add3A_831 = arith.addf %add3A_827, %add3A_830 : vector<16xf32>
        %swap3A_832 = arith.constant 208 : index
        %swap3A_833 = tpu.vector_load %arg15[%swap3A_832] {strides = array<i32>} : memref<512xf32, #tpu.memory_space<vmem>>, vector<16xf32>,
        tpu.vector_store %arg15[%swap3A_832], %add3A_831 {strides = array<i32>} : memref<512xf32, #tpu.memory_space<vmem>>, vector<16xf32>,
        %mul3A_834 = arith.constant 30 : i32
        %mul3A_835 = arith.muli %scan3A_152, %mul3A_834 : i32
        %add3A_836 = arith.constant 15 : i32
        %add3A_837 = arith.addi %mul3A_835, %add3A_836 : i32
        %get3A_838 = arith.index_cast %add3A_837 : i32 to index
        %get3A_839 = arith.constant 0 : index
        %get3A_840 = tpu.vector_load %arg10[%get3A_838, %get3A_839] {strides = array<i32>} : memref<240x128xf32, #tpu.memory_space<vmem>>, vector<16xf32>,
        %get3A_841 = arith.index_cast %add3A_837 : i32 to index
        %get3A_842 = arith.constant 16 : index
        %get3A_843 = tpu.vector_load %arg10[%get3A_841, %get3A_842] {strides = array<i32>} : memref<240x128xf32, #tpu.memory_space<vmem>>, vector<16xf32>,
        %get3A_844 = arith.index_cast %add3A_837 : i32 to index
        %get3A_845 = arith.constant 32 : index
        %get3A_846 = tpu.vector_load %arg10[%get3A_844, %get3A_845] {strides = array<i32>} : memref<240x128xf32, #tpu.memory_space<vmem>>, vector<16xf32>,
        %get3A_847 = arith.index_cast %add3A_837 : i32 to index
        %get3A_848 = arith.constant 48 : index
        %get3A_849 = tpu.vector_load %arg10[%get3A_847, %get3A_848] {strides = array<i32>} : memref<240x128xf32, #tpu.memory_space<vmem>>, vector<16xf32>,
        %get3A_850 = arith.index_cast %add3A_837 : i32 to index
        %get3A_851 = arith.constant 64 : index
        %get3A_852 = tpu.vector_load %arg10[%get3A_850, %get3A_851] {strides = array<i32>} : memref<240x128xf32, #tpu.memory_space<vmem>>, vector<16xf32>,
        %get3A_853 = arith.index_cast %add3A_837 : i32 to index
        %get3A_854 = arith.constant 80 : index
        %get3A_855 = tpu.vector_load %arg10[%get3A_853, %get3A_854] {strides = array<i32>} : memref<240x128xf32, #tpu.memory_space<vmem>>, vector<16xf32>,
        %get3A_856 = arith.index_cast %add3A_837 : i32 to index
        %get3A_857 = arith.constant 96 : index
        %get3A_858 = tpu.vector_load %arg10[%get3A_856, %get3A_857] {strides = array<i32>} : memref<240x128xf32, #tpu.memory_space<vmem>>, vector<16xf32>,
        %get3A_859 = arith.index_cast %add3A_837 : i32 to index
        %get3A_860 = arith.constant 112 : index
        %get3A_861 = tpu.vector_load %arg10[%get3A_859, %get3A_860] {strides = array<i32>} : memref<240x128xf32, #tpu.memory_space<vmem>>, vector<16xf32>,
        %mul3A_862 = arith.mulf %get3A_795, %get3A_154 : vector<16xf32>
        %mul3A_863 = arith.mulf %get3A_798, %get3A_157 : vector<16xf32>
        %mul3A_864 = arith.mulf %get3A_801, %get3A_160 : vector<16xf32>
        %mul3A_865 = arith.mulf %get3A_804, %get3A_163 : vector<16xf32>
        %mul3A_866 = arith.mulf %get3A_807, %get3A_166 : vector<16xf32>
        %mul3A_867 = arith.mulf %get3A_810, %get3A_169 : vector<16xf32>
        %mul3A_868 = arith.mulf %get3A_813, %get3A_172 : vector<16xf32>
        %mul3A_869 = arith.mulf %get3A_816, %get3A_175 : vector<16xf32>
        %add3A_870 = arith.addf %mul3A_862, %mul3A_863 : vector<16xf32>
        %add3A_871 = arith.addf %mul3A_864, %mul3A_865 : vector<16xf32>
        %add3A_872 = arith.addf %add3A_870, %add3A_871 : vector<16xf32>
        %add3A_873 = arith.addf %mul3A_866, %mul3A_867 : vector<16xf32>
        %add3A_874 = arith.addf %mul3A_868, %mul3A_869 : vector<16xf32>
        %add3A_875 = arith.addf %add3A_873, %add3A_874 : vector<16xf32>
        %add3A_876 = arith.addf %add3A_872, %add3A_875 : vector<16xf32>
        %swap3A_877 = arith.constant 224 : index
        %swap3A_878 = tpu.vector_load %arg15[%swap3A_877] {strides = array<i32>} : memref<512xf32, #tpu.memory_space<vmem>>, vector<16xf32>,
        tpu.vector_store %arg15[%swap3A_877], %add3A_876 {strides = array<i32>} : memref<512xf32, #tpu.memory_space<vmem>>, vector<16xf32>,
        %mul3A_879 = arith.constant 30 : i32
        %mul3A_880 = arith.muli %scan3A_152, %mul3A_879 : i32
        %add3A_881 = arith.constant 16 : i32
        %add3A_882 = arith.addi %mul3A_880, %add3A_881 : i32
        %get3A_883 = arith.index_cast %add3A_882 : i32 to index
        %get3A_884 = arith.constant 0 : index
        %get3A_885 = tpu.vector_load %arg10[%get3A_883, %get3A_884] {strides = array<i32>} : memref<240x128xf32, #tpu.memory_space<vmem>>, vector<16xf32>,
        %get3A_886 = arith.index_cast %add3A_882 : i32 to index
        %get3A_887 = arith.constant 16 : index
        %get3A_888 = tpu.vector_load %arg10[%get3A_886, %get3A_887] {strides = array<i32>} : memref<240x128xf32, #tpu.memory_space<vmem>>, vector<16xf32>,
        %get3A_889 = arith.index_cast %add3A_882 : i32 to index
        %get3A_890 = arith.constant 32 : index
        %get3A_891 = tpu.vector_load %arg10[%get3A_889, %get3A_890] {strides = array<i32>} : memref<240x128xf32, #tpu.memory_space<vmem>>, vector<16xf32>,
        %get3A_892 = arith.index_cast %add3A_882 : i32 to index
        %get3A_893 = arith.constant 48 : index
        %get3A_894 = tpu.vector_load %arg10[%get3A_892, %get3A_893] {strides = array<i32>} : memref<240x128xf32, #tpu.memory_space<vmem>>, vector<16xf32>,
        %get3A_895 = arith.index_cast %add3A_882 : i32 to index
        %get3A_896 = arith.constant 64 : index
        %get3A_897 = tpu.vector_load %arg10[%get3A_895, %get3A_896] {strides = array<i32>} : memref<240x128xf32, #tpu.memory_space<vmem>>, vector<16xf32>,
        %get3A_898 = arith.index_cast %add3A_882 : i32 to index
        %get3A_899 = arith.constant 80 : index
        %get3A_900 = tpu.vector_load %arg10[%get3A_898, %get3A_899] {strides = array<i32>} : memref<240x128xf32, #tpu.memory_space<vmem>>, vector<16xf32>,
        %get3A_901 = arith.index_cast %add3A_882 : i32 to index
        %get3A_902 = arith.constant 96 : index
        %get3A_903 = tpu.vector_load %arg10[%get3A_901, %get3A_902] {strides = array<i32>} : memref<240x128xf32, #tpu.memory_space<vmem>>, vector<16xf32>,
        %get3A_904 = arith.index_cast %add3A_882 : i32 to index
        %get3A_905 = arith.constant 112 : index
        %get3A_906 = tpu.vector_load %arg10[%get3A_904, %get3A_905] {strides = array<i32>} : memref<240x128xf32, #tpu.memory_space<vmem>>, vector<16xf32>,
        %mul3A_907 = arith.mulf %get3A_840, %get3A_154 : vector<16xf32>
        %mul3A_908 = arith.mulf %get3A_843, %get3A_157 : vector<16xf32>
        %mul3A_909 = arith.mulf %get3A_846, %get3A_160 : vector<16xf32>
        %mul3A_910 = arith.mulf %get3A_849, %get3A_163 : vector<16xf32>
        %mul3A_911 = arith.mulf %get3A_852, %get3A_166 : vector<16xf32>
        %mul3A_912 = arith.mulf %get3A_855, %get3A_169 : vector<16xf32>
        %mul3A_913 = arith.mulf %get3A_858, %get3A_172 : vector<16xf32>
        %mul3A_914 = arith.mulf %get3A_861, %get3A_175 : vector<16xf32>
        %add3A_915 = arith.addf %mul3A_907, %mul3A_908 : vector<16xf32>
        %add3A_916 = arith.addf %mul3A_909, %mul3A_910 : vector<16xf32>
        %add3A_917 = arith.addf %add3A_915, %add3A_916 : vector<16xf32>
        %add3A_918 = arith.addf %mul3A_911, %mul3A_912 : vector<16xf32>
        %add3A_919 = arith.addf %mul3A_913, %mul3A_914 : vector<16xf32>
        %add3A_920 = arith.addf %add3A_918, %add3A_919 : vector<16xf32>
        %add3A_921 = arith.addf %add3A_917, %add3A_920 : vector<16xf32>
        %swap3A_922 = arith.constant 240 : index
        %swap3A_923 = tpu.vector_load %arg15[%swap3A_922] {strides = array<i32>} : memref<512xf32, #tpu.memory_space<vmem>>, vector<16xf32>,
        tpu.vector_store %arg15[%swap3A_922], %add3A_921 {strides = array<i32>} : memref<512xf32, #tpu.memory_space<vmem>>, vector<16xf32>,
        %mul3A_924 = arith.constant 30 : i32
        %mul3A_925 = arith.muli %scan3A_152, %mul3A_924 : i32
        %add3A_926 = arith.constant 17 : i32
        %add3A_927 = arith.addi %mul3A_925, %add3A_926 : i32
        %get3A_928 = arith.index_cast %add3A_927 : i32 to index
        %get3A_929 = arith.constant 0 : index
        %get3A_930 = tpu.vector_load %arg10[%get3A_928, %get3A_929] {strides = array<i32>} : memref<240x128xf32, #tpu.memory_space<vmem>>, vector<16xf32>,
        %get3A_931 = arith.index_cast %add3A_927 : i32 to index
        %get3A_932 = arith.constant 16 : index
        %get3A_933 = tpu.vector_load %arg10[%get3A_931, %get3A_932] {strides = array<i32>} : memref<240x128xf32, #tpu.memory_space<vmem>>, vector<16xf32>,
        %get3A_934 = arith.index_cast %add3A_927 : i32 to index
        %get3A_935 = arith.constant 32 : index
        %get3A_936 = tpu.vector_load %arg10[%get3A_934, %get3A_935] {strides = array<i32>} : memref<240x128xf32, #tpu.memory_space<vmem>>, vector<16xf32>,
        %get3A_937 = arith.index_cast %add3A_927 : i32 to index
        %get3A_938 = arith.constant 48 : index
        %get3A_939 = tpu.vector_load %arg10[%get3A_937, %get3A_938] {strides = array<i32>} : memref<240x128xf32, #tpu.memory_space<vmem>>, vector<16xf32>,
        %get3A_940 = arith.index_cast %add3A_927 : i32 to index
        %get3A_941 = arith.constant 64 : index
        %get3A_942 = tpu.vector_load %arg10[%get3A_940, %get3A_941] {strides = array<i32>} : memref<240x128xf32, #tpu.memory_space<vmem>>, vector<16xf32>,
        %get3A_943 = arith.index_cast %add3A_927 : i32 to index
        %get3A_944 = arith.constant 80 : index
        %get3A_945 = tpu.vector_load %arg10[%get3A_943, %get3A_944] {strides = array<i32>} : memref<240x128xf32, #tpu.memory_space<vmem>>, vector<16xf32>,
        %get3A_946 = arith.index_cast %add3A_927 : i32 to index
        %get3A_947 = arith.constant 96 : index
        %get3A_948 = tpu.vector_load %arg10[%get3A_946, %get3A_947] {strides = array<i32>} : memref<240x128xf32, #tpu.memory_space<vmem>>, vector<16xf32>,
        %get3A_949 = arith.index_cast %add3A_927 : i32 to index
        %get3A_950 = arith.constant 112 : index
        %get3A_951 = tpu.vector_load %arg10[%get3A_949, %get3A_950] {strides = array<i32>} : memref<240x128xf32, #tpu.memory_space<vmem>>, vector<16xf32>,
        %mul3A_952 = arith.mulf %get3A_885, %get3A_154 : vector<16xf32>
        %mul3A_953 = arith.mulf %get3A_888, %get3A_157 : vector<16xf32>
        %mul3A_954 = arith.mulf %get3A_891, %get3A_160 : vector<16xf32>
        %mul3A_955 = arith.mulf %get3A_894, %get3A_163 : vector<16xf32>
        %mul3A_956 = arith.mulf %get3A_897, %get3A_166 : vector<16xf32>
        %mul3A_957 = arith.mulf %get3A_900, %get3A_169 : vector<16xf32>
        %mul3A_958 = arith.mulf %get3A_903, %get3A_172 : vector<16xf32>
        %mul3A_959 = arith.mulf %get3A_906, %get3A_175 : vector<16xf32>
        %add3A_960 = arith.addf %mul3A_952, %mul3A_953 : vector<16xf32>
        %add3A_961 = arith.addf %mul3A_954, %mul3A_955 : vector<16xf32>
        %add3A_962 = arith.addf %add3A_960, %add3A_961 : vector<16xf32>
        %add3A_963 = arith.addf %mul3A_956, %mul3A_957 : vector<16xf32>
        %add3A_964 = arith.addf %mul3A_958, %mul3A_959 : vector<16xf32>
        %add3A_965 = arith.addf %add3A_963, %add3A_964 : vector<16xf32>
        %add3A_966 = arith.addf %add3A_962, %add3A_965 : vector<16xf32>
        %swap3A_967 = arith.constant 256 : index
        %swap3A_968 = tpu.vector_load %arg15[%swap3A_967] {strides = array<i32>} : memref<512xf32, #tpu.memory_space<vmem>>, vector<16xf32>,
        tpu.vector_store %arg15[%swap3A_967], %add3A_966 {strides = array<i32>} : memref<512xf32, #tpu.memory_space<vmem>>, vector<16xf32>,
        %mul3A_969 = arith.constant 30 : i32
        %mul3A_970 = arith.muli %scan3A_152, %mul3A_969 : i32
        %add3A_971 = arith.constant 18 : i32
        %add3A_972 = arith.addi %mul3A_970, %add3A_971 : i32
        %get3A_973 = arith.index_cast %add3A_972 : i32 to index
        %get3A_974 = arith.constant 0 : index
        %get3A_975 = tpu.vector_load %arg10[%get3A_973, %get3A_974] {strides = array<i32>} : memref<240x128xf32, #tpu.memory_space<vmem>>, vector<16xf32>,
        %get3A_976 = arith.index_cast %add3A_972 : i32 to index
        %get3A_977 = arith.constant 16 : index
        %get3A_978 = tpu.vector_load %arg10[%get3A_976, %get3A_977] {strides = array<i32>} : memref<240x128xf32, #tpu.memory_space<vmem>>, vector<16xf32>,
        %get3A_979 = arith.index_cast %add3A_972 : i32 to index
        %get3A_980 = arith.constant 32 : index
        %get3A_981 = tpu.vector_load %arg10[%get3A_979, %get3A_980] {strides = array<i32>} : memref<240x128xf32, #tpu.memory_space<vmem>>, vector<16xf32>,
        %get3A_982 = arith.index_cast %add3A_972 : i32 to index
        %get3A_983 = arith.constant 48 : index
        %get3A_984 = tpu.vector_load %arg10[%get3A_982, %get3A_983] {strides = array<i32>} : memref<240x128xf32, #tpu.memory_space<vmem>>, vector<16xf32>,
        %get3A_985 = arith.index_cast %add3A_972 : i32 to index
        %get3A_986 = arith.constant 64 : index
        %get3A_987 = tpu.vector_load %arg10[%get3A_985, %get3A_986] {strides = array<i32>} : memref<240x128xf32, #tpu.memory_space<vmem>>, vector<16xf32>,
        %get3A_988 = arith.index_cast %add3A_972 : i32 to index
        %get3A_989 = arith.constant 80 : index
        %get3A_990 = tpu.vector_load %arg10[%get3A_988, %get3A_989] {strides = array<i32>} : memref<240x128xf32, #tpu.memory_space<vmem>>, vector<16xf32>,
        %get3A_991 = arith.index_cast %add3A_972 : i32 to index
        %get3A_992 = arith.constant 96 : index
        %get3A_993 = tpu.vector_load %arg10[%get3A_991, %get3A_992] {strides = array<i32>} : memref<240x128xf32, #tpu.memory_space<vmem>>, vector<16xf32>,
        %get3A_994 = arith.index_cast %add3A_972 : i32 to index
        %get3A_995 = arith.constant 112 : index
        %get3A_996 = tpu.vector_load %arg10[%get3A_994, %get3A_995] {strides = array<i32>} : memref<240x128xf32, #tpu.memory_space<vmem>>, vector<16xf32>,
        %mul3A_997 = arith.mulf %get3A_930, %get3A_154 : vector<16xf32>
        %mul3A_998 = arith.mulf %get3A_933, %get3A_157 : vector<16xf32>
        %mul3A_999 = arith.mulf %get3A_936, %get3A_160 : vector<16xf32>
        %mul3A_1000 = arith.mulf %get3A_939, %get3A_163 : vector<16xf32>
        %mul3A_1001 = arith.mulf %get3A_942, %get3A_166 : vector<16xf32>
        %mul3A_1002 = arith.mulf %get3A_945, %get3A_169 : vector<16xf32>
        %mul3A_1003 = arith.mulf %get3A_948, %get3A_172 : vector<16xf32>
        %mul3A_1004 = arith.mulf %get3A_951, %get3A_175 : vector<16xf32>
        %add3A_1005 = arith.addf %mul3A_997, %mul3A_998 : vector<16xf32>
        %add3A_1006 = arith.addf %mul3A_999, %mul3A_1000 : vector<16xf32>
        %add3A_1007 = arith.addf %add3A_1005, %add3A_1006 : vector<16xf32>
        %add3A_1008 = arith.addf %mul3A_1001, %mul3A_1002 : vector<16xf32>
        %add3A_1009 = arith.addf %mul3A_1003, %mul3A_1004 : vector<16xf32>
        %add3A_1010 = arith.addf %add3A_1008, %add3A_1009 : vector<16xf32>
        %add3A_1011 = arith.addf %add3A_1007, %add3A_1010 : vector<16xf32>
        %swap3A_1012 = arith.constant 272 : index
        %swap3A_1013 = tpu.vector_load %arg15[%swap3A_1012] {strides = array<i32>} : memref<512xf32, #tpu.memory_space<vmem>>, vector<16xf32>,
        tpu.vector_store %arg15[%swap3A_1012], %add3A_1011 {strides = array<i32>} : memref<512xf32, #tpu.memory_space<vmem>>, vector<16xf32>,
        %mul3A_1014 = arith.constant 30 : i32
        %mul3A_1015 = arith.muli %scan3A_152, %mul3A_1014 : i32
        %add3A_1016 = arith.constant 19 : i32
        %add3A_1017 = arith.addi %mul3A_1015, %add3A_1016 : i32
        %get3A_1018 = arith.index_cast %add3A_1017 : i32 to index
        %get3A_1019 = arith.constant 0 : index
        %get3A_1020 = tpu.vector_load %arg10[%get3A_1018, %get3A_1019] {strides = array<i32>} : memref<240x128xf32, #tpu.memory_space<vmem>>, vector<16xf32>,
        %get3A_1021 = arith.index_cast %add3A_1017 : i32 to index
        %get3A_1022 = arith.constant 16 : index
        %get3A_1023 = tpu.vector_load %arg10[%get3A_1021, %get3A_1022] {strides = array<i32>} : memref<240x128xf32, #tpu.memory_space<vmem>>, vector<16xf32>,
        %get3A_1024 = arith.index_cast %add3A_1017 : i32 to index
        %get3A_1025 = arith.constant 32 : index
        %get3A_1026 = tpu.vector_load %arg10[%get3A_1024, %get3A_1025] {strides = array<i32>} : memref<240x128xf32, #tpu.memory_space<vmem>>, vector<16xf32>,
        %get3A_1027 = arith.index_cast %add3A_1017 : i32 to index
        %get3A_1028 = arith.constant 48 : index
        %get3A_1029 = tpu.vector_load %arg10[%get3A_1027, %get3A_1028] {strides = array<i32>} : memref<240x128xf32, #tpu.memory_space<vmem>>, vector<16xf32>,
        %get3A_1030 = arith.index_cast %add3A_1017 : i32 to index
        %get3A_1031 = arith.constant 64 : index
        %get3A_1032 = tpu.vector_load %arg10[%get3A_1030, %get3A_1031] {strides = array<i32>} : memref<240x128xf32, #tpu.memory_space<vmem>>, vector<16xf32>,
        %get3A_1033 = arith.index_cast %add3A_1017 : i32 to index
        %get3A_1034 = arith.constant 80 : index
        %get3A_1035 = tpu.vector_load %arg10[%get3A_1033, %get3A_1034] {strides = array<i32>} : memref<240x128xf32, #tpu.memory_space<vmem>>, vector<16xf32>,
        %get3A_1036 = arith.index_cast %add3A_1017 : i32 to index
        %get3A_1037 = arith.constant 96 : index
        %get3A_1038 = tpu.vector_load %arg10[%get3A_1036, %get3A_1037] {strides = array<i32>} : memref<240x128xf32, #tpu.memory_space<vmem>>, vector<16xf32>,
        %get3A_1039 = arith.index_cast %add3A_1017 : i32 to index
        %get3A_1040 = arith.constant 112 : index
        %get3A_1041 = tpu.vector_load %arg10[%get3A_1039, %get3A_1040] {strides = array<i32>} : memref<240x128xf32, #tpu.memory_space<vmem>>, vector<16xf32>,
        %mul3A_1042 = arith.mulf %get3A_975, %get3A_154 : vector<16xf32>
        %mul3A_1043 = arith.mulf %get3A_978, %get3A_157 : vector<16xf32>
        %mul3A_1044 = arith.mulf %get3A_981, %get3A_160 : vector<16xf32>
        %mul3A_1045 = arith.mulf %get3A_984, %get3A_163 : vector<16xf32>
        %mul3A_1046 = arith.mulf %get3A_987, %get3A_166 : vector<16xf32>
        %mul3A_1047 = arith.mulf %get3A_990, %get3A_169 : vector<16xf32>
        %mul3A_1048 = arith.mulf %get3A_993, %get3A_172 : vector<16xf32>
        %mul3A_1049 = arith.mulf %get3A_996, %get3A_175 : vector<16xf32>
        %add3A_1050 = arith.addf %mul3A_1042, %mul3A_1043 : vector<16xf32>
        %add3A_1051 = arith.addf %mul3A_1044, %mul3A_1045 : vector<16xf32>
        %add3A_1052 = arith.addf %add3A_1050, %add3A_1051 : vector<16xf32>
        %add3A_1053 = arith.addf %mul3A_1046, %mul3A_1047 : vector<16xf32>
        %add3A_1054 = arith.addf %mul3A_1048, %mul3A_1049 : vector<16xf32>
        %add3A_1055 = arith.addf %add3A_1053, %add3A_1054 : vector<16xf32>
        %add3A_1056 = arith.addf %add3A_1052, %add3A_1055 : vector<16xf32>
        %swap3A_1057 = arith.constant 288 : index
        %swap3A_1058 = tpu.vector_load %arg15[%swap3A_1057] {strides = array<i32>} : memref<512xf32, #tpu.memory_space<vmem>>, vector<16xf32>,
        tpu.vector_store %arg15[%swap3A_1057], %add3A_1056 {strides = array<i32>} : memref<512xf32, #tpu.memory_space<vmem>>, vector<16xf32>,
        %mul3A_1059 = arith.constant 30 : i32
        %mul3A_1060 = arith.muli %scan3A_152, %mul3A_1059 : i32
        %add3A_1061 = arith.constant 20 : i32
        %add3A_1062 = arith.addi %mul3A_1060, %add3A_1061 : i32
        %get3A_1063 = arith.index_cast %add3A_1062 : i32 to index
        %get3A_1064 = arith.constant 0 : index
        %get3A_1065 = tpu.vector_load %arg10[%get3A_1063, %get3A_1064] {strides = array<i32>} : memref<240x128xf32, #tpu.memory_space<vmem>>, vector<16xf32>,
        %get3A_1066 = arith.index_cast %add3A_1062 : i32 to index
        %get3A_1067 = arith.constant 16 : index
        %get3A_1068 = tpu.vector_load %arg10[%get3A_1066, %get3A_1067] {strides = array<i32>} : memref<240x128xf32, #tpu.memory_space<vmem>>, vector<16xf32>,
        %get3A_1069 = arith.index_cast %add3A_1062 : i32 to index
        %get3A_1070 = arith.constant 32 : index
        %get3A_1071 = tpu.vector_load %arg10[%get3A_1069, %get3A_1070] {strides = array<i32>} : memref<240x128xf32, #tpu.memory_space<vmem>>, vector<16xf32>,
        %get3A_1072 = arith.index_cast %add3A_1062 : i32 to index
        %get3A_1073 = arith.constant 48 : index
        %get3A_1074 = tpu.vector_load %arg10[%get3A_1072, %get3A_1073] {strides = array<i32>} : memref<240x128xf32, #tpu.memory_space<vmem>>, vector<16xf32>,
        %get3A_1075 = arith.index_cast %add3A_1062 : i32 to index
        %get3A_1076 = arith.constant 64 : index
        %get3A_1077 = tpu.vector_load %arg10[%get3A_1075, %get3A_1076] {strides = array<i32>} : memref<240x128xf32, #tpu.memory_space<vmem>>, vector<16xf32>,
        %get3A_1078 = arith.index_cast %add3A_1062 : i32 to index
        %get3A_1079 = arith.constant 80 : index
        %get3A_1080 = tpu.vector_load %arg10[%get3A_1078, %get3A_1079] {strides = array<i32>} : memref<240x128xf32, #tpu.memory_space<vmem>>, vector<16xf32>,
        %get3A_1081 = arith.index_cast %add3A_1062 : i32 to index
        %get3A_1082 = arith.constant 96 : index
        %get3A_1083 = tpu.vector_load %arg10[%get3A_1081, %get3A_1082] {strides = array<i32>} : memref<240x128xf32, #tpu.memory_space<vmem>>, vector<16xf32>,
        %get3A_1084 = arith.index_cast %add3A_1062 : i32 to index
        %get3A_1085 = arith.constant 112 : index
        %get3A_1086 = tpu.vector_load %arg10[%get3A_1084, %get3A_1085] {strides = array<i32>} : memref<240x128xf32, #tpu.memory_space<vmem>>, vector<16xf32>,
        %mul3A_1087 = arith.mulf %get3A_1020, %get3A_154 : vector<16xf32>
        %mul3A_1088 = arith.mulf %get3A_1023, %get3A_157 : vector<16xf32>
        %mul3A_1089 = arith.mulf %get3A_1026, %get3A_160 : vector<16xf32>
        %mul3A_1090 = arith.mulf %get3A_1029, %get3A_163 : vector<16xf32>
        %mul3A_1091 = arith.mulf %get3A_1032, %get3A_166 : vector<16xf32>
        %mul3A_1092 = arith.mulf %get3A_1035, %get3A_169 : vector<16xf32>
        %mul3A_1093 = arith.mulf %get3A_1038, %get3A_172 : vector<16xf32>
        %mul3A_1094 = arith.mulf %get3A_1041, %get3A_175 : vector<16xf32>
        %add3A_1095 = arith.addf %mul3A_1087, %mul3A_1088 : vector<16xf32>
        %add3A_1096 = arith.addf %mul3A_1089, %mul3A_1090 : vector<16xf32>
        %add3A_1097 = arith.addf %add3A_1095, %add3A_1096 : vector<16xf32>
        %add3A_1098 = arith.addf %mul3A_1091, %mul3A_1092 : vector<16xf32>
        %add3A_1099 = arith.addf %mul3A_1093, %mul3A_1094 : vector<16xf32>
        %add3A_1100 = arith.addf %add3A_1098, %add3A_1099 : vector<16xf32>
        %add3A_1101 = arith.addf %add3A_1097, %add3A_1100 : vector<16xf32>
        %swap3A_1102 = arith.constant 304 : index
        %swap3A_1103 = tpu.vector_load %arg15[%swap3A_1102] {strides = array<i32>} : memref<512xf32, #tpu.memory_space<vmem>>, vector<16xf32>,
        tpu.vector_store %arg15[%swap3A_1102], %add3A_1101 {strides = array<i32>} : memref<512xf32, #tpu.memory_space<vmem>>, vector<16xf32>,
        %mul3A_1104 = arith.constant 30 : i32
        %mul3A_1105 = arith.muli %scan3A_152, %mul3A_1104 : i32
        %add3A_1106 = arith.constant 21 : i32
        %add3A_1107 = arith.addi %mul3A_1105, %add3A_1106 : i32
        %get3A_1108 = arith.index_cast %add3A_1107 : i32 to index
        %get3A_1109 = arith.constant 0 : index
        %get3A_1110 = tpu.vector_load %arg10[%get3A_1108, %get3A_1109] {strides = array<i32>} : memref<240x128xf32, #tpu.memory_space<vmem>>, vector<16xf32>,
        %get3A_1111 = arith.index_cast %add3A_1107 : i32 to index
        %get3A_1112 = arith.constant 16 : index
        %get3A_1113 = tpu.vector_load %arg10[%get3A_1111, %get3A_1112] {strides = array<i32>} : memref<240x128xf32, #tpu.memory_space<vmem>>, vector<16xf32>,
        %get3A_1114 = arith.index_cast %add3A_1107 : i32 to index
        %get3A_1115 = arith.constant 32 : index
        %get3A_1116 = tpu.vector_load %arg10[%get3A_1114, %get3A_1115] {strides = array<i32>} : memref<240x128xf32, #tpu.memory_space<vmem>>, vector<16xf32>,
        %get3A_1117 = arith.index_cast %add3A_1107 : i32 to index
        %get3A_1118 = arith.constant 48 : index
        %get3A_1119 = tpu.vector_load %arg10[%get3A_1117, %get3A_1118] {strides = array<i32>} : memref<240x128xf32, #tpu.memory_space<vmem>>, vector<16xf32>,
        %get3A_1120 = arith.index_cast %add3A_1107 : i32 to index
        %get3A_1121 = arith.constant 64 : index
        %get3A_1122 = tpu.vector_load %arg10[%get3A_1120, %get3A_1121] {strides = array<i32>} : memref<240x128xf32, #tpu.memory_space<vmem>>, vector<16xf32>,
        %get3A_1123 = arith.index_cast %add3A_1107 : i32 to index
        %get3A_1124 = arith.constant 80 : index
        %get3A_1125 = tpu.vector_load %arg10[%get3A_1123, %get3A_1124] {strides = array<i32>} : memref<240x128xf32, #tpu.memory_space<vmem>>, vector<16xf32>,
        %get3A_1126 = arith.index_cast %add3A_1107 : i32 to index
        %get3A_1127 = arith.constant 96 : index
        %get3A_1128 = tpu.vector_load %arg10[%get3A_1126, %get3A_1127] {strides = array<i32>} : memref<240x128xf32, #tpu.memory_space<vmem>>, vector<16xf32>,
        %get3A_1129 = arith.index_cast %add3A_1107 : i32 to index
        %get3A_1130 = arith.constant 112 : index
        %get3A_1131 = tpu.vector_load %arg10[%get3A_1129, %get3A_1130] {strides = array<i32>} : memref<240x128xf32, #tpu.memory_space<vmem>>, vector<16xf32>,
        %mul3A_1132 = arith.mulf %get3A_1065, %get3A_154 : vector<16xf32>
        %mul3A_1133 = arith.mulf %get3A_1068, %get3A_157 : vector<16xf32>
        %mul3A_1134 = arith.mulf %get3A_1071, %get3A_160 : vector<16xf32>
        %mul3A_1135 = arith.mulf %get3A_1074, %get3A_163 : vector<16xf32>
        %mul3A_1136 = arith.mulf %get3A_1077, %get3A_166 : vector<16xf32>
        %mul3A_1137 = arith.mulf %get3A_1080, %get3A_169 : vector<16xf32>
        %mul3A_1138 = arith.mulf %get3A_1083, %get3A_172 : vector<16xf32>
        %mul3A_1139 = arith.mulf %get3A_1086, %get3A_175 : vector<16xf32>
        %add3A_1140 = arith.addf %mul3A_1132, %mul3A_1133 : vector<16xf32>
        %add3A_1141 = arith.addf %mul3A_1134, %mul3A_1135 : vector<16xf32>
        %add3A_1142 = arith.addf %add3A_1140, %add3A_1141 : vector<16xf32>
        %add3A_1143 = arith.addf %mul3A_1136, %mul3A_1137 : vector<16xf32>
        %add3A_1144 = arith.addf %mul3A_1138, %mul3A_1139 : vector<16xf32>
        %add3A_1145 = arith.addf %add3A_1143, %add3A_1144 : vector<16xf32>
        %add3A_1146 = arith.addf %add3A_1142, %add3A_1145 : vector<16xf32>
        %swap3A_1147 = arith.constant 320 : index
        %swap3A_1148 = tpu.vector_load %arg15[%swap3A_1147] {strides = array<i32>} : memref<512xf32, #tpu.memory_space<vmem>>, vector<16xf32>,
        tpu.vector_store %arg15[%swap3A_1147], %add3A_1146 {strides = array<i32>} : memref<512xf32, #tpu.memory_space<vmem>>, vector<16xf32>,
        %mul3A_1149 = arith.constant 30 : i32
        %mul3A_1150 = arith.muli %scan3A_152, %mul3A_1149 : i32
        %add3A_1151 = arith.constant 22 : i32
        %add3A_1152 = arith.addi %mul3A_1150, %add3A_1151 : i32
        %get3A_1153 = arith.index_cast %add3A_1152 : i32 to index
        %get3A_1154 = arith.constant 0 : index
        %get3A_1155 = tpu.vector_load %arg10[%get3A_1153, %get3A_1154] {strides = array<i32>} : memref<240x128xf32, #tpu.memory_space<vmem>>, vector<16xf32>,
        %get3A_1156 = arith.index_cast %add3A_1152 : i32 to index
        %get3A_1157 = arith.constant 16 : index
        %get3A_1158 = tpu.vector_load %arg10[%get3A_1156, %get3A_1157] {strides = array<i32>} : memref<240x128xf32, #tpu.memory_space<vmem>>, vector<16xf32>,
        %get3A_1159 = arith.index_cast %add3A_1152 : i32 to index
        %get3A_1160 = arith.constant 32 : index
        %get3A_1161 = tpu.vector_load %arg10[%get3A_1159, %get3A_1160] {strides = array<i32>} : memref<240x128xf32, #tpu.memory_space<vmem>>, vector<16xf32>,
        %get3A_1162 = arith.index_cast %add3A_1152 : i32 to index
        %get3A_1163 = arith.constant 48 : index
        %get3A_1164 = tpu.vector_load %arg10[%get3A_1162, %get3A_1163] {strides = array<i32>} : memref<240x128xf32, #tpu.memory_space<vmem>>, vector<16xf32>,
        %get3A_1165 = arith.index_cast %add3A_1152 : i32 to index
        %get3A_1166 = arith.constant 64 : index
        %get3A_1167 = tpu.vector_load %arg10[%get3A_1165, %get3A_1166] {strides = array<i32>} : memref<240x128xf32, #tpu.memory_space<vmem>>, vector<16xf32>,
        %get3A_1168 = arith.index_cast %add3A_1152 : i32 to index
        %get3A_1169 = arith.constant 80 : index
        %get3A_1170 = tpu.vector_load %arg10[%get3A_1168, %get3A_1169] {strides = array<i32>} : memref<240x128xf32, #tpu.memory_space<vmem>>, vector<16xf32>,
        %get3A_1171 = arith.index_cast %add3A_1152 : i32 to index
        %get3A_1172 = arith.constant 96 : index
        %get3A_1173 = tpu.vector_load %arg10[%get3A_1171, %get3A_1172] {strides = array<i32>} : memref<240x128xf32, #tpu.memory_space<vmem>>, vector<16xf32>,
        %get3A_1174 = arith.index_cast %add3A_1152 : i32 to index
        %get3A_1175 = arith.constant 112 : index
        %get3A_1176 = tpu.vector_load %arg10[%get3A_1174, %get3A_1175] {strides = array<i32>} : memref<240x128xf32, #tpu.memory_space<vmem>>, vector<16xf32>,
        %mul3A_1177 = arith.mulf %get3A_1110, %get3A_154 : vector<16xf32>
        %mul3A_1178 = arith.mulf %get3A_1113, %get3A_157 : vector<16xf32>
        %mul3A_1179 = arith.mulf %get3A_1116, %get3A_160 : vector<16xf32>
        %mul3A_1180 = arith.mulf %get3A_1119, %get3A_163 : vector<16xf32>
        %mul3A_1181 = arith.mulf %get3A_1122, %get3A_166 : vector<16xf32>
        %mul3A_1182 = arith.mulf %get3A_1125, %get3A_169 : vector<16xf32>
        %mul3A_1183 = arith.mulf %get3A_1128, %get3A_172 : vector<16xf32>
        %mul3A_1184 = arith.mulf %get3A_1131, %get3A_175 : vector<16xf32>
        %add3A_1185 = arith.addf %mul3A_1177, %mul3A_1178 : vector<16xf32>
        %add3A_1186 = arith.addf %mul3A_1179, %mul3A_1180 : vector<16xf32>
        %add3A_1187 = arith.addf %add3A_1185, %add3A_1186 : vector<16xf32>
        %add3A_1188 = arith.addf %mul3A_1181, %mul3A_1182 : vector<16xf32>
        %add3A_1189 = arith.addf %mul3A_1183, %mul3A_1184 : vector<16xf32>
        %add3A_1190 = arith.addf %add3A_1188, %add3A_1189 : vector<16xf32>
        %add3A_1191 = arith.addf %add3A_1187, %add3A_1190 : vector<16xf32>
        %swap3A_1192 = arith.constant 336 : index
        %swap3A_1193 = tpu.vector_load %arg15[%swap3A_1192] {strides = array<i32>} : memref<512xf32, #tpu.memory_space<vmem>>, vector<16xf32>,
        tpu.vector_store %arg15[%swap3A_1192], %add3A_1191 {strides = array<i32>} : memref<512xf32, #tpu.memory_space<vmem>>, vector<16xf32>,
        %mul3A_1194 = arith.constant 30 : i32
        %mul3A_1195 = arith.muli %scan3A_152, %mul3A_1194 : i32
        %add3A_1196 = arith.constant 23 : i32
        %add3A_1197 = arith.addi %mul3A_1195, %add3A_1196 : i32
        %get3A_1198 = arith.index_cast %add3A_1197 : i32 to index
        %get3A_1199 = arith.constant 0 : index
        %get3A_1200 = tpu.vector_load %arg10[%get3A_1198, %get3A_1199] {strides = array<i32>} : memref<240x128xf32, #tpu.memory_space<vmem>>, vector<16xf32>,
        %get3A_1201 = arith.index_cast %add3A_1197 : i32 to index
        %get3A_1202 = arith.constant 16 : index
        %get3A_1203 = tpu.vector_load %arg10[%get3A_1201, %get3A_1202] {strides = array<i32>} : memref<240x128xf32, #tpu.memory_space<vmem>>, vector<16xf32>,
        %get3A_1204 = arith.index_cast %add3A_1197 : i32 to index
        %get3A_1205 = arith.constant 32 : index
        %get3A_1206 = tpu.vector_load %arg10[%get3A_1204, %get3A_1205] {strides = array<i32>} : memref<240x128xf32, #tpu.memory_space<vmem>>, vector<16xf32>,
        %get3A_1207 = arith.index_cast %add3A_1197 : i32 to index
        %get3A_1208 = arith.constant 48 : index
        %get3A_1209 = tpu.vector_load %arg10[%get3A_1207, %get3A_1208] {strides = array<i32>} : memref<240x128xf32, #tpu.memory_space<vmem>>, vector<16xf32>,
        %get3A_1210 = arith.index_cast %add3A_1197 : i32 to index
        %get3A_1211 = arith.constant 64 : index
        %get3A_1212 = tpu.vector_load %arg10[%get3A_1210, %get3A_1211] {strides = array<i32>} : memref<240x128xf32, #tpu.memory_space<vmem>>, vector<16xf32>,
        %get3A_1213 = arith.index_cast %add3A_1197 : i32 to index
        %get3A_1214 = arith.constant 80 : index
        %get3A_1215 = tpu.vector_load %arg10[%get3A_1213, %get3A_1214] {strides = array<i32>} : memref<240x128xf32, #tpu.memory_space<vmem>>, vector<16xf32>,
        %get3A_1216 = arith.index_cast %add3A_1197 : i32 to index
        %get3A_1217 = arith.constant 96 : index
        %get3A_1218 = tpu.vector_load %arg10[%get3A_1216, %get3A_1217] {strides = array<i32>} : memref<240x128xf32, #tpu.memory_space<vmem>>, vector<16xf32>,
        %get3A_1219 = arith.index_cast %add3A_1197 : i32 to index
        %get3A_1220 = arith.constant 112 : index
        %get3A_1221 = tpu.vector_load %arg10[%get3A_1219, %get3A_1220] {strides = array<i32>} : memref<240x128xf32, #tpu.memory_space<vmem>>, vector<16xf32>,
        %mul3A_1222 = arith.mulf %get3A_1155, %get3A_154 : vector<16xf32>
        %mul3A_1223 = arith.mulf %get3A_1158, %get3A_157 : vector<16xf32>
        %mul3A_1224 = arith.mulf %get3A_1161, %get3A_160 : vector<16xf32>
        %mul3A_1225 = arith.mulf %get3A_1164, %get3A_163 : vector<16xf32>
        %mul3A_1226 = arith.mulf %get3A_1167, %get3A_166 : vector<16xf32>
        %mul3A_1227 = arith.mulf %get3A_1170, %get3A_169 : vector<16xf32>
        %mul3A_1228 = arith.mulf %get3A_1173, %get3A_172 : vector<16xf32>
        %mul3A_1229 = arith.mulf %get3A_1176, %get3A_175 : vector<16xf32>
        %add3A_1230 = arith.addf %mul3A_1222, %mul3A_1223 : vector<16xf32>
        %add3A_1231 = arith.addf %mul3A_1224, %mul3A_1225 : vector<16xf32>
        %add3A_1232 = arith.addf %add3A_1230, %add3A_1231 : vector<16xf32>
        %add3A_1233 = arith.addf %mul3A_1226, %mul3A_1227 : vector<16xf32>
        %add3A_1234 = arith.addf %mul3A_1228, %mul3A_1229 : vector<16xf32>
        %add3A_1235 = arith.addf %add3A_1233, %add3A_1234 : vector<16xf32>
        %add3A_1236 = arith.addf %add3A_1232, %add3A_1235 : vector<16xf32>
        %swap3A_1237 = arith.constant 352 : index
        %swap3A_1238 = tpu.vector_load %arg15[%swap3A_1237] {strides = array<i32>} : memref<512xf32, #tpu.memory_space<vmem>>, vector<16xf32>,
        tpu.vector_store %arg15[%swap3A_1237], %add3A_1236 {strides = array<i32>} : memref<512xf32, #tpu.memory_space<vmem>>, vector<16xf32>,
        %mul3A_1239 = arith.constant 30 : i32
        %mul3A_1240 = arith.muli %scan3A_152, %mul3A_1239 : i32
        %add3A_1241 = arith.constant 24 : i32
        %add3A_1242 = arith.addi %mul3A_1240, %add3A_1241 : i32
        %get3A_1243 = arith.index_cast %add3A_1242 : i32 to index
        %get3A_1244 = arith.constant 0 : index
        %get3A_1245 = tpu.vector_load %arg10[%get3A_1243, %get3A_1244] {strides = array<i32>} : memref<240x128xf32, #tpu.memory_space<vmem>>, vector<16xf32>,
        %get3A_1246 = arith.index_cast %add3A_1242 : i32 to index
        %get3A_1247 = arith.constant 16 : index
        %get3A_1248 = tpu.vector_load %arg10[%get3A_1246, %get3A_1247] {strides = array<i32>} : memref<240x128xf32, #tpu.memory_space<vmem>>, vector<16xf32>,
        %get3A_1249 = arith.index_cast %add3A_1242 : i32 to index
        %get3A_1250 = arith.constant 32 : index
        %get3A_1251 = tpu.vector_load %arg10[%get3A_1249, %get3A_1250] {strides = array<i32>} : memref<240x128xf32, #tpu.memory_space<vmem>>, vector<16xf32>,
        %get3A_1252 = arith.index_cast %add3A_1242 : i32 to index
        %get3A_1253 = arith.constant 48 : index
        %get3A_1254 = tpu.vector_load %arg10[%get3A_1252, %get3A_1253] {strides = array<i32>} : memref<240x128xf32, #tpu.memory_space<vmem>>, vector<16xf32>,
        %get3A_1255 = arith.index_cast %add3A_1242 : i32 to index
        %get3A_1256 = arith.constant 64 : index
        %get3A_1257 = tpu.vector_load %arg10[%get3A_1255, %get3A_1256] {strides = array<i32>} : memref<240x128xf32, #tpu.memory_space<vmem>>, vector<16xf32>,
        %get3A_1258 = arith.index_cast %add3A_1242 : i32 to index
        %get3A_1259 = arith.constant 80 : index
        %get3A_1260 = tpu.vector_load %arg10[%get3A_1258, %get3A_1259] {strides = array<i32>} : memref<240x128xf32, #tpu.memory_space<vmem>>, vector<16xf32>,
        %get3A_1261 = arith.index_cast %add3A_1242 : i32 to index
        %get3A_1262 = arith.constant 96 : index
        %get3A_1263 = tpu.vector_load %arg10[%get3A_1261, %get3A_1262] {strides = array<i32>} : memref<240x128xf32, #tpu.memory_space<vmem>>, vector<16xf32>,
        %get3A_1264 = arith.index_cast %add3A_1242 : i32 to index
        %get3A_1265 = arith.constant 112 : index
        %get3A_1266 = tpu.vector_load %arg10[%get3A_1264, %get3A_1265] {strides = array<i32>} : memref<240x128xf32, #tpu.memory_space<vmem>>, vector<16xf32>,
        %mul3A_1267 = arith.mulf %get3A_1200, %get3A_154 : vector<16xf32>
        %mul3A_1268 = arith.mulf %get3A_1203, %get3A_157 : vector<16xf32>
        %mul3A_1269 = arith.mulf %get3A_1206, %get3A_160 : vector<16xf32>
        %mul3A_1270 = arith.mulf %get3A_1209, %get3A_163 : vector<16xf32>
        %mul3A_1271 = arith.mulf %get3A_1212, %get3A_166 : vector<16xf32>
        %mul3A_1272 = arith.mulf %get3A_1215, %get3A_169 : vector<16xf32>
        %mul3A_1273 = arith.mulf %get3A_1218, %get3A_172 : vector<16xf32>
        %mul3A_1274 = arith.mulf %get3A_1221, %get3A_175 : vector<16xf32>
        %add3A_1275 = arith.addf %mul3A_1267, %mul3A_1268 : vector<16xf32>
        %add3A_1276 = arith.addf %mul3A_1269, %mul3A_1270 : vector<16xf32>
        %add3A_1277 = arith.addf %add3A_1275, %add3A_1276 : vector<16xf32>
        %add3A_1278 = arith.addf %mul3A_1271, %mul3A_1272 : vector<16xf32>
        %add3A_1279 = arith.addf %mul3A_1273, %mul3A_1274 : vector<16xf32>
        %add3A_1280 = arith.addf %add3A_1278, %add3A_1279 : vector<16xf32>
        %add3A_1281 = arith.addf %add3A_1277, %add3A_1280 : vector<16xf32>
        %swap3A_1282 = arith.constant 368 : index
        %swap3A_1283 = tpu.vector_load %arg15[%swap3A_1282] {strides = array<i32>} : memref<512xf32, #tpu.memory_space<vmem>>, vector<16xf32>,
        tpu.vector_store %arg15[%swap3A_1282], %add3A_1281 {strides = array<i32>} : memref<512xf32, #tpu.memory_space<vmem>>, vector<16xf32>,
        %mul3A_1284 = arith.constant 30 : i32
        %mul3A_1285 = arith.muli %scan3A_152, %mul3A_1284 : i32
        %add3A_1286 = arith.constant 25 : i32
        %add3A_1287 = arith.addi %mul3A_1285, %add3A_1286 : i32
        %get3A_1288 = arith.index_cast %add3A_1287 : i32 to index
        %get3A_1289 = arith.constant 0 : index
        %get3A_1290 = tpu.vector_load %arg10[%get3A_1288, %get3A_1289] {strides = array<i32>} : memref<240x128xf32, #tpu.memory_space<vmem>>, vector<16xf32>,
        %get3A_1291 = arith.index_cast %add3A_1287 : i32 to index
        %get3A_1292 = arith.constant 16 : index
        %get3A_1293 = tpu.vector_load %arg10[%get3A_1291, %get3A_1292] {strides = array<i32>} : memref<240x128xf32, #tpu.memory_space<vmem>>, vector<16xf32>,
        %get3A_1294 = arith.index_cast %add3A_1287 : i32 to index
        %get3A_1295 = arith.constant 32 : index
        %get3A_1296 = tpu.vector_load %arg10[%get3A_1294, %get3A_1295] {strides = array<i32>} : memref<240x128xf32, #tpu.memory_space<vmem>>, vector<16xf32>,
        %get3A_1297 = arith.index_cast %add3A_1287 : i32 to index
        %get3A_1298 = arith.constant 48 : index
        %get3A_1299 = tpu.vector_load %arg10[%get3A_1297, %get3A_1298] {strides = array<i32>} : memref<240x128xf32, #tpu.memory_space<vmem>>, vector<16xf32>,
        %get3A_1300 = arith.index_cast %add3A_1287 : i32 to index
        %get3A_1301 = arith.constant 64 : index
        %get3A_1302 = tpu.vector_load %arg10[%get3A_1300, %get3A_1301] {strides = array<i32>} : memref<240x128xf32, #tpu.memory_space<vmem>>, vector<16xf32>,
        %get3A_1303 = arith.index_cast %add3A_1287 : i32 to index
        %get3A_1304 = arith.constant 80 : index
        %get3A_1305 = tpu.vector_load %arg10[%get3A_1303, %get3A_1304] {strides = array<i32>} : memref<240x128xf32, #tpu.memory_space<vmem>>, vector<16xf32>,
        %get3A_1306 = arith.index_cast %add3A_1287 : i32 to index
        %get3A_1307 = arith.constant 96 : index
        %get3A_1308 = tpu.vector_load %arg10[%get3A_1306, %get3A_1307] {strides = array<i32>} : memref<240x128xf32, #tpu.memory_space<vmem>>, vector<16xf32>,
        %get3A_1309 = arith.index_cast %add3A_1287 : i32 to index
        %get3A_1310 = arith.constant 112 : index
        %get3A_1311 = tpu.vector_load %arg10[%get3A_1309, %get3A_1310] {strides = array<i32>} : memref<240x128xf32, #tpu.memory_space<vmem>>, vector<16xf32>,
        %mul3A_1312 = arith.mulf %get3A_1245, %get3A_154 : vector<16xf32>
        %mul3A_1313 = arith.mulf %get3A_1248, %get3A_157 : vector<16xf32>
        %mul3A_1314 = arith.mulf %get3A_1251, %get3A_160 : vector<16xf32>
        %mul3A_1315 = arith.mulf %get3A_1254, %get3A_163 : vector<16xf32>
        %mul3A_1316 = arith.mulf %get3A_1257, %get3A_166 : vector<16xf32>
        %mul3A_1317 = arith.mulf %get3A_1260, %get3A_169 : vector<16xf32>
        %mul3A_1318 = arith.mulf %get3A_1263, %get3A_172 : vector<16xf32>
        %mul3A_1319 = arith.mulf %get3A_1266, %get3A_175 : vector<16xf32>
        %add3A_1320 = arith.addf %mul3A_1312, %mul3A_1313 : vector<16xf32>
        %add3A_1321 = arith.addf %mul3A_1314, %mul3A_1315 : vector<16xf32>
        %add3A_1322 = arith.addf %add3A_1320, %add3A_1321 : vector<16xf32>
        %add3A_1323 = arith.addf %mul3A_1316, %mul3A_1317 : vector<16xf32>
        %add3A_1324 = arith.addf %mul3A_1318, %mul3A_1319 : vector<16xf32>
        %add3A_1325 = arith.addf %add3A_1323, %add3A_1324 : vector<16xf32>
        %add3A_1326 = arith.addf %add3A_1322, %add3A_1325 : vector<16xf32>
        %swap3A_1327 = arith.constant 384 : index
        %swap3A_1328 = tpu.vector_load %arg15[%swap3A_1327] {strides = array<i32>} : memref<512xf32, #tpu.memory_space<vmem>>, vector<16xf32>,
        tpu.vector_store %arg15[%swap3A_1327], %add3A_1326 {strides = array<i32>} : memref<512xf32, #tpu.memory_space<vmem>>, vector<16xf32>,
        %mul3A_1329 = arith.constant 30 : i32
        %mul3A_1330 = arith.muli %scan3A_152, %mul3A_1329 : i32
        %add3A_1331 = arith.constant 26 : i32
        %add3A_1332 = arith.addi %mul3A_1330, %add3A_1331 : i32
        %get3A_1333 = arith.index_cast %add3A_1332 : i32 to index
        %get3A_1334 = arith.constant 0 : index
        %get3A_1335 = tpu.vector_load %arg10[%get3A_1333, %get3A_1334] {strides = array<i32>} : memref<240x128xf32, #tpu.memory_space<vmem>>, vector<16xf32>,
        %get3A_1336 = arith.index_cast %add3A_1332 : i32 to index
        %get3A_1337 = arith.constant 16 : index
        %get3A_1338 = tpu.vector_load %arg10[%get3A_1336, %get3A_1337] {strides = array<i32>} : memref<240x128xf32, #tpu.memory_space<vmem>>, vector<16xf32>,
        %get3A_1339 = arith.index_cast %add3A_1332 : i32 to index
        %get3A_1340 = arith.constant 32 : index
        %get3A_1341 = tpu.vector_load %arg10[%get3A_1339, %get3A_1340] {strides = array<i32>} : memref<240x128xf32, #tpu.memory_space<vmem>>, vector<16xf32>,
        %get3A_1342 = arith.index_cast %add3A_1332 : i32 to index
        %get3A_1343 = arith.constant 48 : index
        %get3A_1344 = tpu.vector_load %arg10[%get3A_1342, %get3A_1343] {strides = array<i32>} : memref<240x128xf32, #tpu.memory_space<vmem>>, vector<16xf32>,
        %get3A_1345 = arith.index_cast %add3A_1332 : i32 to index
        %get3A_1346 = arith.constant 64 : index
        %get3A_1347 = tpu.vector_load %arg10[%get3A_1345, %get3A_1346] {strides = array<i32>} : memref<240x128xf32, #tpu.memory_space<vmem>>, vector<16xf32>,
        %get3A_1348 = arith.index_cast %add3A_1332 : i32 to index
        %get3A_1349 = arith.constant 80 : index
        %get3A_1350 = tpu.vector_load %arg10[%get3A_1348, %get3A_1349] {strides = array<i32>} : memref<240x128xf32, #tpu.memory_space<vmem>>, vector<16xf32>,
        %get3A_1351 = arith.index_cast %add3A_1332 : i32 to index
        %get3A_1352 = arith.constant 96 : index
        %get3A_1353 = tpu.vector_load %arg10[%get3A_1351, %get3A_1352] {strides = array<i32>} : memref<240x128xf32, #tpu.memory_space<vmem>>, vector<16xf32>,
        %get3A_1354 = arith.index_cast %add3A_1332 : i32 to index
        %get3A_1355 = arith.constant 112 : index
        %get3A_1356 = tpu.vector_load %arg10[%get3A_1354, %get3A_1355] {strides = array<i32>} : memref<240x128xf32, #tpu.memory_space<vmem>>, vector<16xf32>,
        %mul3A_1357 = arith.mulf %get3A_1290, %get3A_154 : vector<16xf32>
        %mul3A_1358 = arith.mulf %get3A_1293, %get3A_157 : vector<16xf32>
        %mul3A_1359 = arith.mulf %get3A_1296, %get3A_160 : vector<16xf32>
        %mul3A_1360 = arith.mulf %get3A_1299, %get3A_163 : vector<16xf32>
        %mul3A_1361 = arith.mulf %get3A_1302, %get3A_166 : vector<16xf32>
        %mul3A_1362 = arith.mulf %get3A_1305, %get3A_169 : vector<16xf32>
        %mul3A_1363 = arith.mulf %get3A_1308, %get3A_172 : vector<16xf32>
        %mul3A_1364 = arith.mulf %get3A_1311, %get3A_175 : vector<16xf32>
        %add3A_1365 = arith.addf %mul3A_1357, %mul3A_1358 : vector<16xf32>
        %add3A_1366 = arith.addf %mul3A_1359, %mul3A_1360 : vector<16xf32>
        %add3A_1367 = arith.addf %add3A_1365, %add3A_1366 : vector<16xf32>
        %add3A_1368 = arith.addf %mul3A_1361, %mul3A_1362 : vector<16xf32>
        %add3A_1369 = arith.addf %mul3A_1363, %mul3A_1364 : vector<16xf32>
        %add3A_1370 = arith.addf %add3A_1368, %add3A_1369 : vector<16xf32>
        %add3A_1371 = arith.addf %add3A_1367, %add3A_1370 : vector<16xf32>
        %swap3A_1372 = arith.constant 400 : index
        %swap3A_1373 = tpu.vector_load %arg15[%swap3A_1372] {strides = array<i32>} : memref<512xf32, #tpu.memory_space<vmem>>, vector<16xf32>,
        tpu.vector_store %arg15[%swap3A_1372], %add3A_1371 {strides = array<i32>} : memref<512xf32, #tpu.memory_space<vmem>>, vector<16xf32>,
        %mul3A_1374 = arith.constant 30 : i32
        %mul3A_1375 = arith.muli %scan3A_152, %mul3A_1374 : i32
        %add3A_1376 = arith.constant 27 : i32
        %add3A_1377 = arith.addi %mul3A_1375, %add3A_1376 : i32
        %get3A_1378 = arith.index_cast %add3A_1377 : i32 to index
        %get3A_1379 = arith.constant 0 : index
        %get3A_1380 = tpu.vector_load %arg10[%get3A_1378, %get3A_1379] {strides = array<i32>} : memref<240x128xf32, #tpu.memory_space<vmem>>, vector<16xf32>,
        %get3A_1381 = arith.index_cast %add3A_1377 : i32 to index
        %get3A_1382 = arith.constant 16 : index
        %get3A_1383 = tpu.vector_load %arg10[%get3A_1381, %get3A_1382] {strides = array<i32>} : memref<240x128xf32, #tpu.memory_space<vmem>>, vector<16xf32>,
        %get3A_1384 = arith.index_cast %add3A_1377 : i32 to index
        %get3A_1385 = arith.constant 32 : index
        %get3A_1386 = tpu.vector_load %arg10[%get3A_1384, %get3A_1385] {strides = array<i32>} : memref<240x128xf32, #tpu.memory_space<vmem>>, vector<16xf32>,
        %get3A_1387 = arith.index_cast %add3A_1377 : i32 to index
        %get3A_1388 = arith.constant 48 : index
        %get3A_1389 = tpu.vector_load %arg10[%get3A_1387, %get3A_1388] {strides = array<i32>} : memref<240x128xf32, #tpu.memory_space<vmem>>, vector<16xf32>,
        %get3A_1390 = arith.index_cast %add3A_1377 : i32 to index
        %get3A_1391 = arith.constant 64 : index
        %get3A_1392 = tpu.vector_load %arg10[%get3A_1390, %get3A_1391] {strides = array<i32>} : memref<240x128xf32, #tpu.memory_space<vmem>>, vector<16xf32>,
        %get3A_1393 = arith.index_cast %add3A_1377 : i32 to index
        %get3A_1394 = arith.constant 80 : index
        %get3A_1395 = tpu.vector_load %arg10[%get3A_1393, %get3A_1394] {strides = array<i32>} : memref<240x128xf32, #tpu.memory_space<vmem>>, vector<16xf32>,
        %get3A_1396 = arith.index_cast %add3A_1377 : i32 to index
        %get3A_1397 = arith.constant 96 : index
        %get3A_1398 = tpu.vector_load %arg10[%get3A_1396, %get3A_1397] {strides = array<i32>} : memref<240x128xf32, #tpu.memory_space<vmem>>, vector<16xf32>,
        %get3A_1399 = arith.index_cast %add3A_1377 : i32 to index
        %get3A_1400 = arith.constant 112 : index
        %get3A_1401 = tpu.vector_load %arg10[%get3A_1399, %get3A_1400] {strides = array<i32>} : memref<240x128xf32, #tpu.memory_space<vmem>>, vector<16xf32>,
        %mul3A_1402 = arith.mulf %get3A_1335, %get3A_154 : vector<16xf32>
        %mul3A_1403 = arith.mulf %get3A_1338, %get3A_157 : vector<16xf32>
        %mul3A_1404 = arith.mulf %get3A_1341, %get3A_160 : vector<16xf32>
        %mul3A_1405 = arith.mulf %get3A_1344, %get3A_163 : vector<16xf32>
        %mul3A_1406 = arith.mulf %get3A_1347, %get3A_166 : vector<16xf32>
        %mul3A_1407 = arith.mulf %get3A_1350, %get3A_169 : vector<16xf32>
        %mul3A_1408 = arith.mulf %get3A_1353, %get3A_172 : vector<16xf32>
        %mul3A_1409 = arith.mulf %get3A_1356, %get3A_175 : vector<16xf32>
        %add3A_1410 = arith.addf %mul3A_1402, %mul3A_1403 : vector<16xf32>
        %add3A_1411 = arith.addf %mul3A_1404, %mul3A_1405 : vector<16xf32>
        %add3A_1412 = arith.addf %add3A_1410, %add3A_1411 : vector<16xf32>
        %add3A_1413 = arith.addf %mul3A_1406, %mul3A_1407 : vector<16xf32>
        %add3A_1414 = arith.addf %mul3A_1408, %mul3A_1409 : vector<16xf32>
        %add3A_1415 = arith.addf %add3A_1413, %add3A_1414 : vector<16xf32>
        %add3A_1416 = arith.addf %add3A_1412, %add3A_1415 : vector<16xf32>
        %swap3A_1417 = arith.constant 416 : index
        %swap3A_1418 = tpu.vector_load %arg15[%swap3A_1417] {strides = array<i32>} : memref<512xf32, #tpu.memory_space<vmem>>, vector<16xf32>,
        tpu.vector_store %arg15[%swap3A_1417], %add3A_1416 {strides = array<i32>} : memref<512xf32, #tpu.memory_space<vmem>>, vector<16xf32>,
        %mul3A_1419 = arith.constant 30 : i32
        %mul3A_1420 = arith.muli %scan3A_152, %mul3A_1419 : i32
        %add3A_1421 = arith.constant 28 : i32
        %add3A_1422 = arith.addi %mul3A_1420, %add3A_1421 : i32
        %get3A_1423 = arith.index_cast %add3A_1422 : i32 to index
        %get3A_1424 = arith.constant 0 : index
        %get3A_1425 = tpu.vector_load %arg10[%get3A_1423, %get3A_1424] {strides = array<i32>} : memref<240x128xf32, #tpu.memory_space<vmem>>, vector<16xf32>,
        %get3A_1426 = arith.index_cast %add3A_1422 : i32 to index
        %get3A_1427 = arith.constant 16 : index
        %get3A_1428 = tpu.vector_load %arg10[%get3A_1426, %get3A_1427] {strides = array<i32>} : memref<240x128xf32, #tpu.memory_space<vmem>>, vector<16xf32>,
        %get3A_1429 = arith.index_cast %add3A_1422 : i32 to index
        %get3A_1430 = arith.constant 32 : index
        %get3A_1431 = tpu.vector_load %arg10[%get3A_1429, %get3A_1430] {strides = array<i32>} : memref<240x128xf32, #tpu.memory_space<vmem>>, vector<16xf32>,
        %get3A_1432 = arith.index_cast %add3A_1422 : i32 to index
        %get3A_1433 = arith.constant 48 : index
        %get3A_1434 = tpu.vector_load %arg10[%get3A_1432, %get3A_1433] {strides = array<i32>} : memref<240x128xf32, #tpu.memory_space<vmem>>, vector<16xf32>,
        %get3A_1435 = arith.index_cast %add3A_1422 : i32 to index
        %get3A_1436 = arith.constant 64 : index
        %get3A_1437 = tpu.vector_load %arg10[%get3A_1435, %get3A_1436] {strides = array<i32>} : memref<240x128xf32, #tpu.memory_space<vmem>>, vector<16xf32>,
        %get3A_1438 = arith.index_cast %add3A_1422 : i32 to index
        %get3A_1439 = arith.constant 80 : index
        %get3A_1440 = tpu.vector_load %arg10[%get3A_1438, %get3A_1439] {strides = array<i32>} : memref<240x128xf32, #tpu.memory_space<vmem>>, vector<16xf32>,
        %get3A_1441 = arith.index_cast %add3A_1422 : i32 to index
        %get3A_1442 = arith.constant 96 : index
        %get3A_1443 = tpu.vector_load %arg10[%get3A_1441, %get3A_1442] {strides = array<i32>} : memref<240x128xf32, #tpu.memory_space<vmem>>, vector<16xf32>,
        %get3A_1444 = arith.index_cast %add3A_1422 : i32 to index
        %get3A_1445 = arith.constant 112 : index
        %get3A_1446 = tpu.vector_load %arg10[%get3A_1444, %get3A_1445] {strides = array<i32>} : memref<240x128xf32, #tpu.memory_space<vmem>>, vector<16xf32>,
        %mul3A_1447 = arith.mulf %get3A_1380, %get3A_154 : vector<16xf32>
        %mul3A_1448 = arith.mulf %get3A_1383, %get3A_157 : vector<16xf32>
        %mul3A_1449 = arith.mulf %get3A_1386, %get3A_160 : vector<16xf32>
        %mul3A_1450 = arith.mulf %get3A_1389, %get3A_163 : vector<16xf32>
        %mul3A_1451 = arith.mulf %get3A_1392, %get3A_166 : vector<16xf32>
        %mul3A_1452 = arith.mulf %get3A_1395, %get3A_169 : vector<16xf32>
        %mul3A_1453 = arith.mulf %get3A_1398, %get3A_172 : vector<16xf32>
        %mul3A_1454 = arith.mulf %get3A_1401, %get3A_175 : vector<16xf32>
        %add3A_1455 = arith.addf %mul3A_1447, %mul3A_1448 : vector<16xf32>
        %add3A_1456 = arith.addf %mul3A_1449, %mul3A_1450 : vector<16xf32>
        %add3A_1457 = arith.addf %add3A_1455, %add3A_1456 : vector<16xf32>
        %add3A_1458 = arith.addf %mul3A_1451, %mul3A_1452 : vector<16xf32>
        %add3A_1459 = arith.addf %mul3A_1453, %mul3A_1454 : vector<16xf32>
        %add3A_1460 = arith.addf %add3A_1458, %add3A_1459 : vector<16xf32>
        %add3A_1461 = arith.addf %add3A_1457, %add3A_1460 : vector<16xf32>
        %swap3A_1462 = arith.constant 432 : index
        %swap3A_1463 = tpu.vector_load %arg15[%swap3A_1462] {strides = array<i32>} : memref<512xf32, #tpu.memory_space<vmem>>, vector<16xf32>,
        tpu.vector_store %arg15[%swap3A_1462], %add3A_1461 {strides = array<i32>} : memref<512xf32, #tpu.memory_space<vmem>>, vector<16xf32>,
        %mul3A_1464 = arith.constant 30 : i32
        %mul3A_1465 = arith.muli %scan3A_152, %mul3A_1464 : i32
        %add3A_1466 = arith.constant 29 : i32
        %add3A_1467 = arith.addi %mul3A_1465, %add3A_1466 : i32
        %get3A_1468 = arith.index_cast %add3A_1467 : i32 to index
        %get3A_1469 = arith.constant 0 : index
        %get3A_1470 = tpu.vector_load %arg10[%get3A_1468, %get3A_1469] {strides = array<i32>} : memref<240x128xf32, #tpu.memory_space<vmem>>, vector<16xf32>,
        %get3A_1471 = arith.index_cast %add3A_1467 : i32 to index
        %get3A_1472 = arith.constant 16 : index
        %get3A_1473 = tpu.vector_load %arg10[%get3A_1471, %get3A_1472] {strides = array<i32>} : memref<240x128xf32, #tpu.memory_space<vmem>>, vector<16xf32>,
        %get3A_1474 = arith.index_cast %add3A_1467 : i32 to index
        %get3A_1475 = arith.constant 32 : index
        %get3A_1476 = tpu.vector_load %arg10[%get3A_1474, %get3A_1475] {strides = array<i32>} : memref<240x128xf32, #tpu.memory_space<vmem>>, vector<16xf32>,
        %get3A_1477 = arith.index_cast %add3A_1467 : i32 to index
        %get3A_1478 = arith.constant 48 : index
        %get3A_1479 = tpu.vector_load %arg10[%get3A_1477, %get3A_1478] {strides = array<i32>} : memref<240x128xf32, #tpu.memory_space<vmem>>, vector<16xf32>,
        %get3A_1480 = arith.index_cast %add3A_1467 : i32 to index
        %get3A_1481 = arith.constant 64 : index
        %get3A_1482 = tpu.vector_load %arg10[%get3A_1480, %get3A_1481] {strides = array<i32>} : memref<240x128xf32, #tpu.memory_space<vmem>>, vector<16xf32>,
        %get3A_1483 = arith.index_cast %add3A_1467 : i32 to index
        %get3A_1484 = arith.constant 80 : index
        %get3A_1485 = tpu.vector_load %arg10[%get3A_1483, %get3A_1484] {strides = array<i32>} : memref<240x128xf32, #tpu.memory_space<vmem>>, vector<16xf32>,
        %get3A_1486 = arith.index_cast %add3A_1467 : i32 to index
        %get3A_1487 = arith.constant 96 : index
        %get3A_1488 = tpu.vector_load %arg10[%get3A_1486, %get3A_1487] {strides = array<i32>} : memref<240x128xf32, #tpu.memory_space<vmem>>, vector<16xf32>,
        %get3A_1489 = arith.index_cast %add3A_1467 : i32 to index
        %get3A_1490 = arith.constant 112 : index
        %get3A_1491 = tpu.vector_load %arg10[%get3A_1489, %get3A_1490] {strides = array<i32>} : memref<240x128xf32, #tpu.memory_space<vmem>>, vector<16xf32>,
        %mul3A_1492 = arith.mulf %get3A_1425, %get3A_154 : vector<16xf32>
        %mul3A_1493 = arith.mulf %get3A_1428, %get3A_157 : vector<16xf32>
        %mul3A_1494 = arith.mulf %get3A_1431, %get3A_160 : vector<16xf32>
        %mul3A_1495 = arith.mulf %get3A_1434, %get3A_163 : vector<16xf32>
        %mul3A_1496 = arith.mulf %get3A_1437, %get3A_166 : vector<16xf32>
        %mul3A_1497 = arith.mulf %get3A_1440, %get3A_169 : vector<16xf32>
        %mul3A_1498 = arith.mulf %get3A_1443, %get3A_172 : vector<16xf32>
        %mul3A_1499 = arith.mulf %get3A_1446, %get3A_175 : vector<16xf32>
        %add3A_1500 = arith.addf %mul3A_1492, %mul3A_1493 : vector<16xf32>
        %add3A_1501 = arith.addf %mul3A_1494, %mul3A_1495 : vector<16xf32>
        %add3A_1502 = arith.addf %add3A_1500, %add3A_1501 : vector<16xf32>
        %add3A_1503 = arith.addf %mul3A_1496, %mul3A_1497 : vector<16xf32>
        %add3A_1504 = arith.addf %mul3A_1498, %mul3A_1499 : vector<16xf32>
        %add3A_1505 = arith.addf %add3A_1503, %add3A_1504 : vector<16xf32>
        %add3A_1506 = arith.addf %add3A_1502, %add3A_1505 : vector<16xf32>
        %swap3A_1507 = arith.constant 448 : index
        %swap3A_1508 = tpu.vector_load %arg15[%swap3A_1507] {strides = array<i32>} : memref<512xf32, #tpu.memory_space<vmem>>, vector<16xf32>,
        tpu.vector_store %arg15[%swap3A_1507], %add3A_1506 {strides = array<i32>} : memref<512xf32, #tpu.memory_space<vmem>>, vector<16xf32>,
        %mul3A_1509 = arith.mulf %get3A_1470, %get3A_154 : vector<16xf32>
        %mul3A_1510 = arith.mulf %get3A_1473, %get3A_157 : vector<16xf32>
        %mul3A_1511 = arith.mulf %get3A_1476, %get3A_160 : vector<16xf32>
        %mul3A_1512 = arith.mulf %get3A_1479, %get3A_163 : vector<16xf32>
        %mul3A_1513 = arith.mulf %get3A_1482, %get3A_166 : vector<16xf32>
        %mul3A_1514 = arith.mulf %get3A_1485, %get3A_169 : vector<16xf32>
        %mul3A_1515 = arith.mulf %get3A_1488, %get3A_172 : vector<16xf32>
        %mul3A_1516 = arith.mulf %get3A_1491, %get3A_175 : vector<16xf32>
        %add3A_1517 = arith.addf %mul3A_1509, %mul3A_1510 : vector<16xf32>
        %add3A_1518 = arith.addf %mul3A_1511, %mul3A_1512 : vector<16xf32>
        %add3A_1519 = arith.addf %add3A_1517, %add3A_1518 : vector<16xf32>
        %add3A_1520 = arith.addf %mul3A_1513, %mul3A_1514 : vector<16xf32>
        %add3A_1521 = arith.addf %mul3A_1515, %mul3A_1516 : vector<16xf32>
        %add3A_1522 = arith.addf %add3A_1520, %add3A_1521 : vector<16xf32>
        %add3A_1523 = arith.addf %add3A_1519, %add3A_1522 : vector<16xf32>
        %swap3A_1524 = arith.constant 464 : index
        %swap3A_1525 = tpu.vector_load %arg15[%swap3A_1524] {strides = array<i32>} : memref<512xf32, #tpu.memory_space<vmem>>, vector<16xf32>,
        tpu.vector_store %arg15[%swap3A_1524], %add3A_1523 {strides = array<i32>} : memref<512xf32, #tpu.memory_space<vmem>>, vector<16xf32>,
        %mul3A_1526 = arith.constant 16 : i32
        %mul3A_1527 = vector.broadcast %mul3A_1526 : i32 to vector<16xi32>
        %mul3A_1528 = arith.muli %iota3A, %mul3A_1527 : vector<16xi32>
        %add3A_1529 = arith.constant 0 : i32
        %add3A_1530 = vector.broadcast %add3A_1529 : i32 to vector<16xi32>
        %add3A_1531 = arith.addi %mul3A_1528, %add3A_1530 : vector<16xi32>
        %gather3A = tpu.vector_load_idx %arg15[%add3A_1531] : memref<512xf32, #tpu.memory_space<vmem>>[vector<16xi32>], vector<16xf32>,
        %add3A_1532 = arith.constant 1 : i32
        %add3A_1533 = vector.broadcast %add3A_1532 : i32 to vector<16xi32>
        %add3A_1534 = arith.addi %mul3A_1528, %add3A_1533 : vector<16xi32>
        %gather3A_1535 = tpu.vector_load_idx %arg15[%add3A_1534] : memref<512xf32, #tpu.memory_space<vmem>>[vector<16xi32>], vector<16xf32>,
        %add3A_1536 = arith.constant 2 : i32
        %add3A_1537 = vector.broadcast %add3A_1536 : i32 to vector<16xi32>
        %add3A_1538 = arith.addi %mul3A_1528, %add3A_1537 : vector<16xi32>
        %gather3A_1539 = tpu.vector_load_idx %arg15[%add3A_1538] : memref<512xf32, #tpu.memory_space<vmem>>[vector<16xi32>], vector<16xf32>,
        %add3A_1540 = arith.constant 3 : i32
        %add3A_1541 = vector.broadcast %add3A_1540 : i32 to vector<16xi32>
        %add3A_1542 = arith.addi %mul3A_1528, %add3A_1541 : vector<16xi32>
        %gather3A_1543 = tpu.vector_load_idx %arg15[%add3A_1542] : memref<512xf32, #tpu.memory_space<vmem>>[vector<16xi32>], vector<16xf32>,
        %add3A_1544 = arith.constant 4 : i32
        %add3A_1545 = vector.broadcast %add3A_1544 : i32 to vector<16xi32>
        %add3A_1546 = arith.addi %mul3A_1528, %add3A_1545 : vector<16xi32>
        %gather3A_1547 = tpu.vector_load_idx %arg15[%add3A_1546] : memref<512xf32, #tpu.memory_space<vmem>>[vector<16xi32>], vector<16xf32>,
        %add3A_1548 = arith.constant 5 : i32
        %add3A_1549 = vector.broadcast %add3A_1548 : i32 to vector<16xi32>
        %add3A_1550 = arith.addi %mul3A_1528, %add3A_1549 : vector<16xi32>
        %gather3A_1551 = tpu.vector_load_idx %arg15[%add3A_1550] : memref<512xf32, #tpu.memory_space<vmem>>[vector<16xi32>], vector<16xf32>,
        %add3A_1552 = arith.constant 6 : i32
        %add3A_1553 = vector.broadcast %add3A_1552 : i32 to vector<16xi32>
        %add3A_1554 = arith.addi %mul3A_1528, %add3A_1553 : vector<16xi32>
        %gather3A_1555 = tpu.vector_load_idx %arg15[%add3A_1554] : memref<512xf32, #tpu.memory_space<vmem>>[vector<16xi32>], vector<16xf32>,
        %add3A_1556 = arith.constant 7 : i32
        %add3A_1557 = vector.broadcast %add3A_1556 : i32 to vector<16xi32>
        %add3A_1558 = arith.addi %mul3A_1528, %add3A_1557 : vector<16xi32>
        %gather3A_1559 = tpu.vector_load_idx %arg15[%add3A_1558] : memref<512xf32, #tpu.memory_space<vmem>>[vector<16xi32>], vector<16xf32>,
        %add3A_1560 = arith.constant 8 : i32
        %add3A_1561 = vector.broadcast %add3A_1560 : i32 to vector<16xi32>
        %add3A_1562 = arith.addi %mul3A_1528, %add3A_1561 : vector<16xi32>
        %gather3A_1563 = tpu.vector_load_idx %arg15[%add3A_1562] : memref<512xf32, #tpu.memory_space<vmem>>[vector<16xi32>], vector<16xf32>,
        %add3A_1564 = arith.constant 9 : i32
        %add3A_1565 = vector.broadcast %add3A_1564 : i32 to vector<16xi32>
        %add3A_1566 = arith.addi %mul3A_1528, %add3A_1565 : vector<16xi32>
        %gather3A_1567 = tpu.vector_load_idx %arg15[%add3A_1566] : memref<512xf32, #tpu.memory_space<vmem>>[vector<16xi32>], vector<16xf32>,
        %add3A_1568 = arith.constant 10 : i32
        %add3A_1569 = vector.broadcast %add3A_1568 : i32 to vector<16xi32>
        %add3A_1570 = arith.addi %mul3A_1528, %add3A_1569 : vector<16xi32>
        %gather3A_1571 = tpu.vector_load_idx %arg15[%add3A_1570] : memref<512xf32, #tpu.memory_space<vmem>>[vector<16xi32>], vector<16xf32>,
        %add3A_1572 = arith.constant 11 : i32
        %add3A_1573 = vector.broadcast %add3A_1572 : i32 to vector<16xi32>
        %add3A_1574 = arith.addi %mul3A_1528, %add3A_1573 : vector<16xi32>
        %gather3A_1575 = tpu.vector_load_idx %arg15[%add3A_1574] : memref<512xf32, #tpu.memory_space<vmem>>[vector<16xi32>], vector<16xf32>,
        %add3A_1576 = arith.constant 12 : i32
        %add3A_1577 = vector.broadcast %add3A_1576 : i32 to vector<16xi32>
        %add3A_1578 = arith.addi %mul3A_1528, %add3A_1577 : vector<16xi32>
        %gather3A_1579 = tpu.vector_load_idx %arg15[%add3A_1578] : memref<512xf32, #tpu.memory_space<vmem>>[vector<16xi32>], vector<16xf32>,
        %add3A_1580 = arith.constant 13 : i32
        %add3A_1581 = vector.broadcast %add3A_1580 : i32 to vector<16xi32>
        %add3A_1582 = arith.addi %mul3A_1528, %add3A_1581 : vector<16xi32>
        %gather3A_1583 = tpu.vector_load_idx %arg15[%add3A_1582] : memref<512xf32, #tpu.memory_space<vmem>>[vector<16xi32>], vector<16xf32>,
        %add3A_1584 = arith.constant 14 : i32
        %add3A_1585 = vector.broadcast %add3A_1584 : i32 to vector<16xi32>
        %add3A_1586 = arith.addi %mul3A_1528, %add3A_1585 : vector<16xi32>
        %gather3A_1587 = tpu.vector_load_idx %arg15[%add3A_1586] : memref<512xf32, #tpu.memory_space<vmem>>[vector<16xi32>], vector<16xf32>,
        %add3A_1588 = arith.constant 15 : i32
        %add3A_1589 = vector.broadcast %add3A_1588 : i32 to vector<16xi32>
        %add3A_1590 = arith.addi %mul3A_1528, %add3A_1589 : vector<16xi32>
        %gather3A_1591 = tpu.vector_load_idx %arg15[%add3A_1590] : memref<512xf32, #tpu.memory_space<vmem>>[vector<16xi32>], vector<16xf32>,
        %add3A_1592 = arith.constant 256 : i32
        %add3A_1593 = vector.broadcast %add3A_1592 : i32 to vector<16xi32>
        %add3A_1594 = arith.addi %mul3A_1528, %add3A_1593 : vector<16xi32>
        %gather3A_1595 = tpu.vector_load_idx %arg15[%add3A_1594] : memref<512xf32, #tpu.memory_space<vmem>>[vector<16xi32>], vector<16xf32>,
        %add3A_1596 = arith.constant 257 : i32
        %add3A_1597 = vector.broadcast %add3A_1596 : i32 to vector<16xi32>
        %add3A_1598 = arith.addi %mul3A_1528, %add3A_1597 : vector<16xi32>
        %gather3A_1599 = tpu.vector_load_idx %arg15[%add3A_1598] : memref<512xf32, #tpu.memory_space<vmem>>[vector<16xi32>], vector<16xf32>,
        %add3A_1600 = arith.constant 258 : i32
        %add3A_1601 = vector.broadcast %add3A_1600 : i32 to vector<16xi32>
        %add3A_1602 = arith.addi %mul3A_1528, %add3A_1601 : vector<16xi32>
        %gather3A_1603 = tpu.vector_load_idx %arg15[%add3A_1602] : memref<512xf32, #tpu.memory_space<vmem>>[vector<16xi32>], vector<16xf32>,
        %add3A_1604 = arith.constant 259 : i32
        %add3A_1605 = vector.broadcast %add3A_1604 : i32 to vector<16xi32>
        %add3A_1606 = arith.addi %mul3A_1528, %add3A_1605 : vector<16xi32>
        %gather3A_1607 = tpu.vector_load_idx %arg15[%add3A_1606] : memref<512xf32, #tpu.memory_space<vmem>>[vector<16xi32>], vector<16xf32>,
        %add3A_1608 = arith.constant 260 : i32
        %add3A_1609 = vector.broadcast %add3A_1608 : i32 to vector<16xi32>
        %add3A_1610 = arith.addi %mul3A_1528, %add3A_1609 : vector<16xi32>
        %gather3A_1611 = tpu.vector_load_idx %arg15[%add3A_1610] : memref<512xf32, #tpu.memory_space<vmem>>[vector<16xi32>], vector<16xf32>,
        %add3A_1612 = arith.constant 261 : i32
        %add3A_1613 = vector.broadcast %add3A_1612 : i32 to vector<16xi32>
        %add3A_1614 = arith.addi %mul3A_1528, %add3A_1613 : vector<16xi32>
        %gather3A_1615 = tpu.vector_load_idx %arg15[%add3A_1614] : memref<512xf32, #tpu.memory_space<vmem>>[vector<16xi32>], vector<16xf32>,
        %add3A_1616 = arith.constant 262 : i32
        %add3A_1617 = vector.broadcast %add3A_1616 : i32 to vector<16xi32>
        %add3A_1618 = arith.addi %mul3A_1528, %add3A_1617 : vector<16xi32>
        %gather3A_1619 = tpu.vector_load_idx %arg15[%add3A_1618] : memref<512xf32, #tpu.memory_space<vmem>>[vector<16xi32>], vector<16xf32>,
        %add3A_1620 = arith.constant 263 : i32
        %add3A_1621 = vector.broadcast %add3A_1620 : i32 to vector<16xi32>
        %add3A_1622 = arith.addi %mul3A_1528, %add3A_1621 : vector<16xi32>
        %gather3A_1623 = tpu.vector_load_idx %arg15[%add3A_1622] : memref<512xf32, #tpu.memory_space<vmem>>[vector<16xi32>], vector<16xf32>,
        %add3A_1624 = arith.constant 264 : i32
        %add3A_1625 = vector.broadcast %add3A_1624 : i32 to vector<16xi32>
        %add3A_1626 = arith.addi %mul3A_1528, %add3A_1625 : vector<16xi32>
        %gather3A_1627 = tpu.vector_load_idx %arg15[%add3A_1626] : memref<512xf32, #tpu.memory_space<vmem>>[vector<16xi32>], vector<16xf32>,
        %add3A_1628 = arith.constant 265 : i32
        %add3A_1629 = vector.broadcast %add3A_1628 : i32 to vector<16xi32>
        %add3A_1630 = arith.addi %mul3A_1528, %add3A_1629 : vector<16xi32>
        %gather3A_1631 = tpu.vector_load_idx %arg15[%add3A_1630] : memref<512xf32, #tpu.memory_space<vmem>>[vector<16xi32>], vector<16xf32>,
        %add3A_1632 = arith.constant 266 : i32
        %add3A_1633 = vector.broadcast %add3A_1632 : i32 to vector<16xi32>
        %add3A_1634 = arith.addi %mul3A_1528, %add3A_1633 : vector<16xi32>
        %gather3A_1635 = tpu.vector_load_idx %arg15[%add3A_1634] : memref<512xf32, #tpu.memory_space<vmem>>[vector<16xi32>], vector<16xf32>,
        %add3A_1636 = arith.constant 267 : i32
        %add3A_1637 = vector.broadcast %add3A_1636 : i32 to vector<16xi32>
        %add3A_1638 = arith.addi %mul3A_1528, %add3A_1637 : vector<16xi32>
        %gather3A_1639 = tpu.vector_load_idx %arg15[%add3A_1638] : memref<512xf32, #tpu.memory_space<vmem>>[vector<16xi32>], vector<16xf32>,
        %add3A_1640 = arith.constant 268 : i32
        %add3A_1641 = vector.broadcast %add3A_1640 : i32 to vector<16xi32>
        %add3A_1642 = arith.addi %mul3A_1528, %add3A_1641 : vector<16xi32>
        %gather3A_1643 = tpu.vector_load_idx %arg15[%add3A_1642] : memref<512xf32, #tpu.memory_space<vmem>>[vector<16xi32>], vector<16xf32>,
        %add3A_1644 = arith.constant 269 : i32
        %add3A_1645 = vector.broadcast %add3A_1644 : i32 to vector<16xi32>
        %add3A_1646 = arith.addi %mul3A_1528, %add3A_1645 : vector<16xi32>
        %gather3A_1647 = tpu.vector_load_idx %arg15[%add3A_1646] : memref<512xf32, #tpu.memory_space<vmem>>[vector<16xi32>], vector<16xf32>,
        %add3A_1648 = arith.constant 270 : i32
        %add3A_1649 = vector.broadcast %add3A_1648 : i32 to vector<16xi32>
        %add3A_1650 = arith.addi %mul3A_1528, %add3A_1649 : vector<16xi32>
        %gather3A_1651 = tpu.vector_load_idx %arg15[%add3A_1650] : memref<512xf32, #tpu.memory_space<vmem>>[vector<16xi32>], vector<16xf32>,
        %add3A_1652 = arith.constant 271 : i32
        %add3A_1653 = vector.broadcast %add3A_1652 : i32 to vector<16xi32>
        %add3A_1654 = arith.addi %mul3A_1528, %add3A_1653 : vector<16xi32>
        %gather3A_1655 = tpu.vector_load_idx %arg15[%add3A_1654] : memref<512xf32, #tpu.memory_space<vmem>>[vector<16xi32>], vector<16xf32>,
        %add3A_1656 = arith.addf %gather3A, %gather3A_1535 : vector<16xf32>
        %add3A_1657 = arith.addf %gather3A_1539, %gather3A_1543 : vector<16xf32>
        %add3A_1658 = arith.addf %gather3A_1547, %gather3A_1551 : vector<16xf32>
        %add3A_1659 = arith.addf %gather3A_1555, %gather3A_1559 : vector<16xf32>
        %add3A_1660 = arith.addf %gather3A_1563, %gather3A_1567 : vector<16xf32>
        %add3A_1661 = arith.addf %gather3A_1571, %gather3A_1575 : vector<16xf32>
        %add3A_1662 = arith.addf %gather3A_1579, %gather3A_1583 : vector<16xf32>
        %add3A_1663 = arith.addf %gather3A_1587, %gather3A_1591 : vector<16xf32>
        %add3A_1664 = arith.addf %gather3A_1595, %gather3A_1599 : vector<16xf32>
        %add3A_1665 = arith.addf %gather3A_1603, %gather3A_1607 : vector<16xf32>
        %add3A_1666 = arith.addf %gather3A_1611, %gather3A_1615 : vector<16xf32>
        %add3A_1667 = arith.addf %gather3A_1619, %gather3A_1623 : vector<16xf32>
        %add3A_1668 = arith.addf %gather3A_1627, %gather3A_1631 : vector<16xf32>
        %add3A_1669 = arith.addf %gather3A_1635, %gather3A_1639 : vector<16xf32>
        %add3A_1670 = arith.addf %gather3A_1643, %gather3A_1647 : vector<16xf32>
        %add3A_1671 = arith.addf %gather3A_1651, %gather3A_1655 : vector<16xf32>
        %add3A_1672 = arith.addf %add3A_1656, %add3A_1657 : vector<16xf32>
        %add3A_1673 = arith.addf %add3A_1658, %add3A_1659 : vector<16xf32>
        %add3A_1674 = arith.addf %add3A_1660, %add3A_1661 : vector<16xf32>
        %add3A_1675 = arith.addf %add3A_1662, %add3A_1663 : vector<16xf32>
        %add3A_1676 = arith.addf %add3A_1664, %add3A_1665 : vector<16xf32>
        %add3A_1677 = arith.addf %add3A_1666, %add3A_1667 : vector<16xf32>
        %add3A_1678 = arith.addf %add3A_1668, %add3A_1669 : vector<16xf32>
        %add3A_1679 = arith.addf %add3A_1670, %add3A_1671 : vector<16xf32>
        %add3A_1680 = arith.addf %add3A_1672, %add3A_1673 : vector<16xf32>
        %add3A_1681 = arith.addf %add3A_1674, %add3A_1675 : vector<16xf32>
        %add3A_1682 = arith.addf %add3A_1676, %add3A_1677 : vector<16xf32>
        %add3A_1683 = arith.addf %add3A_1678, %add3A_1679 : vector<16xf32>
        %add3A_1684 = arith.addf %add3A_1680, %add3A_1681 : vector<16xf32>
        %add3A_1685 = arith.addf %add3A_1682, %add3A_1683 : vector<16xf32>
        %mul3A_1686 = arith.constant 240 : i32
        %mul3A_1687 = arith.muli %mul3A_49, %mul3A_1686 : i32
        %mul3A_1688 = arith.constant 30 : i32
        %mul3A_1689 = arith.muli %scan3A_152, %mul3A_1688 : i32
        %add3A_1690 = arith.addi %mul3A_1687, %mul3A_1689 : i32
        %add3A_1691 = vector.broadcast %add3A_1690 : i32 to vector<16xi32>
        %add3A_1692 = arith.addi %add3A_1691, %iota3A : vector<16xi32>
        %gather3A_1693 = tpu.vector_load_idx %arg8[%add3A_1692] : memref<3840xi32, #tpu.memory_space<vmem>>[vector<16xi32>], vector<16xi32>,
        %eq3A = arith.constant 0 : i32
        %eq3A_1694 = vector.broadcast %eq3A : i32 to vector<16xi32>
        %eq3A_1695 = arith.cmpi eq, %gather3A_1693, %eq3A_1694 : vector<16xi32>
        %lt3A_1696 = arith.constant 10 : i32
        %lt3A_1697 = vector.broadcast %lt3A_1696 : i32 to vector<16xi32>
        %lt3A_1698 = arith.cmpi slt, %iota3A, %lt3A_1697 : vector<16xi32>
        %and3A = arith.andi %eq3A_1695, %lt3A_1698 : vector<16xi1>
        %jit3A = arith.constant 0x7F800000 : f32
        %broadcast_in_dim3A_1699 = vector.broadcast %jit3A : f32 to vector<16xf32>
        %select_n3A = arith.select %and3A, %broadcast_in_dim3A_1699, %add3A_1684 : vector<16xi1>, vector<16xf32>
        %mul3A_1700 = arith.constant 32 : i32
        %mul3A_1701 = arith.muli %scan3A_152, %mul3A_1700 : i32
        %multiple_of3A_1702 = tpu.assume_multiple %mul3A_1701, 32 : i32
        %swap3A_1703 = arith.index_cast %multiple_of3A_1702 : i32 to index
        %swap3A_1704 = tpu.vector_load %arg11[%swap3A_1703] {strides = array<i32>} : memref<256xf32, #tpu.memory_space<vmem>>, vector<16xf32>,
        tpu.vector_store %arg11[%swap3A_1703], %select_n3A {strides = array<i32>} : memref<256xf32, #tpu.memory_space<vmem>>, vector<16xf32>,
        %mul3A_1705 = arith.constant 32 : i32
        %mul3A_1706 = arith.muli %scan3A_152, %mul3A_1705 : i32
        %add3A_1707 = arith.constant 16 : i32
        %add3A_1708 = arith.addi %mul3A_1706, %add3A_1707 : i32
        %multiple_of3A_1709 = tpu.assume_multiple %add3A_1708, 16 : i32
        %swap3A_1710 = arith.index_cast %multiple_of3A_1709 : i32 to index
        %swap3A_1711 = tpu.vector_load %arg11[%swap3A_1710] {strides = array<i32>} : memref<256xf32, #tpu.memory_space<vmem>>, vector<16xf32>,
        tpu.vector_store %arg11[%swap3A_1710], %add3A_1685 {strides = array<i32>} : memref<256xf32, #tpu.memory_space<vmem>>, vector<16xf32>,
      }
      %scan3A_105 = arith.constant 8 : i32
      %mul3A_106 = arith.constant 32 : i32
      %mul3A_107 = arith.muli %add3A_99, %mul3A_106 : i32
      %multiple_of3A_108 = tpu.assume_multiple %mul3A_107, 256 : i32
      %dma_start3A_109 = tpu.memref_slice %arg6[%multiple_of3A_108] : memref<131072xf32, #tpu.memory_space<hbm>> -> memref<256xf32, #tpu.memory_space<hbm>>
      %dma_start3A_110 = tpu.memref_slice %arg6[%multiple_of3A_108] : memref<131072xf32, #tpu.memory_space<hbm>> -> memref<256xf32, #tpu.memory_space<hbm>>
      tpu.enqueue_dma source(%arg11 : memref<256xf32, #tpu.memory_space<vmem>>) target(%dma_start3A_110 : memref<256xf32, #tpu.memory_space<hbm>>) target_semaphore(%arg18 : memref<!tpu.dma_semaphore, #tpu.memory_space<semaphore_mem>>)
      %add3A_111 = arith.constant 2 : i32
      %add3A_112 = arith.addi %mul3A_49, %add3A_111 : i32
      %lt3A = arith.constant 16 : i32
      %lt3A_113 = arith.cmpi slt, %add3A_112, %lt3A : i32
      %convert_element_type3A_114 = arith.extui %lt3A_113 : i1 to i32
      %cond3A_115 = arith.constant 0 : i32
      %cond3A_116 = arith.cmpi ne, %convert_element_type3A_114, %cond3A_115 : i32
      scf.if %cond3A_116 {
        %add3A_152 = arith.constant 2 : i32
        %add3A_153 = arith.addi %mul3A_49, %add3A_152 : i32
        %mul3A_154 = arith.constant 240 : i32
        %mul3A_155 = arith.muli %add3A_153, %mul3A_154 : i32
        %multiple_of3A_156 = tpu.assume_multiple %mul3A_155, 240 : i32
        %dma_start3A_157 = arith.constant 0 : i32
        %dma_start3A_158 = arith.constant 0 : i32
        %dma_start3A_159 = tpu.memref_slice %arg10[%dma_start3A_157, %dma_start3A_158] : memref<240x128xf32, #tpu.memory_space<vmem>> -> memref<120x128xf32, #tpu.memory_space<vmem>>
        %dma_start3A_160 = tpu.memref_slice %arg8[%multiple_of3A_156] : memref<3840xi32, #tpu.memory_space<vmem>> -> memref<120xi32, #tpu.memory_space<vmem>>
        %dma_start3A_161 = arith.constant 0 : i32
        %dma_start3A_162 = arith.constant 0 : i32
        %dma_start3A_163 = tpu.memref_slice %arg5[%dma_start3A_161, %dma_start3A_162] : memref<100000x128xf32, #tpu.memory_space<hbm>> -> memref<100000x128xf32, #tpu.memory_space<hbm>>
        tpu.enqueue_indirect_dma source(%dma_start3A_163 : memref<100000x128xf32, #tpu.memory_space<hbm>>) target(%dma_start3A_159 : memref<120x128xf32, #tpu.memory_space<vmem>>) offsets(%dma_start3A_160 : memref<120xi32, #tpu.memory_space<vmem>>) semaphore(%arg16 : memref<!tpu.dma_semaphore, #tpu.memory_space<semaphore_mem>>)
        %mul3A_164 = arith.constant 240 : i32
        %mul3A_165 = arith.muli %add3A_153, %mul3A_164 : i32
        %add3A_166 = arith.constant 120 : i32
        %add3A_167 = arith.addi %mul3A_165, %add3A_166 : i32
        %multiple_of3A_168 = tpu.assume_multiple %add3A_167, 120 : i32
        %dma_start3A_169 = arith.constant 120 : i32
        %dma_start3A_170 = arith.constant 0 : i32
        %dma_start3A_171 = tpu.memref_slice %arg10[%dma_start3A_169, %dma_start3A_170] : memref<240x128xf32, #tpu.memory_space<vmem>> -> memref<120x128xf32, #tpu.memory_space<vmem>>
        %dma_start3A_172 = tpu.memref_slice %arg8[%multiple_of3A_168] : memref<3840xi32, #tpu.memory_space<vmem>> -> memref<120xi32, #tpu.memory_space<vmem>>
        %dma_start3A_173 = arith.constant 0 : i32
        %dma_start3A_174 = arith.constant 0 : i32
        %dma_start3A_175 = tpu.memref_slice %arg5[%dma_start3A_173, %dma_start3A_174] : memref<100000x128xf32, #tpu.memory_space<hbm>> -> memref<100000x128xf32, #tpu.memory_space<hbm>>
        tpu.enqueue_indirect_dma source(%dma_start3A_175 : memref<100000x128xf32, #tpu.memory_space<hbm>>) target(%dma_start3A_171 : memref<120x128xf32, #tpu.memory_space<vmem>>) offsets(%dma_start3A_172 : memref<120xi32, #tpu.memory_space<vmem>>) semaphore(%arg16 : memref<!tpu.dma_semaphore, #tpu.memory_space<semaphore_mem>>)
        %mul3A_176 = arith.constant 8 : i32
        %mul3A_177 = arith.muli %add3A_153, %mul3A_176 : i32
        %multiple_of3A_178 = tpu.assume_multiple %mul3A_177, 8 : i32
        %dma_start3A_179 = tpu.memref_slice %arg7[%multiple_of3A_178] : memref<128xi32, #tpu.memory_space<vmem>> -> memref<8xi32, #tpu.memory_space<vmem>>
        %dma_start3A_180 = arith.constant 0 : i32
        %dma_start3A_181 = arith.constant 0 : i32
        %dma_start3A_182 = tpu.memref_slice %arg4[%dma_start3A_180, %dma_start3A_181] : memref<100000x128xf32, #tpu.memory_space<hbm>> -> memref<100000x128xf32, #tpu.memory_space<hbm>>
        tpu.enqueue_indirect_dma source(%dma_start3A_182 : memref<100000x128xf32, #tpu.memory_space<hbm>>) target(%arg9 : memref<8x128xf32, #tpu.memory_space<vmem>>) offsets(%dma_start3A_179 : memref<8xi32, #tpu.memory_space<vmem>>) semaphore(%arg17 : memref<!tpu.dma_semaphore, #tpu.memory_space<semaphore_mem>>)
      } else {
      }
      %dma_wait3A_117 = arith.constant 0 : i32
      %dma_wait3A_118 = arith.constant 0 : i32
      %dma_wait3A_119 = tpu.memref_slice %arg5[%dma_wait3A_117, %dma_wait3A_118] : memref<100000x128xf32, #tpu.memory_space<hbm>> -> memref<240x128xf32, #tpu.memory_space<hbm>>
      %dma_wait3A_120 = arith.constant 0 : i32
      %dma_wait3A_121 = arith.constant 0 : i32
      %dma_wait3A_122 = tpu.memref_slice %arg5[%dma_wait3A_120, %dma_wait3A_121] : memref<100000x128xf32, #tpu.memory_space<hbm>> -> memref<240x128xf32, #tpu.memory_space<hbm>>
      tpu.wait_dma2 semaphore(%arg19 : memref<!tpu.dma_semaphore, #tpu.memory_space<semaphore_mem>>) src(%dma_wait3A_122 : memref<240x128xf32, #tpu.memory_space<hbm>>) dst(%arg13 : memref<240x128xf32, #tpu.memory_space<vmem>>)
      %dma_wait3A_123 = arith.constant 0 : i32
      %dma_wait3A_124 = arith.constant 0 : i32
      %dma_wait3A_125 = tpu.memref_slice %arg4[%dma_wait3A_123, %dma_wait3A_124] : memref<100000x128xf32, #tpu.memory_space<hbm>> -> memref<8x128xf32, #tpu.memory_space<hbm>>
      %dma_wait3A_126 = arith.constant 0 : i32
      %dma_wait3A_127 = arith.constant 0 : i32
      %dma_wait3A_128 = tpu.memref_slice %arg4[%dma_wait3A_126, %dma_wait3A_127] : memref<100000x128xf32, #tpu.memory_space<hbm>> -> memref<8x128xf32, #tpu.memory_space<hbm>>
      tpu.wait_dma2 semaphore(%arg20 : memref<!tpu.dma_semaphore, #tpu.memory_space<semaphore_mem>>) src(%dma_wait3A_128 : memref<8x128xf32, #tpu.memory_space<hbm>>) dst(%arg12 : memref<8x128xf32, #tpu.memory_space<vmem>>)
      %ge3A_129 = arith.constant 2 : i32
      %ge3A_130 = arith.cmpi sge, %mul3A_49, %ge3A_129 : i32
      %convert_element_type3A_131 = arith.extui %ge3A_130 : i1 to i32
      %cond3A_132 = arith.constant 0 : i32
      %cond3A_133 = arith.cmpi ne, %convert_element_type3A_131, %cond3A_132 : i32
      scf.if %cond3A_133 {
        %dma_wait3A_152 = arith.constant 0 : i32
        %dma_wait3A_153 = tpu.memref_slice %arg6[%dma_wait3A_152] : memref<131072xf32, #tpu.memory_space<hbm>> -> memref<256xf32, #tpu.memory_space<hbm>>
        %dma_wait3A_154 = arith.constant 0 : i32
        %dma_wait3A_155 = tpu.memref_slice %arg6[%dma_wait3A_154] : memref<131072xf32, #tpu.memory_space<hbm>> -> memref<256xf32, #tpu.memory_space<hbm>>
        tpu.wait_dma2 semaphore(%arg21 : memref<!tpu.dma_semaphore, #tpu.memory_space<semaphore_mem>>) src(%arg14 : memref<256xf32, #tpu.memory_space<vmem>>) dst(%dma_wait3A_155 : memref<256xf32, #tpu.memory_space<hbm>>)
      } else {
      }
      %add3A_134 = arith.constant 1 : i32
      %add3A_135 = arith.addi %mul3A_49, %add3A_134 : i32
      %mul3A_136 = arith.constant 128 : i32
      %mul3A_137 = arith.muli %add3A, %mul3A_136 : i32
      %mul3A_138 = arith.constant 8 : i32
      %mul3A_139 = arith.muli %add3A_135, %mul3A_138 : i32
      %add3A_140 = arith.addi %mul3A_137, %mul3A_139 : i32
      %scan3A_141 = arith.constant 0 : i32
      %scan3A_142 = arith.constant 0 : i32
      %scan3A_143 = arith.constant 8 : i32
      %scan3A_144 = arith.addi %scan3A_142, %scan3A_143 : i32
      %scan3A_145 = arith.constant 1 : i32
      scf.for %scan3A_152 = %scan3A_142 to %scan3A_144 step %scan3A_145  : i32 {
        %get3A = arith.index_cast %scan3A_152 : i32 to index
        %get3A_153 = arith.constant 0 : index
        %get3A_154 = tpu.vector_load %arg12[%get3A, %get3A_153] {strides = array<i32>} : memref<8x128xf32, #tpu.memory_space<vmem>>, vector<16xf32>,
        %get3A_155 = arith.index_cast %scan3A_152 : i32 to index
        %get3A_156 = arith.constant 16 : index
        %get3A_157 = tpu.vector_load %arg12[%get3A_155, %get3A_156] {strides = array<i32>} : memref<8x128xf32, #tpu.memory_space<vmem>>, vector<16xf32>,
        %get3A_158 = arith.index_cast %scan3A_152 : i32 to index
        %get3A_159 = arith.constant 32 : index
        %get3A_160 = tpu.vector_load %arg12[%get3A_158, %get3A_159] {strides = array<i32>} : memref<8x128xf32, #tpu.memory_space<vmem>>, vector<16xf32>,
        %get3A_161 = arith.index_cast %scan3A_152 : i32 to index
        %get3A_162 = arith.constant 48 : index
        %get3A_163 = tpu.vector_load %arg12[%get3A_161, %get3A_162] {strides = array<i32>} : memref<8x128xf32, #tpu.memory_space<vmem>>, vector<16xf32>,
        %get3A_164 = arith.index_cast %scan3A_152 : i32 to index
        %get3A_165 = arith.constant 64 : index
        %get3A_166 = tpu.vector_load %arg12[%get3A_164, %get3A_165] {strides = array<i32>} : memref<8x128xf32, #tpu.memory_space<vmem>>, vector<16xf32>,
        %get3A_167 = arith.index_cast %scan3A_152 : i32 to index
        %get3A_168 = arith.constant 80 : index
        %get3A_169 = tpu.vector_load %arg12[%get3A_167, %get3A_168] {strides = array<i32>} : memref<8x128xf32, #tpu.memory_space<vmem>>, vector<16xf32>,
        %get3A_170 = arith.index_cast %scan3A_152 : i32 to index
        %get3A_171 = arith.constant 96 : index
        %get3A_172 = tpu.vector_load %arg12[%get3A_170, %get3A_171] {strides = array<i32>} : memref<8x128xf32, #tpu.memory_space<vmem>>, vector<16xf32>,
        %get3A_173 = arith.index_cast %scan3A_152 : i32 to index
        %get3A_174 = arith.constant 112 : index
        %get3A_175 = tpu.vector_load %arg12[%get3A_173, %get3A_174] {strides = array<i32>} : memref<8x128xf32, #tpu.memory_space<vmem>>, vector<16xf32>,
        %mul3A_176 = arith.constant 30 : i32
        %mul3A_177 = arith.muli %scan3A_152, %mul3A_176 : i32
        %add3A_178 = arith.constant 0 : i32
        %add3A_179 = arith.addi %mul3A_177, %add3A_178 : i32
        %get3A_180 = arith.index_cast %add3A_179 : i32 to index
        %get3A_181 = arith.constant 0 : index
        %get3A_182 = tpu.vector_load %arg13[%get3A_180, %get3A_181] {strides = array<i32>} : memref<240x128xf32, #tpu.memory_space<vmem>>, vector<16xf32>,
        %get3A_183 = arith.index_cast %add3A_179 : i32 to index
        %get3A_184 = arith.constant 16 : index
        %get3A_185 = tpu.vector_load %arg13[%get3A_183, %get3A_184] {strides = array<i32>} : memref<240x128xf32, #tpu.memory_space<vmem>>, vector<16xf32>,
        %get3A_186 = arith.index_cast %add3A_179 : i32 to index
        %get3A_187 = arith.constant 32 : index
        %get3A_188 = tpu.vector_load %arg13[%get3A_186, %get3A_187] {strides = array<i32>} : memref<240x128xf32, #tpu.memory_space<vmem>>, vector<16xf32>,
        %get3A_189 = arith.index_cast %add3A_179 : i32 to index
        %get3A_190 = arith.constant 48 : index
        %get3A_191 = tpu.vector_load %arg13[%get3A_189, %get3A_190] {strides = array<i32>} : memref<240x128xf32, #tpu.memory_space<vmem>>, vector<16xf32>,
        %get3A_192 = arith.index_cast %add3A_179 : i32 to index
        %get3A_193 = arith.constant 64 : index
        %get3A_194 = tpu.vector_load %arg13[%get3A_192, %get3A_193] {strides = array<i32>} : memref<240x128xf32, #tpu.memory_space<vmem>>, vector<16xf32>,
        %get3A_195 = arith.index_cast %add3A_179 : i32 to index
        %get3A_196 = arith.constant 80 : index
        %get3A_197 = tpu.vector_load %arg13[%get3A_195, %get3A_196] {strides = array<i32>} : memref<240x128xf32, #tpu.memory_space<vmem>>, vector<16xf32>,
        %get3A_198 = arith.index_cast %add3A_179 : i32 to index
        %get3A_199 = arith.constant 96 : index
        %get3A_200 = tpu.vector_load %arg13[%get3A_198, %get3A_199] {strides = array<i32>} : memref<240x128xf32, #tpu.memory_space<vmem>>, vector<16xf32>,
        %get3A_201 = arith.index_cast %add3A_179 : i32 to index
        %get3A_202 = arith.constant 112 : index
        %get3A_203 = tpu.vector_load %arg13[%get3A_201, %get3A_202] {strides = array<i32>} : memref<240x128xf32, #tpu.memory_space<vmem>>, vector<16xf32>,
        %mul3A_204 = arith.constant 30 : i32
        %mul3A_205 = arith.muli %scan3A_152, %mul3A_204 : i32
        %add3A_206 = arith.constant 1 : i32
        %add3A_207 = arith.addi %mul3A_205, %add3A_206 : i32
        %get3A_208 = arith.index_cast %add3A_207 : i32 to index
        %get3A_209 = arith.constant 0 : index
        %get3A_210 = tpu.vector_load %arg13[%get3A_208, %get3A_209] {strides = array<i32>} : memref<240x128xf32, #tpu.memory_space<vmem>>, vector<16xf32>,
        %get3A_211 = arith.index_cast %add3A_207 : i32 to index
        %get3A_212 = arith.constant 16 : index
        %get3A_213 = tpu.vector_load %arg13[%get3A_211, %get3A_212] {strides = array<i32>} : memref<240x128xf32, #tpu.memory_space<vmem>>, vector<16xf32>,
        %get3A_214 = arith.index_cast %add3A_207 : i32 to index
        %get3A_215 = arith.constant 32 : index
        %get3A_216 = tpu.vector_load %arg13[%get3A_214, %get3A_215] {strides = array<i32>} : memref<240x128xf32, #tpu.memory_space<vmem>>, vector<16xf32>,
        %get3A_217 = arith.index_cast %add3A_207 : i32 to index
        %get3A_218 = arith.constant 48 : index
        %get3A_219 = tpu.vector_load %arg13[%get3A_217, %get3A_218] {strides = array<i32>} : memref<240x128xf32, #tpu.memory_space<vmem>>, vector<16xf32>,
        %get3A_220 = arith.index_cast %add3A_207 : i32 to index
        %get3A_221 = arith.constant 64 : index
        %get3A_222 = tpu.vector_load %arg13[%get3A_220, %get3A_221] {strides = array<i32>} : memref<240x128xf32, #tpu.memory_space<vmem>>, vector<16xf32>,
        %get3A_223 = arith.index_cast %add3A_207 : i32 to index
        %get3A_224 = arith.constant 80 : index
        %get3A_225 = tpu.vector_load %arg13[%get3A_223, %get3A_224] {strides = array<i32>} : memref<240x128xf32, #tpu.memory_space<vmem>>, vector<16xf32>,
        %get3A_226 = arith.index_cast %add3A_207 : i32 to index
        %get3A_227 = arith.constant 96 : index
        %get3A_228 = tpu.vector_load %arg13[%get3A_226, %get3A_227] {strides = array<i32>} : memref<240x128xf32, #tpu.memory_space<vmem>>, vector<16xf32>,
        %get3A_229 = arith.index_cast %add3A_207 : i32 to index
        %get3A_230 = arith.constant 112 : index
        %get3A_231 = tpu.vector_load %arg13[%get3A_229, %get3A_230] {strides = array<i32>} : memref<240x128xf32, #tpu.memory_space<vmem>>, vector<16xf32>,
        %mul3A_232 = arith.mulf %get3A_182, %get3A_154 : vector<16xf32>
        %mul3A_233 = arith.mulf %get3A_185, %get3A_157 : vector<16xf32>
        %mul3A_234 = arith.mulf %get3A_188, %get3A_160 : vector<16xf32>
        %mul3A_235 = arith.mulf %get3A_191, %get3A_163 : vector<16xf32>
        %mul3A_236 = arith.mulf %get3A_194, %get3A_166 : vector<16xf32>
        %mul3A_237 = arith.mulf %get3A_197, %get3A_169 : vector<16xf32>
        %mul3A_238 = arith.mulf %get3A_200, %get3A_172 : vector<16xf32>
        %mul3A_239 = arith.mulf %get3A_203, %get3A_175 : vector<16xf32>
        %add3A_240 = arith.addf %mul3A_232, %mul3A_233 : vector<16xf32>
        %add3A_241 = arith.addf %mul3A_234, %mul3A_235 : vector<16xf32>
        %add3A_242 = arith.addf %add3A_240, %add3A_241 : vector<16xf32>
        %add3A_243 = arith.addf %mul3A_236, %mul3A_237 : vector<16xf32>
        %add3A_244 = arith.addf %mul3A_238, %mul3A_239 : vector<16xf32>
        %add3A_245 = arith.addf %add3A_243, %add3A_244 : vector<16xf32>
        %add3A_246 = arith.addf %add3A_242, %add3A_245 : vector<16xf32>
        %swap3A_247 = arith.constant 0 : index
        %swap3A_248 = tpu.vector_load %arg15[%swap3A_247] {strides = array<i32>} : memref<512xf32, #tpu.memory_space<vmem>>, vector<16xf32>,
        tpu.vector_store %arg15[%swap3A_247], %add3A_246 {strides = array<i32>} : memref<512xf32, #tpu.memory_space<vmem>>, vector<16xf32>,
        %mul3A_249 = arith.constant 30 : i32
        %mul3A_250 = arith.muli %scan3A_152, %mul3A_249 : i32
        %add3A_251 = arith.constant 2 : i32
        %add3A_252 = arith.addi %mul3A_250, %add3A_251 : i32
        %get3A_253 = arith.index_cast %add3A_252 : i32 to index
        %get3A_254 = arith.constant 0 : index
        %get3A_255 = tpu.vector_load %arg13[%get3A_253, %get3A_254] {strides = array<i32>} : memref<240x128xf32, #tpu.memory_space<vmem>>, vector<16xf32>,
        %get3A_256 = arith.index_cast %add3A_252 : i32 to index
        %get3A_257 = arith.constant 16 : index
        %get3A_258 = tpu.vector_load %arg13[%get3A_256, %get3A_257] {strides = array<i32>} : memref<240x128xf32, #tpu.memory_space<vmem>>, vector<16xf32>,
        %get3A_259 = arith.index_cast %add3A_252 : i32 to index
        %get3A_260 = arith.constant 32 : index
        %get3A_261 = tpu.vector_load %arg13[%get3A_259, %get3A_260] {strides = array<i32>} : memref<240x128xf32, #tpu.memory_space<vmem>>, vector<16xf32>,
        %get3A_262 = arith.index_cast %add3A_252 : i32 to index
        %get3A_263 = arith.constant 48 : index
        %get3A_264 = tpu.vector_load %arg13[%get3A_262, %get3A_263] {strides = array<i32>} : memref<240x128xf32, #tpu.memory_space<vmem>>, vector<16xf32>,
        %get3A_265 = arith.index_cast %add3A_252 : i32 to index
        %get3A_266 = arith.constant 64 : index
        %get3A_267 = tpu.vector_load %arg13[%get3A_265, %get3A_266] {strides = array<i32>} : memref<240x128xf32, #tpu.memory_space<vmem>>, vector<16xf32>,
        %get3A_268 = arith.index_cast %add3A_252 : i32 to index
        %get3A_269 = arith.constant 80 : index
        %get3A_270 = tpu.vector_load %arg13[%get3A_268, %get3A_269] {strides = array<i32>} : memref<240x128xf32, #tpu.memory_space<vmem>>, vector<16xf32>,
        %get3A_271 = arith.index_cast %add3A_252 : i32 to index
        %get3A_272 = arith.constant 96 : index
        %get3A_273 = tpu.vector_load %arg13[%get3A_271, %get3A_272] {strides = array<i32>} : memref<240x128xf32, #tpu.memory_space<vmem>>, vector<16xf32>,
        %get3A_274 = arith.index_cast %add3A_252 : i32 to index
        %get3A_275 = arith.constant 112 : index
        %get3A_276 = tpu.vector_load %arg13[%get3A_274, %get3A_275] {strides = array<i32>} : memref<240x128xf32, #tpu.memory_space<vmem>>, vector<16xf32>,
        %mul3A_277 = arith.mulf %get3A_210, %get3A_154 : vector<16xf32>
        %mul3A_278 = arith.mulf %get3A_213, %get3A_157 : vector<16xf32>
        %mul3A_279 = arith.mulf %get3A_216, %get3A_160 : vector<16xf32>
        %mul3A_280 = arith.mulf %get3A_219, %get3A_163 : vector<16xf32>
        %mul3A_281 = arith.mulf %get3A_222, %get3A_166 : vector<16xf32>
        %mul3A_282 = arith.mulf %get3A_225, %get3A_169 : vector<16xf32>
        %mul3A_283 = arith.mulf %get3A_228, %get3A_172 : vector<16xf32>
        %mul3A_284 = arith.mulf %get3A_231, %get3A_175 : vector<16xf32>
        %add3A_285 = arith.addf %mul3A_277, %mul3A_278 : vector<16xf32>
        %add3A_286 = arith.addf %mul3A_279, %mul3A_280 : vector<16xf32>
        %add3A_287 = arith.addf %add3A_285, %add3A_286 : vector<16xf32>
        %add3A_288 = arith.addf %mul3A_281, %mul3A_282 : vector<16xf32>
        %add3A_289 = arith.addf %mul3A_283, %mul3A_284 : vector<16xf32>
        %add3A_290 = arith.addf %add3A_288, %add3A_289 : vector<16xf32>
        %add3A_291 = arith.addf %add3A_287, %add3A_290 : vector<16xf32>
        %swap3A_292 = arith.constant 16 : index
        %swap3A_293 = tpu.vector_load %arg15[%swap3A_292] {strides = array<i32>} : memref<512xf32, #tpu.memory_space<vmem>>, vector<16xf32>,
        tpu.vector_store %arg15[%swap3A_292], %add3A_291 {strides = array<i32>} : memref<512xf32, #tpu.memory_space<vmem>>, vector<16xf32>,
        %mul3A_294 = arith.constant 30 : i32
        %mul3A_295 = arith.muli %scan3A_152, %mul3A_294 : i32
        %add3A_296 = arith.constant 3 : i32
        %add3A_297 = arith.addi %mul3A_295, %add3A_296 : i32
        %get3A_298 = arith.index_cast %add3A_297 : i32 to index
        %get3A_299 = arith.constant 0 : index
        %get3A_300 = tpu.vector_load %arg13[%get3A_298, %get3A_299] {strides = array<i32>} : memref<240x128xf32, #tpu.memory_space<vmem>>, vector<16xf32>,
        %get3A_301 = arith.index_cast %add3A_297 : i32 to index
        %get3A_302 = arith.constant 16 : index
        %get3A_303 = tpu.vector_load %arg13[%get3A_301, %get3A_302] {strides = array<i32>} : memref<240x128xf32, #tpu.memory_space<vmem>>, vector<16xf32>,
        %get3A_304 = arith.index_cast %add3A_297 : i32 to index
        %get3A_305 = arith.constant 32 : index
        %get3A_306 = tpu.vector_load %arg13[%get3A_304, %get3A_305] {strides = array<i32>} : memref<240x128xf32, #tpu.memory_space<vmem>>, vector<16xf32>,
        %get3A_307 = arith.index_cast %add3A_297 : i32 to index
        %get3A_308 = arith.constant 48 : index
        %get3A_309 = tpu.vector_load %arg13[%get3A_307, %get3A_308] {strides = array<i32>} : memref<240x128xf32, #tpu.memory_space<vmem>>, vector<16xf32>,
        %get3A_310 = arith.index_cast %add3A_297 : i32 to index
        %get3A_311 = arith.constant 64 : index
        %get3A_312 = tpu.vector_load %arg13[%get3A_310, %get3A_311] {strides = array<i32>} : memref<240x128xf32, #tpu.memory_space<vmem>>, vector<16xf32>,
        %get3A_313 = arith.index_cast %add3A_297 : i32 to index
        %get3A_314 = arith.constant 80 : index
        %get3A_315 = tpu.vector_load %arg13[%get3A_313, %get3A_314] {strides = array<i32>} : memref<240x128xf32, #tpu.memory_space<vmem>>, vector<16xf32>,
        %get3A_316 = arith.index_cast %add3A_297 : i32 to index
        %get3A_317 = arith.constant 96 : index
        %get3A_318 = tpu.vector_load %arg13[%get3A_316, %get3A_317] {strides = array<i32>} : memref<240x128xf32, #tpu.memory_space<vmem>>, vector<16xf32>,
        %get3A_319 = arith.index_cast %add3A_297 : i32 to index
        %get3A_320 = arith.constant 112 : index
        %get3A_321 = tpu.vector_load %arg13[%get3A_319, %get3A_320] {strides = array<i32>} : memref<240x128xf32, #tpu.memory_space<vmem>>, vector<16xf32>,
        %mul3A_322 = arith.mulf %get3A_255, %get3A_154 : vector<16xf32>
        %mul3A_323 = arith.mulf %get3A_258, %get3A_157 : vector<16xf32>
        %mul3A_324 = arith.mulf %get3A_261, %get3A_160 : vector<16xf32>
        %mul3A_325 = arith.mulf %get3A_264, %get3A_163 : vector<16xf32>
        %mul3A_326 = arith.mulf %get3A_267, %get3A_166 : vector<16xf32>
        %mul3A_327 = arith.mulf %get3A_270, %get3A_169 : vector<16xf32>
        %mul3A_328 = arith.mulf %get3A_273, %get3A_172 : vector<16xf32>
        %mul3A_329 = arith.mulf %get3A_276, %get3A_175 : vector<16xf32>
        %add3A_330 = arith.addf %mul3A_322, %mul3A_323 : vector<16xf32>
        %add3A_331 = arith.addf %mul3A_324, %mul3A_325 : vector<16xf32>
        %add3A_332 = arith.addf %add3A_330, %add3A_331 : vector<16xf32>
        %add3A_333 = arith.addf %mul3A_326, %mul3A_327 : vector<16xf32>
        %add3A_334 = arith.addf %mul3A_328, %mul3A_329 : vector<16xf32>
        %add3A_335 = arith.addf %add3A_333, %add3A_334 : vector<16xf32>
        %add3A_336 = arith.addf %add3A_332, %add3A_335 : vector<16xf32>
        %swap3A_337 = arith.constant 32 : index
        %swap3A_338 = tpu.vector_load %arg15[%swap3A_337] {strides = array<i32>} : memref<512xf32, #tpu.memory_space<vmem>>, vector<16xf32>,
        tpu.vector_store %arg15[%swap3A_337], %add3A_336 {strides = array<i32>} : memref<512xf32, #tpu.memory_space<vmem>>, vector<16xf32>,
        %mul3A_339 = arith.constant 30 : i32
        %mul3A_340 = arith.muli %scan3A_152, %mul3A_339 : i32
        %add3A_341 = arith.constant 4 : i32
        %add3A_342 = arith.addi %mul3A_340, %add3A_341 : i32
        %get3A_343 = arith.index_cast %add3A_342 : i32 to index
        %get3A_344 = arith.constant 0 : index
        %get3A_345 = tpu.vector_load %arg13[%get3A_343, %get3A_344] {strides = array<i32>} : memref<240x128xf32, #tpu.memory_space<vmem>>, vector<16xf32>,
        %get3A_346 = arith.index_cast %add3A_342 : i32 to index
        %get3A_347 = arith.constant 16 : index
        %get3A_348 = tpu.vector_load %arg13[%get3A_346, %get3A_347] {strides = array<i32>} : memref<240x128xf32, #tpu.memory_space<vmem>>, vector<16xf32>,
        %get3A_349 = arith.index_cast %add3A_342 : i32 to index
        %get3A_350 = arith.constant 32 : index
        %get3A_351 = tpu.vector_load %arg13[%get3A_349, %get3A_350] {strides = array<i32>} : memref<240x128xf32, #tpu.memory_space<vmem>>, vector<16xf32>,
        %get3A_352 = arith.index_cast %add3A_342 : i32 to index
        %get3A_353 = arith.constant 48 : index
        %get3A_354 = tpu.vector_load %arg13[%get3A_352, %get3A_353] {strides = array<i32>} : memref<240x128xf32, #tpu.memory_space<vmem>>, vector<16xf32>,
        %get3A_355 = arith.index_cast %add3A_342 : i32 to index
        %get3A_356 = arith.constant 64 : index
        %get3A_357 = tpu.vector_load %arg13[%get3A_355, %get3A_356] {strides = array<i32>} : memref<240x128xf32, #tpu.memory_space<vmem>>, vector<16xf32>,
        %get3A_358 = arith.index_cast %add3A_342 : i32 to index
        %get3A_359 = arith.constant 80 : index
        %get3A_360 = tpu.vector_load %arg13[%get3A_358, %get3A_359] {strides = array<i32>} : memref<240x128xf32, #tpu.memory_space<vmem>>, vector<16xf32>,
        %get3A_361 = arith.index_cast %add3A_342 : i32 to index
        %get3A_362 = arith.constant 96 : index
        %get3A_363 = tpu.vector_load %arg13[%get3A_361, %get3A_362] {strides = array<i32>} : memref<240x128xf32, #tpu.memory_space<vmem>>, vector<16xf32>,
        %get3A_364 = arith.index_cast %add3A_342 : i32 to index
        %get3A_365 = arith.constant 112 : index
        %get3A_366 = tpu.vector_load %arg13[%get3A_364, %get3A_365] {strides = array<i32>} : memref<240x128xf32, #tpu.memory_space<vmem>>, vector<16xf32>,
        %mul3A_367 = arith.mulf %get3A_300, %get3A_154 : vector<16xf32>
        %mul3A_368 = arith.mulf %get3A_303, %get3A_157 : vector<16xf32>
        %mul3A_369 = arith.mulf %get3A_306, %get3A_160 : vector<16xf32>
        %mul3A_370 = arith.mulf %get3A_309, %get3A_163 : vector<16xf32>
        %mul3A_371 = arith.mulf %get3A_312, %get3A_166 : vector<16xf32>
        %mul3A_372 = arith.mulf %get3A_315, %get3A_169 : vector<16xf32>
        %mul3A_373 = arith.mulf %get3A_318, %get3A_172 : vector<16xf32>
        %mul3A_374 = arith.mulf %get3A_321, %get3A_175 : vector<16xf32>
        %add3A_375 = arith.addf %mul3A_367, %mul3A_368 : vector<16xf32>
        %add3A_376 = arith.addf %mul3A_369, %mul3A_370 : vector<16xf32>
        %add3A_377 = arith.addf %add3A_375, %add3A_376 : vector<16xf32>
        %add3A_378 = arith.addf %mul3A_371, %mul3A_372 : vector<16xf32>
        %add3A_379 = arith.addf %mul3A_373, %mul3A_374 : vector<16xf32>
        %add3A_380 = arith.addf %add3A_378, %add3A_379 : vector<16xf32>
        %add3A_381 = arith.addf %add3A_377, %add3A_380 : vector<16xf32>
        %swap3A_382 = arith.constant 48 : index
        %swap3A_383 = tpu.vector_load %arg15[%swap3A_382] {strides = array<i32>} : memref<512xf32, #tpu.memory_space<vmem>>, vector<16xf32>,
        tpu.vector_store %arg15[%swap3A_382], %add3A_381 {strides = array<i32>} : memref<512xf32, #tpu.memory_space<vmem>>, vector<16xf32>,
        %mul3A_384 = arith.constant 30 : i32
        %mul3A_385 = arith.muli %scan3A_152, %mul3A_384 : i32
        %add3A_386 = arith.constant 5 : i32
        %add3A_387 = arith.addi %mul3A_385, %add3A_386 : i32
        %get3A_388 = arith.index_cast %add3A_387 : i32 to index
        %get3A_389 = arith.constant 0 : index
        %get3A_390 = tpu.vector_load %arg13[%get3A_388, %get3A_389] {strides = array<i32>} : memref<240x128xf32, #tpu.memory_space<vmem>>, vector<16xf32>,
        %get3A_391 = arith.index_cast %add3A_387 : i32 to index
        %get3A_392 = arith.constant 16 : index
        %get3A_393 = tpu.vector_load %arg13[%get3A_391, %get3A_392] {strides = array<i32>} : memref<240x128xf32, #tpu.memory_space<vmem>>, vector<16xf32>,
        %get3A_394 = arith.index_cast %add3A_387 : i32 to index
        %get3A_395 = arith.constant 32 : index
        %get3A_396 = tpu.vector_load %arg13[%get3A_394, %get3A_395] {strides = array<i32>} : memref<240x128xf32, #tpu.memory_space<vmem>>, vector<16xf32>,
        %get3A_397 = arith.index_cast %add3A_387 : i32 to index
        %get3A_398 = arith.constant 48 : index
        %get3A_399 = tpu.vector_load %arg13[%get3A_397, %get3A_398] {strides = array<i32>} : memref<240x128xf32, #tpu.memory_space<vmem>>, vector<16xf32>,
        %get3A_400 = arith.index_cast %add3A_387 : i32 to index
        %get3A_401 = arith.constant 64 : index
        %get3A_402 = tpu.vector_load %arg13[%get3A_400, %get3A_401] {strides = array<i32>} : memref<240x128xf32, #tpu.memory_space<vmem>>, vector<16xf32>,
        %get3A_403 = arith.index_cast %add3A_387 : i32 to index
        %get3A_404 = arith.constant 80 : index
        %get3A_405 = tpu.vector_load %arg13[%get3A_403, %get3A_404] {strides = array<i32>} : memref<240x128xf32, #tpu.memory_space<vmem>>, vector<16xf32>,
        %get3A_406 = arith.index_cast %add3A_387 : i32 to index
        %get3A_407 = arith.constant 96 : index
        %get3A_408 = tpu.vector_load %arg13[%get3A_406, %get3A_407] {strides = array<i32>} : memref<240x128xf32, #tpu.memory_space<vmem>>, vector<16xf32>,
        %get3A_409 = arith.index_cast %add3A_387 : i32 to index
        %get3A_410 = arith.constant 112 : index
        %get3A_411 = tpu.vector_load %arg13[%get3A_409, %get3A_410] {strides = array<i32>} : memref<240x128xf32, #tpu.memory_space<vmem>>, vector<16xf32>,
        %mul3A_412 = arith.mulf %get3A_345, %get3A_154 : vector<16xf32>
        %mul3A_413 = arith.mulf %get3A_348, %get3A_157 : vector<16xf32>
        %mul3A_414 = arith.mulf %get3A_351, %get3A_160 : vector<16xf32>
        %mul3A_415 = arith.mulf %get3A_354, %get3A_163 : vector<16xf32>
        %mul3A_416 = arith.mulf %get3A_357, %get3A_166 : vector<16xf32>
        %mul3A_417 = arith.mulf %get3A_360, %get3A_169 : vector<16xf32>
        %mul3A_418 = arith.mulf %get3A_363, %get3A_172 : vector<16xf32>
        %mul3A_419 = arith.mulf %get3A_366, %get3A_175 : vector<16xf32>
        %add3A_420 = arith.addf %mul3A_412, %mul3A_413 : vector<16xf32>
        %add3A_421 = arith.addf %mul3A_414, %mul3A_415 : vector<16xf32>
        %add3A_422 = arith.addf %add3A_420, %add3A_421 : vector<16xf32>
        %add3A_423 = arith.addf %mul3A_416, %mul3A_417 : vector<16xf32>
        %add3A_424 = arith.addf %mul3A_418, %mul3A_419 : vector<16xf32>
        %add3A_425 = arith.addf %add3A_423, %add3A_424 : vector<16xf32>
        %add3A_426 = arith.addf %add3A_422, %add3A_425 : vector<16xf32>
        %swap3A_427 = arith.constant 64 : index
        %swap3A_428 = tpu.vector_load %arg15[%swap3A_427] {strides = array<i32>} : memref<512xf32, #tpu.memory_space<vmem>>, vector<16xf32>,
        tpu.vector_store %arg15[%swap3A_427], %add3A_426 {strides = array<i32>} : memref<512xf32, #tpu.memory_space<vmem>>, vector<16xf32>,
        %mul3A_429 = arith.constant 30 : i32
        %mul3A_430 = arith.muli %scan3A_152, %mul3A_429 : i32
        %add3A_431 = arith.constant 6 : i32
        %add3A_432 = arith.addi %mul3A_430, %add3A_431 : i32
        %get3A_433 = arith.index_cast %add3A_432 : i32 to index
        %get3A_434 = arith.constant 0 : index
        %get3A_435 = tpu.vector_load %arg13[%get3A_433, %get3A_434] {strides = array<i32>} : memref<240x128xf32, #tpu.memory_space<vmem>>, vector<16xf32>,
        %get3A_436 = arith.index_cast %add3A_432 : i32 to index
        %get3A_437 = arith.constant 16 : index
        %get3A_438 = tpu.vector_load %arg13[%get3A_436, %get3A_437] {strides = array<i32>} : memref<240x128xf32, #tpu.memory_space<vmem>>, vector<16xf32>,
        %get3A_439 = arith.index_cast %add3A_432 : i32 to index
        %get3A_440 = arith.constant 32 : index
        %get3A_441 = tpu.vector_load %arg13[%get3A_439, %get3A_440] {strides = array<i32>} : memref<240x128xf32, #tpu.memory_space<vmem>>, vector<16xf32>,
        %get3A_442 = arith.index_cast %add3A_432 : i32 to index
        %get3A_443 = arith.constant 48 : index
        %get3A_444 = tpu.vector_load %arg13[%get3A_442, %get3A_443] {strides = array<i32>} : memref<240x128xf32, #tpu.memory_space<vmem>>, vector<16xf32>,
        %get3A_445 = arith.index_cast %add3A_432 : i32 to index
        %get3A_446 = arith.constant 64 : index
        %get3A_447 = tpu.vector_load %arg13[%get3A_445, %get3A_446] {strides = array<i32>} : memref<240x128xf32, #tpu.memory_space<vmem>>, vector<16xf32>,
        %get3A_448 = arith.index_cast %add3A_432 : i32 to index
        %get3A_449 = arith.constant 80 : index
        %get3A_450 = tpu.vector_load %arg13[%get3A_448, %get3A_449] {strides = array<i32>} : memref<240x128xf32, #tpu.memory_space<vmem>>, vector<16xf32>,
        %get3A_451 = arith.index_cast %add3A_432 : i32 to index
        %get3A_452 = arith.constant 96 : index
        %get3A_453 = tpu.vector_load %arg13[%get3A_451, %get3A_452] {strides = array<i32>} : memref<240x128xf32, #tpu.memory_space<vmem>>, vector<16xf32>,
        %get3A_454 = arith.index_cast %add3A_432 : i32 to index
        %get3A_455 = arith.constant 112 : index
        %get3A_456 = tpu.vector_load %arg13[%get3A_454, %get3A_455] {strides = array<i32>} : memref<240x128xf32, #tpu.memory_space<vmem>>, vector<16xf32>,
        %mul3A_457 = arith.mulf %get3A_390, %get3A_154 : vector<16xf32>
        %mul3A_458 = arith.mulf %get3A_393, %get3A_157 : vector<16xf32>
        %mul3A_459 = arith.mulf %get3A_396, %get3A_160 : vector<16xf32>
        %mul3A_460 = arith.mulf %get3A_399, %get3A_163 : vector<16xf32>
        %mul3A_461 = arith.mulf %get3A_402, %get3A_166 : vector<16xf32>
        %mul3A_462 = arith.mulf %get3A_405, %get3A_169 : vector<16xf32>
        %mul3A_463 = arith.mulf %get3A_408, %get3A_172 : vector<16xf32>
        %mul3A_464 = arith.mulf %get3A_411, %get3A_175 : vector<16xf32>
        %add3A_465 = arith.addf %mul3A_457, %mul3A_458 : vector<16xf32>
        %add3A_466 = arith.addf %mul3A_459, %mul3A_460 : vector<16xf32>
        %add3A_467 = arith.addf %add3A_465, %add3A_466 : vector<16xf32>
        %add3A_468 = arith.addf %mul3A_461, %mul3A_462 : vector<16xf32>
        %add3A_469 = arith.addf %mul3A_463, %mul3A_464 : vector<16xf32>
        %add3A_470 = arith.addf %add3A_468, %add3A_469 : vector<16xf32>
        %add3A_471 = arith.addf %add3A_467, %add3A_470 : vector<16xf32>
        %swap3A_472 = arith.constant 80 : index
        %swap3A_473 = tpu.vector_load %arg15[%swap3A_472] {strides = array<i32>} : memref<512xf32, #tpu.memory_space<vmem>>, vector<16xf32>,
        tpu.vector_store %arg15[%swap3A_472], %add3A_471 {strides = array<i32>} : memref<512xf32, #tpu.memory_space<vmem>>, vector<16xf32>,
        %mul3A_474 = arith.constant 30 : i32
        %mul3A_475 = arith.muli %scan3A_152, %mul3A_474 : i32
        %add3A_476 = arith.constant 7 : i32
        %add3A_477 = arith.addi %mul3A_475, %add3A_476 : i32
        %get3A_478 = arith.index_cast %add3A_477 : i32 to index
        %get3A_479 = arith.constant 0 : index
        %get3A_480 = tpu.vector_load %arg13[%get3A_478, %get3A_479] {strides = array<i32>} : memref<240x128xf32, #tpu.memory_space<vmem>>, vector<16xf32>,
        %get3A_481 = arith.index_cast %add3A_477 : i32 to index
        %get3A_482 = arith.constant 16 : index
        %get3A_483 = tpu.vector_load %arg13[%get3A_481, %get3A_482] {strides = array<i32>} : memref<240x128xf32, #tpu.memory_space<vmem>>, vector<16xf32>,
        %get3A_484 = arith.index_cast %add3A_477 : i32 to index
        %get3A_485 = arith.constant 32 : index
        %get3A_486 = tpu.vector_load %arg13[%get3A_484, %get3A_485] {strides = array<i32>} : memref<240x128xf32, #tpu.memory_space<vmem>>, vector<16xf32>,
        %get3A_487 = arith.index_cast %add3A_477 : i32 to index
        %get3A_488 = arith.constant 48 : index
        %get3A_489 = tpu.vector_load %arg13[%get3A_487, %get3A_488] {strides = array<i32>} : memref<240x128xf32, #tpu.memory_space<vmem>>, vector<16xf32>,
        %get3A_490 = arith.index_cast %add3A_477 : i32 to index
        %get3A_491 = arith.constant 64 : index
        %get3A_492 = tpu.vector_load %arg13[%get3A_490, %get3A_491] {strides = array<i32>} : memref<240x128xf32, #tpu.memory_space<vmem>>, vector<16xf32>,
        %get3A_493 = arith.index_cast %add3A_477 : i32 to index
        %get3A_494 = arith.constant 80 : index
        %get3A_495 = tpu.vector_load %arg13[%get3A_493, %get3A_494] {strides = array<i32>} : memref<240x128xf32, #tpu.memory_space<vmem>>, vector<16xf32>,
        %get3A_496 = arith.index_cast %add3A_477 : i32 to index
        %get3A_497 = arith.constant 96 : index
        %get3A_498 = tpu.vector_load %arg13[%get3A_496, %get3A_497] {strides = array<i32>} : memref<240x128xf32, #tpu.memory_space<vmem>>, vector<16xf32>,
        %get3A_499 = arith.index_cast %add3A_477 : i32 to index
        %get3A_500 = arith.constant 112 : index
        %get3A_501 = tpu.vector_load %arg13[%get3A_499, %get3A_500] {strides = array<i32>} : memref<240x128xf32, #tpu.memory_space<vmem>>, vector<16xf32>,
        %mul3A_502 = arith.mulf %get3A_435, %get3A_154 : vector<16xf32>
        %mul3A_503 = arith.mulf %get3A_438, %get3A_157 : vector<16xf32>
        %mul3A_504 = arith.mulf %get3A_441, %get3A_160 : vector<16xf32>
        %mul3A_505 = arith.mulf %get3A_444, %get3A_163 : vector<16xf32>
        %mul3A_506 = arith.mulf %get3A_447, %get3A_166 : vector<16xf32>
        %mul3A_507 = arith.mulf %get3A_450, %get3A_169 : vector<16xf32>
        %mul3A_508 = arith.mulf %get3A_453, %get3A_172 : vector<16xf32>
        %mul3A_509 = arith.mulf %get3A_456, %get3A_175 : vector<16xf32>
        %add3A_510 = arith.addf %mul3A_502, %mul3A_503 : vector<16xf32>
        %add3A_511 = arith.addf %mul3A_504, %mul3A_505 : vector<16xf32>
        %add3A_512 = arith.addf %add3A_510, %add3A_511 : vector<16xf32>
        %add3A_513 = arith.addf %mul3A_506, %mul3A_507 : vector<16xf32>
        %add3A_514 = arith.addf %mul3A_508, %mul3A_509 : vector<16xf32>
        %add3A_515 = arith.addf %add3A_513, %add3A_514 : vector<16xf32>
        %add3A_516 = arith.addf %add3A_512, %add3A_515 : vector<16xf32>
        %swap3A_517 = arith.constant 96 : index
        %swap3A_518 = tpu.vector_load %arg15[%swap3A_517] {strides = array<i32>} : memref<512xf32, #tpu.memory_space<vmem>>, vector<16xf32>,
        tpu.vector_store %arg15[%swap3A_517], %add3A_516 {strides = array<i32>} : memref<512xf32, #tpu.memory_space<vmem>>, vector<16xf32>,
        %mul3A_519 = arith.constant 30 : i32
        %mul3A_520 = arith.muli %scan3A_152, %mul3A_519 : i32
        %add3A_521 = arith.constant 8 : i32
        %add3A_522 = arith.addi %mul3A_520, %add3A_521 : i32
        %get3A_523 = arith.index_cast %add3A_522 : i32 to index
        %get3A_524 = arith.constant 0 : index
        %get3A_525 = tpu.vector_load %arg13[%get3A_523, %get3A_524] {strides = array<i32>} : memref<240x128xf32, #tpu.memory_space<vmem>>, vector<16xf32>,
        %get3A_526 = arith.index_cast %add3A_522 : i32 to index
        %get3A_527 = arith.constant 16 : index
        %get3A_528 = tpu.vector_load %arg13[%get3A_526, %get3A_527] {strides = array<i32>} : memref<240x128xf32, #tpu.memory_space<vmem>>, vector<16xf32>,
        %get3A_529 = arith.index_cast %add3A_522 : i32 to index
        %get3A_530 = arith.constant 32 : index
        %get3A_531 = tpu.vector_load %arg13[%get3A_529, %get3A_530] {strides = array<i32>} : memref<240x128xf32, #tpu.memory_space<vmem>>, vector<16xf32>,
        %get3A_532 = arith.index_cast %add3A_522 : i32 to index
        %get3A_533 = arith.constant 48 : index
        %get3A_534 = tpu.vector_load %arg13[%get3A_532, %get3A_533] {strides = array<i32>} : memref<240x128xf32, #tpu.memory_space<vmem>>, vector<16xf32>,
        %get3A_535 = arith.index_cast %add3A_522 : i32 to index
        %get3A_536 = arith.constant 64 : index
        %get3A_537 = tpu.vector_load %arg13[%get3A_535, %get3A_536] {strides = array<i32>} : memref<240x128xf32, #tpu.memory_space<vmem>>, vector<16xf32>,
        %get3A_538 = arith.index_cast %add3A_522 : i32 to index
        %get3A_539 = arith.constant 80 : index
        %get3A_540 = tpu.vector_load %arg13[%get3A_538, %get3A_539] {strides = array<i32>} : memref<240x128xf32, #tpu.memory_space<vmem>>, vector<16xf32>,
        %get3A_541 = arith.index_cast %add3A_522 : i32 to index
        %get3A_542 = arith.constant 96 : index
        %get3A_543 = tpu.vector_load %arg13[%get3A_541, %get3A_542] {strides = array<i32>} : memref<240x128xf32, #tpu.memory_space<vmem>>, vector<16xf32>,
        %get3A_544 = arith.index_cast %add3A_522 : i32 to index
        %get3A_545 = arith.constant 112 : index
        %get3A_546 = tpu.vector_load %arg13[%get3A_544, %get3A_545] {strides = array<i32>} : memref<240x128xf32, #tpu.memory_space<vmem>>, vector<16xf32>,
        %mul3A_547 = arith.mulf %get3A_480, %get3A_154 : vector<16xf32>
        %mul3A_548 = arith.mulf %get3A_483, %get3A_157 : vector<16xf32>
        %mul3A_549 = arith.mulf %get3A_486, %get3A_160 : vector<16xf32>
        %mul3A_550 = arith.mulf %get3A_489, %get3A_163 : vector<16xf32>
        %mul3A_551 = arith.mulf %get3A_492, %get3A_166 : vector<16xf32>
        %mul3A_552 = arith.mulf %get3A_495, %get3A_169 : vector<16xf32>
        %mul3A_553 = arith.mulf %get3A_498, %get3A_172 : vector<16xf32>
        %mul3A_554 = arith.mulf %get3A_501, %get3A_175 : vector<16xf32>
        %add3A_555 = arith.addf %mul3A_547, %mul3A_548 : vector<16xf32>
        %add3A_556 = arith.addf %mul3A_549, %mul3A_550 : vector<16xf32>
        %add3A_557 = arith.addf %add3A_555, %add3A_556 : vector<16xf32>
        %add3A_558 = arith.addf %mul3A_551, %mul3A_552 : vector<16xf32>
        %add3A_559 = arith.addf %mul3A_553, %mul3A_554 : vector<16xf32>
        %add3A_560 = arith.addf %add3A_558, %add3A_559 : vector<16xf32>
        %add3A_561 = arith.addf %add3A_557, %add3A_560 : vector<16xf32>
        %swap3A_562 = arith.constant 112 : index
        %swap3A_563 = tpu.vector_load %arg15[%swap3A_562] {strides = array<i32>} : memref<512xf32, #tpu.memory_space<vmem>>, vector<16xf32>,
        tpu.vector_store %arg15[%swap3A_562], %add3A_561 {strides = array<i32>} : memref<512xf32, #tpu.memory_space<vmem>>, vector<16xf32>,
        %mul3A_564 = arith.constant 30 : i32
        %mul3A_565 = arith.muli %scan3A_152, %mul3A_564 : i32
        %add3A_566 = arith.constant 9 : i32
        %add3A_567 = arith.addi %mul3A_565, %add3A_566 : i32
        %get3A_568 = arith.index_cast %add3A_567 : i32 to index
        %get3A_569 = arith.constant 0 : index
        %get3A_570 = tpu.vector_load %arg13[%get3A_568, %get3A_569] {strides = array<i32>} : memref<240x128xf32, #tpu.memory_space<vmem>>, vector<16xf32>,
        %get3A_571 = arith.index_cast %add3A_567 : i32 to index
        %get3A_572 = arith.constant 16 : index
        %get3A_573 = tpu.vector_load %arg13[%get3A_571, %get3A_572] {strides = array<i32>} : memref<240x128xf32, #tpu.memory_space<vmem>>, vector<16xf32>,
        %get3A_574 = arith.index_cast %add3A_567 : i32 to index
        %get3A_575 = arith.constant 32 : index
        %get3A_576 = tpu.vector_load %arg13[%get3A_574, %get3A_575] {strides = array<i32>} : memref<240x128xf32, #tpu.memory_space<vmem>>, vector<16xf32>,
        %get3A_577 = arith.index_cast %add3A_567 : i32 to index
        %get3A_578 = arith.constant 48 : index
        %get3A_579 = tpu.vector_load %arg13[%get3A_577, %get3A_578] {strides = array<i32>} : memref<240x128xf32, #tpu.memory_space<vmem>>, vector<16xf32>,
        %get3A_580 = arith.index_cast %add3A_567 : i32 to index
        %get3A_581 = arith.constant 64 : index
        %get3A_582 = tpu.vector_load %arg13[%get3A_580, %get3A_581] {strides = array<i32>} : memref<240x128xf32, #tpu.memory_space<vmem>>, vector<16xf32>,
        %get3A_583 = arith.index_cast %add3A_567 : i32 to index
        %get3A_584 = arith.constant 80 : index
        %get3A_585 = tpu.vector_load %arg13[%get3A_583, %get3A_584] {strides = array<i32>} : memref<240x128xf32, #tpu.memory_space<vmem>>, vector<16xf32>,
        %get3A_586 = arith.index_cast %add3A_567 : i32 to index
        %get3A_587 = arith.constant 96 : index
        %get3A_588 = tpu.vector_load %arg13[%get3A_586, %get3A_587] {strides = array<i32>} : memref<240x128xf32, #tpu.memory_space<vmem>>, vector<16xf32>,
        %get3A_589 = arith.index_cast %add3A_567 : i32 to index
        %get3A_590 = arith.constant 112 : index
        %get3A_591 = tpu.vector_load %arg13[%get3A_589, %get3A_590] {strides = array<i32>} : memref<240x128xf32, #tpu.memory_space<vmem>>, vector<16xf32>,
        %mul3A_592 = arith.mulf %get3A_525, %get3A_154 : vector<16xf32>
        %mul3A_593 = arith.mulf %get3A_528, %get3A_157 : vector<16xf32>
        %mul3A_594 = arith.mulf %get3A_531, %get3A_160 : vector<16xf32>
        %mul3A_595 = arith.mulf %get3A_534, %get3A_163 : vector<16xf32>
        %mul3A_596 = arith.mulf %get3A_537, %get3A_166 : vector<16xf32>
        %mul3A_597 = arith.mulf %get3A_540, %get3A_169 : vector<16xf32>
        %mul3A_598 = arith.mulf %get3A_543, %get3A_172 : vector<16xf32>
        %mul3A_599 = arith.mulf %get3A_546, %get3A_175 : vector<16xf32>
        %add3A_600 = arith.addf %mul3A_592, %mul3A_593 : vector<16xf32>
        %add3A_601 = arith.addf %mul3A_594, %mul3A_595 : vector<16xf32>
        %add3A_602 = arith.addf %add3A_600, %add3A_601 : vector<16xf32>
        %add3A_603 = arith.addf %mul3A_596, %mul3A_597 : vector<16xf32>
        %add3A_604 = arith.addf %mul3A_598, %mul3A_599 : vector<16xf32>
        %add3A_605 = arith.addf %add3A_603, %add3A_604 : vector<16xf32>
        %add3A_606 = arith.addf %add3A_602, %add3A_605 : vector<16xf32>
        %swap3A_607 = arith.constant 128 : index
        %swap3A_608 = tpu.vector_load %arg15[%swap3A_607] {strides = array<i32>} : memref<512xf32, #tpu.memory_space<vmem>>, vector<16xf32>,
        tpu.vector_store %arg15[%swap3A_607], %add3A_606 {strides = array<i32>} : memref<512xf32, #tpu.memory_space<vmem>>, vector<16xf32>,
        %mul3A_609 = arith.constant 30 : i32
        %mul3A_610 = arith.muli %scan3A_152, %mul3A_609 : i32
        %add3A_611 = arith.constant 10 : i32
        %add3A_612 = arith.addi %mul3A_610, %add3A_611 : i32
        %get3A_613 = arith.index_cast %add3A_612 : i32 to index
        %get3A_614 = arith.constant 0 : index
        %get3A_615 = tpu.vector_load %arg13[%get3A_613, %get3A_614] {strides = array<i32>} : memref<240x128xf32, #tpu.memory_space<vmem>>, vector<16xf32>,
        %get3A_616 = arith.index_cast %add3A_612 : i32 to index
        %get3A_617 = arith.constant 16 : index
        %get3A_618 = tpu.vector_load %arg13[%get3A_616, %get3A_617] {strides = array<i32>} : memref<240x128xf32, #tpu.memory_space<vmem>>, vector<16xf32>,
        %get3A_619 = arith.index_cast %add3A_612 : i32 to index
        %get3A_620 = arith.constant 32 : index
        %get3A_621 = tpu.vector_load %arg13[%get3A_619, %get3A_620] {strides = array<i32>} : memref<240x128xf32, #tpu.memory_space<vmem>>, vector<16xf32>,
        %get3A_622 = arith.index_cast %add3A_612 : i32 to index
        %get3A_623 = arith.constant 48 : index
        %get3A_624 = tpu.vector_load %arg13[%get3A_622, %get3A_623] {strides = array<i32>} : memref<240x128xf32, #tpu.memory_space<vmem>>, vector<16xf32>,
        %get3A_625 = arith.index_cast %add3A_612 : i32 to index
        %get3A_626 = arith.constant 64 : index
        %get3A_627 = tpu.vector_load %arg13[%get3A_625, %get3A_626] {strides = array<i32>} : memref<240x128xf32, #tpu.memory_space<vmem>>, vector<16xf32>,
        %get3A_628 = arith.index_cast %add3A_612 : i32 to index
        %get3A_629 = arith.constant 80 : index
        %get3A_630 = tpu.vector_load %arg13[%get3A_628, %get3A_629] {strides = array<i32>} : memref<240x128xf32, #tpu.memory_space<vmem>>, vector<16xf32>,
        %get3A_631 = arith.index_cast %add3A_612 : i32 to index
        %get3A_632 = arith.constant 96 : index
        %get3A_633 = tpu.vector_load %arg13[%get3A_631, %get3A_632] {strides = array<i32>} : memref<240x128xf32, #tpu.memory_space<vmem>>, vector<16xf32>,
        %get3A_634 = arith.index_cast %add3A_612 : i32 to index
        %get3A_635 = arith.constant 112 : index
        %get3A_636 = tpu.vector_load %arg13[%get3A_634, %get3A_635] {strides = array<i32>} : memref<240x128xf32, #tpu.memory_space<vmem>>, vector<16xf32>,
        %mul3A_637 = arith.mulf %get3A_570, %get3A_154 : vector<16xf32>
        %mul3A_638 = arith.mulf %get3A_573, %get3A_157 : vector<16xf32>
        %mul3A_639 = arith.mulf %get3A_576, %get3A_160 : vector<16xf32>
        %mul3A_640 = arith.mulf %get3A_579, %get3A_163 : vector<16xf32>
        %mul3A_641 = arith.mulf %get3A_582, %get3A_166 : vector<16xf32>
        %mul3A_642 = arith.mulf %get3A_585, %get3A_169 : vector<16xf32>
        %mul3A_643 = arith.mulf %get3A_588, %get3A_172 : vector<16xf32>
        %mul3A_644 = arith.mulf %get3A_591, %get3A_175 : vector<16xf32>
        %add3A_645 = arith.addf %mul3A_637, %mul3A_638 : vector<16xf32>
        %add3A_646 = arith.addf %mul3A_639, %mul3A_640 : vector<16xf32>
        %add3A_647 = arith.addf %add3A_645, %add3A_646 : vector<16xf32>
        %add3A_648 = arith.addf %mul3A_641, %mul3A_642 : vector<16xf32>
        %add3A_649 = arith.addf %mul3A_643, %mul3A_644 : vector<16xf32>
        %add3A_650 = arith.addf %add3A_648, %add3A_649 : vector<16xf32>
        %add3A_651 = arith.addf %add3A_647, %add3A_650 : vector<16xf32>
        %swap3A_652 = arith.constant 144 : index
        %swap3A_653 = tpu.vector_load %arg15[%swap3A_652] {strides = array<i32>} : memref<512xf32, #tpu.memory_space<vmem>>, vector<16xf32>,
        tpu.vector_store %arg15[%swap3A_652], %add3A_651 {strides = array<i32>} : memref<512xf32, #tpu.memory_space<vmem>>, vector<16xf32>,
        %mul3A_654 = arith.constant 30 : i32
        %mul3A_655 = arith.muli %scan3A_152, %mul3A_654 : i32
        %add3A_656 = arith.constant 11 : i32
        %add3A_657 = arith.addi %mul3A_655, %add3A_656 : i32
        %get3A_658 = arith.index_cast %add3A_657 : i32 to index
        %get3A_659 = arith.constant 0 : index
        %get3A_660 = tpu.vector_load %arg13[%get3A_658, %get3A_659] {strides = array<i32>} : memref<240x128xf32, #tpu.memory_space<vmem>>, vector<16xf32>,
        %get3A_661 = arith.index_cast %add3A_657 : i32 to index
        %get3A_662 = arith.constant 16 : index
        %get3A_663 = tpu.vector_load %arg13[%get3A_661, %get3A_662] {strides = array<i32>} : memref<240x128xf32, #tpu.memory_space<vmem>>, vector<16xf32>,
        %get3A_664 = arith.index_cast %add3A_657 : i32 to index
        %get3A_665 = arith.constant 32 : index
        %get3A_666 = tpu.vector_load %arg13[%get3A_664, %get3A_665] {strides = array<i32>} : memref<240x128xf32, #tpu.memory_space<vmem>>, vector<16xf32>,
        %get3A_667 = arith.index_cast %add3A_657 : i32 to index
        %get3A_668 = arith.constant 48 : index
        %get3A_669 = tpu.vector_load %arg13[%get3A_667, %get3A_668] {strides = array<i32>} : memref<240x128xf32, #tpu.memory_space<vmem>>, vector<16xf32>,
        %get3A_670 = arith.index_cast %add3A_657 : i32 to index
        %get3A_671 = arith.constant 64 : index
        %get3A_672 = tpu.vector_load %arg13[%get3A_670, %get3A_671] {strides = array<i32>} : memref<240x128xf32, #tpu.memory_space<vmem>>, vector<16xf32>,
        %get3A_673 = arith.index_cast %add3A_657 : i32 to index
        %get3A_674 = arith.constant 80 : index
        %get3A_675 = tpu.vector_load %arg13[%get3A_673, %get3A_674] {strides = array<i32>} : memref<240x128xf32, #tpu.memory_space<vmem>>, vector<16xf32>,
        %get3A_676 = arith.index_cast %add3A_657 : i32 to index
        %get3A_677 = arith.constant 96 : index
        %get3A_678 = tpu.vector_load %arg13[%get3A_676, %get3A_677] {strides = array<i32>} : memref<240x128xf32, #tpu.memory_space<vmem>>, vector<16xf32>,
        %get3A_679 = arith.index_cast %add3A_657 : i32 to index
        %get3A_680 = arith.constant 112 : index
        %get3A_681 = tpu.vector_load %arg13[%get3A_679, %get3A_680] {strides = array<i32>} : memref<240x128xf32, #tpu.memory_space<vmem>>, vector<16xf32>,
        %mul3A_682 = arith.mulf %get3A_615, %get3A_154 : vector<16xf32>
        %mul3A_683 = arith.mulf %get3A_618, %get3A_157 : vector<16xf32>
        %mul3A_684 = arith.mulf %get3A_621, %get3A_160 : vector<16xf32>
        %mul3A_685 = arith.mulf %get3A_624, %get3A_163 : vector<16xf32>
        %mul3A_686 = arith.mulf %get3A_627, %get3A_166 : vector<16xf32>
        %mul3A_687 = arith.mulf %get3A_630, %get3A_169 : vector<16xf32>
        %mul3A_688 = arith.mulf %get3A_633, %get3A_172 : vector<16xf32>
        %mul3A_689 = arith.mulf %get3A_636, %get3A_175 : vector<16xf32>
        %add3A_690 = arith.addf %mul3A_682, %mul3A_683 : vector<16xf32>
        %add3A_691 = arith.addf %mul3A_684, %mul3A_685 : vector<16xf32>
        %add3A_692 = arith.addf %add3A_690, %add3A_691 : vector<16xf32>
        %add3A_693 = arith.addf %mul3A_686, %mul3A_687 : vector<16xf32>
        %add3A_694 = arith.addf %mul3A_688, %mul3A_689 : vector<16xf32>
        %add3A_695 = arith.addf %add3A_693, %add3A_694 : vector<16xf32>
        %add3A_696 = arith.addf %add3A_692, %add3A_695 : vector<16xf32>
        %swap3A_697 = arith.constant 160 : index
        %swap3A_698 = tpu.vector_load %arg15[%swap3A_697] {strides = array<i32>} : memref<512xf32, #tpu.memory_space<vmem>>, vector<16xf32>,
        tpu.vector_store %arg15[%swap3A_697], %add3A_696 {strides = array<i32>} : memref<512xf32, #tpu.memory_space<vmem>>, vector<16xf32>,
        %mul3A_699 = arith.constant 30 : i32
        %mul3A_700 = arith.muli %scan3A_152, %mul3A_699 : i32
        %add3A_701 = arith.constant 12 : i32
        %add3A_702 = arith.addi %mul3A_700, %add3A_701 : i32
        %get3A_703 = arith.index_cast %add3A_702 : i32 to index
        %get3A_704 = arith.constant 0 : index
        %get3A_705 = tpu.vector_load %arg13[%get3A_703, %get3A_704] {strides = array<i32>} : memref<240x128xf32, #tpu.memory_space<vmem>>, vector<16xf32>,
        %get3A_706 = arith.index_cast %add3A_702 : i32 to index
        %get3A_707 = arith.constant 16 : index
        %get3A_708 = tpu.vector_load %arg13[%get3A_706, %get3A_707] {strides = array<i32>} : memref<240x128xf32, #tpu.memory_space<vmem>>, vector<16xf32>,
        %get3A_709 = arith.index_cast %add3A_702 : i32 to index
        %get3A_710 = arith.constant 32 : index
        %get3A_711 = tpu.vector_load %arg13[%get3A_709, %get3A_710] {strides = array<i32>} : memref<240x128xf32, #tpu.memory_space<vmem>>, vector<16xf32>,
        %get3A_712 = arith.index_cast %add3A_702 : i32 to index
        %get3A_713 = arith.constant 48 : index
        %get3A_714 = tpu.vector_load %arg13[%get3A_712, %get3A_713] {strides = array<i32>} : memref<240x128xf32, #tpu.memory_space<vmem>>, vector<16xf32>,
        %get3A_715 = arith.index_cast %add3A_702 : i32 to index
        %get3A_716 = arith.constant 64 : index
        %get3A_717 = tpu.vector_load %arg13[%get3A_715, %get3A_716] {strides = array<i32>} : memref<240x128xf32, #tpu.memory_space<vmem>>, vector<16xf32>,
        %get3A_718 = arith.index_cast %add3A_702 : i32 to index
        %get3A_719 = arith.constant 80 : index
        %get3A_720 = tpu.vector_load %arg13[%get3A_718, %get3A_719] {strides = array<i32>} : memref<240x128xf32, #tpu.memory_space<vmem>>, vector<16xf32>,
        %get3A_721 = arith.index_cast %add3A_702 : i32 to index
        %get3A_722 = arith.constant 96 : index
        %get3A_723 = tpu.vector_load %arg13[%get3A_721, %get3A_722] {strides = array<i32>} : memref<240x128xf32, #tpu.memory_space<vmem>>, vector<16xf32>,
        %get3A_724 = arith.index_cast %add3A_702 : i32 to index
        %get3A_725 = arith.constant 112 : index
        %get3A_726 = tpu.vector_load %arg13[%get3A_724, %get3A_725] {strides = array<i32>} : memref<240x128xf32, #tpu.memory_space<vmem>>, vector<16xf32>,
        %mul3A_727 = arith.mulf %get3A_660, %get3A_154 : vector<16xf32>
        %mul3A_728 = arith.mulf %get3A_663, %get3A_157 : vector<16xf32>
        %mul3A_729 = arith.mulf %get3A_666, %get3A_160 : vector<16xf32>
        %mul3A_730 = arith.mulf %get3A_669, %get3A_163 : vector<16xf32>
        %mul3A_731 = arith.mulf %get3A_672, %get3A_166 : vector<16xf32>
        %mul3A_732 = arith.mulf %get3A_675, %get3A_169 : vector<16xf32>
        %mul3A_733 = arith.mulf %get3A_678, %get3A_172 : vector<16xf32>
        %mul3A_734 = arith.mulf %get3A_681, %get3A_175 : vector<16xf32>
        %add3A_735 = arith.addf %mul3A_727, %mul3A_728 : vector<16xf32>
        %add3A_736 = arith.addf %mul3A_729, %mul3A_730 : vector<16xf32>
        %add3A_737 = arith.addf %add3A_735, %add3A_736 : vector<16xf32>
        %add3A_738 = arith.addf %mul3A_731, %mul3A_732 : vector<16xf32>
        %add3A_739 = arith.addf %mul3A_733, %mul3A_734 : vector<16xf32>
        %add3A_740 = arith.addf %add3A_738, %add3A_739 : vector<16xf32>
        %add3A_741 = arith.addf %add3A_737, %add3A_740 : vector<16xf32>
        %swap3A_742 = arith.constant 176 : index
        %swap3A_743 = tpu.vector_load %arg15[%swap3A_742] {strides = array<i32>} : memref<512xf32, #tpu.memory_space<vmem>>, vector<16xf32>,
        tpu.vector_store %arg15[%swap3A_742], %add3A_741 {strides = array<i32>} : memref<512xf32, #tpu.memory_space<vmem>>, vector<16xf32>,
        %mul3A_744 = arith.constant 30 : i32
        %mul3A_745 = arith.muli %scan3A_152, %mul3A_744 : i32
        %add3A_746 = arith.constant 13 : i32
        %add3A_747 = arith.addi %mul3A_745, %add3A_746 : i32
        %get3A_748 = arith.index_cast %add3A_747 : i32 to index
        %get3A_749 = arith.constant 0 : index
        %get3A_750 = tpu.vector_load %arg13[%get3A_748, %get3A_749] {strides = array<i32>} : memref<240x128xf32, #tpu.memory_space<vmem>>, vector<16xf32>,
        %get3A_751 = arith.index_cast %add3A_747 : i32 to index
        %get3A_752 = arith.constant 16 : index
        %get3A_753 = tpu.vector_load %arg13[%get3A_751, %get3A_752] {strides = array<i32>} : memref<240x128xf32, #tpu.memory_space<vmem>>, vector<16xf32>,
        %get3A_754 = arith.index_cast %add3A_747 : i32 to index
        %get3A_755 = arith.constant 32 : index
        %get3A_756 = tpu.vector_load %arg13[%get3A_754, %get3A_755] {strides = array<i32>} : memref<240x128xf32, #tpu.memory_space<vmem>>, vector<16xf32>,
        %get3A_757 = arith.index_cast %add3A_747 : i32 to index
        %get3A_758 = arith.constant 48 : index
        %get3A_759 = tpu.vector_load %arg13[%get3A_757, %get3A_758] {strides = array<i32>} : memref<240x128xf32, #tpu.memory_space<vmem>>, vector<16xf32>,
        %get3A_760 = arith.index_cast %add3A_747 : i32 to index
        %get3A_761 = arith.constant 64 : index
        %get3A_762 = tpu.vector_load %arg13[%get3A_760, %get3A_761] {strides = array<i32>} : memref<240x128xf32, #tpu.memory_space<vmem>>, vector<16xf32>,
        %get3A_763 = arith.index_cast %add3A_747 : i32 to index
        %get3A_764 = arith.constant 80 : index
        %get3A_765 = tpu.vector_load %arg13[%get3A_763, %get3A_764] {strides = array<i32>} : memref<240x128xf32, #tpu.memory_space<vmem>>, vector<16xf32>,
        %get3A_766 = arith.index_cast %add3A_747 : i32 to index
        %get3A_767 = arith.constant 96 : index
        %get3A_768 = tpu.vector_load %arg13[%get3A_766, %get3A_767] {strides = array<i32>} : memref<240x128xf32, #tpu.memory_space<vmem>>, vector<16xf32>,
        %get3A_769 = arith.index_cast %add3A_747 : i32 to index
        %get3A_770 = arith.constant 112 : index
        %get3A_771 = tpu.vector_load %arg13[%get3A_769, %get3A_770] {strides = array<i32>} : memref<240x128xf32, #tpu.memory_space<vmem>>, vector<16xf32>,
        %mul3A_772 = arith.mulf %get3A_705, %get3A_154 : vector<16xf32>
        %mul3A_773 = arith.mulf %get3A_708, %get3A_157 : vector<16xf32>
        %mul3A_774 = arith.mulf %get3A_711, %get3A_160 : vector<16xf32>
        %mul3A_775 = arith.mulf %get3A_714, %get3A_163 : vector<16xf32>
        %mul3A_776 = arith.mulf %get3A_717, %get3A_166 : vector<16xf32>
        %mul3A_777 = arith.mulf %get3A_720, %get3A_169 : vector<16xf32>
        %mul3A_778 = arith.mulf %get3A_723, %get3A_172 : vector<16xf32>
        %mul3A_779 = arith.mulf %get3A_726, %get3A_175 : vector<16xf32>
        %add3A_780 = arith.addf %mul3A_772, %mul3A_773 : vector<16xf32>
        %add3A_781 = arith.addf %mul3A_774, %mul3A_775 : vector<16xf32>
        %add3A_782 = arith.addf %add3A_780, %add3A_781 : vector<16xf32>
        %add3A_783 = arith.addf %mul3A_776, %mul3A_777 : vector<16xf32>
        %add3A_784 = arith.addf %mul3A_778, %mul3A_779 : vector<16xf32>
        %add3A_785 = arith.addf %add3A_783, %add3A_784 : vector<16xf32>
        %add3A_786 = arith.addf %add3A_782, %add3A_785 : vector<16xf32>
        %swap3A_787 = arith.constant 192 : index
        %swap3A_788 = tpu.vector_load %arg15[%swap3A_787] {strides = array<i32>} : memref<512xf32, #tpu.memory_space<vmem>>, vector<16xf32>,
        tpu.vector_store %arg15[%swap3A_787], %add3A_786 {strides = array<i32>} : memref<512xf32, #tpu.memory_space<vmem>>, vector<16xf32>,
        %mul3A_789 = arith.constant 30 : i32
        %mul3A_790 = arith.muli %scan3A_152, %mul3A_789 : i32
        %add3A_791 = arith.constant 14 : i32
        %add3A_792 = arith.addi %mul3A_790, %add3A_791 : i32
        %get3A_793 = arith.index_cast %add3A_792 : i32 to index
        %get3A_794 = arith.constant 0 : index
        %get3A_795 = tpu.vector_load %arg13[%get3A_793, %get3A_794] {strides = array<i32>} : memref<240x128xf32, #tpu.memory_space<vmem>>, vector<16xf32>,
        %get3A_796 = arith.index_cast %add3A_792 : i32 to index
        %get3A_797 = arith.constant 16 : index
        %get3A_798 = tpu.vector_load %arg13[%get3A_796, %get3A_797] {strides = array<i32>} : memref<240x128xf32, #tpu.memory_space<vmem>>, vector<16xf32>,
        %get3A_799 = arith.index_cast %add3A_792 : i32 to index
        %get3A_800 = arith.constant 32 : index
        %get3A_801 = tpu.vector_load %arg13[%get3A_799, %get3A_800] {strides = array<i32>} : memref<240x128xf32, #tpu.memory_space<vmem>>, vector<16xf32>,
        %get3A_802 = arith.index_cast %add3A_792 : i32 to index
        %get3A_803 = arith.constant 48 : index
        %get3A_804 = tpu.vector_load %arg13[%get3A_802, %get3A_803] {strides = array<i32>} : memref<240x128xf32, #tpu.memory_space<vmem>>, vector<16xf32>,
        %get3A_805 = arith.index_cast %add3A_792 : i32 to index
        %get3A_806 = arith.constant 64 : index
        %get3A_807 = tpu.vector_load %arg13[%get3A_805, %get3A_806] {strides = array<i32>} : memref<240x128xf32, #tpu.memory_space<vmem>>, vector<16xf32>,
        %get3A_808 = arith.index_cast %add3A_792 : i32 to index
        %get3A_809 = arith.constant 80 : index
        %get3A_810 = tpu.vector_load %arg13[%get3A_808, %get3A_809] {strides = array<i32>} : memref<240x128xf32, #tpu.memory_space<vmem>>, vector<16xf32>,
        %get3A_811 = arith.index_cast %add3A_792 : i32 to index
        %get3A_812 = arith.constant 96 : index
        %get3A_813 = tpu.vector_load %arg13[%get3A_811, %get3A_812] {strides = array<i32>} : memref<240x128xf32, #tpu.memory_space<vmem>>, vector<16xf32>,
        %get3A_814 = arith.index_cast %add3A_792 : i32 to index
        %get3A_815 = arith.constant 112 : index
        %get3A_816 = tpu.vector_load %arg13[%get3A_814, %get3A_815] {strides = array<i32>} : memref<240x128xf32, #tpu.memory_space<vmem>>, vector<16xf32>,
        %mul3A_817 = arith.mulf %get3A_750, %get3A_154 : vector<16xf32>
        %mul3A_818 = arith.mulf %get3A_753, %get3A_157 : vector<16xf32>
        %mul3A_819 = arith.mulf %get3A_756, %get3A_160 : vector<16xf32>
        %mul3A_820 = arith.mulf %get3A_759, %get3A_163 : vector<16xf32>
        %mul3A_821 = arith.mulf %get3A_762, %get3A_166 : vector<16xf32>
        %mul3A_822 = arith.mulf %get3A_765, %get3A_169 : vector<16xf32>
        %mul3A_823 = arith.mulf %get3A_768, %get3A_172 : vector<16xf32>
        %mul3A_824 = arith.mulf %get3A_771, %get3A_175 : vector<16xf32>
        %add3A_825 = arith.addf %mul3A_817, %mul3A_818 : vector<16xf32>
        %add3A_826 = arith.addf %mul3A_819, %mul3A_820 : vector<16xf32>
        %add3A_827 = arith.addf %add3A_825, %add3A_826 : vector<16xf32>
        %add3A_828 = arith.addf %mul3A_821, %mul3A_822 : vector<16xf32>
        %add3A_829 = arith.addf %mul3A_823, %mul3A_824 : vector<16xf32>
        %add3A_830 = arith.addf %add3A_828, %add3A_829 : vector<16xf32>
        %add3A_831 = arith.addf %add3A_827, %add3A_830 : vector<16xf32>
        %swap3A_832 = arith.constant 208 : index
        %swap3A_833 = tpu.vector_load %arg15[%swap3A_832] {strides = array<i32>} : memref<512xf32, #tpu.memory_space<vmem>>, vector<16xf32>,
        tpu.vector_store %arg15[%swap3A_832], %add3A_831 {strides = array<i32>} : memref<512xf32, #tpu.memory_space<vmem>>, vector<16xf32>,
        %mul3A_834 = arith.constant 30 : i32
        %mul3A_835 = arith.muli %scan3A_152, %mul3A_834 : i32
        %add3A_836 = arith.constant 15 : i32
        %add3A_837 = arith.addi %mul3A_835, %add3A_836 : i32
        %get3A_838 = arith.index_cast %add3A_837 : i32 to index
        %get3A_839 = arith.constant 0 : index
        %get3A_840 = tpu.vector_load %arg13[%get3A_838, %get3A_839] {strides = array<i32>} : memref<240x128xf32, #tpu.memory_space<vmem>>, vector<16xf32>,
        %get3A_841 = arith.index_cast %add3A_837 : i32 to index
        %get3A_842 = arith.constant 16 : index
        %get3A_843 = tpu.vector_load %arg13[%get3A_841, %get3A_842] {strides = array<i32>} : memref<240x128xf32, #tpu.memory_space<vmem>>, vector<16xf32>,
        %get3A_844 = arith.index_cast %add3A_837 : i32 to index
        %get3A_845 = arith.constant 32 : index
        %get3A_846 = tpu.vector_load %arg13[%get3A_844, %get3A_845] {strides = array<i32>} : memref<240x128xf32, #tpu.memory_space<vmem>>, vector<16xf32>,
        %get3A_847 = arith.index_cast %add3A_837 : i32 to index
        %get3A_848 = arith.constant 48 : index
        %get3A_849 = tpu.vector_load %arg13[%get3A_847, %get3A_848] {strides = array<i32>} : memref<240x128xf32, #tpu.memory_space<vmem>>, vector<16xf32>,
        %get3A_850 = arith.index_cast %add3A_837 : i32 to index
        %get3A_851 = arith.constant 64 : index
        %get3A_852 = tpu.vector_load %arg13[%get3A_850, %get3A_851] {strides = array<i32>} : memref<240x128xf32, #tpu.memory_space<vmem>>, vector<16xf32>,
        %get3A_853 = arith.index_cast %add3A_837 : i32 to index
        %get3A_854 = arith.constant 80 : index
        %get3A_855 = tpu.vector_load %arg13[%get3A_853, %get3A_854] {strides = array<i32>} : memref<240x128xf32, #tpu.memory_space<vmem>>, vector<16xf32>,
        %get3A_856 = arith.index_cast %add3A_837 : i32 to index
        %get3A_857 = arith.constant 96 : index
        %get3A_858 = tpu.vector_load %arg13[%get3A_856, %get3A_857] {strides = array<i32>} : memref<240x128xf32, #tpu.memory_space<vmem>>, vector<16xf32>,
        %get3A_859 = arith.index_cast %add3A_837 : i32 to index
        %get3A_860 = arith.constant 112 : index
        %get3A_861 = tpu.vector_load %arg13[%get3A_859, %get3A_860] {strides = array<i32>} : memref<240x128xf32, #tpu.memory_space<vmem>>, vector<16xf32>,
        %mul3A_862 = arith.mulf %get3A_795, %get3A_154 : vector<16xf32>
        %mul3A_863 = arith.mulf %get3A_798, %get3A_157 : vector<16xf32>
        %mul3A_864 = arith.mulf %get3A_801, %get3A_160 : vector<16xf32>
        %mul3A_865 = arith.mulf %get3A_804, %get3A_163 : vector<16xf32>
        %mul3A_866 = arith.mulf %get3A_807, %get3A_166 : vector<16xf32>
        %mul3A_867 = arith.mulf %get3A_810, %get3A_169 : vector<16xf32>
        %mul3A_868 = arith.mulf %get3A_813, %get3A_172 : vector<16xf32>
        %mul3A_869 = arith.mulf %get3A_816, %get3A_175 : vector<16xf32>
        %add3A_870 = arith.addf %mul3A_862, %mul3A_863 : vector<16xf32>
        %add3A_871 = arith.addf %mul3A_864, %mul3A_865 : vector<16xf32>
        %add3A_872 = arith.addf %add3A_870, %add3A_871 : vector<16xf32>
        %add3A_873 = arith.addf %mul3A_866, %mul3A_867 : vector<16xf32>
        %add3A_874 = arith.addf %mul3A_868, %mul3A_869 : vector<16xf32>
        %add3A_875 = arith.addf %add3A_873, %add3A_874 : vector<16xf32>
        %add3A_876 = arith.addf %add3A_872, %add3A_875 : vector<16xf32>
        %swap3A_877 = arith.constant 224 : index
        %swap3A_878 = tpu.vector_load %arg15[%swap3A_877] {strides = array<i32>} : memref<512xf32, #tpu.memory_space<vmem>>, vector<16xf32>,
        tpu.vector_store %arg15[%swap3A_877], %add3A_876 {strides = array<i32>} : memref<512xf32, #tpu.memory_space<vmem>>, vector<16xf32>,
        %mul3A_879 = arith.constant 30 : i32
        %mul3A_880 = arith.muli %scan3A_152, %mul3A_879 : i32
        %add3A_881 = arith.constant 16 : i32
        %add3A_882 = arith.addi %mul3A_880, %add3A_881 : i32
        %get3A_883 = arith.index_cast %add3A_882 : i32 to index
        %get3A_884 = arith.constant 0 : index
        %get3A_885 = tpu.vector_load %arg13[%get3A_883, %get3A_884] {strides = array<i32>} : memref<240x128xf32, #tpu.memory_space<vmem>>, vector<16xf32>,
        %get3A_886 = arith.index_cast %add3A_882 : i32 to index
        %get3A_887 = arith.constant 16 : index
        %get3A_888 = tpu.vector_load %arg13[%get3A_886, %get3A_887] {strides = array<i32>} : memref<240x128xf32, #tpu.memory_space<vmem>>, vector<16xf32>,
        %get3A_889 = arith.index_cast %add3A_882 : i32 to index
        %get3A_890 = arith.constant 32 : index
        %get3A_891 = tpu.vector_load %arg13[%get3A_889, %get3A_890] {strides = array<i32>} : memref<240x128xf32, #tpu.memory_space<vmem>>, vector<16xf32>,
        %get3A_892 = arith.index_cast %add3A_882 : i32 to index
        %get3A_893 = arith.constant 48 : index
        %get3A_894 = tpu.vector_load %arg13[%get3A_892, %get3A_893] {strides = array<i32>} : memref<240x128xf32, #tpu.memory_space<vmem>>, vector<16xf32>,
        %get3A_895 = arith.index_cast %add3A_882 : i32 to index
        %get3A_896 = arith.constant 64 : index
        %get3A_897 = tpu.vector_load %arg13[%get3A_895, %get3A_896] {strides = array<i32>} : memref<240x128xf32, #tpu.memory_space<vmem>>, vector<16xf32>,
        %get3A_898 = arith.index_cast %add3A_882 : i32 to index
        %get3A_899 = arith.constant 80 : index
        %get3A_900 = tpu.vector_load %arg13[%get3A_898, %get3A_899] {strides = array<i32>} : memref<240x128xf32, #tpu.memory_space<vmem>>, vector<16xf32>,
        %get3A_901 = arith.index_cast %add3A_882 : i32 to index
        %get3A_902 = arith.constant 96 : index
        %get3A_903 = tpu.vector_load %arg13[%get3A_901, %get3A_902] {strides = array<i32>} : memref<240x128xf32, #tpu.memory_space<vmem>>, vector<16xf32>,
        %get3A_904 = arith.index_cast %add3A_882 : i32 to index
        %get3A_905 = arith.constant 112 : index
        %get3A_906 = tpu.vector_load %arg13[%get3A_904, %get3A_905] {strides = array<i32>} : memref<240x128xf32, #tpu.memory_space<vmem>>, vector<16xf32>,
        %mul3A_907 = arith.mulf %get3A_840, %get3A_154 : vector<16xf32>
        %mul3A_908 = arith.mulf %get3A_843, %get3A_157 : vector<16xf32>
        %mul3A_909 = arith.mulf %get3A_846, %get3A_160 : vector<16xf32>
        %mul3A_910 = arith.mulf %get3A_849, %get3A_163 : vector<16xf32>
        %mul3A_911 = arith.mulf %get3A_852, %get3A_166 : vector<16xf32>
        %mul3A_912 = arith.mulf %get3A_855, %get3A_169 : vector<16xf32>
        %mul3A_913 = arith.mulf %get3A_858, %get3A_172 : vector<16xf32>
        %mul3A_914 = arith.mulf %get3A_861, %get3A_175 : vector<16xf32>
        %add3A_915 = arith.addf %mul3A_907, %mul3A_908 : vector<16xf32>
        %add3A_916 = arith.addf %mul3A_909, %mul3A_910 : vector<16xf32>
        %add3A_917 = arith.addf %add3A_915, %add3A_916 : vector<16xf32>
        %add3A_918 = arith.addf %mul3A_911, %mul3A_912 : vector<16xf32>
        %add3A_919 = arith.addf %mul3A_913, %mul3A_914 : vector<16xf32>
        %add3A_920 = arith.addf %add3A_918, %add3A_919 : vector<16xf32>
        %add3A_921 = arith.addf %add3A_917, %add3A_920 : vector<16xf32>
        %swap3A_922 = arith.constant 240 : index
        %swap3A_923 = tpu.vector_load %arg15[%swap3A_922] {strides = array<i32>} : memref<512xf32, #tpu.memory_space<vmem>>, vector<16xf32>,
        tpu.vector_store %arg15[%swap3A_922], %add3A_921 {strides = array<i32>} : memref<512xf32, #tpu.memory_space<vmem>>, vector<16xf32>,
        %mul3A_924 = arith.constant 30 : i32
        %mul3A_925 = arith.muli %scan3A_152, %mul3A_924 : i32
        %add3A_926 = arith.constant 17 : i32
        %add3A_927 = arith.addi %mul3A_925, %add3A_926 : i32
        %get3A_928 = arith.index_cast %add3A_927 : i32 to index
        %get3A_929 = arith.constant 0 : index
        %get3A_930 = tpu.vector_load %arg13[%get3A_928, %get3A_929] {strides = array<i32>} : memref<240x128xf32, #tpu.memory_space<vmem>>, vector<16xf32>,
        %get3A_931 = arith.index_cast %add3A_927 : i32 to index
        %get3A_932 = arith.constant 16 : index
        %get3A_933 = tpu.vector_load %arg13[%get3A_931, %get3A_932] {strides = array<i32>} : memref<240x128xf32, #tpu.memory_space<vmem>>, vector<16xf32>,
        %get3A_934 = arith.index_cast %add3A_927 : i32 to index
        %get3A_935 = arith.constant 32 : index
        %get3A_936 = tpu.vector_load %arg13[%get3A_934, %get3A_935] {strides = array<i32>} : memref<240x128xf32, #tpu.memory_space<vmem>>, vector<16xf32>,
        %get3A_937 = arith.index_cast %add3A_927 : i32 to index
        %get3A_938 = arith.constant 48 : index
        %get3A_939 = tpu.vector_load %arg13[%get3A_937, %get3A_938] {strides = array<i32>} : memref<240x128xf32, #tpu.memory_space<vmem>>, vector<16xf32>,
        %get3A_940 = arith.index_cast %add3A_927 : i32 to index
        %get3A_941 = arith.constant 64 : index
        %get3A_942 = tpu.vector_load %arg13[%get3A_940, %get3A_941] {strides = array<i32>} : memref<240x128xf32, #tpu.memory_space<vmem>>, vector<16xf32>,
        %get3A_943 = arith.index_cast %add3A_927 : i32 to index
        %get3A_944 = arith.constant 80 : index
        %get3A_945 = tpu.vector_load %arg13[%get3A_943, %get3A_944] {strides = array<i32>} : memref<240x128xf32, #tpu.memory_space<vmem>>, vector<16xf32>,
        %get3A_946 = arith.index_cast %add3A_927 : i32 to index
        %get3A_947 = arith.constant 96 : index
        %get3A_948 = tpu.vector_load %arg13[%get3A_946, %get3A_947] {strides = array<i32>} : memref<240x128xf32, #tpu.memory_space<vmem>>, vector<16xf32>,
        %get3A_949 = arith.index_cast %add3A_927 : i32 to index
        %get3A_950 = arith.constant 112 : index
        %get3A_951 = tpu.vector_load %arg13[%get3A_949, %get3A_950] {strides = array<i32>} : memref<240x128xf32, #tpu.memory_space<vmem>>, vector<16xf32>,
        %mul3A_952 = arith.mulf %get3A_885, %get3A_154 : vector<16xf32>
        %mul3A_953 = arith.mulf %get3A_888, %get3A_157 : vector<16xf32>
        %mul3A_954 = arith.mulf %get3A_891, %get3A_160 : vector<16xf32>
        %mul3A_955 = arith.mulf %get3A_894, %get3A_163 : vector<16xf32>
        %mul3A_956 = arith.mulf %get3A_897, %get3A_166 : vector<16xf32>
        %mul3A_957 = arith.mulf %get3A_900, %get3A_169 : vector<16xf32>
        %mul3A_958 = arith.mulf %get3A_903, %get3A_172 : vector<16xf32>
        %mul3A_959 = arith.mulf %get3A_906, %get3A_175 : vector<16xf32>
        %add3A_960 = arith.addf %mul3A_952, %mul3A_953 : vector<16xf32>
        %add3A_961 = arith.addf %mul3A_954, %mul3A_955 : vector<16xf32>
        %add3A_962 = arith.addf %add3A_960, %add3A_961 : vector<16xf32>
        %add3A_963 = arith.addf %mul3A_956, %mul3A_957 : vector<16xf32>
        %add3A_964 = arith.addf %mul3A_958, %mul3A_959 : vector<16xf32>
        %add3A_965 = arith.addf %add3A_963, %add3A_964 : vector<16xf32>
        %add3A_966 = arith.addf %add3A_962, %add3A_965 : vector<16xf32>
        %swap3A_967 = arith.constant 256 : index
        %swap3A_968 = tpu.vector_load %arg15[%swap3A_967] {strides = array<i32>} : memref<512xf32, #tpu.memory_space<vmem>>, vector<16xf32>,
        tpu.vector_store %arg15[%swap3A_967], %add3A_966 {strides = array<i32>} : memref<512xf32, #tpu.memory_space<vmem>>, vector<16xf32>,
        %mul3A_969 = arith.constant 30 : i32
        %mul3A_970 = arith.muli %scan3A_152, %mul3A_969 : i32
        %add3A_971 = arith.constant 18 : i32
        %add3A_972 = arith.addi %mul3A_970, %add3A_971 : i32
        %get3A_973 = arith.index_cast %add3A_972 : i32 to index
        %get3A_974 = arith.constant 0 : index
        %get3A_975 = tpu.vector_load %arg13[%get3A_973, %get3A_974] {strides = array<i32>} : memref<240x128xf32, #tpu.memory_space<vmem>>, vector<16xf32>,
        %get3A_976 = arith.index_cast %add3A_972 : i32 to index
        %get3A_977 = arith.constant 16 : index
        %get3A_978 = tpu.vector_load %arg13[%get3A_976, %get3A_977] {strides = array<i32>} : memref<240x128xf32, #tpu.memory_space<vmem>>, vector<16xf32>,
        %get3A_979 = arith.index_cast %add3A_972 : i32 to index
        %get3A_980 = arith.constant 32 : index
        %get3A_981 = tpu.vector_load %arg13[%get3A_979, %get3A_980] {strides = array<i32>} : memref<240x128xf32, #tpu.memory_space<vmem>>, vector<16xf32>,
        %get3A_982 = arith.index_cast %add3A_972 : i32 to index
        %get3A_983 = arith.constant 48 : index
        %get3A_984 = tpu.vector_load %arg13[%get3A_982, %get3A_983] {strides = array<i32>} : memref<240x128xf32, #tpu.memory_space<vmem>>, vector<16xf32>,
        %get3A_985 = arith.index_cast %add3A_972 : i32 to index
        %get3A_986 = arith.constant 64 : index
        %get3A_987 = tpu.vector_load %arg13[%get3A_985, %get3A_986] {strides = array<i32>} : memref<240x128xf32, #tpu.memory_space<vmem>>, vector<16xf32>,
        %get3A_988 = arith.index_cast %add3A_972 : i32 to index
        %get3A_989 = arith.constant 80 : index
        %get3A_990 = tpu.vector_load %arg13[%get3A_988, %get3A_989] {strides = array<i32>} : memref<240x128xf32, #tpu.memory_space<vmem>>, vector<16xf32>,
        %get3A_991 = arith.index_cast %add3A_972 : i32 to index
        %get3A_992 = arith.constant 96 : index
        %get3A_993 = tpu.vector_load %arg13[%get3A_991, %get3A_992] {strides = array<i32>} : memref<240x128xf32, #tpu.memory_space<vmem>>, vector<16xf32>,
        %get3A_994 = arith.index_cast %add3A_972 : i32 to index
        %get3A_995 = arith.constant 112 : index
        %get3A_996 = tpu.vector_load %arg13[%get3A_994, %get3A_995] {strides = array<i32>} : memref<240x128xf32, #tpu.memory_space<vmem>>, vector<16xf32>,
        %mul3A_997 = arith.mulf %get3A_930, %get3A_154 : vector<16xf32>
        %mul3A_998 = arith.mulf %get3A_933, %get3A_157 : vector<16xf32>
        %mul3A_999 = arith.mulf %get3A_936, %get3A_160 : vector<16xf32>
        %mul3A_1000 = arith.mulf %get3A_939, %get3A_163 : vector<16xf32>
        %mul3A_1001 = arith.mulf %get3A_942, %get3A_166 : vector<16xf32>
        %mul3A_1002 = arith.mulf %get3A_945, %get3A_169 : vector<16xf32>
        %mul3A_1003 = arith.mulf %get3A_948, %get3A_172 : vector<16xf32>
        %mul3A_1004 = arith.mulf %get3A_951, %get3A_175 : vector<16xf32>
        %add3A_1005 = arith.addf %mul3A_997, %mul3A_998 : vector<16xf32>
        %add3A_1006 = arith.addf %mul3A_999, %mul3A_1000 : vector<16xf32>
        %add3A_1007 = arith.addf %add3A_1005, %add3A_1006 : vector<16xf32>
        %add3A_1008 = arith.addf %mul3A_1001, %mul3A_1002 : vector<16xf32>
        %add3A_1009 = arith.addf %mul3A_1003, %mul3A_1004 : vector<16xf32>
        %add3A_1010 = arith.addf %add3A_1008, %add3A_1009 : vector<16xf32>
        %add3A_1011 = arith.addf %add3A_1007, %add3A_1010 : vector<16xf32>
        %swap3A_1012 = arith.constant 272 : index
        %swap3A_1013 = tpu.vector_load %arg15[%swap3A_1012] {strides = array<i32>} : memref<512xf32, #tpu.memory_space<vmem>>, vector<16xf32>,
        tpu.vector_store %arg15[%swap3A_1012], %add3A_1011 {strides = array<i32>} : memref<512xf32, #tpu.memory_space<vmem>>, vector<16xf32>,
        %mul3A_1014 = arith.constant 30 : i32
        %mul3A_1015 = arith.muli %scan3A_152, %mul3A_1014 : i32
        %add3A_1016 = arith.constant 19 : i32
        %add3A_1017 = arith.addi %mul3A_1015, %add3A_1016 : i32
        %get3A_1018 = arith.index_cast %add3A_1017 : i32 to index
        %get3A_1019 = arith.constant 0 : index
        %get3A_1020 = tpu.vector_load %arg13[%get3A_1018, %get3A_1019] {strides = array<i32>} : memref<240x128xf32, #tpu.memory_space<vmem>>, vector<16xf32>,
        %get3A_1021 = arith.index_cast %add3A_1017 : i32 to index
        %get3A_1022 = arith.constant 16 : index
        %get3A_1023 = tpu.vector_load %arg13[%get3A_1021, %get3A_1022] {strides = array<i32>} : memref<240x128xf32, #tpu.memory_space<vmem>>, vector<16xf32>,
        %get3A_1024 = arith.index_cast %add3A_1017 : i32 to index
        %get3A_1025 = arith.constant 32 : index
        %get3A_1026 = tpu.vector_load %arg13[%get3A_1024, %get3A_1025] {strides = array<i32>} : memref<240x128xf32, #tpu.memory_space<vmem>>, vector<16xf32>,
        %get3A_1027 = arith.index_cast %add3A_1017 : i32 to index
        %get3A_1028 = arith.constant 48 : index
        %get3A_1029 = tpu.vector_load %arg13[%get3A_1027, %get3A_1028] {strides = array<i32>} : memref<240x128xf32, #tpu.memory_space<vmem>>, vector<16xf32>,
        %get3A_1030 = arith.index_cast %add3A_1017 : i32 to index
        %get3A_1031 = arith.constant 64 : index
        %get3A_1032 = tpu.vector_load %arg13[%get3A_1030, %get3A_1031] {strides = array<i32>} : memref<240x128xf32, #tpu.memory_space<vmem>>, vector<16xf32>,
        %get3A_1033 = arith.index_cast %add3A_1017 : i32 to index
        %get3A_1034 = arith.constant 80 : index
        %get3A_1035 = tpu.vector_load %arg13[%get3A_1033, %get3A_1034] {strides = array<i32>} : memref<240x128xf32, #tpu.memory_space<vmem>>, vector<16xf32>,
        %get3A_1036 = arith.index_cast %add3A_1017 : i32 to index
        %get3A_1037 = arith.constant 96 : index
        %get3A_1038 = tpu.vector_load %arg13[%get3A_1036, %get3A_1037] {strides = array<i32>} : memref<240x128xf32, #tpu.memory_space<vmem>>, vector<16xf32>,
        %get3A_1039 = arith.index_cast %add3A_1017 : i32 to index
        %get3A_1040 = arith.constant 112 : index
        %get3A_1041 = tpu.vector_load %arg13[%get3A_1039, %get3A_1040] {strides = array<i32>} : memref<240x128xf32, #tpu.memory_space<vmem>>, vector<16xf32>,
        %mul3A_1042 = arith.mulf %get3A_975, %get3A_154 : vector<16xf32>
        %mul3A_1043 = arith.mulf %get3A_978, %get3A_157 : vector<16xf32>
        %mul3A_1044 = arith.mulf %get3A_981, %get3A_160 : vector<16xf32>
        %mul3A_1045 = arith.mulf %get3A_984, %get3A_163 : vector<16xf32>
        %mul3A_1046 = arith.mulf %get3A_987, %get3A_166 : vector<16xf32>
        %mul3A_1047 = arith.mulf %get3A_990, %get3A_169 : vector<16xf32>
        %mul3A_1048 = arith.mulf %get3A_993, %get3A_172 : vector<16xf32>
        %mul3A_1049 = arith.mulf %get3A_996, %get3A_175 : vector<16xf32>
        %add3A_1050 = arith.addf %mul3A_1042, %mul3A_1043 : vector<16xf32>
        %add3A_1051 = arith.addf %mul3A_1044, %mul3A_1045 : vector<16xf32>
        %add3A_1052 = arith.addf %add3A_1050, %add3A_1051 : vector<16xf32>
        %add3A_1053 = arith.addf %mul3A_1046, %mul3A_1047 : vector<16xf32>
        %add3A_1054 = arith.addf %mul3A_1048, %mul3A_1049 : vector<16xf32>
        %add3A_1055 = arith.addf %add3A_1053, %add3A_1054 : vector<16xf32>
        %add3A_1056 = arith.addf %add3A_1052, %add3A_1055 : vector<16xf32>
        %swap3A_1057 = arith.constant 288 : index
        %swap3A_1058 = tpu.vector_load %arg15[%swap3A_1057] {strides = array<i32>} : memref<512xf32, #tpu.memory_space<vmem>>, vector<16xf32>,
        tpu.vector_store %arg15[%swap3A_1057], %add3A_1056 {strides = array<i32>} : memref<512xf32, #tpu.memory_space<vmem>>, vector<16xf32>,
        %mul3A_1059 = arith.constant 30 : i32
        %mul3A_1060 = arith.muli %scan3A_152, %mul3A_1059 : i32
        %add3A_1061 = arith.constant 20 : i32
        %add3A_1062 = arith.addi %mul3A_1060, %add3A_1061 : i32
        %get3A_1063 = arith.index_cast %add3A_1062 : i32 to index
        %get3A_1064 = arith.constant 0 : index
        %get3A_1065 = tpu.vector_load %arg13[%get3A_1063, %get3A_1064] {strides = array<i32>} : memref<240x128xf32, #tpu.memory_space<vmem>>, vector<16xf32>,
        %get3A_1066 = arith.index_cast %add3A_1062 : i32 to index
        %get3A_1067 = arith.constant 16 : index
        %get3A_1068 = tpu.vector_load %arg13[%get3A_1066, %get3A_1067] {strides = array<i32>} : memref<240x128xf32, #tpu.memory_space<vmem>>, vector<16xf32>,
        %get3A_1069 = arith.index_cast %add3A_1062 : i32 to index
        %get3A_1070 = arith.constant 32 : index
        %get3A_1071 = tpu.vector_load %arg13[%get3A_1069, %get3A_1070] {strides = array<i32>} : memref<240x128xf32, #tpu.memory_space<vmem>>, vector<16xf32>,
        %get3A_1072 = arith.index_cast %add3A_1062 : i32 to index
        %get3A_1073 = arith.constant 48 : index
        %get3A_1074 = tpu.vector_load %arg13[%get3A_1072, %get3A_1073] {strides = array<i32>} : memref<240x128xf32, #tpu.memory_space<vmem>>, vector<16xf32>,
        %get3A_1075 = arith.index_cast %add3A_1062 : i32 to index
        %get3A_1076 = arith.constant 64 : index
        %get3A_1077 = tpu.vector_load %arg13[%get3A_1075, %get3A_1076] {strides = array<i32>} : memref<240x128xf32, #tpu.memory_space<vmem>>, vector<16xf32>,
        %get3A_1078 = arith.index_cast %add3A_1062 : i32 to index
        %get3A_1079 = arith.constant 80 : index
        %get3A_1080 = tpu.vector_load %arg13[%get3A_1078, %get3A_1079] {strides = array<i32>} : memref<240x128xf32, #tpu.memory_space<vmem>>, vector<16xf32>,
        %get3A_1081 = arith.index_cast %add3A_1062 : i32 to index
        %get3A_1082 = arith.constant 96 : index
        %get3A_1083 = tpu.vector_load %arg13[%get3A_1081, %get3A_1082] {strides = array<i32>} : memref<240x128xf32, #tpu.memory_space<vmem>>, vector<16xf32>,
        %get3A_1084 = arith.index_cast %add3A_1062 : i32 to index
        %get3A_1085 = arith.constant 112 : index
        %get3A_1086 = tpu.vector_load %arg13[%get3A_1084, %get3A_1085] {strides = array<i32>} : memref<240x128xf32, #tpu.memory_space<vmem>>, vector<16xf32>,
        %mul3A_1087 = arith.mulf %get3A_1020, %get3A_154 : vector<16xf32>
        %mul3A_1088 = arith.mulf %get3A_1023, %get3A_157 : vector<16xf32>
        %mul3A_1089 = arith.mulf %get3A_1026, %get3A_160 : vector<16xf32>
        %mul3A_1090 = arith.mulf %get3A_1029, %get3A_163 : vector<16xf32>
        %mul3A_1091 = arith.mulf %get3A_1032, %get3A_166 : vector<16xf32>
        %mul3A_1092 = arith.mulf %get3A_1035, %get3A_169 : vector<16xf32>
        %mul3A_1093 = arith.mulf %get3A_1038, %get3A_172 : vector<16xf32>
        %mul3A_1094 = arith.mulf %get3A_1041, %get3A_175 : vector<16xf32>
        %add3A_1095 = arith.addf %mul3A_1087, %mul3A_1088 : vector<16xf32>
        %add3A_1096 = arith.addf %mul3A_1089, %mul3A_1090 : vector<16xf32>
        %add3A_1097 = arith.addf %add3A_1095, %add3A_1096 : vector<16xf32>
        %add3A_1098 = arith.addf %mul3A_1091, %mul3A_1092 : vector<16xf32>
        %add3A_1099 = arith.addf %mul3A_1093, %mul3A_1094 : vector<16xf32>
        %add3A_1100 = arith.addf %add3A_1098, %add3A_1099 : vector<16xf32>
        %add3A_1101 = arith.addf %add3A_1097, %add3A_1100 : vector<16xf32>
        %swap3A_1102 = arith.constant 304 : index
        %swap3A_1103 = tpu.vector_load %arg15[%swap3A_1102] {strides = array<i32>} : memref<512xf32, #tpu.memory_space<vmem>>, vector<16xf32>,
        tpu.vector_store %arg15[%swap3A_1102], %add3A_1101 {strides = array<i32>} : memref<512xf32, #tpu.memory_space<vmem>>, vector<16xf32>,
        %mul3A_1104 = arith.constant 30 : i32
        %mul3A_1105 = arith.muli %scan3A_152, %mul3A_1104 : i32
        %add3A_1106 = arith.constant 21 : i32
        %add3A_1107 = arith.addi %mul3A_1105, %add3A_1106 : i32
        %get3A_1108 = arith.index_cast %add3A_1107 : i32 to index
        %get3A_1109 = arith.constant 0 : index
        %get3A_1110 = tpu.vector_load %arg13[%get3A_1108, %get3A_1109] {strides = array<i32>} : memref<240x128xf32, #tpu.memory_space<vmem>>, vector<16xf32>,
        %get3A_1111 = arith.index_cast %add3A_1107 : i32 to index
        %get3A_1112 = arith.constant 16 : index
        %get3A_1113 = tpu.vector_load %arg13[%get3A_1111, %get3A_1112] {strides = array<i32>} : memref<240x128xf32, #tpu.memory_space<vmem>>, vector<16xf32>,
        %get3A_1114 = arith.index_cast %add3A_1107 : i32 to index
        %get3A_1115 = arith.constant 32 : index
        %get3A_1116 = tpu.vector_load %arg13[%get3A_1114, %get3A_1115] {strides = array<i32>} : memref<240x128xf32, #tpu.memory_space<vmem>>, vector<16xf32>,
        %get3A_1117 = arith.index_cast %add3A_1107 : i32 to index
        %get3A_1118 = arith.constant 48 : index
        %get3A_1119 = tpu.vector_load %arg13[%get3A_1117, %get3A_1118] {strides = array<i32>} : memref<240x128xf32, #tpu.memory_space<vmem>>, vector<16xf32>,
        %get3A_1120 = arith.index_cast %add3A_1107 : i32 to index
        %get3A_1121 = arith.constant 64 : index
        %get3A_1122 = tpu.vector_load %arg13[%get3A_1120, %get3A_1121] {strides = array<i32>} : memref<240x128xf32, #tpu.memory_space<vmem>>, vector<16xf32>,
        %get3A_1123 = arith.index_cast %add3A_1107 : i32 to index
        %get3A_1124 = arith.constant 80 : index
        %get3A_1125 = tpu.vector_load %arg13[%get3A_1123, %get3A_1124] {strides = array<i32>} : memref<240x128xf32, #tpu.memory_space<vmem>>, vector<16xf32>,
        %get3A_1126 = arith.index_cast %add3A_1107 : i32 to index
        %get3A_1127 = arith.constant 96 : index
        %get3A_1128 = tpu.vector_load %arg13[%get3A_1126, %get3A_1127] {strides = array<i32>} : memref<240x128xf32, #tpu.memory_space<vmem>>, vector<16xf32>,
        %get3A_1129 = arith.index_cast %add3A_1107 : i32 to index
        %get3A_1130 = arith.constant 112 : index
        %get3A_1131 = tpu.vector_load %arg13[%get3A_1129, %get3A_1130] {strides = array<i32>} : memref<240x128xf32, #tpu.memory_space<vmem>>, vector<16xf32>,
        %mul3A_1132 = arith.mulf %get3A_1065, %get3A_154 : vector<16xf32>
        %mul3A_1133 = arith.mulf %get3A_1068, %get3A_157 : vector<16xf32>
        %mul3A_1134 = arith.mulf %get3A_1071, %get3A_160 : vector<16xf32>
        %mul3A_1135 = arith.mulf %get3A_1074, %get3A_163 : vector<16xf32>
        %mul3A_1136 = arith.mulf %get3A_1077, %get3A_166 : vector<16xf32>
        %mul3A_1137 = arith.mulf %get3A_1080, %get3A_169 : vector<16xf32>
        %mul3A_1138 = arith.mulf %get3A_1083, %get3A_172 : vector<16xf32>
        %mul3A_1139 = arith.mulf %get3A_1086, %get3A_175 : vector<16xf32>
        %add3A_1140 = arith.addf %mul3A_1132, %mul3A_1133 : vector<16xf32>
        %add3A_1141 = arith.addf %mul3A_1134, %mul3A_1135 : vector<16xf32>
        %add3A_1142 = arith.addf %add3A_1140, %add3A_1141 : vector<16xf32>
        %add3A_1143 = arith.addf %mul3A_1136, %mul3A_1137 : vector<16xf32>
        %add3A_1144 = arith.addf %mul3A_1138, %mul3A_1139 : vector<16xf32>
        %add3A_1145 = arith.addf %add3A_1143, %add3A_1144 : vector<16xf32>
        %add3A_1146 = arith.addf %add3A_1142, %add3A_1145 : vector<16xf32>
        %swap3A_1147 = arith.constant 320 : index
        %swap3A_1148 = tpu.vector_load %arg15[%swap3A_1147] {strides = array<i32>} : memref<512xf32, #tpu.memory_space<vmem>>, vector<16xf32>,
        tpu.vector_store %arg15[%swap3A_1147], %add3A_1146 {strides = array<i32>} : memref<512xf32, #tpu.memory_space<vmem>>, vector<16xf32>,
        %mul3A_1149 = arith.constant 30 : i32
        %mul3A_1150 = arith.muli %scan3A_152, %mul3A_1149 : i32
        %add3A_1151 = arith.constant 22 : i32
        %add3A_1152 = arith.addi %mul3A_1150, %add3A_1151 : i32
        %get3A_1153 = arith.index_cast %add3A_1152 : i32 to index
        %get3A_1154 = arith.constant 0 : index
        %get3A_1155 = tpu.vector_load %arg13[%get3A_1153, %get3A_1154] {strides = array<i32>} : memref<240x128xf32, #tpu.memory_space<vmem>>, vector<16xf32>,
        %get3A_1156 = arith.index_cast %add3A_1152 : i32 to index
        %get3A_1157 = arith.constant 16 : index
        %get3A_1158 = tpu.vector_load %arg13[%get3A_1156, %get3A_1157] {strides = array<i32>} : memref<240x128xf32, #tpu.memory_space<vmem>>, vector<16xf32>,
        %get3A_1159 = arith.index_cast %add3A_1152 : i32 to index
        %get3A_1160 = arith.constant 32 : index
        %get3A_1161 = tpu.vector_load %arg13[%get3A_1159, %get3A_1160] {strides = array<i32>} : memref<240x128xf32, #tpu.memory_space<vmem>>, vector<16xf32>,
        %get3A_1162 = arith.index_cast %add3A_1152 : i32 to index
        %get3A_1163 = arith.constant 48 : index
        %get3A_1164 = tpu.vector_load %arg13[%get3A_1162, %get3A_1163] {strides = array<i32>} : memref<240x128xf32, #tpu.memory_space<vmem>>, vector<16xf32>,
        %get3A_1165 = arith.index_cast %add3A_1152 : i32 to index
        %get3A_1166 = arith.constant 64 : index
        %get3A_1167 = tpu.vector_load %arg13[%get3A_1165, %get3A_1166] {strides = array<i32>} : memref<240x128xf32, #tpu.memory_space<vmem>>, vector<16xf32>,
        %get3A_1168 = arith.index_cast %add3A_1152 : i32 to index
        %get3A_1169 = arith.constant 80 : index
        %get3A_1170 = tpu.vector_load %arg13[%get3A_1168, %get3A_1169] {strides = array<i32>} : memref<240x128xf32, #tpu.memory_space<vmem>>, vector<16xf32>,
        %get3A_1171 = arith.index_cast %add3A_1152 : i32 to index
        %get3A_1172 = arith.constant 96 : index
        %get3A_1173 = tpu.vector_load %arg13[%get3A_1171, %get3A_1172] {strides = array<i32>} : memref<240x128xf32, #tpu.memory_space<vmem>>, vector<16xf32>,
        %get3A_1174 = arith.index_cast %add3A_1152 : i32 to index
        %get3A_1175 = arith.constant 112 : index
        %get3A_1176 = tpu.vector_load %arg13[%get3A_1174, %get3A_1175] {strides = array<i32>} : memref<240x128xf32, #tpu.memory_space<vmem>>, vector<16xf32>,
        %mul3A_1177 = arith.mulf %get3A_1110, %get3A_154 : vector<16xf32>
        %mul3A_1178 = arith.mulf %get3A_1113, %get3A_157 : vector<16xf32>
        %mul3A_1179 = arith.mulf %get3A_1116, %get3A_160 : vector<16xf32>
        %mul3A_1180 = arith.mulf %get3A_1119, %get3A_163 : vector<16xf32>
        %mul3A_1181 = arith.mulf %get3A_1122, %get3A_166 : vector<16xf32>
        %mul3A_1182 = arith.mulf %get3A_1125, %get3A_169 : vector<16xf32>
        %mul3A_1183 = arith.mulf %get3A_1128, %get3A_172 : vector<16xf32>
        %mul3A_1184 = arith.mulf %get3A_1131, %get3A_175 : vector<16xf32>
        %add3A_1185 = arith.addf %mul3A_1177, %mul3A_1178 : vector<16xf32>
        %add3A_1186 = arith.addf %mul3A_1179, %mul3A_1180 : vector<16xf32>
        %add3A_1187 = arith.addf %add3A_1185, %add3A_1186 : vector<16xf32>
        %add3A_1188 = arith.addf %mul3A_1181, %mul3A_1182 : vector<16xf32>
        %add3A_1189 = arith.addf %mul3A_1183, %mul3A_1184 : vector<16xf32>
        %add3A_1190 = arith.addf %add3A_1188, %add3A_1189 : vector<16xf32>
        %add3A_1191 = arith.addf %add3A_1187, %add3A_1190 : vector<16xf32>
        %swap3A_1192 = arith.constant 336 : index
        %swap3A_1193 = tpu.vector_load %arg15[%swap3A_1192] {strides = array<i32>} : memref<512xf32, #tpu.memory_space<vmem>>, vector<16xf32>,
        tpu.vector_store %arg15[%swap3A_1192], %add3A_1191 {strides = array<i32>} : memref<512xf32, #tpu.memory_space<vmem>>, vector<16xf32>,
        %mul3A_1194 = arith.constant 30 : i32
        %mul3A_1195 = arith.muli %scan3A_152, %mul3A_1194 : i32
        %add3A_1196 = arith.constant 23 : i32
        %add3A_1197 = arith.addi %mul3A_1195, %add3A_1196 : i32
        %get3A_1198 = arith.index_cast %add3A_1197 : i32 to index
        %get3A_1199 = arith.constant 0 : index
        %get3A_1200 = tpu.vector_load %arg13[%get3A_1198, %get3A_1199] {strides = array<i32>} : memref<240x128xf32, #tpu.memory_space<vmem>>, vector<16xf32>,
        %get3A_1201 = arith.index_cast %add3A_1197 : i32 to index
        %get3A_1202 = arith.constant 16 : index
        %get3A_1203 = tpu.vector_load %arg13[%get3A_1201, %get3A_1202] {strides = array<i32>} : memref<240x128xf32, #tpu.memory_space<vmem>>, vector<16xf32>,
        %get3A_1204 = arith.index_cast %add3A_1197 : i32 to index
        %get3A_1205 = arith.constant 32 : index
        %get3A_1206 = tpu.vector_load %arg13[%get3A_1204, %get3A_1205] {strides = array<i32>} : memref<240x128xf32, #tpu.memory_space<vmem>>, vector<16xf32>,
        %get3A_1207 = arith.index_cast %add3A_1197 : i32 to index
        %get3A_1208 = arith.constant 48 : index
        %get3A_1209 = tpu.vector_load %arg13[%get3A_1207, %get3A_1208] {strides = array<i32>} : memref<240x128xf32, #tpu.memory_space<vmem>>, vector<16xf32>,
        %get3A_1210 = arith.index_cast %add3A_1197 : i32 to index
        %get3A_1211 = arith.constant 64 : index
        %get3A_1212 = tpu.vector_load %arg13[%get3A_1210, %get3A_1211] {strides = array<i32>} : memref<240x128xf32, #tpu.memory_space<vmem>>, vector<16xf32>,
        %get3A_1213 = arith.index_cast %add3A_1197 : i32 to index
        %get3A_1214 = arith.constant 80 : index
        %get3A_1215 = tpu.vector_load %arg13[%get3A_1213, %get3A_1214] {strides = array<i32>} : memref<240x128xf32, #tpu.memory_space<vmem>>, vector<16xf32>,
        %get3A_1216 = arith.index_cast %add3A_1197 : i32 to index
        %get3A_1217 = arith.constant 96 : index
        %get3A_1218 = tpu.vector_load %arg13[%get3A_1216, %get3A_1217] {strides = array<i32>} : memref<240x128xf32, #tpu.memory_space<vmem>>, vector<16xf32>,
        %get3A_1219 = arith.index_cast %add3A_1197 : i32 to index
        %get3A_1220 = arith.constant 112 : index
        %get3A_1221 = tpu.vector_load %arg13[%get3A_1219, %get3A_1220] {strides = array<i32>} : memref<240x128xf32, #tpu.memory_space<vmem>>, vector<16xf32>,
        %mul3A_1222 = arith.mulf %get3A_1155, %get3A_154 : vector<16xf32>
        %mul3A_1223 = arith.mulf %get3A_1158, %get3A_157 : vector<16xf32>
        %mul3A_1224 = arith.mulf %get3A_1161, %get3A_160 : vector<16xf32>
        %mul3A_1225 = arith.mulf %get3A_1164, %get3A_163 : vector<16xf32>
        %mul3A_1226 = arith.mulf %get3A_1167, %get3A_166 : vector<16xf32>
        %mul3A_1227 = arith.mulf %get3A_1170, %get3A_169 : vector<16xf32>
        %mul3A_1228 = arith.mulf %get3A_1173, %get3A_172 : vector<16xf32>
        %mul3A_1229 = arith.mulf %get3A_1176, %get3A_175 : vector<16xf32>
        %add3A_1230 = arith.addf %mul3A_1222, %mul3A_1223 : vector<16xf32>
        %add3A_1231 = arith.addf %mul3A_1224, %mul3A_1225 : vector<16xf32>
        %add3A_1232 = arith.addf %add3A_1230, %add3A_1231 : vector<16xf32>
        %add3A_1233 = arith.addf %mul3A_1226, %mul3A_1227 : vector<16xf32>
        %add3A_1234 = arith.addf %mul3A_1228, %mul3A_1229 : vector<16xf32>
        %add3A_1235 = arith.addf %add3A_1233, %add3A_1234 : vector<16xf32>
        %add3A_1236 = arith.addf %add3A_1232, %add3A_1235 : vector<16xf32>
        %swap3A_1237 = arith.constant 352 : index
        %swap3A_1238 = tpu.vector_load %arg15[%swap3A_1237] {strides = array<i32>} : memref<512xf32, #tpu.memory_space<vmem>>, vector<16xf32>,
        tpu.vector_store %arg15[%swap3A_1237], %add3A_1236 {strides = array<i32>} : memref<512xf32, #tpu.memory_space<vmem>>, vector<16xf32>,
        %mul3A_1239 = arith.constant 30 : i32
        %mul3A_1240 = arith.muli %scan3A_152, %mul3A_1239 : i32
        %add3A_1241 = arith.constant 24 : i32
        %add3A_1242 = arith.addi %mul3A_1240, %add3A_1241 : i32
        %get3A_1243 = arith.index_cast %add3A_1242 : i32 to index
        %get3A_1244 = arith.constant 0 : index
        %get3A_1245 = tpu.vector_load %arg13[%get3A_1243, %get3A_1244] {strides = array<i32>} : memref<240x128xf32, #tpu.memory_space<vmem>>, vector<16xf32>,
        %get3A_1246 = arith.index_cast %add3A_1242 : i32 to index
        %get3A_1247 = arith.constant 16 : index
        %get3A_1248 = tpu.vector_load %arg13[%get3A_1246, %get3A_1247] {strides = array<i32>} : memref<240x128xf32, #tpu.memory_space<vmem>>, vector<16xf32>,
        %get3A_1249 = arith.index_cast %add3A_1242 : i32 to index
        %get3A_1250 = arith.constant 32 : index
        %get3A_1251 = tpu.vector_load %arg13[%get3A_1249, %get3A_1250] {strides = array<i32>} : memref<240x128xf32, #tpu.memory_space<vmem>>, vector<16xf32>,
        %get3A_1252 = arith.index_cast %add3A_1242 : i32 to index
        %get3A_1253 = arith.constant 48 : index
        %get3A_1254 = tpu.vector_load %arg13[%get3A_1252, %get3A_1253] {strides = array<i32>} : memref<240x128xf32, #tpu.memory_space<vmem>>, vector<16xf32>,
        %get3A_1255 = arith.index_cast %add3A_1242 : i32 to index
        %get3A_1256 = arith.constant 64 : index
        %get3A_1257 = tpu.vector_load %arg13[%get3A_1255, %get3A_1256] {strides = array<i32>} : memref<240x128xf32, #tpu.memory_space<vmem>>, vector<16xf32>,
        %get3A_1258 = arith.index_cast %add3A_1242 : i32 to index
        %get3A_1259 = arith.constant 80 : index
        %get3A_1260 = tpu.vector_load %arg13[%get3A_1258, %get3A_1259] {strides = array<i32>} : memref<240x128xf32, #tpu.memory_space<vmem>>, vector<16xf32>,
        %get3A_1261 = arith.index_cast %add3A_1242 : i32 to index
        %get3A_1262 = arith.constant 96 : index
        %get3A_1263 = tpu.vector_load %arg13[%get3A_1261, %get3A_1262] {strides = array<i32>} : memref<240x128xf32, #tpu.memory_space<vmem>>, vector<16xf32>,
        %get3A_1264 = arith.index_cast %add3A_1242 : i32 to index
        %get3A_1265 = arith.constant 112 : index
        %get3A_1266 = tpu.vector_load %arg13[%get3A_1264, %get3A_1265] {strides = array<i32>} : memref<240x128xf32, #tpu.memory_space<vmem>>, vector<16xf32>,
        %mul3A_1267 = arith.mulf %get3A_1200, %get3A_154 : vector<16xf32>
        %mul3A_1268 = arith.mulf %get3A_1203, %get3A_157 : vector<16xf32>
        %mul3A_1269 = arith.mulf %get3A_1206, %get3A_160 : vector<16xf32>
        %mul3A_1270 = arith.mulf %get3A_1209, %get3A_163 : vector<16xf32>
        %mul3A_1271 = arith.mulf %get3A_1212, %get3A_166 : vector<16xf32>
        %mul3A_1272 = arith.mulf %get3A_1215, %get3A_169 : vector<16xf32>
        %mul3A_1273 = arith.mulf %get3A_1218, %get3A_172 : vector<16xf32>
        %mul3A_1274 = arith.mulf %get3A_1221, %get3A_175 : vector<16xf32>
        %add3A_1275 = arith.addf %mul3A_1267, %mul3A_1268 : vector<16xf32>
        %add3A_1276 = arith.addf %mul3A_1269, %mul3A_1270 : vector<16xf32>
        %add3A_1277 = arith.addf %add3A_1275, %add3A_1276 : vector<16xf32>
        %add3A_1278 = arith.addf %mul3A_1271, %mul3A_1272 : vector<16xf32>
        %add3A_1279 = arith.addf %mul3A_1273, %mul3A_1274 : vector<16xf32>
        %add3A_1280 = arith.addf %add3A_1278, %add3A_1279 : vector<16xf32>
        %add3A_1281 = arith.addf %add3A_1277, %add3A_1280 : vector<16xf32>
        %swap3A_1282 = arith.constant 368 : index
        %swap3A_1283 = tpu.vector_load %arg15[%swap3A_1282] {strides = array<i32>} : memref<512xf32, #tpu.memory_space<vmem>>, vector<16xf32>,
        tpu.vector_store %arg15[%swap3A_1282], %add3A_1281 {strides = array<i32>} : memref<512xf32, #tpu.memory_space<vmem>>, vector<16xf32>,
        %mul3A_1284 = arith.constant 30 : i32
        %mul3A_1285 = arith.muli %scan3A_152, %mul3A_1284 : i32
        %add3A_1286 = arith.constant 25 : i32
        %add3A_1287 = arith.addi %mul3A_1285, %add3A_1286 : i32
        %get3A_1288 = arith.index_cast %add3A_1287 : i32 to index
        %get3A_1289 = arith.constant 0 : index
        %get3A_1290 = tpu.vector_load %arg13[%get3A_1288, %get3A_1289] {strides = array<i32>} : memref<240x128xf32, #tpu.memory_space<vmem>>, vector<16xf32>,
        %get3A_1291 = arith.index_cast %add3A_1287 : i32 to index
        %get3A_1292 = arith.constant 16 : index
        %get3A_1293 = tpu.vector_load %arg13[%get3A_1291, %get3A_1292] {strides = array<i32>} : memref<240x128xf32, #tpu.memory_space<vmem>>, vector<16xf32>,
        %get3A_1294 = arith.index_cast %add3A_1287 : i32 to index
        %get3A_1295 = arith.constant 32 : index
        %get3A_1296 = tpu.vector_load %arg13[%get3A_1294, %get3A_1295] {strides = array<i32>} : memref<240x128xf32, #tpu.memory_space<vmem>>, vector<16xf32>,
        %get3A_1297 = arith.index_cast %add3A_1287 : i32 to index
        %get3A_1298 = arith.constant 48 : index
        %get3A_1299 = tpu.vector_load %arg13[%get3A_1297, %get3A_1298] {strides = array<i32>} : memref<240x128xf32, #tpu.memory_space<vmem>>, vector<16xf32>,
        %get3A_1300 = arith.index_cast %add3A_1287 : i32 to index
        %get3A_1301 = arith.constant 64 : index
        %get3A_1302 = tpu.vector_load %arg13[%get3A_1300, %get3A_1301] {strides = array<i32>} : memref<240x128xf32, #tpu.memory_space<vmem>>, vector<16xf32>,
        %get3A_1303 = arith.index_cast %add3A_1287 : i32 to index
        %get3A_1304 = arith.constant 80 : index
        %get3A_1305 = tpu.vector_load %arg13[%get3A_1303, %get3A_1304] {strides = array<i32>} : memref<240x128xf32, #tpu.memory_space<vmem>>, vector<16xf32>,
        %get3A_1306 = arith.index_cast %add3A_1287 : i32 to index
        %get3A_1307 = arith.constant 96 : index
        %get3A_1308 = tpu.vector_load %arg13[%get3A_1306, %get3A_1307] {strides = array<i32>} : memref<240x128xf32, #tpu.memory_space<vmem>>, vector<16xf32>,
        %get3A_1309 = arith.index_cast %add3A_1287 : i32 to index
        %get3A_1310 = arith.constant 112 : index
        %get3A_1311 = tpu.vector_load %arg13[%get3A_1309, %get3A_1310] {strides = array<i32>} : memref<240x128xf32, #tpu.memory_space<vmem>>, vector<16xf32>,
        %mul3A_1312 = arith.mulf %get3A_1245, %get3A_154 : vector<16xf32>
        %mul3A_1313 = arith.mulf %get3A_1248, %get3A_157 : vector<16xf32>
        %mul3A_1314 = arith.mulf %get3A_1251, %get3A_160 : vector<16xf32>
        %mul3A_1315 = arith.mulf %get3A_1254, %get3A_163 : vector<16xf32>
        %mul3A_1316 = arith.mulf %get3A_1257, %get3A_166 : vector<16xf32>
        %mul3A_1317 = arith.mulf %get3A_1260, %get3A_169 : vector<16xf32>
        %mul3A_1318 = arith.mulf %get3A_1263, %get3A_172 : vector<16xf32>
        %mul3A_1319 = arith.mulf %get3A_1266, %get3A_175 : vector<16xf32>
        %add3A_1320 = arith.addf %mul3A_1312, %mul3A_1313 : vector<16xf32>
        %add3A_1321 = arith.addf %mul3A_1314, %mul3A_1315 : vector<16xf32>
        %add3A_1322 = arith.addf %add3A_1320, %add3A_1321 : vector<16xf32>
        %add3A_1323 = arith.addf %mul3A_1316, %mul3A_1317 : vector<16xf32>
        %add3A_1324 = arith.addf %mul3A_1318, %mul3A_1319 : vector<16xf32>
        %add3A_1325 = arith.addf %add3A_1323, %add3A_1324 : vector<16xf32>
        %add3A_1326 = arith.addf %add3A_1322, %add3A_1325 : vector<16xf32>
        %swap3A_1327 = arith.constant 384 : index
        %swap3A_1328 = tpu.vector_load %arg15[%swap3A_1327] {strides = array<i32>} : memref<512xf32, #tpu.memory_space<vmem>>, vector<16xf32>,
        tpu.vector_store %arg15[%swap3A_1327], %add3A_1326 {strides = array<i32>} : memref<512xf32, #tpu.memory_space<vmem>>, vector<16xf32>,
        %mul3A_1329 = arith.constant 30 : i32
        %mul3A_1330 = arith.muli %scan3A_152, %mul3A_1329 : i32
        %add3A_1331 = arith.constant 26 : i32
        %add3A_1332 = arith.addi %mul3A_1330, %add3A_1331 : i32
        %get3A_1333 = arith.index_cast %add3A_1332 : i32 to index
        %get3A_1334 = arith.constant 0 : index
        %get3A_1335 = tpu.vector_load %arg13[%get3A_1333, %get3A_1334] {strides = array<i32>} : memref<240x128xf32, #tpu.memory_space<vmem>>, vector<16xf32>,
        %get3A_1336 = arith.index_cast %add3A_1332 : i32 to index
        %get3A_1337 = arith.constant 16 : index
        %get3A_1338 = tpu.vector_load %arg13[%get3A_1336, %get3A_1337] {strides = array<i32>} : memref<240x128xf32, #tpu.memory_space<vmem>>, vector<16xf32>,
        %get3A_1339 = arith.index_cast %add3A_1332 : i32 to index
        %get3A_1340 = arith.constant 32 : index
        %get3A_1341 = tpu.vector_load %arg13[%get3A_1339, %get3A_1340] {strides = array<i32>} : memref<240x128xf32, #tpu.memory_space<vmem>>, vector<16xf32>,
        %get3A_1342 = arith.index_cast %add3A_1332 : i32 to index
        %get3A_1343 = arith.constant 48 : index
        %get3A_1344 = tpu.vector_load %arg13[%get3A_1342, %get3A_1343] {strides = array<i32>} : memref<240x128xf32, #tpu.memory_space<vmem>>, vector<16xf32>,
        %get3A_1345 = arith.index_cast %add3A_1332 : i32 to index
        %get3A_1346 = arith.constant 64 : index
        %get3A_1347 = tpu.vector_load %arg13[%get3A_1345, %get3A_1346] {strides = array<i32>} : memref<240x128xf32, #tpu.memory_space<vmem>>, vector<16xf32>,
        %get3A_1348 = arith.index_cast %add3A_1332 : i32 to index
        %get3A_1349 = arith.constant 80 : index
        %get3A_1350 = tpu.vector_load %arg13[%get3A_1348, %get3A_1349] {strides = array<i32>} : memref<240x128xf32, #tpu.memory_space<vmem>>, vector<16xf32>,
        %get3A_1351 = arith.index_cast %add3A_1332 : i32 to index
        %get3A_1352 = arith.constant 96 : index
        %get3A_1353 = tpu.vector_load %arg13[%get3A_1351, %get3A_1352] {strides = array<i32>} : memref<240x128xf32, #tpu.memory_space<vmem>>, vector<16xf32>,
        %get3A_1354 = arith.index_cast %add3A_1332 : i32 to index
        %get3A_1355 = arith.constant 112 : index
        %get3A_1356 = tpu.vector_load %arg13[%get3A_1354, %get3A_1355] {strides = array<i32>} : memref<240x128xf32, #tpu.memory_space<vmem>>, vector<16xf32>,
        %mul3A_1357 = arith.mulf %get3A_1290, %get3A_154 : vector<16xf32>
        %mul3A_1358 = arith.mulf %get3A_1293, %get3A_157 : vector<16xf32>
        %mul3A_1359 = arith.mulf %get3A_1296, %get3A_160 : vector<16xf32>
        %mul3A_1360 = arith.mulf %get3A_1299, %get3A_163 : vector<16xf32>
        %mul3A_1361 = arith.mulf %get3A_1302, %get3A_166 : vector<16xf32>
        %mul3A_1362 = arith.mulf %get3A_1305, %get3A_169 : vector<16xf32>
        %mul3A_1363 = arith.mulf %get3A_1308, %get3A_172 : vector<16xf32>
        %mul3A_1364 = arith.mulf %get3A_1311, %get3A_175 : vector<16xf32>
        %add3A_1365 = arith.addf %mul3A_1357, %mul3A_1358 : vector<16xf32>
        %add3A_1366 = arith.addf %mul3A_1359, %mul3A_1360 : vector<16xf32>
        %add3A_1367 = arith.addf %add3A_1365, %add3A_1366 : vector<16xf32>
        %add3A_1368 = arith.addf %mul3A_1361, %mul3A_1362 : vector<16xf32>
        %add3A_1369 = arith.addf %mul3A_1363, %mul3A_1364 : vector<16xf32>
        %add3A_1370 = arith.addf %add3A_1368, %add3A_1369 : vector<16xf32>
        %add3A_1371 = arith.addf %add3A_1367, %add3A_1370 : vector<16xf32>
        %swap3A_1372 = arith.constant 400 : index
        %swap3A_1373 = tpu.vector_load %arg15[%swap3A_1372] {strides = array<i32>} : memref<512xf32, #tpu.memory_space<vmem>>, vector<16xf32>,
        tpu.vector_store %arg15[%swap3A_1372], %add3A_1371 {strides = array<i32>} : memref<512xf32, #tpu.memory_space<vmem>>, vector<16xf32>,
        %mul3A_1374 = arith.constant 30 : i32
        %mul3A_1375 = arith.muli %scan3A_152, %mul3A_1374 : i32
        %add3A_1376 = arith.constant 27 : i32
        %add3A_1377 = arith.addi %mul3A_1375, %add3A_1376 : i32
        %get3A_1378 = arith.index_cast %add3A_1377 : i32 to index
        %get3A_1379 = arith.constant 0 : index
        %get3A_1380 = tpu.vector_load %arg13[%get3A_1378, %get3A_1379] {strides = array<i32>} : memref<240x128xf32, #tpu.memory_space<vmem>>, vector<16xf32>,
        %get3A_1381 = arith.index_cast %add3A_1377 : i32 to index
        %get3A_1382 = arith.constant 16 : index
        %get3A_1383 = tpu.vector_load %arg13[%get3A_1381, %get3A_1382] {strides = array<i32>} : memref<240x128xf32, #tpu.memory_space<vmem>>, vector<16xf32>,
        %get3A_1384 = arith.index_cast %add3A_1377 : i32 to index
        %get3A_1385 = arith.constant 32 : index
        %get3A_1386 = tpu.vector_load %arg13[%get3A_1384, %get3A_1385] {strides = array<i32>} : memref<240x128xf32, #tpu.memory_space<vmem>>, vector<16xf32>,
        %get3A_1387 = arith.index_cast %add3A_1377 : i32 to index
        %get3A_1388 = arith.constant 48 : index
        %get3A_1389 = tpu.vector_load %arg13[%get3A_1387, %get3A_1388] {strides = array<i32>} : memref<240x128xf32, #tpu.memory_space<vmem>>, vector<16xf32>,
        %get3A_1390 = arith.index_cast %add3A_1377 : i32 to index
        %get3A_1391 = arith.constant 64 : index
        %get3A_1392 = tpu.vector_load %arg13[%get3A_1390, %get3A_1391] {strides = array<i32>} : memref<240x128xf32, #tpu.memory_space<vmem>>, vector<16xf32>,
        %get3A_1393 = arith.index_cast %add3A_1377 : i32 to index
        %get3A_1394 = arith.constant 80 : index
        %get3A_1395 = tpu.vector_load %arg13[%get3A_1393, %get3A_1394] {strides = array<i32>} : memref<240x128xf32, #tpu.memory_space<vmem>>, vector<16xf32>,
        %get3A_1396 = arith.index_cast %add3A_1377 : i32 to index
        %get3A_1397 = arith.constant 96 : index
        %get3A_1398 = tpu.vector_load %arg13[%get3A_1396, %get3A_1397] {strides = array<i32>} : memref<240x128xf32, #tpu.memory_space<vmem>>, vector<16xf32>,
        %get3A_1399 = arith.index_cast %add3A_1377 : i32 to index
        %get3A_1400 = arith.constant 112 : index
        %get3A_1401 = tpu.vector_load %arg13[%get3A_1399, %get3A_1400] {strides = array<i32>} : memref<240x128xf32, #tpu.memory_space<vmem>>, vector<16xf32>,
        %mul3A_1402 = arith.mulf %get3A_1335, %get3A_154 : vector<16xf32>
        %mul3A_1403 = arith.mulf %get3A_1338, %get3A_157 : vector<16xf32>
        %mul3A_1404 = arith.mulf %get3A_1341, %get3A_160 : vector<16xf32>
        %mul3A_1405 = arith.mulf %get3A_1344, %get3A_163 : vector<16xf32>
        %mul3A_1406 = arith.mulf %get3A_1347, %get3A_166 : vector<16xf32>
        %mul3A_1407 = arith.mulf %get3A_1350, %get3A_169 : vector<16xf32>
        %mul3A_1408 = arith.mulf %get3A_1353, %get3A_172 : vector<16xf32>
        %mul3A_1409 = arith.mulf %get3A_1356, %get3A_175 : vector<16xf32>
        %add3A_1410 = arith.addf %mul3A_1402, %mul3A_1403 : vector<16xf32>
        %add3A_1411 = arith.addf %mul3A_1404, %mul3A_1405 : vector<16xf32>
        %add3A_1412 = arith.addf %add3A_1410, %add3A_1411 : vector<16xf32>
        %add3A_1413 = arith.addf %mul3A_1406, %mul3A_1407 : vector<16xf32>
        %add3A_1414 = arith.addf %mul3A_1408, %mul3A_1409 : vector<16xf32>
        %add3A_1415 = arith.addf %add3A_1413, %add3A_1414 : vector<16xf32>
        %add3A_1416 = arith.addf %add3A_1412, %add3A_1415 : vector<16xf32>
        %swap3A_1417 = arith.constant 416 : index
        %swap3A_1418 = tpu.vector_load %arg15[%swap3A_1417] {strides = array<i32>} : memref<512xf32, #tpu.memory_space<vmem>>, vector<16xf32>,
        tpu.vector_store %arg15[%swap3A_1417], %add3A_1416 {strides = array<i32>} : memref<512xf32, #tpu.memory_space<vmem>>, vector<16xf32>,
        %mul3A_1419 = arith.constant 30 : i32
        %mul3A_1420 = arith.muli %scan3A_152, %mul3A_1419 : i32
        %add3A_1421 = arith.constant 28 : i32
        %add3A_1422 = arith.addi %mul3A_1420, %add3A_1421 : i32
        %get3A_1423 = arith.index_cast %add3A_1422 : i32 to index
        %get3A_1424 = arith.constant 0 : index
        %get3A_1425 = tpu.vector_load %arg13[%get3A_1423, %get3A_1424] {strides = array<i32>} : memref<240x128xf32, #tpu.memory_space<vmem>>, vector<16xf32>,
        %get3A_1426 = arith.index_cast %add3A_1422 : i32 to index
        %get3A_1427 = arith.constant 16 : index
        %get3A_1428 = tpu.vector_load %arg13[%get3A_1426, %get3A_1427] {strides = array<i32>} : memref<240x128xf32, #tpu.memory_space<vmem>>, vector<16xf32>,
        %get3A_1429 = arith.index_cast %add3A_1422 : i32 to index
        %get3A_1430 = arith.constant 32 : index
        %get3A_1431 = tpu.vector_load %arg13[%get3A_1429, %get3A_1430] {strides = array<i32>} : memref<240x128xf32, #tpu.memory_space<vmem>>, vector<16xf32>,
        %get3A_1432 = arith.index_cast %add3A_1422 : i32 to index
        %get3A_1433 = arith.constant 48 : index
        %get3A_1434 = tpu.vector_load %arg13[%get3A_1432, %get3A_1433] {strides = array<i32>} : memref<240x128xf32, #tpu.memory_space<vmem>>, vector<16xf32>,
        %get3A_1435 = arith.index_cast %add3A_1422 : i32 to index
        %get3A_1436 = arith.constant 64 : index
        %get3A_1437 = tpu.vector_load %arg13[%get3A_1435, %get3A_1436] {strides = array<i32>} : memref<240x128xf32, #tpu.memory_space<vmem>>, vector<16xf32>,
        %get3A_1438 = arith.index_cast %add3A_1422 : i32 to index
        %get3A_1439 = arith.constant 80 : index
        %get3A_1440 = tpu.vector_load %arg13[%get3A_1438, %get3A_1439] {strides = array<i32>} : memref<240x128xf32, #tpu.memory_space<vmem>>, vector<16xf32>,
        %get3A_1441 = arith.index_cast %add3A_1422 : i32 to index
        %get3A_1442 = arith.constant 96 : index
        %get3A_1443 = tpu.vector_load %arg13[%get3A_1441, %get3A_1442] {strides = array<i32>} : memref<240x128xf32, #tpu.memory_space<vmem>>, vector<16xf32>,
        %get3A_1444 = arith.index_cast %add3A_1422 : i32 to index
        %get3A_1445 = arith.constant 112 : index
        %get3A_1446 = tpu.vector_load %arg13[%get3A_1444, %get3A_1445] {strides = array<i32>} : memref<240x128xf32, #tpu.memory_space<vmem>>, vector<16xf32>,
        %mul3A_1447 = arith.mulf %get3A_1380, %get3A_154 : vector<16xf32>
        %mul3A_1448 = arith.mulf %get3A_1383, %get3A_157 : vector<16xf32>
        %mul3A_1449 = arith.mulf %get3A_1386, %get3A_160 : vector<16xf32>
        %mul3A_1450 = arith.mulf %get3A_1389, %get3A_163 : vector<16xf32>
        %mul3A_1451 = arith.mulf %get3A_1392, %get3A_166 : vector<16xf32>
        %mul3A_1452 = arith.mulf %get3A_1395, %get3A_169 : vector<16xf32>
        %mul3A_1453 = arith.mulf %get3A_1398, %get3A_172 : vector<16xf32>
        %mul3A_1454 = arith.mulf %get3A_1401, %get3A_175 : vector<16xf32>
        %add3A_1455 = arith.addf %mul3A_1447, %mul3A_1448 : vector<16xf32>
        %add3A_1456 = arith.addf %mul3A_1449, %mul3A_1450 : vector<16xf32>
        %add3A_1457 = arith.addf %add3A_1455, %add3A_1456 : vector<16xf32>
        %add3A_1458 = arith.addf %mul3A_1451, %mul3A_1452 : vector<16xf32>
        %add3A_1459 = arith.addf %mul3A_1453, %mul3A_1454 : vector<16xf32>
        %add3A_1460 = arith.addf %add3A_1458, %add3A_1459 : vector<16xf32>
        %add3A_1461 = arith.addf %add3A_1457, %add3A_1460 : vector<16xf32>
        %swap3A_1462 = arith.constant 432 : index
        %swap3A_1463 = tpu.vector_load %arg15[%swap3A_1462] {strides = array<i32>} : memref<512xf32, #tpu.memory_space<vmem>>, vector<16xf32>,
        tpu.vector_store %arg15[%swap3A_1462], %add3A_1461 {strides = array<i32>} : memref<512xf32, #tpu.memory_space<vmem>>, vector<16xf32>,
        %mul3A_1464 = arith.constant 30 : i32
        %mul3A_1465 = arith.muli %scan3A_152, %mul3A_1464 : i32
        %add3A_1466 = arith.constant 29 : i32
        %add3A_1467 = arith.addi %mul3A_1465, %add3A_1466 : i32
        %get3A_1468 = arith.index_cast %add3A_1467 : i32 to index
        %get3A_1469 = arith.constant 0 : index
        %get3A_1470 = tpu.vector_load %arg13[%get3A_1468, %get3A_1469] {strides = array<i32>} : memref<240x128xf32, #tpu.memory_space<vmem>>, vector<16xf32>,
        %get3A_1471 = arith.index_cast %add3A_1467 : i32 to index
        %get3A_1472 = arith.constant 16 : index
        %get3A_1473 = tpu.vector_load %arg13[%get3A_1471, %get3A_1472] {strides = array<i32>} : memref<240x128xf32, #tpu.memory_space<vmem>>, vector<16xf32>,
        %get3A_1474 = arith.index_cast %add3A_1467 : i32 to index
        %get3A_1475 = arith.constant 32 : index
        %get3A_1476 = tpu.vector_load %arg13[%get3A_1474, %get3A_1475] {strides = array<i32>} : memref<240x128xf32, #tpu.memory_space<vmem>>, vector<16xf32>,
        %get3A_1477 = arith.index_cast %add3A_1467 : i32 to index
        %get3A_1478 = arith.constant 48 : index
        %get3A_1479 = tpu.vector_load %arg13[%get3A_1477, %get3A_1478] {strides = array<i32>} : memref<240x128xf32, #tpu.memory_space<vmem>>, vector<16xf32>,
        %get3A_1480 = arith.index_cast %add3A_1467 : i32 to index
        %get3A_1481 = arith.constant 64 : index
        %get3A_1482 = tpu.vector_load %arg13[%get3A_1480, %get3A_1481] {strides = array<i32>} : memref<240x128xf32, #tpu.memory_space<vmem>>, vector<16xf32>,
        %get3A_1483 = arith.index_cast %add3A_1467 : i32 to index
        %get3A_1484 = arith.constant 80 : index
        %get3A_1485 = tpu.vector_load %arg13[%get3A_1483, %get3A_1484] {strides = array<i32>} : memref<240x128xf32, #tpu.memory_space<vmem>>, vector<16xf32>,
        %get3A_1486 = arith.index_cast %add3A_1467 : i32 to index
        %get3A_1487 = arith.constant 96 : index
        %get3A_1488 = tpu.vector_load %arg13[%get3A_1486, %get3A_1487] {strides = array<i32>} : memref<240x128xf32, #tpu.memory_space<vmem>>, vector<16xf32>,
        %get3A_1489 = arith.index_cast %add3A_1467 : i32 to index
        %get3A_1490 = arith.constant 112 : index
        %get3A_1491 = tpu.vector_load %arg13[%get3A_1489, %get3A_1490] {strides = array<i32>} : memref<240x128xf32, #tpu.memory_space<vmem>>, vector<16xf32>,
        %mul3A_1492 = arith.mulf %get3A_1425, %get3A_154 : vector<16xf32>
        %mul3A_1493 = arith.mulf %get3A_1428, %get3A_157 : vector<16xf32>
        %mul3A_1494 = arith.mulf %get3A_1431, %get3A_160 : vector<16xf32>
        %mul3A_1495 = arith.mulf %get3A_1434, %get3A_163 : vector<16xf32>
        %mul3A_1496 = arith.mulf %get3A_1437, %get3A_166 : vector<16xf32>
        %mul3A_1497 = arith.mulf %get3A_1440, %get3A_169 : vector<16xf32>
        %mul3A_1498 = arith.mulf %get3A_1443, %get3A_172 : vector<16xf32>
        %mul3A_1499 = arith.mulf %get3A_1446, %get3A_175 : vector<16xf32>
        %add3A_1500 = arith.addf %mul3A_1492, %mul3A_1493 : vector<16xf32>
        %add3A_1501 = arith.addf %mul3A_1494, %mul3A_1495 : vector<16xf32>
        %add3A_1502 = arith.addf %add3A_1500, %add3A_1501 : vector<16xf32>
        %add3A_1503 = arith.addf %mul3A_1496, %mul3A_1497 : vector<16xf32>
        %add3A_1504 = arith.addf %mul3A_1498, %mul3A_1499 : vector<16xf32>
        %add3A_1505 = arith.addf %add3A_1503, %add3A_1504 : vector<16xf32>
        %add3A_1506 = arith.addf %add3A_1502, %add3A_1505 : vector<16xf32>
        %swap3A_1507 = arith.constant 448 : index
        %swap3A_1508 = tpu.vector_load %arg15[%swap3A_1507] {strides = array<i32>} : memref<512xf32, #tpu.memory_space<vmem>>, vector<16xf32>,
        tpu.vector_store %arg15[%swap3A_1507], %add3A_1506 {strides = array<i32>} : memref<512xf32, #tpu.memory_space<vmem>>, vector<16xf32>,
        %mul3A_1509 = arith.mulf %get3A_1470, %get3A_154 : vector<16xf32>
        %mul3A_1510 = arith.mulf %get3A_1473, %get3A_157 : vector<16xf32>
        %mul3A_1511 = arith.mulf %get3A_1476, %get3A_160 : vector<16xf32>
        %mul3A_1512 = arith.mulf %get3A_1479, %get3A_163 : vector<16xf32>
        %mul3A_1513 = arith.mulf %get3A_1482, %get3A_166 : vector<16xf32>
        %mul3A_1514 = arith.mulf %get3A_1485, %get3A_169 : vector<16xf32>
        %mul3A_1515 = arith.mulf %get3A_1488, %get3A_172 : vector<16xf32>
        %mul3A_1516 = arith.mulf %get3A_1491, %get3A_175 : vector<16xf32>
        %add3A_1517 = arith.addf %mul3A_1509, %mul3A_1510 : vector<16xf32>
        %add3A_1518 = arith.addf %mul3A_1511, %mul3A_1512 : vector<16xf32>
        %add3A_1519 = arith.addf %add3A_1517, %add3A_1518 : vector<16xf32>
        %add3A_1520 = arith.addf %mul3A_1513, %mul3A_1514 : vector<16xf32>
        %add3A_1521 = arith.addf %mul3A_1515, %mul3A_1516 : vector<16xf32>
        %add3A_1522 = arith.addf %add3A_1520, %add3A_1521 : vector<16xf32>
        %add3A_1523 = arith.addf %add3A_1519, %add3A_1522 : vector<16xf32>
        %swap3A_1524 = arith.constant 464 : index
        %swap3A_1525 = tpu.vector_load %arg15[%swap3A_1524] {strides = array<i32>} : memref<512xf32, #tpu.memory_space<vmem>>, vector<16xf32>,
        tpu.vector_store %arg15[%swap3A_1524], %add3A_1523 {strides = array<i32>} : memref<512xf32, #tpu.memory_space<vmem>>, vector<16xf32>,
        %mul3A_1526 = arith.constant 16 : i32
        %mul3A_1527 = vector.broadcast %mul3A_1526 : i32 to vector<16xi32>
        %mul3A_1528 = arith.muli %iota3A, %mul3A_1527 : vector<16xi32>
        %add3A_1529 = arith.constant 0 : i32
        %add3A_1530 = vector.broadcast %add3A_1529 : i32 to vector<16xi32>
        %add3A_1531 = arith.addi %mul3A_1528, %add3A_1530 : vector<16xi32>
        %gather3A = tpu.vector_load_idx %arg15[%add3A_1531] : memref<512xf32, #tpu.memory_space<vmem>>[vector<16xi32>], vector<16xf32>,
        %add3A_1532 = arith.constant 1 : i32
        %add3A_1533 = vector.broadcast %add3A_1532 : i32 to vector<16xi32>
        %add3A_1534 = arith.addi %mul3A_1528, %add3A_1533 : vector<16xi32>
        %gather3A_1535 = tpu.vector_load_idx %arg15[%add3A_1534] : memref<512xf32, #tpu.memory_space<vmem>>[vector<16xi32>], vector<16xf32>,
        %add3A_1536 = arith.constant 2 : i32
        %add3A_1537 = vector.broadcast %add3A_1536 : i32 to vector<16xi32>
        %add3A_1538 = arith.addi %mul3A_1528, %add3A_1537 : vector<16xi32>
        %gather3A_1539 = tpu.vector_load_idx %arg15[%add3A_1538] : memref<512xf32, #tpu.memory_space<vmem>>[vector<16xi32>], vector<16xf32>,
        %add3A_1540 = arith.constant 3 : i32
        %add3A_1541 = vector.broadcast %add3A_1540 : i32 to vector<16xi32>
        %add3A_1542 = arith.addi %mul3A_1528, %add3A_1541 : vector<16xi32>
        %gather3A_1543 = tpu.vector_load_idx %arg15[%add3A_1542] : memref<512xf32, #tpu.memory_space<vmem>>[vector<16xi32>], vector<16xf32>,
        %add3A_1544 = arith.constant 4 : i32
        %add3A_1545 = vector.broadcast %add3A_1544 : i32 to vector<16xi32>
        %add3A_1546 = arith.addi %mul3A_1528, %add3A_1545 : vector<16xi32>
        %gather3A_1547 = tpu.vector_load_idx %arg15[%add3A_1546] : memref<512xf32, #tpu.memory_space<vmem>>[vector<16xi32>], vector<16xf32>,
        %add3A_1548 = arith.constant 5 : i32
        %add3A_1549 = vector.broadcast %add3A_1548 : i32 to vector<16xi32>
        %add3A_1550 = arith.addi %mul3A_1528, %add3A_1549 : vector<16xi32>
        %gather3A_1551 = tpu.vector_load_idx %arg15[%add3A_1550] : memref<512xf32, #tpu.memory_space<vmem>>[vector<16xi32>], vector<16xf32>,
        %add3A_1552 = arith.constant 6 : i32
        %add3A_1553 = vector.broadcast %add3A_1552 : i32 to vector<16xi32>
        %add3A_1554 = arith.addi %mul3A_1528, %add3A_1553 : vector<16xi32>
        %gather3A_1555 = tpu.vector_load_idx %arg15[%add3A_1554] : memref<512xf32, #tpu.memory_space<vmem>>[vector<16xi32>], vector<16xf32>,
        %add3A_1556 = arith.constant 7 : i32
        %add3A_1557 = vector.broadcast %add3A_1556 : i32 to vector<16xi32>
        %add3A_1558 = arith.addi %mul3A_1528, %add3A_1557 : vector<16xi32>
        %gather3A_1559 = tpu.vector_load_idx %arg15[%add3A_1558] : memref<512xf32, #tpu.memory_space<vmem>>[vector<16xi32>], vector<16xf32>,
        %add3A_1560 = arith.constant 8 : i32
        %add3A_1561 = vector.broadcast %add3A_1560 : i32 to vector<16xi32>
        %add3A_1562 = arith.addi %mul3A_1528, %add3A_1561 : vector<16xi32>
        %gather3A_1563 = tpu.vector_load_idx %arg15[%add3A_1562] : memref<512xf32, #tpu.memory_space<vmem>>[vector<16xi32>], vector<16xf32>,
        %add3A_1564 = arith.constant 9 : i32
        %add3A_1565 = vector.broadcast %add3A_1564 : i32 to vector<16xi32>
        %add3A_1566 = arith.addi %mul3A_1528, %add3A_1565 : vector<16xi32>
        %gather3A_1567 = tpu.vector_load_idx %arg15[%add3A_1566] : memref<512xf32, #tpu.memory_space<vmem>>[vector<16xi32>], vector<16xf32>,
        %add3A_1568 = arith.constant 10 : i32
        %add3A_1569 = vector.broadcast %add3A_1568 : i32 to vector<16xi32>
        %add3A_1570 = arith.addi %mul3A_1528, %add3A_1569 : vector<16xi32>
        %gather3A_1571 = tpu.vector_load_idx %arg15[%add3A_1570] : memref<512xf32, #tpu.memory_space<vmem>>[vector<16xi32>], vector<16xf32>,
        %add3A_1572 = arith.constant 11 : i32
        %add3A_1573 = vector.broadcast %add3A_1572 : i32 to vector<16xi32>
        %add3A_1574 = arith.addi %mul3A_1528, %add3A_1573 : vector<16xi32>
        %gather3A_1575 = tpu.vector_load_idx %arg15[%add3A_1574] : memref<512xf32, #tpu.memory_space<vmem>>[vector<16xi32>], vector<16xf32>,
        %add3A_1576 = arith.constant 12 : i32
        %add3A_1577 = vector.broadcast %add3A_1576 : i32 to vector<16xi32>
        %add3A_1578 = arith.addi %mul3A_1528, %add3A_1577 : vector<16xi32>
        %gather3A_1579 = tpu.vector_load_idx %arg15[%add3A_1578] : memref<512xf32, #tpu.memory_space<vmem>>[vector<16xi32>], vector<16xf32>,
        %add3A_1580 = arith.constant 13 : i32
        %add3A_1581 = vector.broadcast %add3A_1580 : i32 to vector<16xi32>
        %add3A_1582 = arith.addi %mul3A_1528, %add3A_1581 : vector<16xi32>
        %gather3A_1583 = tpu.vector_load_idx %arg15[%add3A_1582] : memref<512xf32, #tpu.memory_space<vmem>>[vector<16xi32>], vector<16xf32>,
        %add3A_1584 = arith.constant 14 : i32
        %add3A_1585 = vector.broadcast %add3A_1584 : i32 to vector<16xi32>
        %add3A_1586 = arith.addi %mul3A_1528, %add3A_1585 : vector<16xi32>
        %gather3A_1587 = tpu.vector_load_idx %arg15[%add3A_1586] : memref<512xf32, #tpu.memory_space<vmem>>[vector<16xi32>], vector<16xf32>,
        %add3A_1588 = arith.constant 15 : i32
        %add3A_1589 = vector.broadcast %add3A_1588 : i32 to vector<16xi32>
        %add3A_1590 = arith.addi %mul3A_1528, %add3A_1589 : vector<16xi32>
        %gather3A_1591 = tpu.vector_load_idx %arg15[%add3A_1590] : memref<512xf32, #tpu.memory_space<vmem>>[vector<16xi32>], vector<16xf32>,
        %add3A_1592 = arith.constant 256 : i32
        %add3A_1593 = vector.broadcast %add3A_1592 : i32 to vector<16xi32>
        %add3A_1594 = arith.addi %mul3A_1528, %add3A_1593 : vector<16xi32>
        %gather3A_1595 = tpu.vector_load_idx %arg15[%add3A_1594] : memref<512xf32, #tpu.memory_space<vmem>>[vector<16xi32>], vector<16xf32>,
        %add3A_1596 = arith.constant 257 : i32
        %add3A_1597 = vector.broadcast %add3A_1596 : i32 to vector<16xi32>
        %add3A_1598 = arith.addi %mul3A_1528, %add3A_1597 : vector<16xi32>
        %gather3A_1599 = tpu.vector_load_idx %arg15[%add3A_1598] : memref<512xf32, #tpu.memory_space<vmem>>[vector<16xi32>], vector<16xf32>,
        %add3A_1600 = arith.constant 258 : i32
        %add3A_1601 = vector.broadcast %add3A_1600 : i32 to vector<16xi32>
        %add3A_1602 = arith.addi %mul3A_1528, %add3A_1601 : vector<16xi32>
        %gather3A_1603 = tpu.vector_load_idx %arg15[%add3A_1602] : memref<512xf32, #tpu.memory_space<vmem>>[vector<16xi32>], vector<16xf32>,
        %add3A_1604 = arith.constant 259 : i32
        %add3A_1605 = vector.broadcast %add3A_1604 : i32 to vector<16xi32>
        %add3A_1606 = arith.addi %mul3A_1528, %add3A_1605 : vector<16xi32>
        %gather3A_1607 = tpu.vector_load_idx %arg15[%add3A_1606] : memref<512xf32, #tpu.memory_space<vmem>>[vector<16xi32>], vector<16xf32>,
        %add3A_1608 = arith.constant 260 : i32
        %add3A_1609 = vector.broadcast %add3A_1608 : i32 to vector<16xi32>
        %add3A_1610 = arith.addi %mul3A_1528, %add3A_1609 : vector<16xi32>
        %gather3A_1611 = tpu.vector_load_idx %arg15[%add3A_1610] : memref<512xf32, #tpu.memory_space<vmem>>[vector<16xi32>], vector<16xf32>,
        %add3A_1612 = arith.constant 261 : i32
        %add3A_1613 = vector.broadcast %add3A_1612 : i32 to vector<16xi32>
        %add3A_1614 = arith.addi %mul3A_1528, %add3A_1613 : vector<16xi32>
        %gather3A_1615 = tpu.vector_load_idx %arg15[%add3A_1614] : memref<512xf32, #tpu.memory_space<vmem>>[vector<16xi32>], vector<16xf32>,
        %add3A_1616 = arith.constant 262 : i32
        %add3A_1617 = vector.broadcast %add3A_1616 : i32 to vector<16xi32>
        %add3A_1618 = arith.addi %mul3A_1528, %add3A_1617 : vector<16xi32>
        %gather3A_1619 = tpu.vector_load_idx %arg15[%add3A_1618] : memref<512xf32, #tpu.memory_space<vmem>>[vector<16xi32>], vector<16xf32>,
        %add3A_1620 = arith.constant 263 : i32
        %add3A_1621 = vector.broadcast %add3A_1620 : i32 to vector<16xi32>
        %add3A_1622 = arith.addi %mul3A_1528, %add3A_1621 : vector<16xi32>
        %gather3A_1623 = tpu.vector_load_idx %arg15[%add3A_1622] : memref<512xf32, #tpu.memory_space<vmem>>[vector<16xi32>], vector<16xf32>,
        %add3A_1624 = arith.constant 264 : i32
        %add3A_1625 = vector.broadcast %add3A_1624 : i32 to vector<16xi32>
        %add3A_1626 = arith.addi %mul3A_1528, %add3A_1625 : vector<16xi32>
        %gather3A_1627 = tpu.vector_load_idx %arg15[%add3A_1626] : memref<512xf32, #tpu.memory_space<vmem>>[vector<16xi32>], vector<16xf32>,
        %add3A_1628 = arith.constant 265 : i32
        %add3A_1629 = vector.broadcast %add3A_1628 : i32 to vector<16xi32>
        %add3A_1630 = arith.addi %mul3A_1528, %add3A_1629 : vector<16xi32>
        %gather3A_1631 = tpu.vector_load_idx %arg15[%add3A_1630] : memref<512xf32, #tpu.memory_space<vmem>>[vector<16xi32>], vector<16xf32>,
        %add3A_1632 = arith.constant 266 : i32
        %add3A_1633 = vector.broadcast %add3A_1632 : i32 to vector<16xi32>
        %add3A_1634 = arith.addi %mul3A_1528, %add3A_1633 : vector<16xi32>
        %gather3A_1635 = tpu.vector_load_idx %arg15[%add3A_1634] : memref<512xf32, #tpu.memory_space<vmem>>[vector<16xi32>], vector<16xf32>,
        %add3A_1636 = arith.constant 267 : i32
        %add3A_1637 = vector.broadcast %add3A_1636 : i32 to vector<16xi32>
        %add3A_1638 = arith.addi %mul3A_1528, %add3A_1637 : vector<16xi32>
        %gather3A_1639 = tpu.vector_load_idx %arg15[%add3A_1638] : memref<512xf32, #tpu.memory_space<vmem>>[vector<16xi32>], vector<16xf32>,
        %add3A_1640 = arith.constant 268 : i32
        %add3A_1641 = vector.broadcast %add3A_1640 : i32 to vector<16xi32>
        %add3A_1642 = arith.addi %mul3A_1528, %add3A_1641 : vector<16xi32>
        %gather3A_1643 = tpu.vector_load_idx %arg15[%add3A_1642] : memref<512xf32, #tpu.memory_space<vmem>>[vector<16xi32>], vector<16xf32>,
        %add3A_1644 = arith.constant 269 : i32
        %add3A_1645 = vector.broadcast %add3A_1644 : i32 to vector<16xi32>
        %add3A_1646 = arith.addi %mul3A_1528, %add3A_1645 : vector<16xi32>
        %gather3A_1647 = tpu.vector_load_idx %arg15[%add3A_1646] : memref<512xf32, #tpu.memory_space<vmem>>[vector<16xi32>], vector<16xf32>,
        %add3A_1648 = arith.constant 270 : i32
        %add3A_1649 = vector.broadcast %add3A_1648 : i32 to vector<16xi32>
        %add3A_1650 = arith.addi %mul3A_1528, %add3A_1649 : vector<16xi32>
        %gather3A_1651 = tpu.vector_load_idx %arg15[%add3A_1650] : memref<512xf32, #tpu.memory_space<vmem>>[vector<16xi32>], vector<16xf32>,
        %add3A_1652 = arith.constant 271 : i32
        %add3A_1653 = vector.broadcast %add3A_1652 : i32 to vector<16xi32>
        %add3A_1654 = arith.addi %mul3A_1528, %add3A_1653 : vector<16xi32>
        %gather3A_1655 = tpu.vector_load_idx %arg15[%add3A_1654] : memref<512xf32, #tpu.memory_space<vmem>>[vector<16xi32>], vector<16xf32>,
        %add3A_1656 = arith.addf %gather3A, %gather3A_1535 : vector<16xf32>
        %add3A_1657 = arith.addf %gather3A_1539, %gather3A_1543 : vector<16xf32>
        %add3A_1658 = arith.addf %gather3A_1547, %gather3A_1551 : vector<16xf32>
        %add3A_1659 = arith.addf %gather3A_1555, %gather3A_1559 : vector<16xf32>
        %add3A_1660 = arith.addf %gather3A_1563, %gather3A_1567 : vector<16xf32>
        %add3A_1661 = arith.addf %gather3A_1571, %gather3A_1575 : vector<16xf32>
        %add3A_1662 = arith.addf %gather3A_1579, %gather3A_1583 : vector<16xf32>
        %add3A_1663 = arith.addf %gather3A_1587, %gather3A_1591 : vector<16xf32>
        %add3A_1664 = arith.addf %gather3A_1595, %gather3A_1599 : vector<16xf32>
        %add3A_1665 = arith.addf %gather3A_1603, %gather3A_1607 : vector<16xf32>
        %add3A_1666 = arith.addf %gather3A_1611, %gather3A_1615 : vector<16xf32>
        %add3A_1667 = arith.addf %gather3A_1619, %gather3A_1623 : vector<16xf32>
        %add3A_1668 = arith.addf %gather3A_1627, %gather3A_1631 : vector<16xf32>
        %add3A_1669 = arith.addf %gather3A_1635, %gather3A_1639 : vector<16xf32>
        %add3A_1670 = arith.addf %gather3A_1643, %gather3A_1647 : vector<16xf32>
        %add3A_1671 = arith.addf %gather3A_1651, %gather3A_1655 : vector<16xf32>
        %add3A_1672 = arith.addf %add3A_1656, %add3A_1657 : vector<16xf32>
        %add3A_1673 = arith.addf %add3A_1658, %add3A_1659 : vector<16xf32>
        %add3A_1674 = arith.addf %add3A_1660, %add3A_1661 : vector<16xf32>
        %add3A_1675 = arith.addf %add3A_1662, %add3A_1663 : vector<16xf32>
        %add3A_1676 = arith.addf %add3A_1664, %add3A_1665 : vector<16xf32>
        %add3A_1677 = arith.addf %add3A_1666, %add3A_1667 : vector<16xf32>
        %add3A_1678 = arith.addf %add3A_1668, %add3A_1669 : vector<16xf32>
        %add3A_1679 = arith.addf %add3A_1670, %add3A_1671 : vector<16xf32>
        %add3A_1680 = arith.addf %add3A_1672, %add3A_1673 : vector<16xf32>
        %add3A_1681 = arith.addf %add3A_1674, %add3A_1675 : vector<16xf32>
        %add3A_1682 = arith.addf %add3A_1676, %add3A_1677 : vector<16xf32>
        %add3A_1683 = arith.addf %add3A_1678, %add3A_1679 : vector<16xf32>
        %add3A_1684 = arith.addf %add3A_1680, %add3A_1681 : vector<16xf32>
        %add3A_1685 = arith.addf %add3A_1682, %add3A_1683 : vector<16xf32>
        %mul3A_1686 = arith.constant 240 : i32
        %mul3A_1687 = arith.muli %add3A_135, %mul3A_1686 : i32
        %mul3A_1688 = arith.constant 30 : i32
        %mul3A_1689 = arith.muli %scan3A_152, %mul3A_1688 : i32
        %add3A_1690 = arith.addi %mul3A_1687, %mul3A_1689 : i32
        %add3A_1691 = vector.broadcast %add3A_1690 : i32 to vector<16xi32>
        %add3A_1692 = arith.addi %add3A_1691, %iota3A : vector<16xi32>
        %gather3A_1693 = tpu.vector_load_idx %arg8[%add3A_1692] : memref<3840xi32, #tpu.memory_space<vmem>>[vector<16xi32>], vector<16xi32>,
        %eq3A = arith.constant 0 : i32
        %eq3A_1694 = vector.broadcast %eq3A : i32 to vector<16xi32>
        %eq3A_1695 = arith.cmpi eq, %gather3A_1693, %eq3A_1694 : vector<16xi32>
        %lt3A_1696 = arith.constant 10 : i32
        %lt3A_1697 = vector.broadcast %lt3A_1696 : i32 to vector<16xi32>
        %lt3A_1698 = arith.cmpi slt, %iota3A, %lt3A_1697 : vector<16xi32>
        %and3A = arith.andi %eq3A_1695, %lt3A_1698 : vector<16xi1>
        %jit3A = arith.constant 0x7F800000 : f32
        %broadcast_in_dim3A_1699 = vector.broadcast %jit3A : f32 to vector<16xf32>
        %select_n3A = arith.select %and3A, %broadcast_in_dim3A_1699, %add3A_1684 : vector<16xi1>, vector<16xf32>
        %mul3A_1700 = arith.constant 32 : i32
        %mul3A_1701 = arith.muli %scan3A_152, %mul3A_1700 : i32
        %multiple_of3A_1702 = tpu.assume_multiple %mul3A_1701, 32 : i32
        %swap3A_1703 = arith.index_cast %multiple_of3A_1702 : i32 to index
        %swap3A_1704 = tpu.vector_load %arg14[%swap3A_1703] {strides = array<i32>} : memref<256xf32, #tpu.memory_space<vmem>>, vector<16xf32>,
        tpu.vector_store %arg14[%swap3A_1703], %select_n3A {strides = array<i32>} : memref<256xf32, #tpu.memory_space<vmem>>, vector<16xf32>,
        %mul3A_1705 = arith.constant 32 : i32
        %mul3A_1706 = arith.muli %scan3A_152, %mul3A_1705 : i32
        %add3A_1707 = arith.constant 16 : i32
        %add3A_1708 = arith.addi %mul3A_1706, %add3A_1707 : i32
        %multiple_of3A_1709 = tpu.assume_multiple %add3A_1708, 16 : i32
        %swap3A_1710 = arith.index_cast %multiple_of3A_1709 : i32 to index
        %swap3A_1711 = tpu.vector_load %arg14[%swap3A_1710] {strides = array<i32>} : memref<256xf32, #tpu.memory_space<vmem>>, vector<16xf32>,
        tpu.vector_store %arg14[%swap3A_1710], %add3A_1685 {strides = array<i32>} : memref<256xf32, #tpu.memory_space<vmem>>, vector<16xf32>,
      }
      %scan3A_146 = arith.constant 8 : i32
      %mul3A_147 = arith.constant 32 : i32
      %mul3A_148 = arith.muli %add3A_140, %mul3A_147 : i32
      %multiple_of3A_149 = tpu.assume_multiple %mul3A_148, 256 : i32
      %dma_start3A_150 = tpu.memref_slice %arg6[%multiple_of3A_149] : memref<131072xf32, #tpu.memory_space<hbm>> -> memref<256xf32, #tpu.memory_space<hbm>>
      %dma_start3A_151 = tpu.memref_slice %arg6[%multiple_of3A_149] : memref<131072xf32, #tpu.memory_space<hbm>> -> memref<256xf32, #tpu.memory_space<hbm>>
      tpu.enqueue_dma source(%arg14 : memref<256xf32, #tpu.memory_space<vmem>>) target(%dma_start3A_151 : memref<256xf32, #tpu.memory_space<hbm>>) target_semaphore(%arg21 : memref<!tpu.dma_semaphore, #tpu.memory_space<semaphore_mem>>)
    }
    %scan3A_39 = arith.constant 8 : i32
    %dma_wait3A = arith.constant 0 : i32
    %dma_wait3A_40 = tpu.memref_slice %arg6[%dma_wait3A] : memref<131072xf32, #tpu.memory_space<hbm>> -> memref<256xf32, #tpu.memory_space<hbm>>
    %dma_wait3A_41 = arith.constant 0 : i32
    %dma_wait3A_42 = tpu.memref_slice %arg6[%dma_wait3A_41] : memref<131072xf32, #tpu.memory_space<hbm>> -> memref<256xf32, #tpu.memory_space<hbm>>
    tpu.wait_dma2 semaphore(%arg18 : memref<!tpu.dma_semaphore, #tpu.memory_space<semaphore_mem>>) src(%arg11 : memref<256xf32, #tpu.memory_space<vmem>>) dst(%dma_wait3A_42 : memref<256xf32, #tpu.memory_space<hbm>>)
    %dma_wait3A_43 = arith.constant 0 : i32
    %dma_wait3A_44 = tpu.memref_slice %arg6[%dma_wait3A_43] : memref<131072xf32, #tpu.memory_space<hbm>> -> memref<256xf32, #tpu.memory_space<hbm>>
    %dma_wait3A_45 = arith.constant 0 : i32
    %dma_wait3A_46 = tpu.memref_slice %arg6[%dma_wait3A_45] : memref<131072xf32, #tpu.memory_space<hbm>> -> memref<256xf32, #tpu.memory_space<hbm>>
    tpu.wait_dma2 semaphore(%arg21 : memref<!tpu.dma_semaphore, #tpu.memory_space<semaphore_mem>>) src(%arg14 : memref<256xf32, #tpu.memory_space<vmem>>) dst(%dma_wait3A_46 : memref<256xf32, #tpu.memory_space<hbm>>)
    return
  }
}

module attributes {stable_mosaic.version = 14 : i64} {
  func.func @_tc_loss_kernel(%arg0: memref<1024x128xf32, #tpu.memory_space<vmem>>, %arg1: memref<1x1xf32, #tpu.memory_space<smem>>) attributes {dimension_semantics = [], scalar_prefetch = 0 : i64, scratch_operands = 0 : i64, tpu.core_type = #tpu.core_type<tc>} {
    %get3A = arith.constant 0 : index
    %get3A_0 = arith.constant 0 : index
    %get3A_1 = vector.load %arg0[%get3A, %get3A_0] : memref<1024x128xf32, #tpu.memory_space<vmem>>, vector<1024x128xf32>
    %iota3A = tpu.iota {dimensions = array<i32: 1>} : vector<1024x128xi32>
    %jit3A = arith.constant 32 : i32
    %eq3A = arith.constant 0 : i32
    %eq3A_2 = arith.cmpi eq, %jit3A, %eq3A : i32
    %jit3A_3 = arith.constant 1 : i32
    %select_n3A = arith.select %eq3A_2, %jit3A_3, %jit3A : i32
    %rem3A = vector.broadcast %select_n3A : i32 to vector<1024x128xi32>
    %rem3A_4 = arith.remsi %iota3A, %rem3A : vector<1024x128xi32>
    %ne3A = arith.constant 0 : i32
    %ne3A_5 = vector.broadcast %ne3A : i32 to vector<1024x128xi32>
    %ne3A_6 = arith.cmpi ne, %rem3A_4, %ne3A_5 : vector<1024x128xi32>
    %lt3A = arith.constant 0 : i32
    %lt3A_7 = vector.broadcast %lt3A : i32 to vector<1024x128xi32>
    %lt3A_8 = arith.cmpi slt, %rem3A_4, %lt3A_7 : vector<1024x128xi32>
    %lt3A_9 = arith.constant 0 : i32
    %lt3A_10 = arith.cmpi slt, %select_n3A, %lt3A_9 : i32
    %ne3A_11 = vector.broadcast %lt3A_10 : i1 to vector<1024x128xi1>
    %ne3A_12 = vector.broadcast %ne3A_11 : vector<1024x128xi1> to vector<1024x128xi1>
    %ne3A_13 = arith.xori %lt3A_8, %ne3A_12 : vector<1024x128xi1>
    %and3A = arith.andi %ne3A_13, %ne3A_6 : vector<1024x128xi1>
    %add3A = vector.broadcast %select_n3A : i32 to vector<1024x128xi32>
    %add3A_14 = arith.addi %rem3A_4, %add3A : vector<1024x128xi32>
    %select_n3A_15 = arith.select %and3A, %add3A_14, %rem3A_4 : vector<1024x128xi1>, vector<1024x128xi32>
    %lt3A_16 = arith.constant 10 : i32
    %lt3A_17 = vector.broadcast %lt3A_16 : i32 to vector<1024x128xi32>
    %lt3A_18 = arith.cmpi slt, %select_n3A_15, %lt3A_17 : vector<1024x128xi32>
    %neg3A = arith.constant 0.000000e+00 : f32
    %neg3A_19 = vector.broadcast %neg3A : f32 to vector<1024x128xf32>
    %neg3A_20 = arith.subf %neg3A_19, %get3A_1 : vector<1024x128xf32>
    %select_n3A_21 = arith.select %lt3A_18, %get3A_1, %neg3A_20 : vector<1024x128xi1>, vector<1024x128xf32>
    %logistic3A = arith.negf %select_n3A_21 : vector<1024x128xf32>
    %logistic3A_22 = math.exp %logistic3A : vector<1024x128xf32>
    %logistic3A_23 = arith.constant 1.000000e+00 : f32
    %logistic3A_24 = vector.broadcast %logistic3A_23 : f32 to vector<1024x128xf32>
    %logistic3A_25 = arith.addf %logistic3A_24, %logistic3A_22 : vector<1024x128xf32>
    %logistic3A_26 = arith.divf %logistic3A_24, %logistic3A_25 : vector<1024x128xf32>
    %log3A = math.log %logistic3A_26 : vector<1024x128xf32>
    %lt3A_27 = arith.constant 30 : i32
    %lt3A_28 = vector.broadcast %lt3A_27 : i32 to vector<1024x128xi32>
    %lt3A_29 = arith.cmpi slt, %select_n3A_15, %lt3A_28 : vector<1024x128xi32>
    %jit3A_30 = arith.constant 0.000000e+00 : f32
    %broadcast_in_dim3A = vector.broadcast %jit3A_30 : f32 to vector<1024x128xf32>
    %select_n3A_31 = arith.select %lt3A_29, %log3A, %broadcast_in_dim3A : vector<1024x128xi1>, vector<1024x128xf32>
    %reduce_sum3A = vector.shape_cast %select_n3A_31 : vector<1024x128xf32> to vector<1x1024x128xf32>
    %reduce_sum3A_32 = arith.constant dense<0.000000e+00> : vector<1xf32>
    %reduce_sum3A_33 = vector.multi_reduction <add>, %reduce_sum3A, %reduce_sum3A_32 [1, 2] : vector<1x1024x128xf32> to vector<1xf32>
    %reduce_sum3A_34 = vector.shape_cast %reduce_sum3A_33 : vector<1xf32> to vector<1x1x1xf32>
    %reduce_sum3A_35 = vector.extract %reduce_sum3A_34[0, 0, 0] : f32 from vector<1x1x1xf32>
    %neg3A_36 = arith.constant 0.000000e+00 : f32
    %neg3A_37 = arith.subf %neg3A_36, %reduce_sum3A_35 : f32
    %div3A = arith.constant 4.096000e+03 : f32
    %div3A_38 = arith.divf %neg3A_37, %div3A : f32
    %swap3A = arith.constant 0 : index
    %swap3A_39 = arith.constant 0 : index
    %swap3A_40 = memref.load %arg1[%swap3A, %swap3A_39] : memref<1x1xf32, #tpu.memory_space<smem>>
    memref.store %div3A_38, %arg1[%swap3A, %swap3A_39] : memref<1x1xf32, #tpu.memory_space<smem>>
    return
  }
}

</mosaic_0001>

<sc_bundles>
// kernel: kernel.4.cloned.1.call-start
scs
__scs_entry_jumppad:
0x0: {  	(pc) =	sbr.rel $0x88, $3  }
0x1: {  	(tag) =	ssettag $0x0;
	lr =	simm.s32 $0x1  }
0x2: {  	[smem:$0x3F9C] =	sst lr;
	_ =	strace $0xD0000000  }
0x3: {  	_ = 	snop  }
0x4: {  	_ = 	snop  }
0x5: {  	_ = 	snop  }
0x6: {  	_ = 	snop  }
0x7: {  	_ = 	snop  }
__scs_overlays_trampoline_lowered:
0x8: {  	[smem:$0x3FAB] =	sst s0  }
0x9: {  	[smem:$0x3FAC] =	sst s1  }
0xa: {  	[smem:$0x3FAD] =	sst s2  }
0xb: {  	[smem:$0x3FAE] =	sst s3  }
0xc: {  	[smem:$0x3FAF] =	sst s4  }
0xd: {  	[smem:$0x3FB0] =	sst s5  }
0xe: {  	[smem:$0x3FB1] =	sst s6  }
0xf: {  	[smem:$0x3FB2] =	sst s7  }
0x10: {  	[smem:$0x3FB3] =	sst s8  }
0x11: {  	[smem:$0x3FB4] =	sst s9;
	s0 =	simm.s32 @!p0 $0x0  }
0x12: {  	s1 =	sld [smem:$0x3F9A];
	s0 =	simm.s32 @p0 $0x1  }
0x13: {  	[smem:$0x3FB5] =	sst s0;
	s0 =	simm.s32 @!p1 $0x0  }
0x14: {  	s2 =	sld [smem:$0x3F99];
	s0 =	simm.s32 @p1 $0x1  }
0x15: {  	[smem:$0x3FB6] =	sst s0;
	s0 =	simm.s32 @!p2 $0x0  }
0x16: {  	s3 =	sld [smem:$0x3FDB];
	s0 =	simm.s32 @p2 $0x1  }
0x17: {  	s4 =	simm.s32 $0x1BF5;
	[smem:$0x3FB8] =	sst s0  }
0x18: {  	s0 =	sld [smem:$0x3F9B];
	_ =	swait.ge [sflag:s4], $0x0  }
0x19: {  	s7 =	sld [smem:$0x3F9C]  }
0x1a: {  	s8 =	sadd.s32 $0xFFFFE003, lr  }
0x1b: {  	s9 =	sadd.s32 $0xFFFFFEF7, lr;
	s5 =	simm.s32 $0xFFFFFFFF;
	p2 =	slt.u32 s8, $0xFFFFF086  }
0x1c: {  	p1 =	slt.u32 s9, $0xF7A;
	s5 =	simm.s32 @!p2 $0x0  }
0x1d: {  	s5 =	simm.s32 @p1 $0x1;
	p0 =	seq.s32 s7, s2  }
0x1e: {  	s7 =	smul.u32 @!p0 $0xF7A, s2;
	p2 =	seq.s32 @!p0 s5, $0x0  }
0x1f: {  	s9 =	smul.u32 $0xF7A, s1;
	s8 =	simm.s32 @!p0 $0x1BF5;
	p2 =	por !p2, p0  }
0x20: {  	[sflag:s8] =	ssyncset.s32 @!p0 $0xFFFFF086;
	s6 =	sadd.s32 @!p0 s3, s7;
	s7 =	simm.s32 @!p0 $0x108  }
0x21: {  	s3 =	sadd.s32 s3, s9;
	s6 =	sadd.s32 @!p0 $0x88, s6;
	s7 =	simm.s32 @p2 $0x1082  }
0x22: {  	[simem:s7], [sflag:s8] =	dma.local @!p0 [hbm:s6], $0xF7A  }
0x23: {  	s9 =	sor.u32 $0xD0000000, s2;
	s6 =	simm.s32 $0x108;
	_ =	swait.ge @!p0 [sflag:s8], $0x0  }
0x24: {  	s3 =	sadd.s32 $0x88, s3;
	s6 =	simm.s32 @!p1 $0x1082;
	[sflag:s4] =	ssyncset.s32 $0xFFFFF086  }
0x25: {  	[simem:s6], [sflag:s4] =	dma.local [hbm:s3], $0xF7A  }
0x26: {  	[smem:$0x3F9C] =	sst s1;
	(tag) =	ssettag s2;
	_ =	strace s9  }
0x27: {  	s1 =	sld [smem:$0x3FAC]  }
0x28: {  	s2 =	sld [smem:$0x3FAD]  }
0x29: {  	s4 =	sld [smem:$0x3FAF]  }
0x2a: {  	p0 =	seq.s32 s5, $0x0;
	s5 =	sld [smem:$0x3FB0]  }
0x2b: {  	s6 =	sld [smem:$0x3FB1]  }
0x2c: {  	s7 =	sld [smem:$0x3FB2]  }
0x2d: {  	s3 =	simm.s32 $0x108;
	s8 =	sld [smem:$0x3FB3]  }
0x2e: {  	s3 =	simm.s32 @!p0 $0x1082;
	s9 =	sld [smem:$0x3FB4]  }
0x2f: {  	lr =	sadd.s32 s0, s3;
	s0 =	sld [smem:$0x3FAB]  }
0x30: {  	s3 =	sld [smem:$0x3FAE]  }
0x31: {  	[smem:$0x3FB7] =	sst s10  }
0x32: {  	s10 =	sld [smem:$0x3FB5];
	_ =	sdelay $0x3  }
0x33: {  	p0 =	seq.s32 s10, $0x1;
	s10 =	sld [smem:$0x3FB7];
	_ =	sdelay $0x3  }
0x34: {  	[smem:$0x3FB7] =	sst s10  }
0x35: {  	s10 =	sld [smem:$0x3FB6];
	_ =	sdelay $0x3  }
0x36: {  	p1 =	seq.s32 s10, $0x1;
	s10 =	sld [smem:$0x3FB7];
	_ =	sdelay $0x3  }
0x37: {  	[smem:$0x3FB7] =	sst s10  }
0x38: {  	s10 =	sld [smem:$0x3FB8]  }
0x39: {  	_ = 	snop;
	(pc) =	sbr.ind lr, $3  }
0x3a: {  	_ = 	snop  }
0x3b: {  	_ = 	snop  }
0x3c: {  	p2 =	seq.s32 s10, $0x1;
	s10 =	sld [smem:$0x3FB7]  }
0x3d: {  	_ =	shalt  }
0x3e: {  	_ =	shalt  }
0x3f: {  	_ =	shalt  }
0x40: {  	_ =	shalt  }
0x41: {  	_ =	shalt  }
0x42: {  	_ =	shalt  }
0x43: {  	_ =	shalt  }
0x44: {  	_ =	shalt  }
0x45: {  	_ =	shalt  }
0x46: {  	_ =	shalt  }
0x47: {  	_ =	shalt  }
0x48: {  	_ =	shalt  }
0x49: {  	_ =	shalt  }
0x4a: {  	_ =	shalt  }
0x4b: {  	_ =	shalt  }
0x4c: {  	_ =	shalt  }
0x4d: {  	_ =	shalt  }
0x4e: {  	_ =	shalt  }
0x4f: {  	_ =	shalt  }
0x50: {  	_ =	shalt  }
0x51: {  	_ =	shalt  }
0x52: {  	_ =	shalt  }
0x53: {  	_ =	shalt  }
0x54: {  	_ =	shalt  }
0x55: {  	_ =	shalt  }
0x56: {  	_ =	shalt  }
0x57: {  	_ =	shalt  }
0x58: {  	_ =	shalt  }
0x59: {  	_ =	shalt  }
0x5a: {  	_ =	shalt  }
0x5b: {  	_ =	shalt  }
0x5c: {  	_ =	shalt  }
0x5d: {  	_ =	shalt  }
0x5e: {  	_ =	shalt  }
0x5f: {  	_ =	shalt  }
0x60: {  	_ =	shalt  }
0x61: {  	_ =	shalt  }
0x62: {  	_ =	shalt  }
0x63: {  	_ =	shalt  }
0x64: {  	_ =	shalt  }
0x65: {  	_ =	shalt  }
0x66: {  	_ =	shalt  }
0x67: {  	_ =	shalt  }
0x68: {  	_ =	shalt  }
0x69: {  	_ =	shalt  }
0x6a: {  	_ =	shalt  }
0x6b: {  	_ =	shalt  }
0x6c: {  	_ =	shalt  }
0x6d: {  	_ =	shalt  }
0x6e: {  	_ =	shalt  }
0x6f: {  	_ =	shalt  }
0x70: {  	_ =	shalt  }
0x71: {  	_ =	shalt  }
0x72: {  	_ =	shalt  }
0x73: {  	_ =	shalt  }
0x74: {  	_ =	shalt  }
0x75: {  	_ =	shalt  }
0x76: {  	_ =	shalt  }
0x77: {  	_ =	shalt  }
0x78: {  	_ =	shalt  }
0x79: {  	_ =	shalt  }
0x7a: {  	_ =	shalt  }
0x7b: {  	_ =	shalt  }
0x7c: {  	_ =	shalt  }
0x7d: {  	_ =	shalt  }
0x7e: {  	_ =	shalt  }
0x7f: {  	_ =	shalt  }
0x80: {  	_ =	shalt  }
0x81: {  	_ =	shalt  }
0x82: {  	_ =	shalt  }
0x83: {  	_ =	shalt  }
0x84: {  	_ =	shalt  }
0x85: {  	_ =	shalt  }
0x86: {  	_ =	shalt  }
0x87: {  	_ =	shalt  }
.Lfunc_end0:
.L_simem_size_0:
called_computation_lowered:
.L_overlay_start_0:
0x88: {  	s2 =	sld [smem:$0x3FD9]  }
0x89: {  	s3 =	sld [smem:$0x3FFE];
	_ =	sdelay $0x1  }
0x8a: {  	s1 =	srdreg.scid  }
0x8b: {  	s0 =	sand.u32 $0x1, s1  }
0x8c: {  	s17 =	sshll.u32 s0, $0xA;
	s2 =	sadd.s32 s3, s2  }
0x8d: {  	s2 =	sadd.s32 s2, s17  }
0x8e: {  	[smem:$0x3FC3] =	sst s2  }
0x8f: {  	_ = 	snop  }
0x90: {  	s2 =	sld [smem:$0x3FC9]  }
0x91: {  	s18 =	sld [smem:$0x3FC6]  }
0x92: {  	s4 =	sld [smem:$0x3FC5];
	(tm) =	ssettm $0x1  }
0x93: {  	s5 =	sld [smem:$0x3FFB];
	_ =	sdelay $0x3  }
0x94: {  	_ =	strace s5  }
0x95: {  	s5 =	sld [smem:$0x3FFC];
	_ =	sdelay $0x3  }
0x96: {  	_ =	strace s5  }
0x97: {  	s5 =	sld [smem:$0x3FFD];
	_ =	sdelay $0x3  }
0x98: {  	_ =	strace s5  }
0x99: {  	_ =	strace $0x8FFFFFFF  }
0x9a: {  	s19 =	sld [smem:$0x3FDB];
	_ =	sdelay $0x1  }
0x9b: {  	s6 =	simm.s32 $_scs_section_size  }
0x9c: {  	s7 =	simm.s32 $_size__tile_overlayer_lowered;
	s8 =	simm.s32 $_tile_overlayer_lowered  }
0x9d: {  	s22 =	simm.s32 $0x1BFF;
	s21 =	sshll.u32 s8, $0x1;
	s5 =	sadd.s32 s6, s19  }
0x9e: {  	s9 =	simm.s32 $0x0;
	s20 =	sshll.u32 s7, $0x1;
	s7 =	sadd.s32 s21, s5  }
0x9f: {  	[timem:s9], [sflag:s22] =	dma.local [hbm:s7], s20  }
0xa0: {  	_ =	swait.ge [sflag:s22], s20  }
0xa1: {  	s6 =	ssub.s32 $0x0, s20;
	[sflag:s22] =	ssyncset.done $0x0  }
0xa2: {  	[sflag:s22] =	ssyncadd.s32 s6;
	_ =	sdelay $0x1  }
0xa3: {  	s23 =	simm.s32 $0x1B8B  }
0xa4: {  	_ =	swait.ge [sflag:s23], $0x1  }
0xa5: {  	[sflag:s23] =	ssyncset.done $0x0  }
0xa6: {  	s25 =	simm.s32 $0x1B8E;
	s24 =	sld [smem:$0x3FFE];
	[sflag:s23] =	ssyncadd.s32 $0xFFFFFFFF  }
0xa7: {  	s26 =	simm.s32 $execute0_lowered;
	[smem:$0x3FD2] =	sst s25  }
0xa8: {  	s7 =	sshll.u32 s26, $0x1;
	_ =	strace $0x80000046;
	[dreg:$0x1] =	wrdreg $0xFFFFFFFF  }
0xa9: {  	s28 =	simm.s32 $_size_execute0_lowered;
	s5 =	sadd.s32 s5, s7;
	[dreg:$0x0] =	wrdreg $0x0  }
0xaa: {  	s7 =	sshll.u32 s28, $0x1;
	[dreg:$0x2] =	wrdreg s5  }
0xab: {  	[dreg:$0x3] =	wrdreg s7  }
0xac: {  	[dreg:$0x4] =	wrdreg $0xC0  }
0xad: {  	_ =	task [dreg:s9], $0x5FFFF  }
0xae: {  	[dreg:$0x1] =	wrdreg $0xFFFFFFFF  }
0xaf: {  	[dreg:$0x0] =	wrdreg $0x60  }
0xb0: {  	[dreg:$0x2] =	wrdreg s2  }
0xb1: {  	[dreg:$0x3] =	wrdreg s24  }
0xb2: {  	[dreg:$0x4] =	wrdreg s18  }
0xb3: {  	[dreg:$0x5] =	wrdreg s4  }
0xb4: {  	[dreg:$0x6] =	wrdreg $0x9  }
0xb5: {  	_ =	task.clear_ibuf [dreg:s9], $0x7FFFF;
	_ =	strace $0x90000046  }
0xb6: {  	s29 =	simm.s32 $0x9;
	_ =	strace $0x80000048  }
0xb7: {  	_ =	swait.ge [sflag:s29], $0x1  }
0xb8: {  	[sflag:s29] =	ssyncadd.s32 $0xFFFFFFFF  }
0xb9: {  	_ =	strace $0x90000048  }
0xba: {  	_ =	sfence  }
0xbb: {  	s30 =	sld [smem:$0x0];
	_ =	sdelay $0x2  }
0xbc: {  	s31 =	sshll.u32 s1, $0xD;
	s1 =	sshrl.u32 s1, $0x2  }
0xbd: {  	s3 =	sand.u32 $0x4000, s31;
	s1 =	sadd.s32 s1, s30  }
0xbe: {  	s0 =	sor.u32 s3, s0;
	s1 =	sshll.u32 s1, $0x11  }
0xbf: {  	s0 =	sor.u32 s1, s0  }
0xc0: {  	s0 =	sadd.s32 $0x8F2B, s0  }
0xc1: {  	[sflag:s0] =	ssyncadd.remote.s32 $0x1  }
0xc2: {  	_ =	sfence.sel $0xFFFF  }
0xc3: {  	[dreg:$0x0] =	wrdreg $0xFFFFFFFF;
	(pc) =	sbr.abs _section_cstart, $3  }
0xc4: {  	[dreg:$0x1] =	wrdreg $0xFFFFFFFF  }
0xc5: {  	_ =	task.clear_ibuf [dreg:s9], $0x2FFFF;
	_ =	strace $0x9FFFFFFF  }
0xc6: {  	(tm) =	ssettm $0x7FFFFFFF  }
0xc7: {  	_ =	shalt  }
tec
execute0_lowered:
.L_overlay_start_1:
0x0: {  	(tag) =	ssettag $0x1  }
0x1: {  	s0 =	rddreg [dreg:$0x0]  }
0x2: {  	s1 =	rddreg [dreg:$0x1];
	s3 =	srdreg.scid;
	v0 =	vlaneseq.u32  }
0x3: {  	s4 =	stileid.u32;
	s2 =	rddreg [dreg:$0x2];
	s10 =	simm.s32 $0x80;
	v1 =	vmul.u32 $0x10, v0  }
0x4: {  	s11 =	simm.s32 $0x78;
	s15 =	simm.s32 $0x8;
	s17 =	simm.s32 $0x9080  }
0x5: {  	v2 =	vimm.f32 $0.0e+00;
	s18 =	simm.s32 $0xCC80;
	s19 =	simm.s32 $0x8C80;
	s20 =	simm.s32 $0x1;
	vm0 =	vmmov $0x3ff;
	v3 =	vor.u32 $0x1, v1  }
0x6: {  	s21 =	simm.s32 $0x2;
	s22 =	simm.s32 $0x10980;
	s23 =	simm.s32 $0x8B80;
	v4 =	vor.u32 $0x2, v1;
	v5 =	vor.u32 $0x3, v1;
	v6 =	vor.u32 $0x4, v1  }
0x7: {  	s24 =	simm.s32 $0x4;
	s25 =	simm.s32 $0x5;
	s26 =	simm.s32 $0x10880;
	v7 =	vor.u32 $0x5, v1;
	v8 =	vor.u32 $0x6, v1;
	v9 =	vor.u32 $0x7, v1  }
0x8: {  	s28 =	simm.s32 $0x3;
	s29 =	simm.s32 $0x6;
	s30 =	simm.s32 $0x0;
	v10 =	vor.u32 $0x8, v1;
	v11 =	vor.u32 $0x9, v1;
	v12 =	vor.u32 $0xA, v1  }
0x9: {  	s5 =	sand.u32 $0x1, s3;
	s4 =	sshll.u32 s4, $0x1;
	s3 =	rddreg [dreg:$0x3];
	v13 =	vor.u32 $0xB, v1;
	v14 =	vor.u32 $0xC, v1;
	v15 =	vor.u32 $0xD, v1  }
0xa: {  	s6 =	sor.u32 s5, s4;
	s4 =	simm.s32 $0x0;
	s5 =	ssub.s32 $0x2, s5;
	v16 =	vor.u32 $0xE, v1;
	v17 =	vor.u32 $0xF, v1;
	v18 =	vor.u32 $0x100, v1  }
0xb: {  	s7 =	smul.u32 $0x1E0, s6;
	[smem:$0x7FF] =	sst s4;
	s8 =	sshll.u32 s6, $0x9;
	v19 =	vor.u32 $0x101, v1;
	v20 =	vor.u32 $0x102, v1;
	v21 =	vor.u32 $0x103, v1  }
0xc: {  	s9 =	sshrl.u32 s5, $0x1;
	s6 =	sshll.u32 s6, $0x4;
	v22 =	vor.u32 $0x104, v1;
	v23 =	vor.u32 $0x105, v1;
	v24 =	vor.u32 $0x106, v1;
	_ =	strace $0x80000047  }
0xd: {  	v25 =	vor.u32 $0x107, v1;
	v26 =	vor.u32 $0x108, v1;
	v27 =	vor.u32 $0x109, v1;
	s31 =	ssub.s32 s5, s9;
	s0 =	sadd.s32 s0, s6;
	s9 =	simm.s32 $0x7  }
0xe: {  	v28 =	vor.u32 $0x10A, v1;
	v29 =	vor.u32 $0x10B, v1;
	v30 =	vor.u32 $0x10C, v1;
	s7 =	sadd.s32 s7, s1;
	s1 =	sadd.s32 s8, s1;
	[dreg:$0x5] =	wrdreg s0  }
0xf: {  	v31 =	vor.u32 $0x10D, v1;
	v32 =	vor.u32 $0x10E, v1;
	v33 =	vor.u32 $0x10F, v1;
	s8 =	smax.u32 s31, $0x1;
	s6 =	sadd.s32 $0x600, s7;
	s7 =	sadd.s32 $0x4200, s1  }
.LBB2_1:
0x10: {  	[tilespmem:$0x10B60] =	vst v2  }
0x11: {  	[tilespmem:$0x10B70] =	vst v2;
	s0 =	rddreg [dreg:$0x5]  }
0x12: {  	[tilespmem:s4], [sflag:$0x7] =	stream.linear.gather [hbm4b:s0+s4], $0x80, $0x38;
	[tilespmem:$0x10B80] =	vst v63  }
0x13: {  	_ =	swait.ge [sflag:s9], $0x80  }
0x14: {  	[sflag:s9] =	ssyncset.done $0x0  }
0x15: {  	[sflag:s9] =	ssyncadd.s32 $0xFFFFFF80  }
0x16: {  	[tilespmem:s10], [sflag:$0x7] =	stream.linear.gather [hbm4b:s6+s4], $0xF00, $0x38;
	[tilespmem:$0x10B80] =	vst v63  }
0x17: {  	_ =	swait.ge [sflag:s9], $0xF00  }
0x18: {  	[sflag:s9] =	ssyncset.done $0x0  }
0x19: {  	s13 =	simm.s32 $0x1380;
	[sflag:s9] =	ssyncadd.s32 $0xFFFFF100  }
0x1a: {  	[tilespmem:s13], [sflag:$0x1] =	stream.indirect.gather [hbm4b:s3+s11], $0x80, s10, s11, $0xb8;
	[tilespmem:$0x10B80] =	vst v63  }
0x1b: {  	s14 =	simm.s32 $0xF8;
	s1 =	simm.s32 $0x4F80  }
0x1c: {  	[tilespmem:s1], [sflag:$0x1] =	stream.indirect.gather [hbm4b:s3+s11], $0x80, s14, s11, $0xb8;
	[tilespmem:$0x10B80] =	vst v63  }
0x1d: {  	s16 =	simm.s32 $0xF80;
	s31 =	simm.s32 $0x0  }
0x1e: {  	[tilespmem:s16], [sflag:$0x2] =	stream.indirect.gather [hbm4b:s2+s15], $0x80, s4, s15, $0xb8;
	[tilespmem:$0x10B80] =	vst v63  }
.LBB2_2:
0x1f: {  	s0 =	sshllo.u32 s31, $0x1  }
0x20: {  	s1 =	smul.u32 $0xF0, s0;
	_ =	sdelay $0x1  }
0x21: {  	s12 =	sadd.s32 $0x80, s1  }
0x22: {  	[tilespmem:s17], [sflag:$0x4] =	stream.indirect.gather [hbm4b:s3+s11], $0x80, s12, s11, $0xb8;
	[tilespmem:$0x10B80] =	vst v63  }
0x23: {  	s0 =	sshll.u32 s0, $0x5;
	s14 =	sadd.s32 $0xF8, s1  }
0x24: {  	[tilespmem:s18], [sflag:$0x4] =	stream.indirect.gather [hbm4b:s3+s11], $0x80, s14, s11, $0xb8;
	[tilespmem:$0x10B80] =	vst v63  }
0x25: {  	s16 =	sshrl.u32 s0, $0x2  }
0x26: {  	[tilespmem:s19], [sflag:$0x5] =	stream.indirect.gather [hbm4b:s2+s15], $0x80, s16, s15, $0xb8;
	[tilespmem:$0x10B80] =	vst v63  }
0x27: {  	_ =	swait.ge [sflag:s20], $0x7800  }
0x28: {  	[sflag:s20] =	ssyncset.done $0x0  }
0x29: {  	[sflag:s20] =	ssyncadd.s32 $0xFFFF8800  }
0x2a: {  	_ =	swait.ge [sflag:s21], $0x400  }
0x2b: {  	p0 =	seq.s32 s31, $0x0;
	[sflag:s21] =	ssyncset.done $0x0  }
0x2c: {  	s13 =	simm.s32 @!p0 $0x3;
	[sflag:s21] =	ssyncadd.s32 $0xFFFFFC00  }
0x2d: {  	_ =	swait.ge @!p0 [sflag:s13], $0x100  }
0x2e: {  	s12 =	sshll.u32 s31, $0x1;
	[sflag:s13] =	ssyncset.done @!p0 $0x0  }
0x2f: {  	s14 =	simm.s32 $0x0;
	[sflag:s13] =	ssyncadd.s32 @!p0 $0xFFFFFF00;
	s13 =	smul.u32 $0x1E0, s31  }
.LBB2_3:
0x30: {  	s16 =	sshll.u32 s14, $0x7  }
0x31: {  	s16 =	sand.u32 $0x3FFFFF80, s16  }
0x32: {  	v40 =	vld [tilespmem:s16+$0xF80]  }
0x33: {  	v41 =	vld [tilespmem:s16+$0xF90]  }
0x34: {  	v38 =	vld [tilespmem:s16+$0xFA0]  }
0x35: {  	v39 =	vld [tilespmem:s16+$0xFB0]  }
0x36: {  	v34 =	vld [tilespmem:s16+$0xFC0]  }
0x37: {  	s5 =	smul.u32 $0x3C00, s14;
	v35 =	vld [tilespmem:s16+$0xFD0]  }
0x38: {  	v36 =	vld [tilespmem:s16+$0xFE0]  }
0x39: {  	v37 =	vld [tilespmem:s16+$0xFF0];
	s5 =	sshra.s32 s5, $0x2  }
0x3a: {  	v42 =	vld [tilespmem:s5+$0x1380]  }
0x3b: {  	v43 =	vld [tilespmem:s5+$0x1390]  }
0x3c: {  	v44 =	vld [tilespmem:s5+$0x13A0]  }
0x3d: {  	v45 =	vld [tilespmem:s5+$0x13B0]  }
0x3e: {  	v46 =	vld [tilespmem:s5+$0x13C0]  }
0x3f: {  	v47 =	vld [tilespmem:s5+$0x13D0]  }
0x40: {  	v48 =	vld [tilespmem:s5+$0x13E0]  }
0x41: {  	v49 =	vld [tilespmem:s5+$0x13F0]  }
0x42: {  	v50 =	vld [tilespmem:s5+$0x1400]  }
0x43: {  	v51 =	vld [tilespmem:s5+$0x1410];
	v42 =	vmul.f32 v42, v40;
	v43 =	vmul.f32 v43, v41  }
0x44: {  	v52 =	vld [tilespmem:s5+$0x1420];
	v44 =	vmul.f32 v44, v38;
	v45 =	vmul.f32 v45, v39  }
0x45: {  	v53 =	vld [tilespmem:s5+$0x1430];
	v46 =	vmul.f32 v46, v34;
	v47 =	vmul.f32 v47, v35  }
0x46: {  	v54 =	vld [tilespmem:s5+$0x1440];
	v48 =	vmul.f32 v48, v36;
	v49 =	vmul.f32 v49, v37  }
0x47: {  	v63 =	vld [tilespmem:s5+$0x1460];
	v42 =	vadd.f32 v43, v42;
	v60 =	vadd.f32 v45, v44  }
0x48: {  	v55 =	vld [tilespmem:s5+$0x1470];
	v61 =	vadd.f32 v47, v46;
	v62 =	vadd.f32 v49, v48  }
0x49: {  	v44 =	vld [tilespmem:s5+$0x1450]  }
0x4a: {  	v42 =	vadd.f32 v60, v42;
	v56 =	vadd.f32 v62, v61  }
0x4b: {  	v57 =	vmul.f32 v50, v40;
	v58 =	vmul.f32 v51, v41  }
0x4c: {  	v59 =	vmul.f32 v52, v38;
	v47 =	vmul.f32 v63, v36;
	v42 =	vadd.f32 v56, v42  }
0x4d: {  	v48 =	vmul.f32 v55, v37;
	v60 =	vmul.f32 v53, v39  }
0x4e: {  	v61 =	vmul.f32 v54, v34;
	v44 =	vmul.f32 v44, v35;
	[tilespmem:$0x10980] =	vst v42  }
0x4f: {  	v43 =	vadd.f32 v58, v57;
	v54 =	vadd.f32 v48, v47;
	v62 =	vld [tilespmem:s5+$0x1480]  }
0x50: {  	v57 =	vadd.f32 v60, v59;
	v63 =	vld [tilespmem:s5+$0x1490];
	v42 =	vadd.f32 v44, v61  }
0x51: {  	v58 =	vld [tilespmem:s5+$0x14A0]  }
0x52: {  	v43 =	vadd.f32 v57, v43;
	v55 =	vld [tilespmem:s5+$0x14B0];
	v42 =	vadd.f32 v54, v42  }
0x53: {  	v56 =	vld [tilespmem:s5+$0x14C0]  }
0x54: {  	v59 =	vld [tilespmem:s5+$0x14D0];
	v42 =	vadd.f32 v42, v43  }
0x55: {  	v60 =	vld [tilespmem:s5+$0x14E0]  }
0x56: {  	v61 =	vld [tilespmem:s5+$0x14F0];
	[tilespmem:$0x10990] =	vst v42  }
0x57: {  	v42 =	vld [tilespmem:s5+$0x1500]  }
0x58: {  	v62 =	vmul.f32 v62, v40;
	v63 =	vmul.f32 v63, v41;
	v57 =	vld [tilespmem:s5+$0x1510]  }
0x59: {  	v46 =	vmul.f32 v58, v38;
	v47 =	vmul.f32 v55, v39;
	v58 =	vld [tilespmem:s5+$0x1520]  }
0x5a: {  	v48 =	vmul.f32 v56, v34;
	v44 =	vmul.f32 v59, v35;
	v59 =	vld [tilespmem:s5+$0x1530]  }
0x5b: {  	v45 =	vmul.f32 v60, v36;
	v43 =	vmul.f32 v61, v37;
	v60 =	vld [tilespmem:s5+$0x1540]  }
0x5c: {  	v49 =	vadd.f32 v63, v62;
	v46 =	vadd.f32 v47, v46;
	v61 =	vld [tilespmem:s5+$0x1550]  }
0x5d: {  	v44 =	vadd.f32 v44, v48;
	v43 =	vadd.f32 v43, v45;
	v62 =	vld [tilespmem:s5+$0x1560]  }
0x5e: {  	v63 =	vld [tilespmem:s5+$0x1570]  }
0x5f: {  	v46 =	vadd.f32 v46, v49;
	v43 =	vadd.f32 v43, v44  }
0x60: {  	v42 =	vmul.f32 v42, v40;
	v55 =	vmul.f32 v57, v41  }
0x61: {  	v43 =	vadd.f32 v43, v46;
	v56 =	vmul.f32 v58, v38;
	v57 =	vmul.f32 v59, v39  }
0x62: {  	v58 =	vmul.f32 v60, v34;
	v47 =	vmul.f32 v61, v35  }
0x63: {  	v45 =	vmul.f32 v62, v36;
	v48 =	vmul.f32 v63, v37;
	[tilespmem:$0x109A0] =	vst v43  }
0x64: {  	v59 =	vld [tilespmem:s5+$0x1580];
	v42 =	vadd.f32 v55, v42;
	v54 =	vadd.f32 v57, v56  }
0x65: {  	v60 =	vld [tilespmem:s5+$0x1590];
	v43 =	vadd.f32 v47, v58;
	v45 =	vadd.f32 v48, v45  }
0x66: {  	v55 =	vld [tilespmem:s5+$0x15A0]  }
0x67: {  	v61 =	vld [tilespmem:s5+$0x15B0];
	v42 =	vadd.f32 v54, v42;
	v43 =	vadd.f32 v45, v43  }
0x68: {  	v62 =	vld [tilespmem:s5+$0x15C0]  }
0x69: {  	v63 =	vld [tilespmem:s5+$0x15D0];
	v42 =	vadd.f32 v43, v42  }
0x6a: {  	v56 =	vld [tilespmem:s5+$0x15E0]  }
0x6b: {  	v57 =	vld [tilespmem:s5+$0x15F0];
	[tilespmem:$0x109B0] =	vst v42  }
0x6c: {  	v42 =	vld [tilespmem:s5+$0x1600]  }
0x6d: {  	v58 =	vmul.f32 v59, v40;
	v59 =	vmul.f32 v60, v41;
	v60 =	vld [tilespmem:s5+$0x1610]  }
0x6e: {  	v46 =	vmul.f32 v55, v38;
	v47 =	vmul.f32 v61, v39;
	v61 =	vld [tilespmem:s5+$0x1620]  }
0x6f: {  	v48 =	vmul.f32 v62, v34;
	v44 =	vmul.f32 v63, v35;
	v62 =	vld [tilespmem:s5+$0x1630]  }
0x70: {  	v45 =	vmul.f32 v56, v36;
	v43 =	vmul.f32 v57, v37;
	v63 =	vld [tilespmem:s5+$0x1640]  }
0x71: {  	v49 =	vadd.f32 v59, v58;
	v46 =	vadd.f32 v47, v46;
	v55 =	vld [tilespmem:s5+$0x1650]  }
0x72: {  	v44 =	vadd.f32 v44, v48;
	v43 =	vadd.f32 v43, v45;
	v56 =	vld [tilespmem:s5+$0x1660]  }
0x73: {  	v57 =	vld [tilespmem:s5+$0x1670]  }
0x74: {  	v46 =	vadd.f32 v46, v49;
	v43 =	vadd.f32 v43, v44  }
0x75: {  	v42 =	vmul.f32 v42, v40;
	v58 =	vmul.f32 v60, v41  }
0x76: {  	v43 =	vadd.f32 v43, v46;
	v59 =	vmul.f32 v61, v38;
	v60 =	vmul.f32 v62, v39  }
0x77: {  	v61 =	vmul.f32 v63, v34;
	v47 =	vmul.f32 v55, v35  }
0x78: {  	v45 =	vmul.f32 v56, v36;
	v48 =	vmul.f32 v57, v37;
	[tilespmem:$0x109C0] =	vst v43  }
0x79: {  	v62 =	vld [tilespmem:s5+$0x1680];
	v42 =	vadd.f32 v58, v42;
	v53 =	vadd.f32 v60, v59  }
0x7a: {  	v63 =	vld [tilespmem:s5+$0x1690];
	v43 =	vadd.f32 v47, v61;
	v45 =	vadd.f32 v48, v45  }
0x7b: {  	v54 =	vld [tilespmem:s5+$0x16A0]  }
0x7c: {  	v55 =	vld [tilespmem:s5+$0x16B0];
	v42 =	vadd.f32 v53, v42;
	v43 =	vadd.f32 v45, v43  }
0x7d: {  	v56 =	vld [tilespmem:s5+$0x16C0]  }
0x7e: {  	v59 =	vld [tilespmem:s5+$0x16D0];
	v42 =	vadd.f32 v43, v42  }
0x7f: {  	v60 =	vld [tilespmem:s5+$0x16E0]  }
0x80: {  	v61 =	vld [tilespmem:s5+$0x16F0];
	[tilespmem:$0x109D0] =	vst v42  }
0x81: {  	v42 =	vld [tilespmem:s5+$0x1700]  }
0x82: {  	v62 =	vmul.f32 v62, v40;
	v63 =	vmul.f32 v63, v41;
	v57 =	vld [tilespmem:s5+$0x1710]  }
0x83: {  	v46 =	vmul.f32 v54, v38;
	v47 =	vmul.f32 v55, v39;
	v58 =	vld [tilespmem:s5+$0x1720]  }
0x84: {  	v48 =	vmul.f32 v56, v34;
	v44 =	vmul.f32 v59, v35;
	v59 =	vld [tilespmem:s5+$0x1730]  }
0x85: {  	v45 =	vmul.f32 v60, v36;
	v43 =	vmul.f32 v61, v37;
	v60 =	vld [tilespmem:s5+$0x1740]  }
0x86: {  	v49 =	vadd.f32 v63, v62;
	v46 =	vadd.f32 v47, v46;
	v61 =	vld [tilespmem:s5+$0x1750]  }
0x87: {  	v44 =	vadd.f32 v44, v48;
	v43 =	vadd.f32 v43, v45;
	v62 =	vld [tilespmem:s5+$0x1760]  }
0x88: {  	v63 =	vld [tilespmem:s5+$0x1770]  }
0x89: {  	v46 =	vadd.f32 v46, v49;
	v43 =	vadd.f32 v43, v44  }
0x8a: {  	v42 =	vmul.f32 v42, v40;
	v55 =	vmul.f32 v57, v41  }
0x8b: {  	v43 =	vadd.f32 v43, v46;
	v56 =	vmul.f32 v58, v38;
	v57 =	vmul.f32 v59, v39  }
0x8c: {  	v58 =	vmul.f32 v60, v34;
	v47 =	vmul.f32 v61, v35  }
0x8d: {  	v45 =	vmul.f32 v62, v36;
	v48 =	vmul.f32 v63, v37;
	[tilespmem:$0x109E0] =	vst v43  }
0x8e: {  	v59 =	vld [tilespmem:s5+$0x1780];
	v42 =	vadd.f32 v55, v42;
	v54 =	vadd.f32 v57, v56  }
0x8f: {  	v60 =	vld [tilespmem:s5+$0x1790];
	v43 =	vadd.f32 v47, v58;
	v45 =	vadd.f32 v48, v45  }
0x90: {  	v55 =	vld [tilespmem:s5+$0x17A0]  }
0x91: {  	v61 =	vld [tilespmem:s5+$0x17B0];
	v42 =	vadd.f32 v54, v42;
	v43 =	vadd.f32 v45, v43  }
0x92: {  	v62 =	vld [tilespmem:s5+$0x17C0]  }
0x93: {  	v63 =	vld [tilespmem:s5+$0x17D0];
	v42 =	vadd.f32 v43, v42  }
0x94: {  	v56 =	vld [tilespmem:s5+$0x17E0]  }
0x95: {  	v57 =	vld [tilespmem:s5+$0x17F0];
	[tilespmem:$0x109F0] =	vst v42  }
0x96: {  	v42 =	vld [tilespmem:s5+$0x1800]  }
0x97: {  	v58 =	vmul.f32 v59, v40;
	v59 =	vmul.f32 v60, v41;
	v60 =	vld [tilespmem:s5+$0x1810]  }
0x98: {  	v46 =	vmul.f32 v55, v38;
	v47 =	vmul.f32 v61, v39;
	v61 =	vld [tilespmem:s5+$0x1820]  }
0x99: {  	v48 =	vmul.f32 v62, v34;
	v44 =	vmul.f32 v63, v35;
	v62 =	vld [tilespmem:s5+$0x1830]  }
0x9a: {  	v45 =	vmul.f32 v56, v36;
	v43 =	vmul.f32 v57, v37;
	v63 =	vld [tilespmem:s5+$0x1840]  }
0x9b: {  	v49 =	vadd.f32 v59, v58;
	v46 =	vadd.f32 v47, v46;
	v55 =	vld [tilespmem:s5+$0x1850]  }
0x9c: {  	v44 =	vadd.f32 v44, v48;
	v43 =	vadd.f32 v43, v45;
	v56 =	vld [tilespmem:s5+$0x1860]  }
0x9d: {  	v57 =	vld [tilespmem:s5+$0x1870]  }
0x9e: {  	v46 =	vadd.f32 v46, v49;
	v43 =	vadd.f32 v43, v44  }
0x9f: {  	v42 =	vmul.f32 v42, v40;
	v58 =	vmul.f32 v60, v41  }
0xa0: {  	v43 =	vadd.f32 v43, v46;
	v59 =	vmul.f32 v61, v38;
	v60 =	vmul.f32 v62, v39  }
0xa1: {  	v61 =	vmul.f32 v63, v34;
	v47 =	vmul.f32 v55, v35  }
0xa2: {  	v45 =	vmul.f32 v56, v36;
	v48 =	vmul.f32 v57, v37;
	[tilespmem:$0x10A00] =	vst v43  }
0xa3: {  	v62 =	vld [tilespmem:s5+$0x1880];
	v42 =	vadd.f32 v58, v42;
	v53 =	vadd.f32 v60, v59  }
0xa4: {  	v63 =	vld [tilespmem:s5+$0x1890];
	v43 =	vadd.f32 v47, v61;
	v45 =	vadd.f32 v48, v45  }
0xa5: {  	v54 =	vld [tilespmem:s5+$0x18A0]  }
0xa6: {  	v55 =	vld [tilespmem:s5+$0x18B0];
	v42 =	vadd.f32 v53, v42;
	v43 =	vadd.f32 v45, v43  }
0xa7: {  	v56 =	vld [tilespmem:s5+$0x18C0]  }
0xa8: {  	v59 =	vld [tilespmem:s5+$0x18D0];
	v42 =	vadd.f32 v43, v42  }
0xa9: {  	v60 =	vld [tilespmem:s5+$0x18E0]  }
0xaa: {  	v61 =	vld [tilespmem:s5+$0x18F0];
	[tilespmem:$0x10A10] =	vst v42  }
0xab: {  	v42 =	vld [tilespmem:s5+$0x1900]  }
0xac: {  	v62 =	vmul.f32 v62, v40;
	v63 =	vmul.f32 v63, v41;
	v57 =	vld [tilespmem:s5+$0x1910]  }
0xad: {  	v46 =	vmul.f32 v54, v38;
	v47 =	vmul.f32 v55, v39;
	v58 =	vld [tilespmem:s5+$0x1920]  }
0xae: {  	v48 =	vmul.f32 v56, v34;
	v44 =	vmul.f32 v59, v35;
	v59 =	vld [tilespmem:s5+$0x1930]  }
0xaf: {  	v45 =	vmul.f32 v60, v36;
	v43 =	vmul.f32 v61, v37;
	v60 =	vld [tilespmem:s5+$0x1940]  }
0xb0: {  	v49 =	vadd.f32 v63, v62;
	v46 =	vadd.f32 v47, v46;
	v61 =	vld [tilespmem:s5+$0x1950]  }
0xb1: {  	v44 =	vadd.f32 v44, v48;
	v43 =	vadd.f32 v43, v45;
	v62 =	vld [tilespmem:s5+$0x1960]  }
0xb2: {  	v63 =	vld [tilespmem:s5+$0x1970]  }
0xb3: {  	v46 =	vadd.f32 v46, v49;
	v43 =	vadd.f32 v43, v44  }
0xb4: {  	v42 =	vmul.f32 v42, v40;
	v55 =	vmul.f32 v57, v41  }
0xb5: {  	v43 =	vadd.f32 v43, v46;
	v56 =	vmul.f32 v58, v38;
	v57 =	vmul.f32 v59, v39  }
0xb6: {  	v58 =	vmul.f32 v60, v34;
	v47 =	vmul.f32 v61, v35  }
0xb7: {  	v45 =	vmul.f32 v62, v36;
	v48 =	vmul.f32 v63, v37;
	[tilespmem:$0x10A20] =	vst v43  }
0xb8: {  	v59 =	vld [tilespmem:s5+$0x1980];
	v42 =	vadd.f32 v55, v42;
	v54 =	vadd.f32 v57, v56  }
0xb9: {  	v60 =	vld [tilespmem:s5+$0x1990];
	v43 =	vadd.f32 v47, v58;
	v45 =	vadd.f32 v48, v45  }
0xba: {  	v55 =	vld [tilespmem:s5+$0x19A0]  }
0xbb: {  	v61 =	vld [tilespmem:s5+$0x19B0];
	v42 =	vadd.f32 v54, v42;
	v43 =	vadd.f32 v45, v43  }
0xbc: {  	v62 =	vld [tilespmem:s5+$0x19C0]  }
0xbd: {  	v63 =	vld [tilespmem:s5+$0x19D0];
	v42 =	vadd.f32 v43, v42  }
0xbe: {  	v56 =	vld [tilespmem:s5+$0x19E0]  }
0xbf: {  	v57 =	vld [tilespmem:s5+$0x19F0];
	[tilespmem:$0x10A30] =	vst v42  }
0xc0: {  	v42 =	vld [tilespmem:s5+$0x1A00]  }
0xc1: {  	v58 =	vmul.f32 v59, v40;
	v59 =	vmul.f32 v60, v41;
	v60 =	vld [tilespmem:s5+$0x1A10]  }
0xc2: {  	v46 =	vmul.f32 v55, v38;
	v47 =	vmul.f32 v61, v39;
	v61 =	vld [tilespmem:s5+$0x1A20]  }
0xc3: {  	v48 =	vmul.f32 v62, v34;
	v44 =	vmul.f32 v63, v35;
	v62 =	vld [tilespmem:s5+$0x1A30]  }
0xc4: {  	v45 =	vmul.f32 v56, v36;
	v43 =	vmul.f32 v57, v37;
	v63 =	vld [tilespmem:s5+$0x1A40]  }
0xc5: {  	v49 =	vadd.f32 v59, v58;
	v46 =	vadd.f32 v47, v46;
	v55 =	vld [tilespmem:s5+$0x1A50]  }
0xc6: {  	v44 =	vadd.f32 v44, v48;
	v43 =	vadd.f32 v43, v45;
	v56 =	vld [tilespmem:s5+$0x1A60]  }
0xc7: {  	v57 =	vld [tilespmem:s5+$0x1A70]  }
0xc8: {  	v46 =	vadd.f32 v46, v49;
	v43 =	vadd.f32 v43, v44  }
0xc9: {  	v42 =	vmul.f32 v42, v40;
	v58 =	vmul.f32 v60, v41  }
0xca: {  	v43 =	vadd.f32 v43, v46;
	v59 =	vmul.f32 v61, v38;
	v60 =	vmul.f32 v62, v39  }
0xcb: {  	v61 =	vmul.f32 v63, v34;
	v47 =	vmul.f32 v55, v35  }
0xcc: {  	v45 =	vmul.f32 v56, v36;
	v48 =	vmul.f32 v57, v37;
	[tilespmem:$0x10A40] =	vst v43  }
0xcd: {  	v62 =	vld [tilespmem:s5+$0x1A80];
	v42 =	vadd.f32 v58, v42;
	v53 =	vadd.f32 v60, v59  }
0xce: {  	v63 =	vld [tilespmem:s5+$0x1A90];
	v43 =	vadd.f32 v47, v61;
	v45 =	vadd.f32 v48, v45  }
0xcf: {  	v54 =	vld [tilespmem:s5+$0x1AA0]  }
0xd0: {  	v55 =	vld [tilespmem:s5+$0x1AB0];
	v42 =	vadd.f32 v53, v42;
	v43 =	vadd.f32 v45, v43  }
0xd1: {  	v56 =	vld [tilespmem:s5+$0x1AC0]  }
0xd2: {  	v59 =	vld [tilespmem:s5+$0x1AD0];
	v42 =	vadd.f32 v43, v42  }
0xd3: {  	v60 =	vld [tilespmem:s5+$0x1AE0]  }
0xd4: {  	v61 =	vld [tilespmem:s5+$0x1AF0];
	[tilespmem:$0x10A50] =	vst v42  }
0xd5: {  	v42 =	vld [tilespmem:s5+$0x1B00]  }
0xd6: {  	v62 =	vmul.f32 v62, v40;
	v63 =	vmul.f32 v63, v41;
	v57 =	vld [tilespmem:s5+$0x1B10]  }
0xd7: {  	v46 =	vmul.f32 v54, v38;
	v47 =	vmul.f32 v55, v39;
	v58 =	vld [tilespmem:s5+$0x1B20]  }
0xd8: {  	v48 =	vmul.f32 v56, v34;
	v44 =	vmul.f32 v59, v35;
	v59 =	vld [tilespmem:s5+$0x1B30]  }
0xd9: {  	v45 =	vmul.f32 v60, v36;
	v43 =	vmul.f32 v61, v37;
	v60 =	vld [tilespmem:s5+$0x1B40]  }
0xda: {  	v49 =	vadd.f32 v63, v62;
	v46 =	vadd.f32 v47, v46;
	v61 =	vld [tilespmem:s5+$0x1B50]  }
0xdb: {  	v44 =	vadd.f32 v44, v48;
	v43 =	vadd.f32 v43, v45;
	v62 =	vld [tilespmem:s5+$0x1B60]  }
0xdc: {  	v63 =	vld [tilespmem:s5+$0x1B70]  }
0xdd: {  	v46 =	vadd.f32 v46, v49;
	v43 =	vadd.f32 v43, v44  }
0xde: {  	v42 =	vmul.f32 v42, v40;
	v55 =	vmul.f32 v57, v41  }
0xdf: {  	v43 =	vadd.f32 v43, v46;
	v56 =	vmul.f32 v58, v38;
	v57 =	vmul.f32 v59, v39  }
0xe0: {  	v58 =	vmul.f32 v60, v34;
	v47 =	vmul.f32 v61, v35  }
0xe1: {  	v45 =	vmul.f32 v62, v36;
	v48 =	vmul.f32 v63, v37;
	[tilespmem:$0x10A60] =	vst v43  }
0xe2: {  	v59 =	vld [tilespmem:s5+$0x1B80];
	v42 =	vadd.f32 v55, v42;
	v54 =	vadd.f32 v57, v56  }
0xe3: {  	v60 =	vld [tilespmem:s5+$0x1B90];
	v43 =	vadd.f32 v47, v58;
	v45 =	vadd.f32 v48, v45  }
0xe4: {  	v55 =	vld [tilespmem:s5+$0x1BA0]  }
0xe5: {  	v61 =	vld [tilespmem:s5+$0x1BB0];
	v42 =	vadd.f32 v54, v42;
	v43 =	vadd.f32 v45, v43  }
0xe6: {  	v62 =	vld [tilespmem:s5+$0x1BC0]  }
0xe7: {  	v63 =	vld [tilespmem:s5+$0x1BD0];
	v42 =	vadd.f32 v43, v42  }
0xe8: {  	v56 =	vld [tilespmem:s5+$0x1BE0]  }
0xe9: {  	v57 =	vld [tilespmem:s5+$0x1BF0];
	[tilespmem:$0x10A70] =	vst v42  }
0xea: {  	v42 =	vld [tilespmem:s5+$0x1C00]  }
0xeb: {  	v58 =	vmul.f32 v59, v40;
	v59 =	vmul.f32 v60, v41;
	v60 =	vld [tilespmem:s5+$0x1C10]  }
0xec: {  	v46 =	vmul.f32 v55, v38;
	v47 =	vmul.f32 v61, v39;
	v61 =	vld [tilespmem:s5+$0x1C20]  }
0xed: {  	v48 =	vmul.f32 v62, v34;
	v44 =	vmul.f32 v63, v35;
	v62 =	vld [tilespmem:s5+$0x1C30]  }
0xee: {  	v45 =	vmul.f32 v56, v36;
	v43 =	vmul.f32 v57, v37;
	v63 =	vld [tilespmem:s5+$0x1C40]  }
0xef: {  	v49 =	vadd.f32 v59, v58;
	v46 =	vadd.f32 v47, v46;
	v55 =	vld [tilespmem:s5+$0x1C50]  }
0xf0: {  	v44 =	vadd.f32 v44, v48;
	v43 =	vadd.f32 v43, v45;
	v56 =	vld [tilespmem:s5+$0x1C60]  }
0xf1: {  	v57 =	vld [tilespmem:s5+$0x1C70]  }
0xf2: {  	v46 =	vadd.f32 v46, v49;
	v43 =	vadd.f32 v43, v44  }
0xf3: {  	v42 =	vmul.f32 v42, v40;
	v58 =	vmul.f32 v60, v41  }
0xf4: {  	v43 =	vadd.f32 v43, v46;
	v59 =	vmul.f32 v61, v38;
	v60 =	vmul.f32 v62, v39  }
0xf5: {  	v61 =	vmul.f32 v63, v34;
	v47 =	vmul.f32 v55, v35  }
0xf6: {  	v45 =	vmul.f32 v56, v36;
	v48 =	vmul.f32 v57, v37;
	[tilespmem:$0x10A80] =	vst v43  }
0xf7: {  	v62 =	vld [tilespmem:s5+$0x1C80];
	v42 =	vadd.f32 v58, v42;
	v53 =	vadd.f32 v60, v59  }
0xf8: {  	v63 =	vld [tilespmem:s5+$0x1C90];
	v43 =	vadd.f32 v47, v61;
	v45 =	vadd.f32 v48, v45  }
0xf9: {  	v54 =	vld [tilespmem:s5+$0x1CA0]  }
0xfa: {  	v55 =	vld [tilespmem:s5+$0x1CB0];
	v42 =	vadd.f32 v53, v42;
	v43 =	vadd.f32 v45, v43  }
0xfb: {  	v56 =	vld [tilespmem:s5+$0x1CC0]  }
0xfc: {  	v59 =	vld [tilespmem:s5+$0x1CD0];
	v42 =	vadd.f32 v43, v42  }
0xfd: {  	v60 =	vld [tilespmem:s5+$0x1CE0]  }
0xfe: {  	v61 =	vld [tilespmem:s5+$0x1CF0];
	[tilespmem:$0x10A90] =	vst v42  }
0xff: {  	v42 =	vld [tilespmem:s5+$0x1D00]  }
0x100: {  	v62 =	vmul.f32 v62, v40;
	v63 =	vmul.f32 v63, v41;
	v57 =	vld [tilespmem:s5+$0x1D10]  }
0x101: {  	v46 =	vmul.f32 v54, v38;
	v47 =	vmul.f32 v55, v39;
	v58 =	vld [tilespmem:s5+$0x1D20]  }
0x102: {  	v48 =	vmul.f32 v56, v34;
	v44 =	vmul.f32 v59, v35;
	v59 =	vld [tilespmem:s5+$0x1D30]  }
0x103: {  	v45 =	vmul.f32 v60, v36;
	v43 =	vmul.f32 v61, v37;
	v60 =	vld [tilespmem:s5+$0x1D40]  }
0x104: {  	v49 =	vadd.f32 v63, v62;
	v46 =	vadd.f32 v47, v46;
	v61 =	vld [tilespmem:s5+$0x1D50]  }
0x105: {  	v44 =	vadd.f32 v44, v48;
	v43 =	vadd.f32 v43, v45;
	v62 =	vld [tilespmem:s5+$0x1D60]  }
0x106: {  	v63 =	vld [tilespmem:s5+$0x1D70]  }
0x107: {  	v46 =	vadd.f32 v46, v49;
	v43 =	vadd.f32 v43, v44  }
0x108: {  	v42 =	vmul.f32 v42, v40;
	v55 =	vmul.f32 v57, v41  }
0x109: {  	v43 =	vadd.f32 v43, v46;
	v56 =	vmul.f32 v58, v38;
	v57 =	vmul.f32 v59, v39  }
0x10a: {  	v58 =	vmul.f32 v60, v34;
	v47 =	vmul.f32 v61, v35  }
0x10b: {  	v45 =	vmul.f32 v62, v36;
	v48 =	vmul.f32 v63, v37;
	[tilespmem:$0x10AA0] =	vst v43  }
0x10c: {  	v59 =	vld [tilespmem:s5+$0x1D80];
	v42 =	vadd.f32 v55, v42;
	v54 =	vadd.f32 v57, v56  }
0x10d: {  	v60 =	vld [tilespmem:s5+$0x1D90];
	v43 =	vadd.f32 v47, v58;
	v45 =	vadd.f32 v48, v45  }
0x10e: {  	v55 =	vld [tilespmem:s5+$0x1DA0]  }
0x10f: {  	v61 =	vld [tilespmem:s5+$0x1DB0];
	v42 =	vadd.f32 v54, v42;
	v43 =	vadd.f32 v45, v43  }
0x110: {  	v62 =	vld [tilespmem:s5+$0x1DC0]  }
0x111: {  	v63 =	vld [tilespmem:s5+$0x1DD0];
	v42 =	vadd.f32 v43, v42  }
0x112: {  	v56 =	vld [tilespmem:s5+$0x1DE0]  }
0x113: {  	v57 =	vld [tilespmem:s5+$0x1DF0];
	[tilespmem:$0x10AB0] =	vst v42  }
0x114: {  	v42 =	vld [tilespmem:s5+$0x1E00]  }
0x115: {  	v58 =	vmul.f32 v59, v40;
	v59 =	vmul.f32 v60, v41;
	v60 =	vld [tilespmem:s5+$0x1E10]  }
0x116: {  	v46 =	vmul.f32 v55, v38;
	v47 =	vmul.f32 v61, v39;
	v61 =	vld [tilespmem:s5+$0x1E20]  }
0x117: {  	v48 =	vmul.f32 v62, v34;
	v44 =	vmul.f32 v63, v35;
	v62 =	vld [tilespmem:s5+$0x1E30]  }
0x118: {  	v45 =	vmul.f32 v56, v36;
	v43 =	vmul.f32 v57, v37;
	v63 =	vld [tilespmem:s5+$0x1E40]  }
0x119: {  	v49 =	vadd.f32 v59, v58;
	v46 =	vadd.f32 v47, v46;
	v55 =	vld [tilespmem:s5+$0x1E50]  }
0x11a: {  	v44 =	vadd.f32 v44, v48;
	v43 =	vadd.f32 v43, v45;
	v56 =	vld [tilespmem:s5+$0x1E60]  }
0x11b: {  	v57 =	vld [tilespmem:s5+$0x1E70]  }
0x11c: {  	v46 =	vadd.f32 v46, v49;
	v43 =	vadd.f32 v43, v44  }
0x11d: {  	v42 =	vmul.f32 v42, v40;
	v58 =	vmul.f32 v60, v41  }
0x11e: {  	v43 =	vadd.f32 v43, v46;
	v59 =	vmul.f32 v61, v38;
	v60 =	vmul.f32 v62, v39  }
0x11f: {  	v61 =	vmul.f32 v63, v34;
	v47 =	vmul.f32 v55, v35  }
0x120: {  	v45 =	vmul.f32 v56, v36;
	v48 =	vmul.f32 v57, v37;
	[tilespmem:$0x10AC0] =	vst v43  }
0x121: {  	v62 =	vld [tilespmem:s5+$0x1E80];
	v42 =	vadd.f32 v58, v42;
	v53 =	vadd.f32 v60, v59  }
0x122: {  	v63 =	vld [tilespmem:s5+$0x1E90];
	v43 =	vadd.f32 v47, v61;
	v45 =	vadd.f32 v48, v45  }
0x123: {  	v54 =	vld [tilespmem:s5+$0x1EA0]  }
0x124: {  	v55 =	vld [tilespmem:s5+$0x1EB0];
	v42 =	vadd.f32 v53, v42;
	v43 =	vadd.f32 v45, v43  }
0x125: {  	v56 =	vld [tilespmem:s5+$0x1EC0]  }
0x126: {  	v59 =	vld [tilespmem:s5+$0x1ED0];
	v42 =	vadd.f32 v43, v42  }
0x127: {  	v60 =	vld [tilespmem:s5+$0x1EE0]  }
0x128: {  	v61 =	vld [tilespmem:s5+$0x1EF0];
	[tilespmem:$0x10AD0] =	vst v42  }
0x129: {  	v42 =	vld [tilespmem:s5+$0x1F00]  }
0x12a: {  	v62 =	vmul.f32 v62, v40;
	v63 =	vmul.f32 v63, v41;
	v57 =	vld [tilespmem:s5+$0x1F10]  }
0x12b: {  	v46 =	vmul.f32 v54, v38;
	v47 =	vmul.f32 v55, v39;
	v58 =	vld [tilespmem:s5+$0x1F20]  }
0x12c: {  	v48 =	vmul.f32 v56, v34;
	v44 =	vmul.f32 v59, v35;
	v59 =	vld [tilespmem:s5+$0x1F30]  }
0x12d: {  	v45 =	vmul.f32 v60, v36;
	v43 =	vmul.f32 v61, v37;
	v60 =	vld [tilespmem:s5+$0x1F40]  }
0x12e: {  	v49 =	vadd.f32 v63, v62;
	v46 =	vadd.f32 v47, v46;
	v61 =	vld [tilespmem:s5+$0x1F50]  }
0x12f: {  	v44 =	vadd.f32 v44, v48;
	v43 =	vadd.f32 v43, v45;
	v62 =	vld [tilespmem:s5+$0x1F60]  }
0x130: {  	v63 =	vld [tilespmem:s5+$0x1F70]  }
0x131: {  	v46 =	vadd.f32 v46, v49;
	v43 =	vadd.f32 v43, v44  }
0x132: {  	v42 =	vmul.f32 v42, v40;
	v55 =	vmul.f32 v57, v41  }
0x133: {  	v43 =	vadd.f32 v43, v46;
	v56 =	vmul.f32 v58, v38;
	v57 =	vmul.f32 v59, v39  }
0x134: {  	v58 =	vmul.f32 v60, v34;
	v47 =	vmul.f32 v61, v35  }
0x135: {  	v45 =	vmul.f32 v62, v36;
	v48 =	vmul.f32 v63, v37;
	[tilespmem:$0x10AE0] =	vst v43  }
0x136: {  	v59 =	vld [tilespmem:s5+$0x1F80];
	v42 =	vadd.f32 v55, v42;
	v54 =	vadd.f32 v57, v56  }
0x137: {  	v60 =	vld [tilespmem:s5+$0x1F90];
	v43 =	vadd.f32 v47, v58;
	v45 =	vadd.f32 v48, v45  }
0x138: {  	v55 =	vld [tilespmem:s5+$0x1FA0]  }
0x139: {  	v61 =	vld [tilespmem:s5+$0x1FB0];
	v42 =	vadd.f32 v54, v42;
	v43 =	vadd.f32 v45, v43  }
0x13a: {  	v62 =	vld [tilespmem:s5+$0x1FC0]  }
0x13b: {  	v63 =	vld [tilespmem:s5+$0x1FD0];
	v42 =	vadd.f32 v43, v42  }
0x13c: {  	v56 =	vld [tilespmem:s5+$0x1FE0]  }
0x13d: {  	v57 =	vld [tilespmem:s5+$0x1FF0];
	[tilespmem:$0x10AF0] =	vst v42  }
0x13e: {  	v42 =	vld [tilespmem:s5+$0x2000]  }
0x13f: {  	v58 =	vmul.f32 v59, v40;
	v59 =	vmul.f32 v60, v41;
	v60 =	vld [tilespmem:s5+$0x2010]  }
0x140: {  	v46 =	vmul.f32 v55, v38;
	v47 =	vmul.f32 v61, v39;
	v61 =	vld [tilespmem:s5+$0x2020]  }
0x141: {  	v48 =	vmul.f32 v62, v34;
	v44 =	vmul.f32 v63, v35;
	v62 =	vld [tilespmem:s5+$0x2030]  }
0x142: {  	v45 =	vmul.f32 v56, v36;
	v43 =	vmul.f32 v57, v37;
	v63 =	vld [tilespmem:s5+$0x2040]  }
0x143: {  	v49 =	vadd.f32 v59, v58;
	v46 =	vadd.f32 v47, v46;
	v55 =	vld [tilespmem:s5+$0x2050]  }
0x144: {  	v44 =	vadd.f32 v44, v48;
	v43 =	vadd.f32 v43, v45;
	v56 =	vld [tilespmem:s5+$0x2060]  }
0x145: {  	v57 =	vld [tilespmem:s5+$0x2070]  }
0x146: {  	v46 =	vadd.f32 v46, v49;
	v43 =	vadd.f32 v43, v44  }
0x147: {  	v42 =	vmul.f32 v42, v40;
	v58 =	vmul.f32 v60, v41  }
0x148: {  	v43 =	vadd.f32 v43, v46;
	v59 =	vmul.f32 v61, v38;
	v60 =	vmul.f32 v62, v39  }
0x149: {  	v61 =	vmul.f32 v63, v34;
	v47 =	vmul.f32 v55, v35  }
0x14a: {  	v45 =	vmul.f32 v56, v36;
	v48 =	vmul.f32 v57, v37;
	[tilespmem:$0x10B00] =	vst v43  }
0x14b: {  	v62 =	vld [tilespmem:s5+$0x2080];
	v42 =	vadd.f32 v58, v42;
	v53 =	vadd.f32 v60, v59  }
0x14c: {  	v63 =	vld [tilespmem:s5+$0x2090];
	v43 =	vadd.f32 v47, v61;
	v45 =	vadd.f32 v48, v45  }
0x14d: {  	v54 =	vld [tilespmem:s5+$0x20A0]  }
0x14e: {  	v55 =	vld [tilespmem:s5+$0x20B0];
	v42 =	vadd.f32 v53, v42;
	v43 =	vadd.f32 v45, v43  }
0x14f: {  	v56 =	vld [tilespmem:s5+$0x20C0]  }
0x150: {  	v57 =	vld [tilespmem:s5+$0x20D0];
	v42 =	vadd.f32 v43, v42  }
0x151: {  	v58 =	vld [tilespmem:s5+$0x20E0]  }
0x152: {  	v59 =	vld [tilespmem:s5+$0x20F0];
	[tilespmem:$0x10B10] =	vst v42  }
0x153: {  	v42 =	vld [tilespmem:s5+$0x2100]  }
0x154: {  	v60 =	vmul.f32 v62, v40;
	v61 =	vmul.f32 v63, v41;
	v62 =	vld [tilespmem:s5+$0x2110]  }
0x155: {  	v46 =	vmul.f32 v54, v38;
	v47 =	vmul.f32 v55, v39;
	v63 =	vld [tilespmem:s5+$0x2120]  }
0x156: {  	v48 =	vmul.f32 v56, v34;
	v44 =	vmul.f32 v57, v35;
	v57 =	vld [tilespmem:s5+$0x2130]  }
0x157: {  	v45 =	vmul.f32 v58, v36;
	v43 =	vmul.f32 v59, v37;
	v58 =	vld [tilespmem:s5+$0x2140]  }
0x158: {  	v49 =	vadd.f32 v61, v60;
	v46 =	vadd.f32 v47, v46;
	v59 =	vld [tilespmem:s5+$0x2150]  }
0x159: {  	v44 =	vadd.f32 v44, v48;
	v43 =	vadd.f32 v43, v45;
	v60 =	vld [tilespmem:s5+$0x2160]  }
0x15a: {  	v61 =	vld [tilespmem:s5+$0x2170]  }
0x15b: {  	v46 =	vadd.f32 v46, v49;
	v43 =	vadd.f32 v43, v44  }
0x15c: {  	v42 =	vmul.f32 v42, v40;
	v62 =	vmul.f32 v62, v41  }
0x15d: {  	v43 =	vadd.f32 v43, v46;
	v63 =	vmul.f32 v63, v38;
	v55 =	vmul.f32 v57, v39  }
0x15e: {  	v56 =	vmul.f32 v58, v34;
	v47 =	vmul.f32 v59, v35  }
0x15f: {  	v45 =	vmul.f32 v60, v36;
	v48 =	vmul.f32 v61, v37;
	[tilespmem:$0x10B20] =	vst v43  }
0x160: {  	v57 =	vld [tilespmem:s5+$0x2180];
	v42 =	vadd.f32 v62, v42;
	v59 =	vadd.f32 v55, v63  }
0x161: {  	v58 =	vld [tilespmem:s5+$0x2190];
	v43 =	vadd.f32 v47, v56;
	v45 =	vadd.f32 v48, v45  }
0x162: {  	v46 =	vld [tilespmem:s5+$0x21A0]  }
0x163: {  	v47 =	vld [tilespmem:s5+$0x21B0];
	v42 =	vadd.f32 v59, v42;
	v43 =	vadd.f32 v45, v43  }
0x164: {  	v48 =	vld [tilespmem:s5+$0x21C0]  }
0x165: {  	v44 =	vld [tilespmem:s5+$0x21D0];
	v42 =	vadd.f32 v43, v42  }
0x166: {  	v45 =	vld [tilespmem:s5+$0x21E0]  }
0x167: {  	v43 =	vld [tilespmem:s5+$0x21F0];
	[tilespmem:$0x10B30] =	vst v42  }
0x168: {  	v42 =	vld [tilespmem:s5+$0x2200]  }
0x169: {  	v60 =	vld [tilespmem:s5+$0x2210]  }
0x16a: {  	v61 =	vld [tilespmem:s5+$0x2220]  }
0x16b: {  	v62 =	vld [tilespmem:s5+$0x2230]  }
0x16c: {  	v63 =	vld [tilespmem:s5+$0x2240]  }
0x16d: {  	v50 =	vmul.f32 v57, v40;
	v51 =	vmul.f32 v58, v41;
	v55 =	vld [tilespmem:s5+$0x2250]  }
0x16e: {  	v46 =	vmul.f32 v46, v38;
	v47 =	vmul.f32 v47, v39;
	v56 =	vld [tilespmem:s5+$0x2260]  }
0x16f: {  	v48 =	vmul.f32 v48, v34;
	v44 =	vmul.f32 v44, v35;
	v57 =	vld [tilespmem:s5+$0x2270]  }
0x170: {  	v45 =	vmul.f32 v45, v36;
	v43 =	vmul.f32 v43, v37  }
0x171: {  	v50 =	vadd.f32 v51, v50;
	v40 =	vmul.f32 v42, v40;
	v41 =	vmul.f32 v60, v41  }
0x172: {  	v58 =	vadd.f32 v47, v46;
	v38 =	vmul.f32 v61, v38;
	v39 =	vmul.f32 v62, v39  }
0x173: {  	v44 =	vadd.f32 v44, v48;
	v34 =	vmul.f32 v63, v34;
	v35 =	vmul.f32 v55, v35  }
0x174: {  	v43 =	vadd.f32 v43, v45;
	v36 =	vmul.f32 v56, v36;
	v37 =	vmul.f32 v57, v37  }
0x175: {  	v40 =	vadd.f32 v41, v40;
	v38 =	vadd.f32 v39, v38  }
0x176: {  	v34 =	vadd.f32 v35, v34;
	v59 =	vadd.f32 v37, v36  }
0x177: {  	v60 =	vadd.f32 v58, v50;
	v61 =	vadd.f32 v43, v44  }
0x178: {  	v38 =	vadd.f32 v38, v40;
	v34 =	vadd.f32 v59, v34  }
0x179: {  	v62 =	vadd.f32 v61, v60  }
0x17a: {  	v34 =	vadd.f32 v34, v38  }
0x17b: {  	[tilespmem:$0x10B40] =	vst v62  }
0x17c: {  	[tilespmem:$0x10B50] =	vst v34  }
0x17d: {  	v34 =	vld.idx.msk [tilespmem:v1+s22+$0x0], $0xffff  }
0x17e: {  	v35 =	vld.idx.msk [tilespmem:v3+s22+$0x0], $0xffff  }
0x17f: {  	v36 =	vld.idx.msk [tilespmem:v4+s22+$0x0], $0xffff  }
0x180: {  	v37 =	vld.idx.msk [tilespmem:v5+s22+$0x0], $0xffff  }
0x181: {  	v38 =	vld.idx.msk [tilespmem:v6+s22+$0x0], $0xffff  }
0x182: {  	v39 =	vld.idx.msk [tilespmem:v7+s22+$0x0], $0xffff  }
0x183: {  	v40 =	vld.idx.msk [tilespmem:v8+s22+$0x0], $0xffff  }
0x184: {  	v41 =	vld.idx.msk [tilespmem:v9+s22+$0x0], $0xffff  }
0x185: {  	v42 =	vld.idx.msk [tilespmem:v10+s22+$0x0], $0xffff  }
0x186: {  	v43 =	vld.idx.msk [tilespmem:v11+s22+$0x0], $0xffff  }
0x187: {  	v44 =	vld.idx.msk [tilespmem:v12+s22+$0x0], $0xffff  }
0x188: {  	v45 =	vld.idx.msk [tilespmem:v13+s22+$0x0], $0xffff  }
0x189: {  	v46 =	vld.idx.msk [tilespmem:v14+s22+$0x0], $0xffff  }
0x18a: {  	v47 =	vld.idx.msk [tilespmem:v15+s22+$0x0], $0xffff  }
0x18b: {  	v48 =	vld.idx.msk [tilespmem:v16+s22+$0x0], $0xffff  }
0x18c: {  	v49 =	vld.idx.msk [tilespmem:v17+s22+$0x0], $0xffff  }
0x18d: {  	v50 =	vld.idx.msk [tilespmem:v18+s22+$0x0], $0xffff  }
0x18e: {  	v51 =	vld.idx.msk [tilespmem:v19+s22+$0x0], $0xffff  }
0x18f: {  	v52 =	vld.idx.msk [tilespmem:v20+s22+$0x0], $0xffff  }
0x190: {  	v53 =	vld.idx.msk [tilespmem:v21+s22+$0x0], $0xffff  }
0x191: {  	v54 =	vld.idx.msk [tilespmem:v22+s22+$0x0], $0xffff  }
0x192: {  	v55 =	vld.idx.msk [tilespmem:v23+s22+$0x0], $0xffff  }
0x193: {  	v56 =	vld.idx.msk [tilespmem:v24+s22+$0x0], $0xffff  }
0x194: {  	v57 =	vld.idx.msk [tilespmem:v25+s22+$0x0], $0xffff  }
0x195: {  	v58 =	vld.idx.msk [tilespmem:v26+s22+$0x0], $0xffff  }
0x196: {  	v59 =	vld.idx.msk [tilespmem:v27+s22+$0x0], $0xffff  }
0x197: {  	v60 =	vld.idx.msk [tilespmem:v28+s22+$0x0], $0xffff;
	v34 =	vadd.f32 v35, v34;
	v35 =	vadd.f32 v37, v36  }
0x198: {  	s16 =	smul.u32 $0x1E, s14;
	v61 =	vld.idx.msk [tilespmem:v29+s22+$0x0], $0xffff;
	v37 =	vadd.f32 v39, v38;
	v38 =	vadd.f32 v41, v40  }
0x199: {  	v62 =	vld.idx.msk [tilespmem:v30+s22+$0x0], $0xffff;
	v40 =	vadd.f32 v43, v42;
	v41 =	vadd.f32 v45, v44  }
0x19a: {  	s5 =	sadd.s32 s13, s16;
	v36 =	vld.idx.msk [tilespmem:v31+s22+$0x0], $0xffff;
	v43 =	vadd.f32 v47, v46;
	v44 =	vadd.f32 v49, v48  }
0x19b: {  	v39 =	vld.idx.msk [tilespmem:v32+s22+$0x0], $0xffff;
	v45 =	vadd.f32 v51, v50;
	v46 =	vadd.f32 v53, v52;
	v47 =	vadd.s32 s5, v0  }
0x19c: {  	v42 =	vld.idx.msk [tilespmem:v33+s22+$0x0], $0xffff;
	v48 =	vadd.f32 v55, v54;
	v49 =	vadd.f32 v57, v56  }
0x19d: {  	v50 =	vadd.f32 v59, v58;
	v63 =	vadd.f32 v61, v60  }
0x19e: {  	v34 =	vadd.f32 v35, v34;
	v54 =	vadd.f32 v38, v37  }
0x19f: {  	v55 =	vadd.f32 v41, v40;
	v56 =	vadd.f32 v44, v43  }
0x1a0: {  	v58 =	vadd.f32 v46, v45;
	v59 =	vadd.f32 v49, v48;
	v57 =	vld.idx.msk [tilespmem:v47+s10+$0x0], $0xffff  }
0x1a1: {  	v36 =	vadd.f32 v36, v62;
	v39 =	vadd.f32 v42, v39  }
0x1a2: {  	v60 =	vadd.f32 v63, v50;
	v34 =	vadd.f32 v54, v34  }
0x1a3: {  	v61 =	vadd.f32 v56, v55;
	v36 =	vadd.f32 v39, v36  }
0x1a4: {  	p1 =	sne.s32 s14, $0x7;
	v62 =	vadd.f32 v59, v58  }
.Ltmp0:
0x1a5: {  	v34 =	vadd.f32 v61, v34;
	v36 =	vadd.f32 v36, v60;
	vm1 =	veq.s32 v57, $0x0;
	(pc) =	sbr.rel @p1 .LBB2_3-.Ltmp0, $4  }
0x1a6: {  	s16 =	sshll.u32 s14, $0x5;
	vm1 =	vmand vm1, vm0  }
0x1a7: {  	s5 =	sand.u32 $0x3FFFFFE0, s16;
	v63 =	vadd.f32 v36, v62;
	v34 =	vsel vm1, $0x7F800000, v34  }
0x1a8: {  	[tilespmem:s5+$0x8B80] =	vst v34  }
0x1a9: {  	s14 =	sadd.s32 $0x1, s14;
	[tilespmem:s5+$0x8B90] =	vst v63  }
0x1aa: {  	p1 =	seq.s32 s31, $0x7  }
0x1ab: {  	s5 =	sshll.u32 s31, $0x6;
	s12 =	sadd.s32 @!p1 $0x2, s12  }
0x1ac: {  	s5 =	sadd.s32 s5, s7;
	s13 =	smul.u32 @!p1 $0x3C0, s12  }
0x1ad: {  	[hbm4b:s5+s4] =	stream.linear.scatter [tilespmem:s23], [sflag:$0x3], $0x100, $0x38;
	[tilespmem:$0x10B80] =	vst v63  }
0x1ae: {  	s5 =	sshra.s32 @!p1 s13, $0x2  }
0x1af: {  	s14 =	simm.s32 @!p1 $0x78;
	s16 =	simm.s32 @!p1 $0x1380;
	s13 =	sadd.s32 @!p1 $0x80, s5  }
0x1b0: {  	[tilespmem:s16], [sflag:$0x1] =	stream.indirect.gather @!p1 [hbm4b:s3+s14], $0x80, s13, s14, $0xb8;
	[tilespmem:$0x10B80] =	vst v63  }
0x1b1: {  	s5 =	sadd.s32 @!p1 $0xF8, s5;
	s13 =	simm.s32 @!p1 $0x4F80  }
0x1b2: {  	[tilespmem:s13], [sflag:$0x1] =	stream.indirect.gather @!p1 [hbm4b:s3+s14], $0x80, s5, s14, $0xb8;
	[tilespmem:$0x10B80] =	vst v63  }
0x1b3: {  	s5 =	sshll.u32 @!p1 s12, $0x3  }
0x1b4: {  	s12 =	simm.s32 @!p1 $0x8;
	s13 =	simm.s32 @!p1 $0xF80;
	s5 =	sand.u32 @!p1 $0x3FFFFFF8, s5  }
0x1b5: {  	[tilespmem:s13], [sflag:$0x2] =	stream.indirect.gather @!p1 [hbm4b:s2+s12], $0x80, s5, s12, $0xb8;
	[tilespmem:$0x10B80] =	vst v63  }
0x1b6: {  	_ =	swait.ge [sflag:s24], $0x7800  }
0x1b7: {  	[sflag:s24] =	ssyncset.done $0x0  }
0x1b8: {  	[sflag:s24] =	ssyncadd.s32 $0xFFFF8800  }
0x1b9: {  	_ =	swait.ge [sflag:s25], $0x400  }
0x1ba: {  	[sflag:s25] =	ssyncset.done $0x0  }
0x1bb: {  	s5 =	simm.s32 @!p0 $0x6;
	[sflag:s25] =	ssyncadd.s32 $0xFFFFFC00  }
0x1bc: {  	_ =	swait.ge @!p0 [sflag:s5], $0x100  }
0x1bd: {  	[sflag:s5] =	ssyncset.done @!p0 $0x0  }
0x1be: {  	s12 =	simm.s32 $0x0;
	[sflag:s5] =	ssyncadd.s32 @!p0 $0xFFFFFF00  }
.LBB2_5:
0x1bf: {  	s5 =	sshll.u32 s12, $0x7  }
0x1c0: {  	s5 =	sand.u32 $0x3FFFFF80, s5  }
0x1c1: {  	v40 =	vld [tilespmem:s5+$0x8C80]  }
0x1c2: {  	v41 =	vld [tilespmem:s5+$0x8C90]  }
0x1c3: {  	v38 =	vld [tilespmem:s5+$0x8CA0]  }
0x1c4: {  	v39 =	vld [tilespmem:s5+$0x8CB0]  }
0x1c5: {  	v34 =	vld [tilespmem:s5+$0x8CC0]  }
0x1c6: {  	s13 =	smul.u32 $0x3C00, s12;
	v35 =	vld [tilespmem:s5+$0x8CD0]  }
0x1c7: {  	v36 =	vld [tilespmem:s5+$0x8CE0]  }
0x1c8: {  	v37 =	vld [tilespmem:s5+$0x8CF0];
	s13 =	sshra.s32 s13, $0x2  }
0x1c9: {  	v42 =	vld [tilespmem:s13+$0x9080]  }
0x1ca: {  	v43 =	vld [tilespmem:s13+$0x9090]  }
0x1cb: {  	v44 =	vld [tilespmem:s13+$0x90A0]  }
0x1cc: {  	v45 =	vld [tilespmem:s13+$0x90B0]  }
0x1cd: {  	v46 =	vld [tilespmem:s13+$0x90C0]  }
0x1ce: {  	v47 =	vld [tilespmem:s13+$0x90D0]  }
0x1cf: {  	v48 =	vld [tilespmem:s13+$0x90E0]  }
0x1d0: {  	v49 =	vld [tilespmem:s13+$0x90F0]  }
0x1d1: {  	v50 =	vld [tilespmem:s13+$0x9100]  }
0x1d2: {  	v51 =	vld [tilespmem:s13+$0x9110];
	v42 =	vmul.f32 v42, v40;
	v43 =	vmul.f32 v43, v41  }
0x1d3: {  	v52 =	vld [tilespmem:s13+$0x9120];
	v44 =	vmul.f32 v44, v38;
	v45 =	vmul.f32 v45, v39  }
0x1d4: {  	v53 =	vld [tilespmem:s13+$0x9130];
	v46 =	vmul.f32 v46, v34;
	v47 =	vmul.f32 v47, v35  }
0x1d5: {  	v54 =	vld [tilespmem:s13+$0x9140];
	v48 =	vmul.f32 v48, v36;
	v49 =	vmul.f32 v49, v37  }
0x1d6: {  	v63 =	vld [tilespmem:s13+$0x9160];
	v42 =	vadd.f32 v43, v42;
	v60 =	vadd.f32 v45, v44  }
0x1d7: {  	v55 =	vld [tilespmem:s13+$0x9170];
	v61 =	vadd.f32 v47, v46;
	v62 =	vadd.f32 v49, v48  }
0x1d8: {  	v44 =	vld [tilespmem:s13+$0x9150]  }
0x1d9: {  	v42 =	vadd.f32 v60, v42;
	v56 =	vadd.f32 v62, v61  }
0x1da: {  	v57 =	vmul.f32 v50, v40;
	v58 =	vmul.f32 v51, v41  }
0x1db: {  	v59 =	vmul.f32 v52, v38;
	v47 =	vmul.f32 v63, v36;
	v42 =	vadd.f32 v56, v42  }
0x1dc: {  	v48 =	vmul.f32 v55, v37;
	v60 =	vmul.f32 v53, v39  }
0x1dd: {  	v61 =	vmul.f32 v54, v34;
	v44 =	vmul.f32 v44, v35;
	[tilespmem:$0x10980] =	vst v42  }
0x1de: {  	v43 =	vadd.f32 v58, v57;
	v54 =	vadd.f32 v48, v47;
	v62 =	vld [tilespmem:s13+$0x9180]  }
0x1df: {  	v57 =	vadd.f32 v60, v59;
	v63 =	vld [tilespmem:s13+$0x9190];
	v42 =	vadd.f32 v44, v61  }
0x1e0: {  	v58 =	vld [tilespmem:s13+$0x91A0]  }
0x1e1: {  	v43 =	vadd.f32 v57, v43;
	v55 =	vld [tilespmem:s13+$0x91B0];
	v42 =	vadd.f32 v54, v42  }
0x1e2: {  	v56 =	vld [tilespmem:s13+$0x91C0]  }
0x1e3: {  	v59 =	vld [tilespmem:s13+$0x91D0];
	v42 =	vadd.f32 v42, v43  }
0x1e4: {  	v60 =	vld [tilespmem:s13+$0x91E0]  }
0x1e5: {  	v61 =	vld [tilespmem:s13+$0x91F0];
	[tilespmem:$0x10990] =	vst v42  }
0x1e6: {  	v42 =	vld [tilespmem:s13+$0x9200]  }
0x1e7: {  	v62 =	vmul.f32 v62, v40;
	v63 =	vmul.f32 v63, v41;
	v57 =	vld [tilespmem:s13+$0x9210]  }
0x1e8: {  	v46 =	vmul.f32 v58, v38;
	v47 =	vmul.f32 v55, v39;
	v58 =	vld [tilespmem:s13+$0x9220]  }
0x1e9: {  	v48 =	vmul.f32 v56, v34;
	v44 =	vmul.f32 v59, v35;
	v59 =	vld [tilespmem:s13+$0x9230]  }
0x1ea: {  	v45 =	vmul.f32 v60, v36;
	v43 =	vmul.f32 v61, v37;
	v60 =	vld [tilespmem:s13+$0x9240]  }
0x1eb: {  	v49 =	vadd.f32 v63, v62;
	v46 =	vadd.f32 v47, v46;
	v61 =	vld [tilespmem:s13+$0x9250]  }
0x1ec: {  	v44 =	vadd.f32 v44, v48;
	v43 =	vadd.f32 v43, v45;
	v62 =	vld [tilespmem:s13+$0x9260]  }
0x1ed: {  	v63 =	vld [tilespmem:s13+$0x9270]  }
0x1ee: {  	v46 =	vadd.f32 v46, v49;
	v43 =	vadd.f32 v43, v44  }
0x1ef: {  	v42 =	vmul.f32 v42, v40;
	v55 =	vmul.f32 v57, v41  }
0x1f0: {  	v43 =	vadd.f32 v43, v46;
	v56 =	vmul.f32 v58, v38;
	v57 =	vmul.f32 v59, v39  }
0x1f1: {  	v58 =	vmul.f32 v60, v34;
	v47 =	vmul.f32 v61, v35  }
0x1f2: {  	v45 =	vmul.f32 v62, v36;
	v48 =	vmul.f32 v63, v37;
	[tilespmem:$0x109A0] =	vst v43  }
0x1f3: {  	v59 =	vld [tilespmem:s13+$0x9280];
	v42 =	vadd.f32 v55, v42;
	v54 =	vadd.f32 v57, v56  }
0x1f4: {  	v60 =	vld [tilespmem:s13+$0x9290];
	v43 =	vadd.f32 v47, v58;
	v45 =	vadd.f32 v48, v45  }
0x1f5: {  	v55 =	vld [tilespmem:s13+$0x92A0]  }
0x1f6: {  	v61 =	vld [tilespmem:s13+$0x92B0];
	v42 =	vadd.f32 v54, v42;
	v43 =	vadd.f32 v45, v43  }
0x1f7: {  	v62 =	vld [tilespmem:s13+$0x92C0]  }
0x1f8: {  	v63 =	vld [tilespmem:s13+$0x92D0];
	v42 =	vadd.f32 v43, v42  }
0x1f9: {  	v56 =	vld [tilespmem:s13+$0x92E0]  }
0x1fa: {  	v57 =	vld [tilespmem:s13+$0x92F0];
	[tilespmem:$0x109B0] =	vst v42  }
0x1fb: {  	v42 =	vld [tilespmem:s13+$0x9300]  }
0x1fc: {  	v58 =	vmul.f32 v59, v40;
	v59 =	vmul.f32 v60, v41;
	v60 =	vld [tilespmem:s13+$0x9310]  }
0x1fd: {  	v46 =	vmul.f32 v55, v38;
	v47 =	vmul.f32 v61, v39;
	v61 =	vld [tilespmem:s13+$0x9320]  }
0x1fe: {  	v48 =	vmul.f32 v62, v34;
	v44 =	vmul.f32 v63, v35;
	v62 =	vld [tilespmem:s13+$0x9330]  }
0x1ff: {  	v45 =	vmul.f32 v56, v36;
	v43 =	vmul.f32 v57, v37;
	v63 =	vld [tilespmem:s13+$0x9340]  }
0x200: {  	v49 =	vadd.f32 v59, v58;
	v46 =	vadd.f32 v47, v46;
	v55 =	vld [tilespmem:s13+$0x9350]  }
0x201: {  	v44 =	vadd.f32 v44, v48;
	v43 =	vadd.f32 v43, v45;
	v56 =	vld [tilespmem:s13+$0x9360]  }
0x202: {  	v57 =	vld [tilespmem:s13+$0x9370]  }
0x203: {  	v46 =	vadd.f32 v46, v49;
	v43 =	vadd.f32 v43, v44  }
0x204: {  	v42 =	vmul.f32 v42, v40;
	v58 =	vmul.f32 v60, v41  }
0x205: {  	v43 =	vadd.f32 v43, v46;
	v59 =	vmul.f32 v61, v38;
	v60 =	vmul.f32 v62, v39  }
0x206: {  	v61 =	vmul.f32 v63, v34;
	v47 =	vmul.f32 v55, v35  }
0x207: {  	v45 =	vmul.f32 v56, v36;
	v48 =	vmul.f32 v57, v37;
	[tilespmem:$0x109C0] =	vst v43  }
0x208: {  	v62 =	vld [tilespmem:s13+$0x9380];
	v42 =	vadd.f32 v58, v42;
	v53 =	vadd.f32 v60, v59  }
0x209: {  	v63 =	vld [tilespmem:s13+$0x9390];
	v43 =	vadd.f32 v47, v61;
	v45 =	vadd.f32 v48, v45  }
0x20a: {  	v54 =	vld [tilespmem:s13+$0x93A0]  }
0x20b: {  	v55 =	vld [tilespmem:s13+$0x93B0];
	v42 =	vadd.f32 v53, v42;
	v43 =	vadd.f32 v45, v43  }
0x20c: {  	v56 =	vld [tilespmem:s13+$0x93C0]  }
0x20d: {  	v59 =	vld [tilespmem:s13+$0x93D0];
	v42 =	vadd.f32 v43, v42  }
0x20e: {  	v60 =	vld [tilespmem:s13+$0x93E0]  }
0x20f: {  	v61 =	vld [tilespmem:s13+$0x93F0];
	[tilespmem:$0x109D0] =	vst v42  }
0x210: {  	v42 =	vld [tilespmem:s13+$0x9400]  }
0x211: {  	v62 =	vmul.f32 v62, v40;
	v63 =	vmul.f32 v63, v41;
	v57 =	vld [tilespmem:s13+$0x9410]  }
0x212: {  	v46 =	vmul.f32 v54, v38;
	v47 =	vmul.f32 v55, v39;
	v58 =	vld [tilespmem:s13+$0x9420]  }
0x213: {  	v48 =	vmul.f32 v56, v34;
	v44 =	vmul.f32 v59, v35;
	v59 =	vld [tilespmem:s13+$0x9430]  }
0x214: {  	v45 =	vmul.f32 v60, v36;
	v43 =	vmul.f32 v61, v37;
	v60 =	vld [tilespmem:s13+$0x9440]  }
0x215: {  	v49 =	vadd.f32 v63, v62;
	v46 =	vadd.f32 v47, v46;
	v61 =	vld [tilespmem:s13+$0x9450]  }
0x216: {  	v44 =	vadd.f32 v44, v48;
	v43 =	vadd.f32 v43, v45;
	v62 =	vld [tilespmem:s13+$0x9460]  }
0x217: {  	v63 =	vld [tilespmem:s13+$0x9470]  }
0x218: {  	v46 =	vadd.f32 v46, v49;
	v43 =	vadd.f32 v43, v44  }
0x219: {  	v42 =	vmul.f32 v42, v40;
	v55 =	vmul.f32 v57, v41  }
0x21a: {  	v43 =	vadd.f32 v43, v46;
	v56 =	vmul.f32 v58, v38;
	v57 =	vmul.f32 v59, v39  }
0x21b: {  	v58 =	vmul.f32 v60, v34;
	v47 =	vmul.f32 v61, v35  }
0x21c: {  	v45 =	vmul.f32 v62, v36;
	v48 =	vmul.f32 v63, v37;
	[tilespmem:$0x109E0] =	vst v43  }
0x21d: {  	v59 =	vld [tilespmem:s13+$0x9480];
	v42 =	vadd.f32 v55, v42;
	v54 =	vadd.f32 v57, v56  }
0x21e: {  	v60 =	vld [tilespmem:s13+$0x9490];
	v43 =	vadd.f32 v47, v58;
	v45 =	vadd.f32 v48, v45  }
0x21f: {  	v55 =	vld [tilespmem:s13+$0x94A0]  }
0x220: {  	v61 =	vld [tilespmem:s13+$0x94B0];
	v42 =	vadd.f32 v54, v42;
	v43 =	vadd.f32 v45, v43  }
0x221: {  	v62 =	vld [tilespmem:s13+$0x94C0]  }
0x222: {  	v63 =	vld [tilespmem:s13+$0x94D0];
	v42 =	vadd.f32 v43, v42  }
0x223: {  	v56 =	vld [tilespmem:s13+$0x94E0]  }
0x224: {  	v57 =	vld [tilespmem:s13+$0x94F0];
	[tilespmem:$0x109F0] =	vst v42  }
0x225: {  	v42 =	vld [tilespmem:s13+$0x9500]  }
0x226: {  	v58 =	vmul.f32 v59, v40;
	v59 =	vmul.f32 v60, v41;
	v60 =	vld [tilespmem:s13+$0x9510]  }
0x227: {  	v46 =	vmul.f32 v55, v38;
	v47 =	vmul.f32 v61, v39;
	v61 =	vld [tilespmem:s13+$0x9520]  }
0x228: {  	v48 =	vmul.f32 v62, v34;
	v44 =	vmul.f32 v63, v35;
	v62 =	vld [tilespmem:s13+$0x9530]  }
0x229: {  	v45 =	vmul.f32 v56, v36;
	v43 =	vmul.f32 v57, v37;
	v63 =	vld [tilespmem:s13+$0x9540]  }
0x22a: {  	v49 =	vadd.f32 v59, v58;
	v46 =	vadd.f32 v47, v46;
	v55 =	vld [tilespmem:s13+$0x9550]  }
0x22b: {  	v44 =	vadd.f32 v44, v48;
	v43 =	vadd.f32 v43, v45;
	v56 =	vld [tilespmem:s13+$0x9560]  }
0x22c: {  	v57 =	vld [tilespmem:s13+$0x9570]  }
0x22d: {  	v46 =	vadd.f32 v46, v49;
	v43 =	vadd.f32 v43, v44  }
0x22e: {  	v42 =	vmul.f32 v42, v40;
	v58 =	vmul.f32 v60, v41  }
0x22f: {  	v43 =	vadd.f32 v43, v46;
	v59 =	vmul.f32 v61, v38;
	v60 =	vmul.f32 v62, v39  }
0x230: {  	v61 =	vmul.f32 v63, v34;
	v47 =	vmul.f32 v55, v35  }
0x231: {  	v45 =	vmul.f32 v56, v36;
	v48 =	vmul.f32 v57, v37;
	[tilespmem:$0x10A00] =	vst v43  }
0x232: {  	v62 =	vld [tilespmem:s13+$0x9580];
	v42 =	vadd.f32 v58, v42;
	v53 =	vadd.f32 v60, v59  }
0x233: {  	v63 =	vld [tilespmem:s13+$0x9590];
	v43 =	vadd.f32 v47, v61;
	v45 =	vadd.f32 v48, v45  }
0x234: {  	v54 =	vld [tilespmem:s13+$0x95A0]  }
0x235: {  	v55 =	vld [tilespmem:s13+$0x95B0];
	v42 =	vadd.f32 v53, v42;
	v43 =	vadd.f32 v45, v43  }
0x236: {  	v56 =	vld [tilespmem:s13+$0x95C0]  }
0x237: {  	v59 =	vld [tilespmem:s13+$0x95D0];
	v42 =	vadd.f32 v43, v42  }
0x238: {  	v60 =	vld [tilespmem:s13+$0x95E0]  }
0x239: {  	v61 =	vld [tilespmem:s13+$0x95F0];
	[tilespmem:$0x10A10] =	vst v42  }
0x23a: {  	v42 =	vld [tilespmem:s13+$0x9600]  }
0x23b: {  	v62 =	vmul.f32 v62, v40;
	v63 =	vmul.f32 v63, v41;
	v57 =	vld [tilespmem:s13+$0x9610]  }
0x23c: {  	v46 =	vmul.f32 v54, v38;
	v47 =	vmul.f32 v55, v39;
	v58 =	vld [tilespmem:s13+$0x9620]  }
0x23d: {  	v48 =	vmul.f32 v56, v34;
	v44 =	vmul.f32 v59, v35;
	v59 =	vld [tilespmem:s13+$0x9630]  }
0x23e: {  	v45 =	vmul.f32 v60, v36;
	v43 =	vmul.f32 v61, v37;
	v60 =	vld [tilespmem:s13+$0x9640]  }
0x23f: {  	v49 =	vadd.f32 v63, v62;
	v46 =	vadd.f32 v47, v46;
	v61 =	vld [tilespmem:s13+$0x9650]  }
0x240: {  	v44 =	vadd.f32 v44, v48;
	v43 =	vadd.f32 v43, v45;
	v62 =	vld [tilespmem:s13+$0x9660]  }
0x241: {  	v63 =	vld [tilespmem:s13+$0x9670]  }
0x242: {  	v46 =	vadd.f32 v46, v49;
	v43 =	vadd.f32 v43, v44  }
0x243: {  	v42 =	vmul.f32 v42, v40;
	v55 =	vmul.f32 v57, v41  }
0x244: {  	v43 =	vadd.f32 v43, v46;
	v56 =	vmul.f32 v58, v38;
	v57 =	vmul.f32 v59, v39  }
0x245: {  	v58 =	vmul.f32 v60, v34;
	v47 =	vmul.f32 v61, v35  }
0x246: {  	v45 =	vmul.f32 v62, v36;
	v48 =	vmul.f32 v63, v37;
	[tilespmem:$0x10A20] =	vst v43  }
0x247: {  	v59 =	vld [tilespmem:s13+$0x9680];
	v42 =	vadd.f32 v55, v42;
	v54 =	vadd.f32 v57, v56  }
0x248: {  	v60 =	vld [tilespmem:s13+$0x9690];
	v43 =	vadd.f32 v47, v58;
	v45 =	vadd.f32 v48, v45  }
0x249: {  	v55 =	vld [tilespmem:s13+$0x96A0]  }
0x24a: {  	v61 =	vld [tilespmem:s13+$0x96B0];
	v42 =	vadd.f32 v54, v42;
	v43 =	vadd.f32 v45, v43  }
0x24b: {  	v62 =	vld [tilespmem:s13+$0x96C0]  }
0x24c: {  	v63 =	vld [tilespmem:s13+$0x96D0];
	v42 =	vadd.f32 v43, v42  }
0x24d: {  	v56 =	vld [tilespmem:s13+$0x96E0]  }
0x24e: {  	v57 =	vld [tilespmem:s13+$0x96F0];
	[tilespmem:$0x10A30] =	vst v42  }
0x24f: {  	v42 =	vld [tilespmem:s13+$0x9700]  }
0x250: {  	v58 =	vmul.f32 v59, v40;
	v59 =	vmul.f32 v60, v41;
	v60 =	vld [tilespmem:s13+$0x9710]  }
0x251: {  	v46 =	vmul.f32 v55, v38;
	v47 =	vmul.f32 v61, v39;
	v61 =	vld [tilespmem:s13+$0x9720]  }
0x252: {  	v48 =	vmul.f32 v62, v34;
	v44 =	vmul.f32 v63, v35;
	v62 =	vld [tilespmem:s13+$0x9730]  }
0x253: {  	v45 =	vmul.f32 v56, v36;
	v43 =	vmul.f32 v57, v37;
	v63 =	vld [tilespmem:s13+$0x9740]  }
0x254: {  	v49 =	vadd.f32 v59, v58;
	v46 =	vadd.f32 v47, v46;
	v55 =	vld [tilespmem:s13+$0x9750]  }
0x255: {  	v44 =	vadd.f32 v44, v48;
	v43 =	vadd.f32 v43, v45;
	v56 =	vld [tilespmem:s13+$0x9760]  }
0x256: {  	v57 =	vld [tilespmem:s13+$0x9770]  }
0x257: {  	v46 =	vadd.f32 v46, v49;
	v43 =	vadd.f32 v43, v44  }
0x258: {  	v42 =	vmul.f32 v42, v40;
	v58 =	vmul.f32 v60, v41  }
0x259: {  	v43 =	vadd.f32 v43, v46;
	v59 =	vmul.f32 v61, v38;
	v60 =	vmul.f32 v62, v39  }
0x25a: {  	v61 =	vmul.f32 v63, v34;
	v47 =	vmul.f32 v55, v35  }
0x25b: {  	v45 =	vmul.f32 v56, v36;
	v48 =	vmul.f32 v57, v37;
	[tilespmem:$0x10A40] =	vst v43  }
0x25c: {  	v62 =	vld [tilespmem:s13+$0x9780];
	v42 =	vadd.f32 v58, v42;
	v53 =	vadd.f32 v60, v59  }
0x25d: {  	v63 =	vld [tilespmem:s13+$0x9790];
	v43 =	vadd.f32 v47, v61;
	v45 =	vadd.f32 v48, v45  }
0x25e: {  	v54 =	vld [tilespmem:s13+$0x97A0]  }
0x25f: {  	v55 =	vld [tilespmem:s13+$0x97B0];
	v42 =	vadd.f32 v53, v42;
	v43 =	vadd.f32 v45, v43  }
0x260: {  	v56 =	vld [tilespmem:s13+$0x97C0]  }
0x261: {  	v59 =	vld [tilespmem:s13+$0x97D0];
	v42 =	vadd.f32 v43, v42  }
0x262: {  	v60 =	vld [tilespmem:s13+$0x97E0]  }
0x263: {  	v61 =	vld [tilespmem:s13+$0x97F0];
	[tilespmem:$0x10A50] =	vst v42  }
0x264: {  	v42 =	vld [tilespmem:s13+$0x9800]  }
0x265: {  	v62 =	vmul.f32 v62, v40;
	v63 =	vmul.f32 v63, v41;
	v57 =	vld [tilespmem:s13+$0x9810]  }
0x266: {  	v46 =	vmul.f32 v54, v38;
	v47 =	vmul.f32 v55, v39;
	v58 =	vld [tilespmem:s13+$0x9820]  }
0x267: {  	v48 =	vmul.f32 v56, v34;
	v44 =	vmul.f32 v59, v35;
	v59 =	vld [tilespmem:s13+$0x9830]  }
0x268: {  	v45 =	vmul.f32 v60, v36;
	v43 =	vmul.f32 v61, v37;
	v60 =	vld [tilespmem:s13+$0x9840]  }
0x269: {  	v49 =	vadd.f32 v63, v62;
	v46 =	vadd.f32 v47, v46;
	v61 =	vld [tilespmem:s13+$0x9850]  }
0x26a: {  	v44 =	vadd.f32 v44, v48;
	v43 =	vadd.f32 v43, v45;
	v62 =	vld [tilespmem:s13+$0x9860]  }
0x26b: {  	v63 =	vld [tilespmem:s13+$0x9870]  }
0x26c: {  	v46 =	vadd.f32 v46, v49;
	v43 =	vadd.f32 v43, v44  }
0x26d: {  	v42 =	vmul.f32 v42, v40;
	v55 =	vmul.f32 v57, v41  }
0x26e: {  	v43 =	vadd.f32 v43, v46;
	v56 =	vmul.f32 v58, v38;
	v57 =	vmul.f32 v59, v39  }
0x26f: {  	v58 =	vmul.f32 v60, v34;
	v47 =	vmul.f32 v61, v35  }
0x270: {  	v45 =	vmul.f32 v62, v36;
	v48 =	vmul.f32 v63, v37;
	[tilespmem:$0x10A60] =	vst v43  }
0x271: {  	v59 =	vld [tilespmem:s13+$0x9880];
	v42 =	vadd.f32 v55, v42;
	v54 =	vadd.f32 v57, v56  }
0x272: {  	v60 =	vld [tilespmem:s13+$0x9890];
	v43 =	vadd.f32 v47, v58;
	v45 =	vadd.f32 v48, v45  }
0x273: {  	v55 =	vld [tilespmem:s13+$0x98A0]  }
0x274: {  	v61 =	vld [tilespmem:s13+$0x98B0];
	v42 =	vadd.f32 v54, v42;
	v43 =	vadd.f32 v45, v43  }
0x275: {  	v62 =	vld [tilespmem:s13+$0x98C0]  }
0x276: {  	v63 =	vld [tilespmem:s13+$0x98D0];
	v42 =	vadd.f32 v43, v42  }
0x277: {  	v56 =	vld [tilespmem:s13+$0x98E0]  }
0x278: {  	v57 =	vld [tilespmem:s13+$0x98F0];
	[tilespmem:$0x10A70] =	vst v42  }
0x279: {  	v42 =	vld [tilespmem:s13+$0x9900]  }
0x27a: {  	v58 =	vmul.f32 v59, v40;
	v59 =	vmul.f32 v60, v41;
	v60 =	vld [tilespmem:s13+$0x9910]  }
0x27b: {  	v46 =	vmul.f32 v55, v38;
	v47 =	vmul.f32 v61, v39;
	v61 =	vld [tilespmem:s13+$0x9920]  }
0x27c: {  	v48 =	vmul.f32 v62, v34;
	v44 =	vmul.f32 v63, v35;
	v62 =	vld [tilespmem:s13+$0x9930]  }
0x27d: {  	v45 =	vmul.f32 v56, v36;
	v43 =	vmul.f32 v57, v37;
	v63 =	vld [tilespmem:s13+$0x9940]  }
0x27e: {  	v49 =	vadd.f32 v59, v58;
	v46 =	vadd.f32 v47, v46;
	v55 =	vld [tilespmem:s13+$0x9950]  }
0x27f: {  	v44 =	vadd.f32 v44, v48;
	v43 =	vadd.f32 v43, v45;
	v56 =	vld [tilespmem:s13+$0x9960]  }
0x280: {  	v57 =	vld [tilespmem:s13+$0x9970]  }
0x281: {  	v46 =	vadd.f32 v46, v49;
	v43 =	vadd.f32 v43, v44  }
0x282: {  	v42 =	vmul.f32 v42, v40;
	v58 =	vmul.f32 v60, v41  }
0x283: {  	v43 =	vadd.f32 v43, v46;
	v59 =	vmul.f32 v61, v38;
	v60 =	vmul.f32 v62, v39  }
0x284: {  	v61 =	vmul.f32 v63, v34;
	v47 =	vmul.f32 v55, v35  }
0x285: {  	v45 =	vmul.f32 v56, v36;
	v48 =	vmul.f32 v57, v37;
	[tilespmem:$0x10A80] =	vst v43  }
0x286: {  	v62 =	vld [tilespmem:s13+$0x9980];
	v42 =	vadd.f32 v58, v42;
	v53 =	vadd.f32 v60, v59  }
0x287: {  	v63 =	vld [tilespmem:s13+$0x9990];
	v43 =	vadd.f32 v47, v61;
	v45 =	vadd.f32 v48, v45  }
0x288: {  	v54 =	vld [tilespmem:s13+$0x99A0]  }
0x289: {  	v55 =	vld [tilespmem:s13+$0x99B0];
	v42 =	vadd.f32 v53, v42;
	v43 =	vadd.f32 v45, v43  }
0x28a: {  	v56 =	vld [tilespmem:s13+$0x99C0]  }
0x28b: {  	v59 =	vld [tilespmem:s13+$0x99D0];
	v42 =	vadd.f32 v43, v42  }
0x28c: {  	v60 =	vld [tilespmem:s13+$0x99E0]  }
0x28d: {  	v61 =	vld [tilespmem:s13+$0x99F0];
	[tilespmem:$0x10A90] =	vst v42  }
0x28e: {  	v42 =	vld [tilespmem:s13+$0x9A00]  }
0x28f: {  	v62 =	vmul.f32 v62, v40;
	v63 =	vmul.f32 v63, v41;
	v57 =	vld [tilespmem:s13+$0x9A10]  }
0x290: {  	v46 =	vmul.f32 v54, v38;
	v47 =	vmul.f32 v55, v39;
	v58 =	vld [tilespmem:s13+$0x9A20]  }
0x291: {  	v48 =	vmul.f32 v56, v34;
	v44 =	vmul.f32 v59, v35;
	v59 =	vld [tilespmem:s13+$0x9A30]  }
0x292: {  	v45 =	vmul.f32 v60, v36;
	v43 =	vmul.f32 v61, v37;
	v60 =	vld [tilespmem:s13+$0x9A40]  }
0x293: {  	v49 =	vadd.f32 v63, v62;
	v46 =	vadd.f32 v47, v46;
	v61 =	vld [tilespmem:s13+$0x9A50]  }
0x294: {  	v44 =	vadd.f32 v44, v48;
	v43 =	vadd.f32 v43, v45;
	v62 =	vld [tilespmem:s13+$0x9A60]  }
0x295: {  	v63 =	vld [tilespmem:s13+$0x9A70]  }
0x296: {  	v46 =	vadd.f32 v46, v49;
	v43 =	vadd.f32 v43, v44  }
0x297: {  	v42 =	vmul.f32 v42, v40;
	v55 =	vmul.f32 v57, v41  }
0x298: {  	v43 =	vadd.f32 v43, v46;
	v56 =	vmul.f32 v58, v38;
	v57 =	vmul.f32 v59, v39  }
0x299: {  	v58 =	vmul.f32 v60, v34;
	v47 =	vmul.f32 v61, v35  }
0x29a: {  	v45 =	vmul.f32 v62, v36;
	v48 =	vmul.f32 v63, v37;
	[tilespmem:$0x10AA0] =	vst v43  }
0x29b: {  	v59 =	vld [tilespmem:s13+$0x9A80];
	v42 =	vadd.f32 v55, v42;
	v54 =	vadd.f32 v57, v56  }
0x29c: {  	v60 =	vld [tilespmem:s13+$0x9A90];
	v43 =	vadd.f32 v47, v58;
	v45 =	vadd.f32 v48, v45  }
0x29d: {  	v55 =	vld [tilespmem:s13+$0x9AA0]  }
0x29e: {  	v61 =	vld [tilespmem:s13+$0x9AB0];
	v42 =	vadd.f32 v54, v42;
	v43 =	vadd.f32 v45, v43  }
0x29f: {  	v62 =	vld [tilespmem:s13+$0x9AC0]  }
0x2a0: {  	v63 =	vld [tilespmem:s13+$0x9AD0];
	v42 =	vadd.f32 v43, v42  }
0x2a1: {  	v56 =	vld [tilespmem:s13+$0x9AE0]  }
0x2a2: {  	v57 =	vld [tilespmem:s13+$0x9AF0];
	[tilespmem:$0x10AB0] =	vst v42  }
0x2a3: {  	v42 =	vld [tilespmem:s13+$0x9B00]  }
0x2a4: {  	v58 =	vmul.f32 v59, v40;
	v59 =	vmul.f32 v60, v41;
	v60 =	vld [tilespmem:s13+$0x9B10]  }
0x2a5: {  	v46 =	vmul.f32 v55, v38;
	v47 =	vmul.f32 v61, v39;
	v61 =	vld [tilespmem:s13+$0x9B20]  }
0x2a6: {  	v48 =	vmul.f32 v62, v34;
	v44 =	vmul.f32 v63, v35;
	v62 =	vld [tilespmem:s13+$0x9B30]  }
0x2a7: {  	v45 =	vmul.f32 v56, v36;
	v43 =	vmul.f32 v57, v37;
	v63 =	vld [tilespmem:s13+$0x9B40]  }
0x2a8: {  	v49 =	vadd.f32 v59, v58;
	v46 =	vadd.f32 v47, v46;
	v55 =	vld [tilespmem:s13+$0x9B50]  }
0x2a9: {  	v44 =	vadd.f32 v44, v48;
	v43 =	vadd.f32 v43, v45;
	v56 =	vld [tilespmem:s13+$0x9B60]  }
0x2aa: {  	v57 =	vld [tilespmem:s13+$0x9B70]  }
0x2ab: {  	v46 =	vadd.f32 v46, v49;
	v43 =	vadd.f32 v43, v44  }
0x2ac: {  	v42 =	vmul.f32 v42, v40;
	v58 =	vmul.f32 v60, v41  }
0x2ad: {  	v43 =	vadd.f32 v43, v46;
	v59 =	vmul.f32 v61, v38;
	v60 =	vmul.f32 v62, v39  }
0x2ae: {  	v61 =	vmul.f32 v63, v34;
	v47 =	vmul.f32 v55, v35  }
0x2af: {  	v45 =	vmul.f32 v56, v36;
	v48 =	vmul.f32 v57, v37;
	[tilespmem:$0x10AC0] =	vst v43  }
0x2b0: {  	v62 =	vld [tilespmem:s13+$0x9B80];
	v42 =	vadd.f32 v58, v42;
	v53 =	vadd.f32 v60, v59  }
0x2b1: {  	v63 =	vld [tilespmem:s13+$0x9B90];
	v43 =	vadd.f32 v47, v61;
	v45 =	vadd.f32 v48, v45  }
0x2b2: {  	v54 =	vld [tilespmem:s13+$0x9BA0]  }
0x2b3: {  	v55 =	vld [tilespmem:s13+$0x9BB0];
	v42 =	vadd.f32 v53, v42;
	v43 =	vadd.f32 v45, v43  }
0x2b4: {  	v56 =	vld [tilespmem:s13+$0x9BC0]  }
0x2b5: {  	v59 =	vld [tilespmem:s13+$0x9BD0];
	v42 =	vadd.f32 v43, v42  }
0x2b6: {  	v60 =	vld [tilespmem:s13+$0x9BE0]  }
0x2b7: {  	v61 =	vld [tilespmem:s13+$0x9BF0];
	[tilespmem:$0x10AD0] =	vst v42  }
0x2b8: {  	v42 =	vld [tilespmem:s13+$0x9C00]  }
0x2b9: {  	v62 =	vmul.f32 v62, v40;
	v63 =	vmul.f32 v63, v41;
	v57 =	vld [tilespmem:s13+$0x9C10]  }
0x2ba: {  	v46 =	vmul.f32 v54, v38;
	v47 =	vmul.f32 v55, v39;
	v58 =	vld [tilespmem:s13+$0x9C20]  }
0x2bb: {  	v48 =	vmul.f32 v56, v34;
	v44 =	vmul.f32 v59, v35;
	v59 =	vld [tilespmem:s13+$0x9C30]  }
0x2bc: {  	v45 =	vmul.f32 v60, v36;
	v43 =	vmul.f32 v61, v37;
	v60 =	vld [tilespmem:s13+$0x9C40]  }
0x2bd: {  	v49 =	vadd.f32 v63, v62;
	v46 =	vadd.f32 v47, v46;
	v61 =	vld [tilespmem:s13+$0x9C50]  }
0x2be: {  	v44 =	vadd.f32 v44, v48;
	v43 =	vadd.f32 v43, v45;
	v62 =	vld [tilespmem:s13+$0x9C60]  }
0x2bf: {  	v63 =	vld [tilespmem:s13+$0x9C70]  }
0x2c0: {  	v46 =	vadd.f32 v46, v49;
	v43 =	vadd.f32 v43, v44  }
0x2c1: {  	v42 =	vmul.f32 v42, v40;
	v55 =	vmul.f32 v57, v41  }
0x2c2: {  	v43 =	vadd.f32 v43, v46;
	v56 =	vmul.f32 v58, v38;
	v57 =	vmul.f32 v59, v39  }
0x2c3: {  	v58 =	vmul.f32 v60, v34;
	v47 =	vmul.f32 v61, v35  }
0x2c4: {  	v45 =	vmul.f32 v62, v36;
	v48 =	vmul.f32 v63, v37;
	[tilespmem:$0x10AE0] =	vst v43  }
0x2c5: {  	v59 =	vld [tilespmem:s13+$0x9C80];
	v42 =	vadd.f32 v55, v42;
	v54 =	vadd.f32 v57, v56  }
0x2c6: {  	v60 =	vld [tilespmem:s13+$0x9C90];
	v43 =	vadd.f32 v47, v58;
	v45 =	vadd.f32 v48, v45  }
0x2c7: {  	v55 =	vld [tilespmem:s13+$0x9CA0]  }
0x2c8: {  	v61 =	vld [tilespmem:s13+$0x9CB0];
	v42 =	vadd.f32 v54, v42;
	v43 =	vadd.f32 v45, v43  }
0x2c9: {  	v62 =	vld [tilespmem:s13+$0x9CC0]  }
0x2ca: {  	v63 =	vld [tilespmem:s13+$0x9CD0];
	v42 =	vadd.f32 v43, v42  }
0x2cb: {  	v56 =	vld [tilespmem:s13+$0x9CE0]  }
0x2cc: {  	v57 =	vld [tilespmem:s13+$0x9CF0];
	[tilespmem:$0x10AF0] =	vst v42  }
0x2cd: {  	v42 =	vld [tilespmem:s13+$0x9D00]  }
0x2ce: {  	v58 =	vmul.f32 v59, v40;
	v59 =	vmul.f32 v60, v41;
	v60 =	vld [tilespmem:s13+$0x9D10]  }
0x2cf: {  	v46 =	vmul.f32 v55, v38;
	v47 =	vmul.f32 v61, v39;
	v61 =	vld [tilespmem:s13+$0x9D20]  }
0x2d0: {  	v48 =	vmul.f32 v62, v34;
	v44 =	vmul.f32 v63, v35;
	v62 =	vld [tilespmem:s13+$0x9D30]  }
0x2d1: {  	v45 =	vmul.f32 v56, v36;
	v43 =	vmul.f32 v57, v37;
	v63 =	vld [tilespmem:s13+$0x9D40]  }
0x2d2: {  	v49 =	vadd.f32 v59, v58;
	v46 =	vadd.f32 v47, v46;
	v55 =	vld [tilespmem:s13+$0x9D50]  }
0x2d3: {  	v44 =	vadd.f32 v44, v48;
	v43 =	vadd.f32 v43, v45;
	v56 =	vld [tilespmem:s13+$0x9D60]  }
0x2d4: {  	v57 =	vld [tilespmem:s13+$0x9D70]  }
0x2d5: {  	v46 =	vadd.f32 v46, v49;
	v43 =	vadd.f32 v43, v44  }
0x2d6: {  	v42 =	vmul.f32 v42, v40;
	v58 =	vmul.f32 v60, v41  }
0x2d7: {  	v43 =	vadd.f32 v43, v46;
	v59 =	vmul.f32 v61, v38;
	v60 =	vmul.f32 v62, v39  }
0x2d8: {  	v61 =	vmul.f32 v63, v34;
	v47 =	vmul.f32 v55, v35  }
0x2d9: {  	v45 =	vmul.f32 v56, v36;
	v48 =	vmul.f32 v57, v37;
	[tilespmem:$0x10B00] =	vst v43  }
0x2da: {  	v62 =	vld [tilespmem:s13+$0x9D80];
	v42 =	vadd.f32 v58, v42;
	v53 =	vadd.f32 v60, v59  }
0x2db: {  	v63 =	vld [tilespmem:s13+$0x9D90];
	v43 =	vadd.f32 v47, v61;
	v45 =	vadd.f32 v48, v45  }
0x2dc: {  	v54 =	vld [tilespmem:s13+$0x9DA0]  }
0x2dd: {  	v55 =	vld [tilespmem:s13+$0x9DB0];
	v42 =	vadd.f32 v53, v42;
	v43 =	vadd.f32 v45, v43  }
0x2de: {  	v56 =	vld [tilespmem:s13+$0x9DC0]  }
0x2df: {  	v57 =	vld [tilespmem:s13+$0x9DD0];
	v42 =	vadd.f32 v43, v42  }
0x2e0: {  	v58 =	vld [tilespmem:s13+$0x9DE0]  }
0x2e1: {  	v59 =	vld [tilespmem:s13+$0x9DF0];
	[tilespmem:$0x10B10] =	vst v42  }
0x2e2: {  	v42 =	vld [tilespmem:s13+$0x9E00]  }
0x2e3: {  	v60 =	vmul.f32 v62, v40;
	v61 =	vmul.f32 v63, v41;
	v62 =	vld [tilespmem:s13+$0x9E10]  }
0x2e4: {  	v46 =	vmul.f32 v54, v38;
	v47 =	vmul.f32 v55, v39;
	v63 =	vld [tilespmem:s13+$0x9E20]  }
0x2e5: {  	v48 =	vmul.f32 v56, v34;
	v44 =	vmul.f32 v57, v35;
	v57 =	vld [tilespmem:s13+$0x9E30]  }
0x2e6: {  	v45 =	vmul.f32 v58, v36;
	v43 =	vmul.f32 v59, v37;
	v58 =	vld [tilespmem:s13+$0x9E40]  }
0x2e7: {  	v49 =	vadd.f32 v61, v60;
	v46 =	vadd.f32 v47, v46;
	v59 =	vld [tilespmem:s13+$0x9E50]  }
0x2e8: {  	v44 =	vadd.f32 v44, v48;
	v43 =	vadd.f32 v43, v45;
	v60 =	vld [tilespmem:s13+$0x9E60]  }
0x2e9: {  	v61 =	vld [tilespmem:s13+$0x9E70]  }
0x2ea: {  	v46 =	vadd.f32 v46, v49;
	v43 =	vadd.f32 v43, v44  }
0x2eb: {  	v42 =	vmul.f32 v42, v40;
	v62 =	vmul.f32 v62, v41  }
0x2ec: {  	v43 =	vadd.f32 v43, v46;
	v63 =	vmul.f32 v63, v38;
	v55 =	vmul.f32 v57, v39  }
0x2ed: {  	v56 =	vmul.f32 v58, v34;
	v47 =	vmul.f32 v59, v35  }
0x2ee: {  	v45 =	vmul.f32 v60, v36;
	v48 =	vmul.f32 v61, v37;
	[tilespmem:$0x10B20] =	vst v43  }
0x2ef: {  	v57 =	vld [tilespmem:s13+$0x9E80];
	v42 =	vadd.f32 v62, v42;
	v59 =	vadd.f32 v55, v63  }
0x2f0: {  	v58 =	vld [tilespmem:s13+$0x9E90];
	v43 =	vadd.f32 v47, v56;
	v45 =	vadd.f32 v48, v45  }
0x2f1: {  	v46 =	vld [tilespmem:s13+$0x9EA0]  }
0x2f2: {  	v47 =	vld [tilespmem:s13+$0x9EB0];
	v42 =	vadd.f32 v59, v42;
	v43 =	vadd.f32 v45, v43  }
0x2f3: {  	v48 =	vld [tilespmem:s13+$0x9EC0]  }
0x2f4: {  	v44 =	vld [tilespmem:s13+$0x9ED0];
	v42 =	vadd.f32 v43, v42  }
0x2f5: {  	v45 =	vld [tilespmem:s13+$0x9EE0]  }
0x2f6: {  	v43 =	vld [tilespmem:s13+$0x9EF0];
	[tilespmem:$0x10B30] =	vst v42  }
0x2f7: {  	v42 =	vld [tilespmem:s13+$0x9F00]  }
0x2f8: {  	v60 =	vld [tilespmem:s13+$0x9F10]  }
0x2f9: {  	v61 =	vld [tilespmem:s13+$0x9F20]  }
0x2fa: {  	v62 =	vld [tilespmem:s13+$0x9F30]  }
0x2fb: {  	v63 =	vld [tilespmem:s13+$0x9F40]  }
0x2fc: {  	v50 =	vmul.f32 v57, v40;
	v51 =	vmul.f32 v58, v41;
	v55 =	vld [tilespmem:s13+$0x9F50]  }
0x2fd: {  	v46 =	vmul.f32 v46, v38;
	v47 =	vmul.f32 v47, v39;
	v56 =	vld [tilespmem:s13+$0x9F60]  }
0x2fe: {  	v48 =	vmul.f32 v48, v34;
	v44 =	vmul.f32 v44, v35;
	v57 =	vld [tilespmem:s13+$0x9F70]  }
0x2ff: {  	v45 =	vmul.f32 v45, v36;
	v43 =	vmul.f32 v43, v37  }
0x300: {  	v50 =	vadd.f32 v51, v50;
	v40 =	vmul.f32 v42, v40;
	v41 =	vmul.f32 v60, v41  }
0x301: {  	v58 =	vadd.f32 v47, v46;
	v38 =	vmul.f32 v61, v38;
	v39 =	vmul.f32 v62, v39  }
0x302: {  	v44 =	vadd.f32 v44, v48;
	v34 =	vmul.f32 v63, v34;
	v35 =	vmul.f32 v55, v35  }
0x303: {  	v43 =	vadd.f32 v43, v45;
	v36 =	vmul.f32 v56, v36;
	v37 =	vmul.f32 v57, v37  }
0x304: {  	v40 =	vadd.f32 v41, v40;
	v38 =	vadd.f32 v39, v38  }
0x305: {  	v34 =	vadd.f32 v35, v34;
	v59 =	vadd.f32 v37, v36  }
0x306: {  	v60 =	vadd.f32 v58, v50;
	v61 =	vadd.f32 v43, v44  }
0x307: {  	v38 =	vadd.f32 v38, v40;
	v34 =	vadd.f32 v59, v34  }
0x308: {  	v62 =	vadd.f32 v61, v60  }
0x309: {  	v34 =	vadd.f32 v34, v38  }
0x30a: {  	[tilespmem:$0x10B40] =	vst v62  }
0x30b: {  	[tilespmem:$0x10B50] =	vst v34  }
0x30c: {  	v34 =	vld.idx.msk [tilespmem:v1+s22+$0x0], $0xffff  }
0x30d: {  	v35 =	vld.idx.msk [tilespmem:v3+s22+$0x0], $0xffff  }
0x30e: {  	v36 =	vld.idx.msk [tilespmem:v4+s22+$0x0], $0xffff  }
0x30f: {  	v37 =	vld.idx.msk [tilespmem:v5+s22+$0x0], $0xffff  }
0x310: {  	v38 =	vld.idx.msk [tilespmem:v6+s22+$0x0], $0xffff  }
0x311: {  	v39 =	vld.idx.msk [tilespmem:v7+s22+$0x0], $0xffff  }
0x312: {  	v40 =	vld.idx.msk [tilespmem:v8+s22+$0x0], $0xffff  }
0x313: {  	v41 =	vld.idx.msk [tilespmem:v9+s22+$0x0], $0xffff  }
0x314: {  	v42 =	vld.idx.msk [tilespmem:v10+s22+$0x0], $0xffff  }
0x315: {  	v43 =	vld.idx.msk [tilespmem:v11+s22+$0x0], $0xffff  }
0x316: {  	v44 =	vld.idx.msk [tilespmem:v12+s22+$0x0], $0xffff  }
0x317: {  	v45 =	vld.idx.msk [tilespmem:v13+s22+$0x0], $0xffff  }
0x318: {  	v46 =	vld.idx.msk [tilespmem:v14+s22+$0x0], $0xffff  }
0x319: {  	v47 =	vld.idx.msk [tilespmem:v15+s22+$0x0], $0xffff  }
0x31a: {  	v48 =	vld.idx.msk [tilespmem:v16+s22+$0x0], $0xffff  }
0x31b: {  	v49 =	vld.idx.msk [tilespmem:v17+s22+$0x0], $0xffff  }
0x31c: {  	v50 =	vld.idx.msk [tilespmem:v18+s22+$0x0], $0xffff  }
0x31d: {  	v51 =	vld.idx.msk [tilespmem:v19+s22+$0x0], $0xffff  }
0x31e: {  	v52 =	vld.idx.msk [tilespmem:v20+s22+$0x0], $0xffff  }
0x31f: {  	v53 =	vld.idx.msk [tilespmem:v21+s22+$0x0], $0xffff  }
0x320: {  	v54 =	vld.idx.msk [tilespmem:v22+s22+$0x0], $0xffff  }
0x321: {  	v55 =	vld.idx.msk [tilespmem:v23+s22+$0x0], $0xffff  }
0x322: {  	v56 =	vld.idx.msk [tilespmem:v24+s22+$0x0], $0xffff  }
0x323: {  	v57 =	vld.idx.msk [tilespmem:v25+s22+$0x0], $0xffff  }
0x324: {  	v58 =	vld.idx.msk [tilespmem:v26+s22+$0x0], $0xffff  }
0x325: {  	v59 =	vld.idx.msk [tilespmem:v27+s22+$0x0], $0xffff  }
0x326: {  	v60 =	vld.idx.msk [tilespmem:v28+s22+$0x0], $0xffff;
	v34 =	vadd.f32 v35, v34;
	v35 =	vadd.f32 v37, v36  }
0x327: {  	s14 =	smul.u32 $0x1E, s12;
	v61 =	vld.idx.msk [tilespmem:v29+s22+$0x0], $0xffff;
	v37 =	vadd.f32 v39, v38;
	v38 =	vadd.f32 v41, v40  }
0x328: {  	v62 =	vld.idx.msk [tilespmem:v30+s22+$0x0], $0xffff;
	v40 =	vadd.f32 v43, v42;
	v41 =	vadd.f32 v45, v44  }
0x329: {  	s5 =	sadd.s32 s1, s14;
	v36 =	vld.idx.msk [tilespmem:v31+s22+$0x0], $0xffff;
	v43 =	vadd.f32 v47, v46;
	v44 =	vadd.f32 v49, v48  }
0x32a: {  	v39 =	vld.idx.msk [tilespmem:v32+s22+$0x0], $0xffff;
	v45 =	vadd.f32 v51, v50;
	v46 =	vadd.f32 v53, v52;
	v47 =	vadd.s32 s5, v0  }
0x32b: {  	v42 =	vld.idx.msk [tilespmem:v33+s22+$0x0], $0xffff;
	v48 =	vadd.f32 v55, v54;
	v49 =	vadd.f32 v57, v56  }
0x32c: {  	v50 =	vadd.f32 v59, v58;
	v63 =	vadd.f32 v61, v60  }
0x32d: {  	v34 =	vadd.f32 v35, v34;
	v54 =	vadd.f32 v38, v37  }
0x32e: {  	v55 =	vadd.f32 v41, v40;
	v56 =	vadd.f32 v44, v43  }
0x32f: {  	v58 =	vadd.f32 v46, v45;
	v59 =	vadd.f32 v49, v48;
	v57 =	vld.idx.msk [tilespmem:v47+s10+$0x0], $0xffff  }
0x330: {  	v36 =	vadd.f32 v36, v62;
	v39 =	vadd.f32 v42, v39  }
0x331: {  	v60 =	vadd.f32 v63, v50;
	v34 =	vadd.f32 v54, v34  }
0x332: {  	v61 =	vadd.f32 v56, v55;
	v36 =	vadd.f32 v39, v36  }
0x333: {  	p0 =	sne.s32 s12, $0x7;
	v62 =	vadd.f32 v59, v58  }
.Ltmp1:
0x334: {  	v34 =	vadd.f32 v61, v34;
	v36 =	vadd.f32 v36, v60;
	vm1 =	veq.s32 v57, $0x0;
	(pc) =	sbr.rel @p0 .LBB2_5-.Ltmp1, $4  }
0x335: {  	s16 =	sshll.u32 s12, $0x5;
	vm1 =	vmand vm1, vm0  }
0x336: {  	s5 =	sand.u32 $0x3FFFFFE0, s16;
	v63 =	vadd.f32 v36, v62;
	v34 =	vsel vm1, $0x7F800000, v34  }
0x337: {  	[tilespmem:s5+$0x10880] =	vst v34  }
0x338: {  	s12 =	sadd.s32 $0x1, s12;
	[tilespmem:s5+$0x10890] =	vst v63  }
0x339: {  	s31 =	sadd.s32 $0x1, s31  }
0x33a: {  	p0 =	sne.s32 s31, $0x8  }
.Ltmp2:
0x33b: {  	_ = 	snop;
	(pc) =	sbr.rel @p0 .LBB2_2-.Ltmp2, $3  }
0x33c: {  	_ =	sdelay $0x1  }
0x33d: {  	s0 =	sadd.s32 s0, s7  }
0x33e: {  	[hbm4b:s0+s4] =	stream.linear.scatter [tilespmem:s26], [sflag:$0x6], $0x100, $0x38;
	[tilespmem:$0x10B80] =	vst v63  }
0x33f: {  	s30 =	sadd.s32 $0x1, s30  }
0x340: {  	_ =	swait.ge [sflag:s28], $0x100;
	p0 =	sne.s32 s30, s8  }
.Ltmp3:
0x341: {  	[sflag:s28] =	ssyncset.done $0x0;
	(pc) =	sbr.rel @p0 .LBB2_1-.Ltmp3, $4  }
0x342: {  	[sflag:s28] =	ssyncadd.s32 $0xFFFFFF00  }
0x343: {  	_ =	swait.ge [sflag:s29], $0x100  }
0x344: {  	[sflag:s29] =	ssyncset.done $0x0  }
0x345: {  	[sflag:s29] =	ssyncadd.s32 $0xFFFFFF00  }
0x346: {  	_ =	sfence.sel $0x180000  }
0x347: {  	[bflag:$0x0] =	sbarrier.arrive $0xFFFF  }
0x348: {  	_ =	strace $0x90000047  }
0x349: {  	s0 =	stileid.u32;
	[bflag:$0x2] =	sbarrier.arrive $0xFFFF  }
0x34a: {  	p0 =	sne.s32 s0, $0x0;
	s0 =	rddreg [dreg:$0x4]  }
0x34b: {  	s0 =	sadd.s32 @!p0 $0x100000, s0  }
0x34c: {  	[sflag:s0] =	ssyncadd.tile.s32 @!p0 $0x1;
	_ =	shalt  }
.Lfunc_end2:
_tile_overlayer_lowered:
.L_overlay_start_2:
0x34d: {  	(tag) =	ssettag $0x2  }
0x34e: {  	s0 =	rddreg [dreg:$0x0];
	s2 =	stileid.u32  }
0x34f: {  	s1 =	rddreg [dreg:$0x1];
	p0 =	sne.s32 s2, $0x0  }
0x350: {  	s3 =	rddreg [dreg:$0x2];
	[bflag:$0x3] =	sbarrier.arrive $0xFFFF;
	s2 =	simm.s32 @!p0 $0x1C07  }
0x351: {  	[timem:s3], [sflag:s2] =	dma.local @!p0 [hbm:s0], s1  }
0x352: {  	s0 =	simm.s32 @!p0 $0x7  }
0x353: {  	_ =	swait.ge @!p0 [sflag:s0], s1  }
0x354: {  	s1 =	ssub.s32 @!p0 $0x0, s1;
	[sflag:s0] =	ssyncset.done @!p0 $0x0  }
0x355: {  	[sflag:s0] =	ssyncadd.s32 @!p0 s1  }
0x356: {  	[bflag:$0x3] =	sbarrier.arrive $0xFFFF  }
0x357: {  	_ =	shalt  }

</sc_bundles>
